<compile_context>
chip_gen: v7x
topology: tpu7x:2x2x1
jax: 0.10.2.dev20260603
libtpu: 0.0.44.dev20260713+nightly
codegen_flags: <defaults>
</compile_context>

<pallas_src>
import functools

import jax
import jax.numpy as jnp
from jax import lax
from jax.experimental import pallas as pl
from jax.experimental.pallas import tpu as pltpu
from jax.experimental.pallas import tpu_sc as plsc


def _make_sc_kernel(V1, V0, M1, M0, E):
    info = plsc.get_sparse_core_info()
    NC, NS = info.num_cores, info.num_subcores
    NW = NC * NS
    M = M1 + M0

    CH = 128
    NB = 70
    assert E % CH == 0
    NCHUNK = E // CH
    per_w = -(-NCHUNK // NW)
    NWAVES = -(-per_w // NB)
    if NWAVES % 2:
        NWAVES += 1
    per_w_eff = NWAVES * NB
    assert per_w_eff <= NCHUNK
    WELEM = NB * CH

    S = (M1 // (NS * 256)) * 256
    assert M1 == M0, "equal-sized regions expected"
    T1 = M1 - NS * S
    T0 = M0 - NS * S
    BSZ = S // 2
    NG = BSZ // CH
    assert S % 256 == 0 and T1 % 8 == 0 and T0 % 8 == 0 and M1 % 8 == 0
    assert max(T1, T0) <= BSZ and BSZ % 16 == 0

    mesh = plsc.VectorSubcoreMesh(core_axis_name="c", subcore_axis_name="s")

    @functools.partial(
        pl.kernel,
        mesh=mesh,
        out_type=(jax.ShapeDtypeStruct((E,), jnp.float32),
                  jax.ShapeDtypeStruct((M,), jnp.float32),
                  jax.ShapeDtypeStruct((16,), jnp.int32)),
        scratch_types=[
            pltpu.VMEM_SHARED((M,), jnp.float32),
            pltpu.VMEM((BSZ,), jnp.int32),
            pltpu.VMEM((BSZ,), jnp.float32),
            pltpu.VMEM((2 * WELEM,), jnp.int32),
            pltpu.VMEM((2 * WELEM,), jnp.float32),
            pltpu.VMEM((16,), jnp.int32),
            pltpu.SemaphoreType.DMA,
            pltpu.SemaphoreType.DMA,
            pltpu.SemaphoreType.DMA,
            pltpu.SemaphoreType.DMA,
            pltpu.SemaphoreType.DMA,
            pltpu.SemaphoreType.DMA,
        ],
    )
    def run(vals1_hbm, vals0_hbm, ord1_hbm, ord0_hbm, c_hbm,
            out_hbm, bounce_hbm, flags_hbm,
            lin_sp, ord_v, rows_v, c_v, out_v, flag_v,
            sem_st, sem_c, sem_g0, sem_g1, sem_o, sem_b):
        t = lax.axis_index("s")
        cid = lax.axis_index("c")
        wid = t * NC + cid

        w_base = jnp.minimum(wid * per_w, NCHUNK - per_w_eff)

        def elem_base(v):
            return pl.multiple_of((w_base + v * NB) * CH, CH)

        pltpu.async_copy(c_hbm.at[pl.ds(elem_base(0), WELEM)],
                         c_v.at[pl.ds(0, WELEM)], sem_c)

        pltpu.sync_copy(ord1_hbm.at[pl.ds(0, 8)], flag_v.at[pl.ds(0, 8)])
        magic = (flag_v[pl.ds(0, 16)][0] * jnp.int32(-1640531527)
                 + jnp.int32(0x5AC3B1F))

        def gather_block(tbl, n):
            nfull = n // CH
            rem = n - nfull * CH

            def fire(g, _):
                o = pl.multiple_of(g * CH, CH)
                pltpu.async_copy(tbl.at[ord_v.at[pl.ds(o, CH)]],
                                 rows_v.at[pl.ds(o, CH)], sem_st)
                return 0
            lax.fori_loop(0, nfull, fire, 0)
            if rem:
                pltpu.async_copy(
                    tbl.at[ord_v.at[pl.ds(nfull * CH, rem)]],
                    rows_v.at[pl.ds(nfull * CH, rem)], sem_st)

            def drain(g, _):
                pltpu.make_async_copy(tbl.at[ord_v.at[pl.ds(0, CH)]],
                                      rows_v.at[pl.ds(0, CH)], sem_st).wait()
                return 0
            lax.fori_loop(0, nfull, drain, 0)
            if rem:
                pltpu.make_async_copy(
                    tbl.at[ord_v.at[pl.ds(0, rem)]],
                    rows_v.at[pl.ds(0, rem)], sem_st).wait()

        def stage_region(src_ref, tbl, base, T):
            bounce_pend = []
            for half in range(2):
                start = t * S + half * BSZ
                pltpu.sync_copy(src_ref.at[pl.ds(start, BSZ)],
                                ord_v.at[pl.ds(0, BSZ)])
                gather_block(tbl, BSZ)
                if bounce_pend:
                    bounce_pend.pop().wait()
                bounce_pend.append(
                    pltpu.async_copy(rows_v.at[pl.ds(0, BSZ)],
                                     bounce_hbm.at[pl.ds(base + start, BSZ)],
                                     sem_b))
                pltpu.sync_copy(rows_v.at[pl.ds(0, BSZ)],
                                lin_sp.at[pl.ds(base + start, BSZ)])
            if T:
                @pl.when(t == 0)
                def _():
                    tb = NS * S
                    pltpu.sync_copy(src_ref.at[pl.ds(tb, T)],
                                    ord_v.at[pl.ds(0, T)])
                    gather_block(tbl, T)
                    pltpu.sync_copy(rows_v.at[pl.ds(0, T)],
                                    bounce_hbm.at[pl.ds(base + tb, T)])
                    pltpu.sync_copy(rows_v.at[pl.ds(0, T)],
                                    lin_sp.at[pl.ds(base + tb, T)])
            bounce_pend.pop().wait()

        @pl.when(cid == 0)
        def _():
            stage_region(ord1_hbm, vals1_hbm, 0, T1)

        @pl.when(cid == 1)
        def _():
            stage_region(ord0_hbm, vals0_hbm, M1, T0)

        plsc.subcore_barrier()

        flag_v[pl.ds(0, 16)] = jnp.full((16,), magic, jnp.int32)
        pltpu.sync_copy(flag_v.at[pl.ds(0, 8)],
                        flags_hbm.at[pl.ds(pl.multiple_of(cid * 8, 8), 8)])

        def poll_step(i, done):
            @pl.when(done == 0)
            def _():
                pltpu.sync_copy(
                    flags_hbm.at[pl.ds(pl.multiple_of((1 - cid) * 8, 8), 8)],
                    flag_v.at[pl.ds(8, 8)])
            v = flag_v[pl.ds(0, 16)][8]
            return jnp.where(v == magic, jnp.int32(1), done)

        lax.fori_loop(0, 384, poll_step, jnp.int32(0))

        other = pl.multiple_of((1 - cid) * M1, 8)
        for half in range(2):
            start = t * S + half * BSZ
            pltpu.sync_copy(bounce_hbm.at[pl.ds(other + start, BSZ)],
                            rows_v.at[pl.ds(0, BSZ)])
            pltpu.sync_copy(rows_v.at[pl.ds(0, BSZ)],
                            lin_sp.at[pl.ds(other + start, BSZ)])
        if T1 or T0:
            @pl.when(t == 0)
            def _():
                tb = NS * S
                TT = max(T1, T0)
                pltpu.sync_copy(bounce_hbm.at[pl.ds(other + tb, TT)],
                                rows_v.at[pl.ds(0, TT)])
                pltpu.sync_copy(rows_v.at[pl.ds(0, TT)],
                                lin_sp.at[pl.ds(other + tb, TT)])

        plsc.subcore_barrier()

        def issue_gathers(v, buf):
            co = buf * WELEM
            sem = sem_g1 if buf else sem_g0
            for b in range(NB):
                pltpu.async_copy(
                    lin_sp.at[c_v.at[pl.ds(co + b * CH, CH)]],
                    out_v.at[pl.ds(co + b * CH, CH)], sem)

        def drain_gathers(buf):
            co = buf * WELEM
            sem = sem_g1 if buf else sem_g0
            for b in range(NB):
                pltpu.make_async_copy(
                    lin_sp.at[c_v.at[pl.ds(co + b * CH, CH)]],
                    out_v.at[pl.ds(co + b * CH, CH)], sem).wait()

        def wait_c(v, buf):
            pltpu.make_async_copy(c_hbm.at[pl.ds(elem_base(v), WELEM)],
                                  c_v.at[pl.ds(buf * WELEM, WELEM)],
                                  sem_c).wait()

        def load_c(v, buf):
            pltpu.async_copy(c_hbm.at[pl.ds(elem_base(v), WELEM)],
                             c_v.at[pl.ds(buf * WELEM, WELEM)], sem_c)

        def store_out(v, buf):
            pltpu.async_copy(out_v.at[pl.ds(buf * WELEM, WELEM)],
                             out_hbm.at[pl.ds(elem_base(v), WELEM)], sem_o)

        def wait_store(v, buf):
            pltpu.make_async_copy(out_v.at[pl.ds(buf * WELEM, WELEM)],
                                  out_hbm.at[pl.ds(elem_base(v), WELEM)],
                                  sem_o).wait()

        def pair_body(u, _):
            v0 = u * 2
            v1 = v0 + 1
            wait_c(v0, 0)

            @pl.when(u >= 1)
            def _():
                wait_store(v0 - 2, 0)
            issue_gathers(v0, 0)

            @pl.when(u >= 1)
            def _():
                drain_gathers(1)
                store_out(v0 - 1, 1)

            @pl.when(v1 < NWAVES)
            def _():
                load_c(v1, 1)
            wait_c(v1, 1)

            @pl.when(u >= 1)
            def _():
                wait_store(v1 - 2, 1)
            issue_gathers(v1, 1)
            drain_gathers(0)
            store_out(v0, 0)

            @pl.when(v1 + 1 < NWAVES)
            def _():
                load_c(v1 + 1, 0)
            return 0

        lax.fori_loop(0, NWAVES // 2, pair_body, 0)

        vl = NWAVES - 1
        drain_gathers(1)
        wait_store(vl - 1, 0)
        store_out(vl, 1)
        wait_store(vl, 1)

    return run


@jax.jit
def kernel(layer0_values, layer1_values, per_layer_ordinals0,
           per_layer_ordinals1, concatenated_ordinals):
    V0 = layer0_values.shape[0]
    V1 = layer1_values.shape[0]
    M0 = per_layer_ordinals0.shape[0]
    M1 = per_layer_ordinals1.shape[0]
    E = concatenated_ordinals.shape[0]
    run = _make_sc_kernel(V1, V0, M1, M0, E)
    out, _bounce, _flags = run(layer1_values, layer0_values,
                               per_layer_ordinals1, per_layer_ordinals0,
                               concatenated_ordinals)
    return out

# --- scband reference (transcript-rebuilt; emitter-appended) ---
"""Pipeline reference for scband-weighted-rule-layer-30605936951443 (READ-ONLY COPY).

The authoritative reference and input builder live on the scoring server;
editing this copy changes nothing except your own understanding.
"""

import jax, jax.numpy as jnp
import numpy as np


def setup_inputs(seed: int = 0) -> dict:
    key = jax.random.key(seed)
    k0, k1, k2, k3, k4 = jax.random.split(key, 5)
    V0 = 1000000  # number of neuron values in layer 0
    V1 = 1000000  # number of neuron values in layer 1
    M0 = 500000   # unique ordinals needed from layer 0
    M1 = 500000   # unique ordinals needed from layer 1
    E = 4000000   # total (layer, ordinal) input pairs (with repetition / fan-out)
    layer0_values = jax.random.normal(k0, (V0,), dtype=jnp.float32)
    layer1_values = jax.random.normal(k1, (V1,), dtype=jnp.float32)
    # per-layer unique ordinals gathered first (sorted-unique in the original; random in-range here)
    per_layer_ordinals0 = jax.random.randint(k2, (M0,), 0, V0, dtype=jnp.int32)
    per_layer_ordinals1 = jax.random.randint(k3, (M1,), 0, V1, dtype=jnp.int32)
    # indices into the concatenated per-layer gather results (size M0 + M1)
    concatenated_ordinals = jax.random.randint(k4, (E,), 0, M0 + M1, dtype=jnp.int32)
    return {
        "layer0_values": layer0_values,
        "layer1_values": layer1_values,
        "per_layer_ordinals0": per_layer_ordinals0,
        "per_layer_ordinals1": per_layer_ordinals1,
        "concatenated_ordinals": concatenated_ordinals,
    }


def reference(layer0_values, layer1_values, per_layer_ordinals0, per_layer_ordinals1, concatenated_ordinals):
    # GatherModule.forward:
    #   layer_inputs_needed = concat([gather(layer_values[l], 0, per_layer_ordinals[l]) for l in layers])
    #   out = gather(layer_inputs_needed, 0, concatenated_ordinals)
    # self.layers is sorted descending, so layer 1 comes before layer 0.
    g1 = jnp.take(layer1_values, per_layer_ordinals1, axis=0)
    g0 = jnp.take(layer0_values, per_layer_ordinals0, axis=0)
    layer_inputs_needed = jnp.concatenate([g1, g0], axis=0)
    out = jnp.take(layer_inputs_needed, concatenated_ordinals, axis=0)
    return out

if __name__ == "__main__":
    import jax
    _d = setup_inputs()
    print(jax.jit(kernel)(*tuple(_d.values())))

</pallas_src>

<mosaic_0001>
#map = affine_map<(d0, d1) -> (0)>
module attributes {stable_mosaic.version = 14 : i64} {
  func.func @run(%arg0: i32, %arg1: i32, %arg2: memref<1000000xf32, #tpu.memory_space<hbm>>, %arg3: memref<1000000xf32, #tpu.memory_space<hbm>>, %arg4: memref<500000xi32, #tpu.memory_space<hbm>>, %arg5: memref<500000xi32, #tpu.memory_space<hbm>>, %arg6: memref<4000000xi32, #tpu.memory_space<hbm>>, %arg7: memref<4000000xf32, #tpu.memory_space<hbm>>, %arg8: memref<1000000xf32, #tpu.memory_space<hbm>>, %arg9: memref<16xi32, #tpu.memory_space<hbm>>, %arg10: memref<1000000xf32, #tpu.memory_space<vmem_shared>>, %arg11: memref<15616xi32, #tpu.memory_space<vmem>>, %arg12: memref<15616xf32, #tpu.memory_space<vmem>>, %arg13: memref<17920xi32, #tpu.memory_space<vmem>>, %arg14: memref<17920xf32, #tpu.memory_space<vmem>>, %arg15: memref<16xi32, #tpu.memory_space<vmem>>, %arg16: memref<!tpu.dma_semaphore, #tpu.memory_space<semaphore_mem>>, %arg17: memref<!tpu.dma_semaphore, #tpu.memory_space<semaphore_mem>>, %arg18: memref<!tpu.dma_semaphore, #tpu.memory_space<semaphore_mem>>, %arg19: memref<!tpu.dma_semaphore, #tpu.memory_space<semaphore_mem>>, %arg20: memref<!tpu.dma_semaphore, #tpu.memory_space<semaphore_mem>>, %arg21: memref<!tpu.dma_semaphore, #tpu.memory_space<semaphore_mem>>) attributes {dimension_semantics = [#tpu.dimension_semantics<core_parallel>, #tpu.dimension_semantics<subcore_parallel>], iteration_bounds = array<i64: 2, 16>, scalar_prefetch = 0 : i64, scratch_operands = 12 : i64, tpu.core_type = #tpu.core_type<sc_vector_subcore>, window_params = [{transform_indices = #map}, {transform_indices = #map}, {transform_indices = #map}, {transform_indices = #map}, {transform_indices = #map}, {transform_indices = #map}, {transform_indices = #map}, {transform_indices = #map}]} {
    %mul3A = arith.constant 2 : i32
    %mul3A_0 = arith.muli %arg1, %mul3A : i32
    %add3A = arith.addi %mul3A_0, %arg0 : i32
    %mul3A_1 = arith.constant 977 : i32
    %mul3A_2 = arith.muli %add3A, %mul3A_1 : i32
    %min3A = arith.constant 30270 : i32
    %min3A_3 = arith.minsi %mul3A_2, %min3A : i32
    %add3A_4 = arith.constant 0 : i32
    %add3A_5 = arith.addi %min3A_3, %add3A_4 : i32
    %mul3A_6 = arith.constant 128 : i32
    %mul3A_7 = arith.muli %add3A_5, %mul3A_6 : i32
    %multiple_of3A = tpu.assume_multiple %mul3A_7, 128 : i32
    %dma_start3A = arith.constant 0 : i32
    %dma_start3A_8 = tpu.memref_slice %arg13[%dma_start3A] : memref<17920xi32, #tpu.memory_space<vmem>> -> memref<8960xi32, #tpu.memory_space<vmem>>
    %dma_start3A_9 = tpu.memref_slice %arg6[%multiple_of3A] : memref<4000000xi32, #tpu.memory_space<hbm>> -> memref<8960xi32, #tpu.memory_space<hbm>>
    %dma_start3A_10 = arith.constant 0 : i32
    %dma_start3A_11 = tpu.memref_slice %arg13[%dma_start3A_10] : memref<17920xi32, #tpu.memory_space<vmem>> -> memref<8960xi32, #tpu.memory_space<vmem>>
    %dma_start3A_12 = tpu.memref_slice %arg6[%multiple_of3A] : memref<4000000xi32, #tpu.memory_space<hbm>> -> memref<8960xi32, #tpu.memory_space<hbm>>
    tpu.enqueue_dma source(%dma_start3A_12 : memref<8960xi32, #tpu.memory_space<hbm>>) target(%dma_start3A_11 : memref<8960xi32, #tpu.memory_space<vmem>>) target_semaphore(%arg17 : memref<!tpu.dma_semaphore, #tpu.memory_space<semaphore_mem>>)
    "tpu.region"() ({
      %run_scoped3A = tpu.sem_alloc : memref<!tpu.dma_semaphore, #tpu.memory_space<semaphore_mem>>
      %dma_start3A_519 = arith.constant 0 : i32
      %dma_start3A_520 = tpu.memref_slice %arg15[%dma_start3A_519] : memref<16xi32, #tpu.memory_space<vmem>> -> memref<8xi32, #tpu.memory_space<vmem>>
      %dma_start3A_521 = arith.constant 0 : i32
      %dma_start3A_522 = tpu.memref_slice %arg4[%dma_start3A_521] : memref<500000xi32, #tpu.memory_space<hbm>> -> memref<8xi32, #tpu.memory_space<hbm>>
      %dma_start3A_523 = arith.constant 0 : i32
      %dma_start3A_524 = tpu.memref_slice %arg15[%dma_start3A_523] : memref<16xi32, #tpu.memory_space<vmem>> -> memref<8xi32, #tpu.memory_space<vmem>>
      %dma_start3A_525 = arith.constant 0 : i32
      %dma_start3A_526 = tpu.memref_slice %arg4[%dma_start3A_525] : memref<500000xi32, #tpu.memory_space<hbm>> -> memref<8xi32, #tpu.memory_space<hbm>>
      tpu.enqueue_dma source(%dma_start3A_526 : memref<8xi32, #tpu.memory_space<hbm>>) target(%dma_start3A_524 : memref<8xi32, #tpu.memory_space<vmem>>) target_semaphore(%run_scoped3A : memref<!tpu.dma_semaphore, #tpu.memory_space<semaphore_mem>>)
      %dma_wait3A_527 = arith.constant 0 : i32
      %dma_wait3A_528 = tpu.memref_slice %arg15[%dma_wait3A_527] : memref<16xi32, #tpu.memory_space<vmem>> -> memref<8xi32, #tpu.memory_space<vmem>>
      %dma_wait3A_529 = arith.constant 0 : i32
      %dma_wait3A_530 = tpu.memref_slice %arg4[%dma_wait3A_529] : memref<500000xi32, #tpu.memory_space<hbm>> -> memref<8xi32, #tpu.memory_space<hbm>>
      %dma_wait3A_531 = arith.constant 0 : i32
      %dma_wait3A_532 = tpu.memref_slice %arg15[%dma_wait3A_531] : memref<16xi32, #tpu.memory_space<vmem>> -> memref<8xi32, #tpu.memory_space<vmem>>
      %dma_wait3A_533 = arith.constant 0 : i32
      %dma_wait3A_534 = tpu.memref_slice %arg4[%dma_wait3A_533] : memref<500000xi32, #tpu.memory_space<hbm>> -> memref<8xi32, #tpu.memory_space<hbm>>
      tpu.wait_dma2 semaphore(%run_scoped3A : memref<!tpu.dma_semaphore, #tpu.memory_space<semaphore_mem>>) src(%dma_wait3A_534 : memref<8xi32, #tpu.memory_space<hbm>>) dst(%dma_wait3A_532 : memref<8xi32, #tpu.memory_space<vmem>>)
      tpu.yield
    }) : () -> ()
    %get3A = arith.constant 0 : index
    %get3A_13 = tpu.vector_load %arg15[%get3A] {strides = array<i32>} : memref<16xi32, #tpu.memory_space<vmem>>, vector<16xi32>,
    %get3A_14 = vector.shape_cast %get3A_13 : vector<16xi32> to vector<16xi32>
    %slice3A = vector.extract_strided_slice %get3A_14 {offsets = [0], sizes = [1], strides = [1]} : vector<16xi32> to vector<1xi32>
    %squeeze3A = vector.extract %slice3A[0] : i32 from vector<1xi32>
    %mul3A_15 = arith.constant -1640531527 : i32
    %mul3A_16 = arith.muli %squeeze3A, %mul3A_15 : i32
    %add3A_17 = arith.constant 95173407 : i32
    %add3A_18 = arith.addi %mul3A_16, %add3A_17 : i32
    %eq3A = arith.constant 0 : i32
    %eq3A_19 = arith.cmpi eq, %arg0, %eq3A : i32
    %convert_element_type3A = arith.extui %eq3A_19 : i1 to i32
    %cond3A = arith.constant 0 : i32
    %cond3A_20 = arith.cmpi ne, %convert_element_type3A, %cond3A : i32
    scf.if %cond3A_20 {
      %mul3A_519 = arith.constant 31232 : i32
      %mul3A_520 = arith.muli %arg1, %mul3A_519 : i32
      %add3A_521 = arith.constant 0 : i32
      %add3A_522 = arith.addi %mul3A_520, %add3A_521 : i32
      "tpu.region"() ({
        %run_scoped3A = tpu.sem_alloc : memref<!tpu.dma_semaphore, #tpu.memory_space<semaphore_mem>>
        %dma_start3A_592 = arith.constant 0 : i32
        %dma_start3A_593 = tpu.memref_slice %arg11[%dma_start3A_592] : memref<15616xi32, #tpu.memory_space<vmem>> -> memref<15616xi32, #tpu.memory_space<vmem>>
        %dma_start3A_594 = tpu.memref_slice %arg4[%add3A_522] : memref<500000xi32, #tpu.memory_space<hbm>> -> memref<15616xi32, #tpu.memory_space<hbm>>
        %dma_start3A_595 = arith.constant 0 : i32
        %dma_start3A_596 = tpu.memref_slice %arg11[%dma_start3A_595] : memref<15616xi32, #tpu.memory_space<vmem>> -> memref<15616xi32, #tpu.memory_space<vmem>>
        %dma_start3A_597 = tpu.memref_slice %arg4[%add3A_522] : memref<500000xi32, #tpu.memory_space<hbm>> -> memref<15616xi32, #tpu.memory_space<hbm>>
        tpu.enqueue_dma source(%dma_start3A_597 : memref<15616xi32, #tpu.memory_space<hbm>>) target(%dma_start3A_596 : memref<15616xi32, #tpu.memory_space<vmem>>) target_semaphore(%run_scoped3A : memref<!tpu.dma_semaphore, #tpu.memory_space<semaphore_mem>>)
        %dma_wait3A_598 = arith.constant 0 : i32
        %dma_wait3A_599 = tpu.memref_slice %arg11[%dma_wait3A_598] : memref<15616xi32, #tpu.memory_space<vmem>> -> memref<15616xi32, #tpu.memory_space<vmem>>
        %dma_wait3A_600 = tpu.memref_slice %arg4[%add3A_522] : memref<500000xi32, #tpu.memory_space<hbm>> -> memref<15616xi32, #tpu.memory_space<hbm>>
        %dma_wait3A_601 = arith.constant 0 : i32
        %dma_wait3A_602 = tpu.memref_slice %arg11[%dma_wait3A_601] : memref<15616xi32, #tpu.memory_space<vmem>> -> memref<15616xi32, #tpu.memory_space<vmem>>
        %dma_wait3A_603 = tpu.memref_slice %arg4[%add3A_522] : memref<500000xi32, #tpu.memory_space<hbm>> -> memref<15616xi32, #tpu.memory_space<hbm>>
        tpu.wait_dma2 semaphore(%run_scoped3A : memref<!tpu.dma_semaphore, #tpu.memory_space<semaphore_mem>>) src(%dma_wait3A_603 : memref<15616xi32, #tpu.memory_space<hbm>>) dst(%dma_wait3A_602 : memref<15616xi32, #tpu.memory_space<vmem>>)
        tpu.yield
      }) : () -> ()
      %scan3A_523 = arith.constant 0 : i32
      %scan3A_524 = arith.constant 0 : i32
      %scan3A_525 = arith.constant 122 : i32
      %scan3A_526 = arith.addi %scan3A_524, %scan3A_525 : i32
      %scan3A_527 = arith.constant 1 : i32
      %scan3A_528 = scf.for %scan3A_592 = %scan3A_524 to %scan3A_526 step %scan3A_527 iter_args(%scan3A_593 = %scan3A_523) -> (i32)  : i32 {
        %mul3A_594 = arith.constant 128 : i32
        %mul3A_595 = arith.muli %scan3A_592, %mul3A_594 : i32
        %multiple_of3A_596 = tpu.assume_multiple %mul3A_595, 128 : i32
        %dma_start3A_597 = tpu.memref_slice %arg12[%multiple_of3A_596] : memref<15616xf32, #tpu.memory_space<vmem>> -> memref<128xf32, #tpu.memory_space<vmem>>
        %dma_start3A_598 = tpu.memref_slice %arg11[%multiple_of3A_596] : memref<15616xi32, #tpu.memory_space<vmem>> -> memref<128xi32, #tpu.memory_space<vmem>>
        %dma_start3A_599 = arith.constant 0 : i32
        %dma_start3A_600 = tpu.memref_slice %arg2[%dma_start3A_599] : memref<1000000xf32, #tpu.memory_space<hbm>> -> memref<1000000xf32, #tpu.memory_space<hbm>>
        tpu.enqueue_indirect_dma source(%dma_start3A_600 : memref<1000000xf32, #tpu.memory_space<hbm>>) target(%dma_start3A_597 : memref<128xf32, #tpu.memory_space<vmem>>) offsets(%dma_start3A_598 : memref<128xi32, #tpu.memory_space<vmem>>) semaphore(%arg16 : memref<!tpu.dma_semaphore, #tpu.memory_space<semaphore_mem>>)
        %scan3A_601 = arith.constant 0 : i32
        scf.yield %scan3A_601 : i32
      }
      %scan3A_529 = arith.constant 122 : i32
      %scan3A_530 = arith.constant 0 : i32
      %scan3A_531 = arith.constant 0 : i32
      %scan3A_532 = arith.constant 122 : i32
      %scan3A_533 = arith.addi %scan3A_531, %scan3A_532 : i32
      %scan3A_534 = arith.constant 1 : i32
      %scan3A_535 = scf.for %scan3A_592 = %scan3A_531 to %scan3A_533 step %scan3A_534 iter_args(%scan3A_593 = %scan3A_530) -> (i32)  : i32 {
        %dma_wait3A_594 = arith.constant 0 : i32
        %dma_wait3A_595 = tpu.memref_slice %arg12[%dma_wait3A_594] : memref<15616xf32, #tpu.memory_space<vmem>> -> memref<128xf32, #tpu.memory_space<vmem>>
        %dma_wait3A_596 = arith.constant 0 : i32
        %dma_wait3A_597 = tpu.memref_slice %arg11[%dma_wait3A_596] : memref<15616xi32, #tpu.memory_space<vmem>> -> memref<128xi32, #tpu.memory_space<vmem>>
        %dma_wait3A_598 = arith.constant 0 : i32
        %dma_wait3A_599 = tpu.memref_slice %arg2[%dma_wait3A_598] : memref<1000000xf32, #tpu.memory_space<hbm>> -> memref<1000000xf32, #tpu.memory_space<hbm>>
        tpu.wait_indirect_dma semaphore(%arg16 : memref<!tpu.dma_semaphore, #tpu.memory_space<semaphore_mem>>) src(%dma_wait3A_599 : memref<1000000xf32, #tpu.memory_space<hbm>>) dst(%dma_wait3A_595 : memref<128xf32, #tpu.memory_space<vmem>>)
        %scan3A_600 = arith.constant 0 : i32
        scf.yield %scan3A_600 : i32
      }
      %scan3A_536 = arith.constant 122 : i32
      %add3A_537 = arith.constant 0 : i32
      %add3A_538 = arith.addi %add3A_537, %add3A_522 : i32
      %dma_start3A_539 = arith.constant 0 : i32
      %dma_start3A_540 = tpu.memref_slice %arg12[%dma_start3A_539] : memref<15616xf32, #tpu.memory_space<vmem>> -> memref<15616xf32, #tpu.memory_space<vmem>>
      %dma_start3A_541 = tpu.memref_slice %arg8[%add3A_538] : memref<1000000xf32, #tpu.memory_space<hbm>> -> memref<15616xf32, #tpu.memory_space<hbm>>
      %dma_start3A_542 = tpu.memref_slice %arg8[%add3A_538] : memref<1000000xf32, #tpu.memory_space<hbm>> -> memref<15616xf32, #tpu.memory_space<hbm>>
      %dma_start3A_543 = arith.constant 0 : i32
      %dma_start3A_544 = tpu.memref_slice %arg12[%dma_start3A_543] : memref<15616xf32, #tpu.memory_space<vmem>> -> memref<15616xf32, #tpu.memory_space<vmem>>
      tpu.enqueue_dma source(%dma_start3A_544 : memref<15616xf32, #tpu.memory_space<vmem>>) target(%dma_start3A_542 : memref<15616xf32, #tpu.memory_space<hbm>>) target_semaphore(%arg21 : memref<!tpu.dma_semaphore, #tpu.memory_space<semaphore_mem>>)
      %add3A_545 = arith.constant 0 : i32
      %add3A_546 = arith.addi %add3A_545, %add3A_522 : i32
      "tpu.region"() ({
        %run_scoped3A = tpu.sem_alloc : memref<!tpu.dma_semaphore, #tpu.memory_space<semaphore_mem>>
        %dma_start3A_592 = arith.constant 0 : i32
        %dma_start3A_593 = tpu.memref_slice %arg12[%dma_start3A_592] : memref<15616xf32, #tpu.memory_space<vmem>> -> memref<15616xf32, #tpu.memory_space<vmem>>
        %dma_start3A_594 = tpu.memref_slice %arg10[%add3A_546] : memref<1000000xf32, #tpu.memory_space<vmem_shared>> -> memref<15616xf32, #tpu.memory_space<vmem_shared>>
        %dma_start3A_595 = tpu.memref_slice %arg10[%add3A_546] : memref<1000000xf32, #tpu.memory_space<vmem_shared>> -> memref<15616xf32, #tpu.memory_space<vmem_shared>>
        %dma_start3A_596 = arith.constant 0 : i32
        %dma_start3A_597 = tpu.memref_slice %arg12[%dma_start3A_596] : memref<15616xf32, #tpu.memory_space<vmem>> -> memref<15616xf32, #tpu.memory_space<vmem>>
        tpu.enqueue_dma source(%dma_start3A_597 : memref<15616xf32, #tpu.memory_space<vmem>>) target(%dma_start3A_595 : memref<15616xf32, #tpu.memory_space<vmem_shared>>) target_semaphore(%run_scoped3A : memref<!tpu.dma_semaphore, #tpu.memory_space<semaphore_mem>>)
        %dma_wait3A_598 = arith.constant 0 : i32
        %dma_wait3A_599 = tpu.memref_slice %arg12[%dma_wait3A_598] : memref<15616xf32, #tpu.memory_space<vmem>> -> memref<15616xf32, #tpu.memory_space<vmem>>
        %dma_wait3A_600 = tpu.memref_slice %arg10[%add3A_546] : memref<1000000xf32, #tpu.memory_space<vmem_shared>> -> memref<15616xf32, #tpu.memory_space<vmem_shared>>
        %dma_wait3A_601 = tpu.memref_slice %arg10[%add3A_546] : memref<1000000xf32, #tpu.memory_space<vmem_shared>> -> memref<15616xf32, #tpu.memory_space<vmem_shared>>
        %dma_wait3A_602 = arith.constant 0 : i32
        %dma_wait3A_603 = tpu.memref_slice %arg12[%dma_wait3A_602] : memref<15616xf32, #tpu.memory_space<vmem>> -> memref<15616xf32, #tpu.memory_space<vmem>>
        tpu.wait_dma2 semaphore(%run_scoped3A : memref<!tpu.dma_semaphore, #tpu.memory_space<semaphore_mem>>) src(%dma_wait3A_603 : memref<15616xf32, #tpu.memory_space<vmem>>) dst(%dma_wait3A_601 : memref<15616xf32, #tpu.memory_space<vmem_shared>>)
        tpu.yield
      }) : () -> ()
      %mul3A_547 = arith.constant 31232 : i32
      %mul3A_548 = arith.muli %arg1, %mul3A_547 : i32
      %add3A_549 = arith.constant 15616 : i32
      %add3A_550 = arith.addi %mul3A_548, %add3A_549 : i32
      "tpu.region"() ({
        %run_scoped3A = tpu.sem_alloc : memref<!tpu.dma_semaphore, #tpu.memory_space<semaphore_mem>>
        %dma_start3A_592 = arith.constant 0 : i32
        %dma_start3A_593 = tpu.memref_slice %arg11[%dma_start3A_592] : memref<15616xi32, #tpu.memory_space<vmem>> -> memref<15616xi32, #tpu.memory_space<vmem>>
        %dma_start3A_594 = tpu.memref_slice %arg4[%add3A_550] : memref<500000xi32, #tpu.memory_space<hbm>> -> memref<15616xi32, #tpu.memory_space<hbm>>
        %dma_start3A_595 = arith.constant 0 : i32
        %dma_start3A_596 = tpu.memref_slice %arg11[%dma_start3A_595] : memref<15616xi32, #tpu.memory_space<vmem>> -> memref<15616xi32, #tpu.memory_space<vmem>>
        %dma_start3A_597 = tpu.memref_slice %arg4[%add3A_550] : memref<500000xi32, #tpu.memory_space<hbm>> -> memref<15616xi32, #tpu.memory_space<hbm>>
        tpu.enqueue_dma source(%dma_start3A_597 : memref<15616xi32, #tpu.memory_space<hbm>>) target(%dma_start3A_596 : memref<15616xi32, #tpu.memory_space<vmem>>) target_semaphore(%run_scoped3A : memref<!tpu.dma_semaphore, #tpu.memory_space<semaphore_mem>>)
        %dma_wait3A_598 = arith.constant 0 : i32
        %dma_wait3A_599 = tpu.memref_slice %arg11[%dma_wait3A_598] : memref<15616xi32, #tpu.memory_space<vmem>> -> memref<15616xi32, #tpu.memory_space<vmem>>
        %dma_wait3A_600 = tpu.memref_slice %arg4[%add3A_550] : memref<500000xi32, #tpu.memory_space<hbm>> -> memref<15616xi32, #tpu.memory_space<hbm>>
        %dma_wait3A_601 = arith.constant 0 : i32
        %dma_wait3A_602 = tpu.memref_slice %arg11[%dma_wait3A_601] : memref<15616xi32, #tpu.memory_space<vmem>> -> memref<15616xi32, #tpu.memory_space<vmem>>
        %dma_wait3A_603 = tpu.memref_slice %arg4[%add3A_550] : memref<500000xi32, #tpu.memory_space<hbm>> -> memref<15616xi32, #tpu.memory_space<hbm>>
        tpu.wait_dma2 semaphore(%run_scoped3A : memref<!tpu.dma_semaphore, #tpu.memory_space<semaphore_mem>>) src(%dma_wait3A_603 : memref<15616xi32, #tpu.memory_space<hbm>>) dst(%dma_wait3A_602 : memref<15616xi32, #tpu.memory_space<vmem>>)
        tpu.yield
      }) : () -> ()
      %scan3A_551 = arith.constant 0 : i32
      %scan3A_552 = arith.constant 0 : i32
      %scan3A_553 = arith.constant 122 : i32
      %scan3A_554 = arith.addi %scan3A_552, %scan3A_553 : i32
      %scan3A_555 = arith.constant 1 : i32
      %scan3A_556 = scf.for %scan3A_592 = %scan3A_552 to %scan3A_554 step %scan3A_555 iter_args(%scan3A_593 = %scan3A_551) -> (i32)  : i32 {
        %mul3A_594 = arith.constant 128 : i32
        %mul3A_595 = arith.muli %scan3A_592, %mul3A_594 : i32
        %multiple_of3A_596 = tpu.assume_multiple %mul3A_595, 128 : i32
        %dma_start3A_597 = tpu.memref_slice %arg12[%multiple_of3A_596] : memref<15616xf32, #tpu.memory_space<vmem>> -> memref<128xf32, #tpu.memory_space<vmem>>
        %dma_start3A_598 = tpu.memref_slice %arg11[%multiple_of3A_596] : memref<15616xi32, #tpu.memory_space<vmem>> -> memref<128xi32, #tpu.memory_space<vmem>>
        %dma_start3A_599 = arith.constant 0 : i32
        %dma_start3A_600 = tpu.memref_slice %arg2[%dma_start3A_599] : memref<1000000xf32, #tpu.memory_space<hbm>> -> memref<1000000xf32, #tpu.memory_space<hbm>>
        tpu.enqueue_indirect_dma source(%dma_start3A_600 : memref<1000000xf32, #tpu.memory_space<hbm>>) target(%dma_start3A_597 : memref<128xf32, #tpu.memory_space<vmem>>) offsets(%dma_start3A_598 : memref<128xi32, #tpu.memory_space<vmem>>) semaphore(%arg16 : memref<!tpu.dma_semaphore, #tpu.memory_space<semaphore_mem>>)
        %scan3A_601 = arith.constant 0 : i32
        scf.yield %scan3A_601 : i32
      }
      %scan3A_557 = arith.constant 122 : i32
      %scan3A_558 = arith.constant 0 : i32
      %scan3A_559 = arith.constant 0 : i32
      %scan3A_560 = arith.constant 122 : i32
      %scan3A_561 = arith.addi %scan3A_559, %scan3A_560 : i32
      %scan3A_562 = arith.constant 1 : i32
      %scan3A_563 = scf.for %scan3A_592 = %scan3A_559 to %scan3A_561 step %scan3A_562 iter_args(%scan3A_593 = %scan3A_558) -> (i32)  : i32 {
        %dma_wait3A_594 = arith.constant 0 : i32
        %dma_wait3A_595 = tpu.memref_slice %arg12[%dma_wait3A_594] : memref<15616xf32, #tpu.memory_space<vmem>> -> memref<128xf32, #tpu.memory_space<vmem>>
        %dma_wait3A_596 = arith.constant 0 : i32
        %dma_wait3A_597 = tpu.memref_slice %arg11[%dma_wait3A_596] : memref<15616xi32, #tpu.memory_space<vmem>> -> memref<128xi32, #tpu.memory_space<vmem>>
        %dma_wait3A_598 = arith.constant 0 : i32
        %dma_wait3A_599 = tpu.memref_slice %arg2[%dma_wait3A_598] : memref<1000000xf32, #tpu.memory_space<hbm>> -> memref<1000000xf32, #tpu.memory_space<hbm>>
        tpu.wait_indirect_dma semaphore(%arg16 : memref<!tpu.dma_semaphore, #tpu.memory_space<semaphore_mem>>) src(%dma_wait3A_599 : memref<1000000xf32, #tpu.memory_space<hbm>>) dst(%dma_wait3A_595 : memref<128xf32, #tpu.memory_space<vmem>>)
        %scan3A_600 = arith.constant 0 : i32
        scf.yield %scan3A_600 : i32
      }
      %scan3A_564 = arith.constant 122 : i32
      %dma_wait3A_565 = arith.constant 0 : i32
      %dma_wait3A_566 = tpu.memref_slice %arg12[%dma_wait3A_565] : memref<15616xf32, #tpu.memory_space<vmem>> -> memref<15616xf32, #tpu.memory_space<vmem>>
      %dma_wait3A_567 = tpu.memref_slice %arg8[%add3A_538] : memref<1000000xf32, #tpu.memory_space<hbm>> -> memref<15616xf32, #tpu.memory_space<hbm>>
      %dma_wait3A_568 = tpu.memref_slice %arg8[%add3A_538] : memref<1000000xf32, #tpu.memory_space<hbm>> -> memref<15616xf32, #tpu.memory_space<hbm>>
      %dma_wait3A_569 = arith.constant 0 : i32
      %dma_wait3A_570 = tpu.memref_slice %arg12[%dma_wait3A_569] : memref<15616xf32, #tpu.memory_space<vmem>> -> memref<15616xf32, #tpu.memory_space<vmem>>
      tpu.wait_dma2 semaphore(%arg21 : memref<!tpu.dma_semaphore, #tpu.memory_space<semaphore_mem>>) src(%dma_wait3A_570 : memref<15616xf32, #tpu.memory_space<vmem>>) dst(%dma_wait3A_568 : memref<15616xf32, #tpu.memory_space<hbm>>)
      %add3A_571 = arith.constant 0 : i32
      %add3A_572 = arith.addi %add3A_571, %add3A_550 : i32
      %dma_start3A_573 = arith.constant 0 : i32
      %dma_start3A_574 = tpu.memref_slice %arg12[%dma_start3A_573] : memref<15616xf32, #tpu.memory_space<vmem>> -> memref<15616xf32, #tpu.memory_space<vmem>>
      %dma_start3A_575 = tpu.memref_slice %arg8[%add3A_572] : memref<1000000xf32, #tpu.memory_space<hbm>> -> memref<15616xf32, #tpu.memory_space<hbm>>
      %dma_start3A_576 = tpu.memref_slice %arg8[%add3A_572] : memref<1000000xf32, #tpu.memory_space<hbm>> -> memref<15616xf32, #tpu.memory_space<hbm>>
      %dma_start3A_577 = arith.constant 0 : i32
      %dma_start3A_578 = tpu.memref_slice %arg12[%dma_start3A_577] : memref<15616xf32, #tpu.memory_space<vmem>> -> memref<15616xf32, #tpu.memory_space<vmem>>
      tpu.enqueue_dma source(%dma_start3A_578 : memref<15616xf32, #tpu.memory_space<vmem>>) target(%dma_start3A_576 : memref<15616xf32, #tpu.memory_space<hbm>>) target_semaphore(%arg21 : memref<!tpu.dma_semaphore, #tpu.memory_space<semaphore_mem>>)
      %add3A_579 = arith.constant 0 : i32
      %add3A_580 = arith.addi %add3A_579, %add3A_550 : i32
      "tpu.region"() ({
        %run_scoped3A = tpu.sem_alloc : memref<!tpu.dma_semaphore, #tpu.memory_space<semaphore_mem>>
        %dma_start3A_592 = arith.constant 0 : i32
        %dma_start3A_593 = tpu.memref_slice %arg12[%dma_start3A_592] : memref<15616xf32, #tpu.memory_space<vmem>> -> memref<15616xf32, #tpu.memory_space<vmem>>
        %dma_start3A_594 = tpu.memref_slice %arg10[%add3A_580] : memref<1000000xf32, #tpu.memory_space<vmem_shared>> -> memref<15616xf32, #tpu.memory_space<vmem_shared>>
        %dma_start3A_595 = tpu.memref_slice %arg10[%add3A_580] : memref<1000000xf32, #tpu.memory_space<vmem_shared>> -> memref<15616xf32, #tpu.memory_space<vmem_shared>>
        %dma_start3A_596 = arith.constant 0 : i32
        %dma_start3A_597 = tpu.memref_slice %arg12[%dma_start3A_596] : memref<15616xf32, #tpu.memory_space<vmem>> -> memref<15616xf32, #tpu.memory_space<vmem>>
        tpu.enqueue_dma source(%dma_start3A_597 : memref<15616xf32, #tpu.memory_space<vmem>>) target(%dma_start3A_595 : memref<15616xf32, #tpu.memory_space<vmem_shared>>) target_semaphore(%run_scoped3A : memref<!tpu.dma_semaphore, #tpu.memory_space<semaphore_mem>>)
        %dma_wait3A_598 = arith.constant 0 : i32
        %dma_wait3A_599 = tpu.memref_slice %arg12[%dma_wait3A_598] : memref<15616xf32, #tpu.memory_space<vmem>> -> memref<15616xf32, #tpu.memory_space<vmem>>
        %dma_wait3A_600 = tpu.memref_slice %arg10[%add3A_580] : memref<1000000xf32, #tpu.memory_space<vmem_shared>> -> memref<15616xf32, #tpu.memory_space<vmem_shared>>
        %dma_wait3A_601 = tpu.memref_slice %arg10[%add3A_580] : memref<1000000xf32, #tpu.memory_space<vmem_shared>> -> memref<15616xf32, #tpu.memory_space<vmem_shared>>
        %dma_wait3A_602 = arith.constant 0 : i32
        %dma_wait3A_603 = tpu.memref_slice %arg12[%dma_wait3A_602] : memref<15616xf32, #tpu.memory_space<vmem>> -> memref<15616xf32, #tpu.memory_space<vmem>>
        tpu.wait_dma2 semaphore(%run_scoped3A : memref<!tpu.dma_semaphore, #tpu.memory_space<semaphore_mem>>) src(%dma_wait3A_603 : memref<15616xf32, #tpu.memory_space<vmem>>) dst(%dma_wait3A_601 : memref<15616xf32, #tpu.memory_space<vmem_shared>>)
        tpu.yield
      }) : () -> ()
      %eq3A_581 = arith.constant 0 : i32
      %eq3A_582 = arith.cmpi eq, %arg1, %eq3A_581 : i32
      %convert_element_type3A_583 = arith.extui %eq3A_582 : i1 to i32
      %cond3A_584 = arith.constant 0 : i32
      %cond3A_585 = arith.cmpi ne, %convert_element_type3A_583, %cond3A_584 : i32
      scf.if %cond3A_585 {
        "tpu.region"() ({
          %run_scoped3A = tpu.sem_alloc : memref<!tpu.dma_semaphore, #tpu.memory_space<semaphore_mem>>
          %dma_start3A_618 = arith.constant 0 : i32
          %dma_start3A_619 = tpu.memref_slice %arg11[%dma_start3A_618] : memref<15616xi32, #tpu.memory_space<vmem>> -> memref<288xi32, #tpu.memory_space<vmem>>
          %dma_start3A_620 = arith.constant 499712 : i32
          %dma_start3A_621 = tpu.memref_slice %arg4[%dma_start3A_620] : memref<500000xi32, #tpu.memory_space<hbm>> -> memref<288xi32, #tpu.memory_space<hbm>>
          %dma_start3A_622 = arith.constant 0 : i32
          %dma_start3A_623 = tpu.memref_slice %arg11[%dma_start3A_622] : memref<15616xi32, #tpu.memory_space<vmem>> -> memref<288xi32, #tpu.memory_space<vmem>>
          %dma_start3A_624 = arith.constant 499712 : i32
          %dma_start3A_625 = tpu.memref_slice %arg4[%dma_start3A_624] : memref<500000xi32, #tpu.memory_space<hbm>> -> memref<288xi32, #tpu.memory_space<hbm>>
          tpu.enqueue_dma source(%dma_start3A_625 : memref<288xi32, #tpu.memory_space<hbm>>) target(%dma_start3A_623 : memref<288xi32, #tpu.memory_space<vmem>>) target_semaphore(%run_scoped3A : memref<!tpu.dma_semaphore, #tpu.memory_space<semaphore_mem>>)
          %dma_wait3A_626 = arith.constant 0 : i32
          %dma_wait3A_627 = tpu.memref_slice %arg11[%dma_wait3A_626] : memref<15616xi32, #tpu.memory_space<vmem>> -> memref<288xi32, #tpu.memory_space<vmem>>
          %dma_wait3A_628 = arith.constant 499712 : i32
          %dma_wait3A_629 = tpu.memref_slice %arg4[%dma_wait3A_628] : memref<500000xi32, #tpu.memory_space<hbm>> -> memref<288xi32, #tpu.memory_space<hbm>>
          %dma_wait3A_630 = arith.constant 0 : i32
          %dma_wait3A_631 = tpu.memref_slice %arg11[%dma_wait3A_630] : memref<15616xi32, #tpu.memory_space<vmem>> -> memref<288xi32, #tpu.memory_space<vmem>>
          %dma_wait3A_632 = arith.constant 499712 : i32
          %dma_wait3A_633 = tpu.memref_slice %arg4[%dma_wait3A_632] : memref<500000xi32, #tpu.memory_space<hbm>> -> memref<288xi32, #tpu.memory_space<hbm>>
          tpu.wait_dma2 semaphore(%run_scoped3A : memref<!tpu.dma_semaphore, #tpu.memory_space<semaphore_mem>>) src(%dma_wait3A_633 : memref<288xi32, #tpu.memory_space<hbm>>) dst(%dma_wait3A_631 : memref<288xi32, #tpu.memory_space<vmem>>)
          tpu.yield
        }) : () -> ()
        %scan3A_592 = arith.constant 0 : i32
        %scan3A_593 = arith.constant 0 : i32
        %scan3A_594 = arith.constant 2 : i32
        %scan3A_595 = arith.addi %scan3A_593, %scan3A_594 : i32
        %scan3A_596 = arith.constant 1 : i32
        %scan3A_597 = scf.for %scan3A_618 = %scan3A_593 to %scan3A_595 step %scan3A_596 iter_args(%scan3A_619 = %scan3A_592) -> (i32)  : i32 {
          %mul3A_620 = arith.constant 128 : i32
          %mul3A_621 = arith.muli %scan3A_618, %mul3A_620 : i32
          %multiple_of3A_622 = tpu.assume_multiple %mul3A_621, 128 : i32
          %dma_start3A_623 = tpu.memref_slice %arg12[%multiple_of3A_622] : memref<15616xf32, #tpu.memory_space<vmem>> -> memref<128xf32, #tpu.memory_space<vmem>>
          %dma_start3A_624 = tpu.memref_slice %arg11[%multiple_of3A_622] : memref<15616xi32, #tpu.memory_space<vmem>> -> memref<128xi32, #tpu.memory_space<vmem>>
          %dma_start3A_625 = arith.constant 0 : i32
          %dma_start3A_626 = tpu.memref_slice %arg2[%dma_start3A_625] : memref<1000000xf32, #tpu.memory_space<hbm>> -> memref<1000000xf32, #tpu.memory_space<hbm>>
          tpu.enqueue_indirect_dma source(%dma_start3A_626 : memref<1000000xf32, #tpu.memory_space<hbm>>) target(%dma_start3A_623 : memref<128xf32, #tpu.memory_space<vmem>>) offsets(%dma_start3A_624 : memref<128xi32, #tpu.memory_space<vmem>>) semaphore(%arg16 : memref<!tpu.dma_semaphore, #tpu.memory_space<semaphore_mem>>)
          %scan3A_627 = arith.constant 0 : i32
          scf.yield %scan3A_627 : i32
        }
        %scan3A_598 = arith.constant 2 : i32
        %dma_start3A_599 = arith.constant 256 : i32
        %dma_start3A_600 = tpu.memref_slice %arg12[%dma_start3A_599] : memref<15616xf32, #tpu.memory_space<vmem>> -> memref<32xf32, #tpu.memory_space<vmem>>
        %dma_start3A_601 = arith.constant 256 : i32
        %dma_start3A_602 = tpu.memref_slice %arg11[%dma_start3A_601] : memref<15616xi32, #tpu.memory_space<vmem>> -> memref<32xi32, #tpu.memory_space<vmem>>
        %dma_start3A_603 = arith.constant 0 : i32
        %dma_start3A_604 = tpu.memref_slice %arg2[%dma_start3A_603] : memref<1000000xf32, #tpu.memory_space<hbm>> -> memref<1000000xf32, #tpu.memory_space<hbm>>
        tpu.enqueue_indirect_dma source(%dma_start3A_604 : memref<1000000xf32, #tpu.memory_space<hbm>>) target(%dma_start3A_600 : memref<32xf32, #tpu.memory_space<vmem>>) offsets(%dma_start3A_602 : memref<32xi32, #tpu.memory_space<vmem>>) semaphore(%arg16 : memref<!tpu.dma_semaphore, #tpu.memory_space<semaphore_mem>>)
        %scan3A_605 = arith.constant 0 : i32
        %scan3A_606 = arith.constant 0 : i32
        %scan3A_607 = arith.constant 2 : i32
        %scan3A_608 = arith.addi %scan3A_606, %scan3A_607 : i32
        %scan3A_609 = arith.constant 1 : i32
        %scan3A_610 = scf.for %scan3A_618 = %scan3A_606 to %scan3A_608 step %scan3A_609 iter_args(%scan3A_619 = %scan3A_605) -> (i32)  : i32 {
          %dma_wait3A_620 = arith.constant 0 : i32
          %dma_wait3A_621 = tpu.memref_slice %arg12[%dma_wait3A_620] : memref<15616xf32, #tpu.memory_space<vmem>> -> memref<128xf32, #tpu.memory_space<vmem>>
          %dma_wait3A_622 = arith.constant 0 : i32
          %dma_wait3A_623 = tpu.memref_slice %arg11[%dma_wait3A_622] : memref<15616xi32, #tpu.memory_space<vmem>> -> memref<128xi32, #tpu.memory_space<vmem>>
          %dma_wait3A_624 = arith.constant 0 : i32
          %dma_wait3A_625 = tpu.memref_slice %arg2[%dma_wait3A_624] : memref<1000000xf32, #tpu.memory_space<hbm>> -> memref<1000000xf32, #tpu.memory_space<hbm>>
          tpu.wait_indirect_dma semaphore(%arg16 : memref<!tpu.dma_semaphore, #tpu.memory_space<semaphore_mem>>) src(%dma_wait3A_625 : memref<1000000xf32, #tpu.memory_space<hbm>>) dst(%dma_wait3A_621 : memref<128xf32, #tpu.memory_space<vmem>>)
          %scan3A_626 = arith.constant 0 : i32
          scf.yield %scan3A_626 : i32
        }
        %scan3A_611 = arith.constant 2 : i32
        %dma_wait3A_612 = arith.constant 0 : i32
        %dma_wait3A_613 = tpu.memref_slice %arg12[%dma_wait3A_612] : memref<15616xf32, #tpu.memory_space<vmem>> -> memref<32xf32, #tpu.memory_space<vmem>>
        %dma_wait3A_614 = arith.constant 0 : i32
        %dma_wait3A_615 = tpu.memref_slice %arg11[%dma_wait3A_614] : memref<15616xi32, #tpu.memory_space<vmem>> -> memref<32xi32, #tpu.memory_space<vmem>>
        %dma_wait3A_616 = arith.constant 0 : i32
        %dma_wait3A_617 = tpu.memref_slice %arg2[%dma_wait3A_616] : memref<1000000xf32, #tpu.memory_space<hbm>> -> memref<1000000xf32, #tpu.memory_space<hbm>>
        tpu.wait_indirect_dma semaphore(%arg16 : memref<!tpu.dma_semaphore, #tpu.memory_space<semaphore_mem>>) src(%dma_wait3A_617 : memref<1000000xf32, #tpu.memory_space<hbm>>) dst(%dma_wait3A_613 : memref<32xf32, #tpu.memory_space<vmem>>)
        "tpu.region"() ({
          %run_scoped3A = tpu.sem_alloc : memref<!tpu.dma_semaphore, #tpu.memory_space<semaphore_mem>>
          %dma_start3A_618 = arith.constant 0 : i32
          %dma_start3A_619 = tpu.memref_slice %arg12[%dma_start3A_618] : memref<15616xf32, #tpu.memory_space<vmem>> -> memref<288xf32, #tpu.memory_space<vmem>>
          %dma_start3A_620 = arith.constant 499712 : i32
          %dma_start3A_621 = tpu.memref_slice %arg8[%dma_start3A_620] : memref<1000000xf32, #tpu.memory_space<hbm>> -> memref<288xf32, #tpu.memory_space<hbm>>
          %dma_start3A_622 = arith.constant 499712 : i32
          %dma_start3A_623 = tpu.memref_slice %arg8[%dma_start3A_622] : memref<1000000xf32, #tpu.memory_space<hbm>> -> memref<288xf32, #tpu.memory_space<hbm>>
          %dma_start3A_624 = arith.constant 0 : i32
          %dma_start3A_625 = tpu.memref_slice %arg12[%dma_start3A_624] : memref<15616xf32, #tpu.memory_space<vmem>> -> memref<288xf32, #tpu.memory_space<vmem>>
          tpu.enqueue_dma source(%dma_start3A_625 : memref<288xf32, #tpu.memory_space<vmem>>) target(%dma_start3A_623 : memref<288xf32, #tpu.memory_space<hbm>>) target_semaphore(%run_scoped3A : memref<!tpu.dma_semaphore, #tpu.memory_space<semaphore_mem>>)
          %dma_wait3A_626 = arith.constant 0 : i32
          %dma_wait3A_627 = tpu.memref_slice %arg12[%dma_wait3A_626] : memref<15616xf32, #tpu.memory_space<vmem>> -> memref<288xf32, #tpu.memory_space<vmem>>
          %dma_wait3A_628 = arith.constant 499712 : i32
          %dma_wait3A_629 = tpu.memref_slice %arg8[%dma_wait3A_628] : memref<1000000xf32, #tpu.memory_space<hbm>> -> memref<288xf32, #tpu.memory_space<hbm>>
          %dma_wait3A_630 = arith.constant 499712 : i32
          %dma_wait3A_631 = tpu.memref_slice %arg8[%dma_wait3A_630] : memref<1000000xf32, #tpu.memory_space<hbm>> -> memref<288xf32, #tpu.memory_space<hbm>>
          %dma_wait3A_632 = arith.constant 0 : i32
          %dma_wait3A_633 = tpu.memref_slice %arg12[%dma_wait3A_632] : memref<15616xf32, #tpu.memory_space<vmem>> -> memref<288xf32, #tpu.memory_space<vmem>>
          tpu.wait_dma2 semaphore(%run_scoped3A : memref<!tpu.dma_semaphore, #tpu.memory_space<semaphore_mem>>) src(%dma_wait3A_633 : memref<288xf32, #tpu.memory_space<vmem>>) dst(%dma_wait3A_631 : memref<288xf32, #tpu.memory_space<hbm>>)
          tpu.yield
        }) : () -> ()
        "tpu.region"() ({
          %run_scoped3A = tpu.sem_alloc : memref<!tpu.dma_semaphore, #tpu.memory_space<semaphore_mem>>
          %dma_start3A_618 = arith.constant 0 : i32
          %dma_start3A_619 = tpu.memref_slice %arg12[%dma_start3A_618] : memref<15616xf32, #tpu.memory_space<vmem>> -> memref<288xf32, #tpu.memory_space<vmem>>
          %dma_start3A_620 = arith.constant 499712 : i32
          %dma_start3A_621 = tpu.memref_slice %arg10[%dma_start3A_620] : memref<1000000xf32, #tpu.memory_space<vmem_shared>> -> memref<288xf32, #tpu.memory_space<vmem_shared>>
          %dma_start3A_622 = arith.constant 499712 : i32
          %dma_start3A_623 = tpu.memref_slice %arg10[%dma_start3A_622] : memref<1000000xf32, #tpu.memory_space<vmem_shared>> -> memref<288xf32, #tpu.memory_space<vmem_shared>>
          %dma_start3A_624 = arith.constant 0 : i32
          %dma_start3A_625 = tpu.memref_slice %arg12[%dma_start3A_624] : memref<15616xf32, #tpu.memory_space<vmem>> -> memref<288xf32, #tpu.memory_space<vmem>>
          tpu.enqueue_dma source(%dma_start3A_625 : memref<288xf32, #tpu.memory_space<vmem>>) target(%dma_start3A_623 : memref<288xf32, #tpu.memory_space<vmem_shared>>) target_semaphore(%run_scoped3A : memref<!tpu.dma_semaphore, #tpu.memory_space<semaphore_mem>>)
          %dma_wait3A_626 = arith.constant 0 : i32
          %dma_wait3A_627 = tpu.memref_slice %arg12[%dma_wait3A_626] : memref<15616xf32, #tpu.memory_space<vmem>> -> memref<288xf32, #tpu.memory_space<vmem>>
          %dma_wait3A_628 = arith.constant 499712 : i32
          %dma_wait3A_629 = tpu.memref_slice %arg10[%dma_wait3A_628] : memref<1000000xf32, #tpu.memory_space<vmem_shared>> -> memref<288xf32, #tpu.memory_space<vmem_shared>>
          %dma_wait3A_630 = arith.constant 499712 : i32
          %dma_wait3A_631 = tpu.memref_slice %arg10[%dma_wait3A_630] : memref<1000000xf32, #tpu.memory_space<vmem_shared>> -> memref<288xf32, #tpu.memory_space<vmem_shared>>
          %dma_wait3A_632 = arith.constant 0 : i32
          %dma_wait3A_633 = tpu.memref_slice %arg12[%dma_wait3A_632] : memref<15616xf32, #tpu.memory_space<vmem>> -> memref<288xf32, #tpu.memory_space<vmem>>
          tpu.wait_dma2 semaphore(%run_scoped3A : memref<!tpu.dma_semaphore, #tpu.memory_space<semaphore_mem>>) src(%dma_wait3A_633 : memref<288xf32, #tpu.memory_space<vmem>>) dst(%dma_wait3A_631 : memref<288xf32, #tpu.memory_space<vmem_shared>>)
          tpu.yield
        }) : () -> ()
      } else {
      }
      %dma_wait3A_586 = arith.constant 0 : i32
      %dma_wait3A_587 = tpu.memref_slice %arg12[%dma_wait3A_586] : memref<15616xf32, #tpu.memory_space<vmem>> -> memref<15616xf32, #tpu.memory_space<vmem>>
      %dma_wait3A_588 = tpu.memref_slice %arg8[%add3A_572] : memref<1000000xf32, #tpu.memory_space<hbm>> -> memref<15616xf32, #tpu.memory_space<hbm>>
      %dma_wait3A_589 = tpu.memref_slice %arg8[%add3A_572] : memref<1000000xf32, #tpu.memory_space<hbm>> -> memref<15616xf32, #tpu.memory_space<hbm>>
      %dma_wait3A_590 = arith.constant 0 : i32
      %dma_wait3A_591 = tpu.memref_slice %arg12[%dma_wait3A_590] : memref<15616xf32, #tpu.memory_space<vmem>> -> memref<15616xf32, #tpu.memory_space<vmem>>
      tpu.wait_dma2 semaphore(%arg21 : memref<!tpu.dma_semaphore, #tpu.memory_space<semaphore_mem>>) src(%dma_wait3A_591 : memref<15616xf32, #tpu.memory_space<vmem>>) dst(%dma_wait3A_589 : memref<15616xf32, #tpu.memory_space<hbm>>)
    } else {
    }
    %eq3A_21 = arith.constant 1 : i32
    %eq3A_22 = arith.cmpi eq, %arg0, %eq3A_21 : i32
    %convert_element_type3A_23 = arith.extui %eq3A_22 : i1 to i32
    %cond3A_24 = arith.constant 0 : i32
    %cond3A_25 = arith.cmpi ne, %convert_element_type3A_23, %cond3A_24 : i32
    scf.if %cond3A_25 {
      %mul3A_519 = arith.constant 31232 : i32
      %mul3A_520 = arith.muli %arg1, %mul3A_519 : i32
      %add3A_521 = arith.constant 0 : i32
      %add3A_522 = arith.addi %mul3A_520, %add3A_521 : i32
      "tpu.region"() ({
        %run_scoped3A = tpu.sem_alloc : memref<!tpu.dma_semaphore, #tpu.memory_space<semaphore_mem>>
        %dma_start3A_592 = arith.constant 0 : i32
        %dma_start3A_593 = tpu.memref_slice %arg11[%dma_start3A_592] : memref<15616xi32, #tpu.memory_space<vmem>> -> memref<15616xi32, #tpu.memory_space<vmem>>
        %dma_start3A_594 = tpu.memref_slice %arg5[%add3A_522] : memref<500000xi32, #tpu.memory_space<hbm>> -> memref<15616xi32, #tpu.memory_space<hbm>>
        %dma_start3A_595 = arith.constant 0 : i32
        %dma_start3A_596 = tpu.memref_slice %arg11[%dma_start3A_595] : memref<15616xi32, #tpu.memory_space<vmem>> -> memref<15616xi32, #tpu.memory_space<vmem>>
        %dma_start3A_597 = tpu.memref_slice %arg5[%add3A_522] : memref<500000xi32, #tpu.memory_space<hbm>> -> memref<15616xi32, #tpu.memory_space<hbm>>
        tpu.enqueue_dma source(%dma_start3A_597 : memref<15616xi32, #tpu.memory_space<hbm>>) target(%dma_start3A_596 : memref<15616xi32, #tpu.memory_space<vmem>>) target_semaphore(%run_scoped3A : memref<!tpu.dma_semaphore, #tpu.memory_space<semaphore_mem>>)
        %dma_wait3A_598 = arith.constant 0 : i32
        %dma_wait3A_599 = tpu.memref_slice %arg11[%dma_wait3A_598] : memref<15616xi32, #tpu.memory_space<vmem>> -> memref<15616xi32, #tpu.memory_space<vmem>>
        %dma_wait3A_600 = tpu.memref_slice %arg5[%add3A_522] : memref<500000xi32, #tpu.memory_space<hbm>> -> memref<15616xi32, #tpu.memory_space<hbm>>
        %dma_wait3A_601 = arith.constant 0 : i32
        %dma_wait3A_602 = tpu.memref_slice %arg11[%dma_wait3A_601] : memref<15616xi32, #tpu.memory_space<vmem>> -> memref<15616xi32, #tpu.memory_space<vmem>>
        %dma_wait3A_603 = tpu.memref_slice %arg5[%add3A_522] : memref<500000xi32, #tpu.memory_space<hbm>> -> memref<15616xi32, #tpu.memory_space<hbm>>
        tpu.wait_dma2 semaphore(%run_scoped3A : memref<!tpu.dma_semaphore, #tpu.memory_space<semaphore_mem>>) src(%dma_wait3A_603 : memref<15616xi32, #tpu.memory_space<hbm>>) dst(%dma_wait3A_602 : memref<15616xi32, #tpu.memory_space<vmem>>)
        tpu.yield
      }) : () -> ()
      %scan3A_523 = arith.constant 0 : i32
      %scan3A_524 = arith.constant 0 : i32
      %scan3A_525 = arith.constant 122 : i32
      %scan3A_526 = arith.addi %scan3A_524, %scan3A_525 : i32
      %scan3A_527 = arith.constant 1 : i32
      %scan3A_528 = scf.for %scan3A_592 = %scan3A_524 to %scan3A_526 step %scan3A_527 iter_args(%scan3A_593 = %scan3A_523) -> (i32)  : i32 {
        %mul3A_594 = arith.constant 128 : i32
        %mul3A_595 = arith.muli %scan3A_592, %mul3A_594 : i32
        %multiple_of3A_596 = tpu.assume_multiple %mul3A_595, 128 : i32
        %dma_start3A_597 = tpu.memref_slice %arg12[%multiple_of3A_596] : memref<15616xf32, #tpu.memory_space<vmem>> -> memref<128xf32, #tpu.memory_space<vmem>>
        %dma_start3A_598 = tpu.memref_slice %arg11[%multiple_of3A_596] : memref<15616xi32, #tpu.memory_space<vmem>> -> memref<128xi32, #tpu.memory_space<vmem>>
        %dma_start3A_599 = arith.constant 0 : i32
        %dma_start3A_600 = tpu.memref_slice %arg3[%dma_start3A_599] : memref<1000000xf32, #tpu.memory_space<hbm>> -> memref<1000000xf32, #tpu.memory_space<hbm>>
        tpu.enqueue_indirect_dma source(%dma_start3A_600 : memref<1000000xf32, #tpu.memory_space<hbm>>) target(%dma_start3A_597 : memref<128xf32, #tpu.memory_space<vmem>>) offsets(%dma_start3A_598 : memref<128xi32, #tpu.memory_space<vmem>>) semaphore(%arg16 : memref<!tpu.dma_semaphore, #tpu.memory_space<semaphore_mem>>)
        %scan3A_601 = arith.constant 0 : i32
        scf.yield %scan3A_601 : i32
      }
      %scan3A_529 = arith.constant 122 : i32
      %scan3A_530 = arith.constant 0 : i32
      %scan3A_531 = arith.constant 0 : i32
      %scan3A_532 = arith.constant 122 : i32
      %scan3A_533 = arith.addi %scan3A_531, %scan3A_532 : i32
      %scan3A_534 = arith.constant 1 : i32
      %scan3A_535 = scf.for %scan3A_592 = %scan3A_531 to %scan3A_533 step %scan3A_534 iter_args(%scan3A_593 = %scan3A_530) -> (i32)  : i32 {
        %dma_wait3A_594 = arith.constant 0 : i32
        %dma_wait3A_595 = tpu.memref_slice %arg12[%dma_wait3A_594] : memref<15616xf32, #tpu.memory_space<vmem>> -> memref<128xf32, #tpu.memory_space<vmem>>
        %dma_wait3A_596 = arith.constant 0 : i32
        %dma_wait3A_597 = tpu.memref_slice %arg11[%dma_wait3A_596] : memref<15616xi32, #tpu.memory_space<vmem>> -> memref<128xi32, #tpu.memory_space<vmem>>
        %dma_wait3A_598 = arith.constant 0 : i32
        %dma_wait3A_599 = tpu.memref_slice %arg3[%dma_wait3A_598] : memref<1000000xf32, #tpu.memory_space<hbm>> -> memref<1000000xf32, #tpu.memory_space<hbm>>
        tpu.wait_indirect_dma semaphore(%arg16 : memref<!tpu.dma_semaphore, #tpu.memory_space<semaphore_mem>>) src(%dma_wait3A_599 : memref<1000000xf32, #tpu.memory_space<hbm>>) dst(%dma_wait3A_595 : memref<128xf32, #tpu.memory_space<vmem>>)
        %scan3A_600 = arith.constant 0 : i32
        scf.yield %scan3A_600 : i32
      }
      %scan3A_536 = arith.constant 122 : i32
      %add3A_537 = arith.constant 500000 : i32
      %add3A_538 = arith.addi %add3A_537, %add3A_522 : i32
      %dma_start3A_539 = arith.constant 0 : i32
      %dma_start3A_540 = tpu.memref_slice %arg12[%dma_start3A_539] : memref<15616xf32, #tpu.memory_space<vmem>> -> memref<15616xf32, #tpu.memory_space<vmem>>
      %dma_start3A_541 = tpu.memref_slice %arg8[%add3A_538] : memref<1000000xf32, #tpu.memory_space<hbm>> -> memref<15616xf32, #tpu.memory_space<hbm>>
      %dma_start3A_542 = tpu.memref_slice %arg8[%add3A_538] : memref<1000000xf32, #tpu.memory_space<hbm>> -> memref<15616xf32, #tpu.memory_space<hbm>>
      %dma_start3A_543 = arith.constant 0 : i32
      %dma_start3A_544 = tpu.memref_slice %arg12[%dma_start3A_543] : memref<15616xf32, #tpu.memory_space<vmem>> -> memref<15616xf32, #tpu.memory_space<vmem>>
      tpu.enqueue_dma source(%dma_start3A_544 : memref<15616xf32, #tpu.memory_space<vmem>>) target(%dma_start3A_542 : memref<15616xf32, #tpu.memory_space<hbm>>) target_semaphore(%arg21 : memref<!tpu.dma_semaphore, #tpu.memory_space<semaphore_mem>>)
      %add3A_545 = arith.constant 500000 : i32
      %add3A_546 = arith.addi %add3A_545, %add3A_522 : i32
      "tpu.region"() ({
        %run_scoped3A = tpu.sem_alloc : memref<!tpu.dma_semaphore, #tpu.memory_space<semaphore_mem>>
        %dma_start3A_592 = arith.constant 0 : i32
        %dma_start3A_593 = tpu.memref_slice %arg12[%dma_start3A_592] : memref<15616xf32, #tpu.memory_space<vmem>> -> memref<15616xf32, #tpu.memory_space<vmem>>
        %dma_start3A_594 = tpu.memref_slice %arg10[%add3A_546] : memref<1000000xf32, #tpu.memory_space<vmem_shared>> -> memref<15616xf32, #tpu.memory_space<vmem_shared>>
        %dma_start3A_595 = tpu.memref_slice %arg10[%add3A_546] : memref<1000000xf32, #tpu.memory_space<vmem_shared>> -> memref<15616xf32, #tpu.memory_space<vmem_shared>>
        %dma_start3A_596 = arith.constant 0 : i32
        %dma_start3A_597 = tpu.memref_slice %arg12[%dma_start3A_596] : memref<15616xf32, #tpu.memory_space<vmem>> -> memref<15616xf32, #tpu.memory_space<vmem>>
        tpu.enqueue_dma source(%dma_start3A_597 : memref<15616xf32, #tpu.memory_space<vmem>>) target(%dma_start3A_595 : memref<15616xf32, #tpu.memory_space<vmem_shared>>) target_semaphore(%run_scoped3A : memref<!tpu.dma_semaphore, #tpu.memory_space<semaphore_mem>>)
        %dma_wait3A_598 = arith.constant 0 : i32
        %dma_wait3A_599 = tpu.memref_slice %arg12[%dma_wait3A_598] : memref<15616xf32, #tpu.memory_space<vmem>> -> memref<15616xf32, #tpu.memory_space<vmem>>
        %dma_wait3A_600 = tpu.memref_slice %arg10[%add3A_546] : memref<1000000xf32, #tpu.memory_space<vmem_shared>> -> memref<15616xf32, #tpu.memory_space<vmem_shared>>
        %dma_wait3A_601 = tpu.memref_slice %arg10[%add3A_546] : memref<1000000xf32, #tpu.memory_space<vmem_shared>> -> memref<15616xf32, #tpu.memory_space<vmem_shared>>
        %dma_wait3A_602 = arith.constant 0 : i32
        %dma_wait3A_603 = tpu.memref_slice %arg12[%dma_wait3A_602] : memref<15616xf32, #tpu.memory_space<vmem>> -> memref<15616xf32, #tpu.memory_space<vmem>>
        tpu.wait_dma2 semaphore(%run_scoped3A : memref<!tpu.dma_semaphore, #tpu.memory_space<semaphore_mem>>) src(%dma_wait3A_603 : memref<15616xf32, #tpu.memory_space<vmem>>) dst(%dma_wait3A_601 : memref<15616xf32, #tpu.memory_space<vmem_shared>>)
        tpu.yield
      }) : () -> ()
      %mul3A_547 = arith.constant 31232 : i32
      %mul3A_548 = arith.muli %arg1, %mul3A_547 : i32
      %add3A_549 = arith.constant 15616 : i32
      %add3A_550 = arith.addi %mul3A_548, %add3A_549 : i32
      "tpu.region"() ({
        %run_scoped3A = tpu.sem_alloc : memref<!tpu.dma_semaphore, #tpu.memory_space<semaphore_mem>>
        %dma_start3A_592 = arith.constant 0 : i32
        %dma_start3A_593 = tpu.memref_slice %arg11[%dma_start3A_592] : memref<15616xi32, #tpu.memory_space<vmem>> -> memref<15616xi32, #tpu.memory_space<vmem>>
        %dma_start3A_594 = tpu.memref_slice %arg5[%add3A_550] : memref<500000xi32, #tpu.memory_space<hbm>> -> memref<15616xi32, #tpu.memory_space<hbm>>
        %dma_start3A_595 = arith.constant 0 : i32
        %dma_start3A_596 = tpu.memref_slice %arg11[%dma_start3A_595] : memref<15616xi32, #tpu.memory_space<vmem>> -> memref<15616xi32, #tpu.memory_space<vmem>>
        %dma_start3A_597 = tpu.memref_slice %arg5[%add3A_550] : memref<500000xi32, #tpu.memory_space<hbm>> -> memref<15616xi32, #tpu.memory_space<hbm>>
        tpu.enqueue_dma source(%dma_start3A_597 : memref<15616xi32, #tpu.memory_space<hbm>>) target(%dma_start3A_596 : memref<15616xi32, #tpu.memory_space<vmem>>) target_semaphore(%run_scoped3A : memref<!tpu.dma_semaphore, #tpu.memory_space<semaphore_mem>>)
        %dma_wait3A_598 = arith.constant 0 : i32
        %dma_wait3A_599 = tpu.memref_slice %arg11[%dma_wait3A_598] : memref<15616xi32, #tpu.memory_space<vmem>> -> memref<15616xi32, #tpu.memory_space<vmem>>
        %dma_wait3A_600 = tpu.memref_slice %arg5[%add3A_550] : memref<500000xi32, #tpu.memory_space<hbm>> -> memref<15616xi32, #tpu.memory_space<hbm>>
        %dma_wait3A_601 = arith.constant 0 : i32
        %dma_wait3A_602 = tpu.memref_slice %arg11[%dma_wait3A_601] : memref<15616xi32, #tpu.memory_space<vmem>> -> memref<15616xi32, #tpu.memory_space<vmem>>
        %dma_wait3A_603 = tpu.memref_slice %arg5[%add3A_550] : memref<500000xi32, #tpu.memory_space<hbm>> -> memref<15616xi32, #tpu.memory_space<hbm>>
        tpu.wait_dma2 semaphore(%run_scoped3A : memref<!tpu.dma_semaphore, #tpu.memory_space<semaphore_mem>>) src(%dma_wait3A_603 : memref<15616xi32, #tpu.memory_space<hbm>>) dst(%dma_wait3A_602 : memref<15616xi32, #tpu.memory_space<vmem>>)
        tpu.yield
      }) : () -> ()
      %scan3A_551 = arith.constant 0 : i32
      %scan3A_552 = arith.constant 0 : i32
      %scan3A_553 = arith.constant 122 : i32
      %scan3A_554 = arith.addi %scan3A_552, %scan3A_553 : i32
      %scan3A_555 = arith.constant 1 : i32
      %scan3A_556 = scf.for %scan3A_592 = %scan3A_552 to %scan3A_554 step %scan3A_555 iter_args(%scan3A_593 = %scan3A_551) -> (i32)  : i32 {
        %mul3A_594 = arith.constant 128 : i32
        %mul3A_595 = arith.muli %scan3A_592, %mul3A_594 : i32
        %multiple_of3A_596 = tpu.assume_multiple %mul3A_595, 128 : i32
        %dma_start3A_597 = tpu.memref_slice %arg12[%multiple_of3A_596] : memref<15616xf32, #tpu.memory_space<vmem>> -> memref<128xf32, #tpu.memory_space<vmem>>
        %dma_start3A_598 = tpu.memref_slice %arg11[%multiple_of3A_596] : memref<15616xi32, #tpu.memory_space<vmem>> -> memref<128xi32, #tpu.memory_space<vmem>>
        %dma_start3A_599 = arith.constant 0 : i32
        %dma_start3A_600 = tpu.memref_slice %arg3[%dma_start3A_599] : memref<1000000xf32, #tpu.memory_space<hbm>> -> memref<1000000xf32, #tpu.memory_space<hbm>>
        tpu.enqueue_indirect_dma source(%dma_start3A_600 : memref<1000000xf32, #tpu.memory_space<hbm>>) target(%dma_start3A_597 : memref<128xf32, #tpu.memory_space<vmem>>) offsets(%dma_start3A_598 : memref<128xi32, #tpu.memory_space<vmem>>) semaphore(%arg16 : memref<!tpu.dma_semaphore, #tpu.memory_space<semaphore_mem>>)
        %scan3A_601 = arith.constant 0 : i32
        scf.yield %scan3A_601 : i32
      }
      %scan3A_557 = arith.constant 122 : i32
      %scan3A_558 = arith.constant 0 : i32
      %scan3A_559 = arith.constant 0 : i32
      %scan3A_560 = arith.constant 122 : i32
      %scan3A_561 = arith.addi %scan3A_559, %scan3A_560 : i32
      %scan3A_562 = arith.constant 1 : i32
      %scan3A_563 = scf.for %scan3A_592 = %scan3A_559 to %scan3A_561 step %scan3A_562 iter_args(%scan3A_593 = %scan3A_558) -> (i32)  : i32 {
        %dma_wait3A_594 = arith.constant 0 : i32
        %dma_wait3A_595 = tpu.memref_slice %arg12[%dma_wait3A_594] : memref<15616xf32, #tpu.memory_space<vmem>> -> memref<128xf32, #tpu.memory_space<vmem>>
        %dma_wait3A_596 = arith.constant 0 : i32
        %dma_wait3A_597 = tpu.memref_slice %arg11[%dma_wait3A_596] : memref<15616xi32, #tpu.memory_space<vmem>> -> memref<128xi32, #tpu.memory_space<vmem>>
        %dma_wait3A_598 = arith.constant 0 : i32
        %dma_wait3A_599 = tpu.memref_slice %arg3[%dma_wait3A_598] : memref<1000000xf32, #tpu.memory_space<hbm>> -> memref<1000000xf32, #tpu.memory_space<hbm>>
        tpu.wait_indirect_dma semaphore(%arg16 : memref<!tpu.dma_semaphore, #tpu.memory_space<semaphore_mem>>) src(%dma_wait3A_599 : memref<1000000xf32, #tpu.memory_space<hbm>>) dst(%dma_wait3A_595 : memref<128xf32, #tpu.memory_space<vmem>>)
        %scan3A_600 = arith.constant 0 : i32
        scf.yield %scan3A_600 : i32
      }
      %scan3A_564 = arith.constant 122 : i32
      %dma_wait3A_565 = arith.constant 0 : i32
      %dma_wait3A_566 = tpu.memref_slice %arg12[%dma_wait3A_565] : memref<15616xf32, #tpu.memory_space<vmem>> -> memref<15616xf32, #tpu.memory_space<vmem>>
      %dma_wait3A_567 = tpu.memref_slice %arg8[%add3A_538] : memref<1000000xf32, #tpu.memory_space<hbm>> -> memref<15616xf32, #tpu.memory_space<hbm>>
      %dma_wait3A_568 = tpu.memref_slice %arg8[%add3A_538] : memref<1000000xf32, #tpu.memory_space<hbm>> -> memref<15616xf32, #tpu.memory_space<hbm>>
      %dma_wait3A_569 = arith.constant 0 : i32
      %dma_wait3A_570 = tpu.memref_slice %arg12[%dma_wait3A_569] : memref<15616xf32, #tpu.memory_space<vmem>> -> memref<15616xf32, #tpu.memory_space<vmem>>
      tpu.wait_dma2 semaphore(%arg21 : memref<!tpu.dma_semaphore, #tpu.memory_space<semaphore_mem>>) src(%dma_wait3A_570 : memref<15616xf32, #tpu.memory_space<vmem>>) dst(%dma_wait3A_568 : memref<15616xf32, #tpu.memory_space<hbm>>)
      %add3A_571 = arith.constant 500000 : i32
      %add3A_572 = arith.addi %add3A_571, %add3A_550 : i32
      %dma_start3A_573 = arith.constant 0 : i32
      %dma_start3A_574 = tpu.memref_slice %arg12[%dma_start3A_573] : memref<15616xf32, #tpu.memory_space<vmem>> -> memref<15616xf32, #tpu.memory_space<vmem>>
      %dma_start3A_575 = tpu.memref_slice %arg8[%add3A_572] : memref<1000000xf32, #tpu.memory_space<hbm>> -> memref<15616xf32, #tpu.memory_space<hbm>>
      %dma_start3A_576 = tpu.memref_slice %arg8[%add3A_572] : memref<1000000xf32, #tpu.memory_space<hbm>> -> memref<15616xf32, #tpu.memory_space<hbm>>
      %dma_start3A_577 = arith.constant 0 : i32
      %dma_start3A_578 = tpu.memref_slice %arg12[%dma_start3A_577] : memref<15616xf32, #tpu.memory_space<vmem>> -> memref<15616xf32, #tpu.memory_space<vmem>>
      tpu.enqueue_dma source(%dma_start3A_578 : memref<15616xf32, #tpu.memory_space<vmem>>) target(%dma_start3A_576 : memref<15616xf32, #tpu.memory_space<hbm>>) target_semaphore(%arg21 : memref<!tpu.dma_semaphore, #tpu.memory_space<semaphore_mem>>)
      %add3A_579 = arith.constant 500000 : i32
      %add3A_580 = arith.addi %add3A_579, %add3A_550 : i32
      "tpu.region"() ({
        %run_scoped3A = tpu.sem_alloc : memref<!tpu.dma_semaphore, #tpu.memory_space<semaphore_mem>>
        %dma_start3A_592 = arith.constant 0 : i32
        %dma_start3A_593 = tpu.memref_slice %arg12[%dma_start3A_592] : memref<15616xf32, #tpu.memory_space<vmem>> -> memref<15616xf32, #tpu.memory_space<vmem>>
        %dma_start3A_594 = tpu.memref_slice %arg10[%add3A_580] : memref<1000000xf32, #tpu.memory_space<vmem_shared>> -> memref<15616xf32, #tpu.memory_space<vmem_shared>>
        %dma_start3A_595 = tpu.memref_slice %arg10[%add3A_580] : memref<1000000xf32, #tpu.memory_space<vmem_shared>> -> memref<15616xf32, #tpu.memory_space<vmem_shared>>
        %dma_start3A_596 = arith.constant 0 : i32
        %dma_start3A_597 = tpu.memref_slice %arg12[%dma_start3A_596] : memref<15616xf32, #tpu.memory_space<vmem>> -> memref<15616xf32, #tpu.memory_space<vmem>>
        tpu.enqueue_dma source(%dma_start3A_597 : memref<15616xf32, #tpu.memory_space<vmem>>) target(%dma_start3A_595 : memref<15616xf32, #tpu.memory_space<vmem_shared>>) target_semaphore(%run_scoped3A : memref<!tpu.dma_semaphore, #tpu.memory_space<semaphore_mem>>)
        %dma_wait3A_598 = arith.constant 0 : i32
        %dma_wait3A_599 = tpu.memref_slice %arg12[%dma_wait3A_598] : memref<15616xf32, #tpu.memory_space<vmem>> -> memref<15616xf32, #tpu.memory_space<vmem>>
        %dma_wait3A_600 = tpu.memref_slice %arg10[%add3A_580] : memref<1000000xf32, #tpu.memory_space<vmem_shared>> -> memref<15616xf32, #tpu.memory_space<vmem_shared>>
        %dma_wait3A_601 = tpu.memref_slice %arg10[%add3A_580] : memref<1000000xf32, #tpu.memory_space<vmem_shared>> -> memref<15616xf32, #tpu.memory_space<vmem_shared>>
        %dma_wait3A_602 = arith.constant 0 : i32
        %dma_wait3A_603 = tpu.memref_slice %arg12[%dma_wait3A_602] : memref<15616xf32, #tpu.memory_space<vmem>> -> memref<15616xf32, #tpu.memory_space<vmem>>
        tpu.wait_dma2 semaphore(%run_scoped3A : memref<!tpu.dma_semaphore, #tpu.memory_space<semaphore_mem>>) src(%dma_wait3A_603 : memref<15616xf32, #tpu.memory_space<vmem>>) dst(%dma_wait3A_601 : memref<15616xf32, #tpu.memory_space<vmem_shared>>)
        tpu.yield
      }) : () -> ()
      %eq3A_581 = arith.constant 0 : i32
      %eq3A_582 = arith.cmpi eq, %arg1, %eq3A_581 : i32
      %convert_element_type3A_583 = arith.extui %eq3A_582 : i1 to i32
      %cond3A_584 = arith.constant 0 : i32
      %cond3A_585 = arith.cmpi ne, %convert_element_type3A_583, %cond3A_584 : i32
      scf.if %cond3A_585 {
        "tpu.region"() ({
          %run_scoped3A = tpu.sem_alloc : memref<!tpu.dma_semaphore, #tpu.memory_space<semaphore_mem>>
          %dma_start3A_618 = arith.constant 0 : i32
          %dma_start3A_619 = tpu.memref_slice %arg11[%dma_start3A_618] : memref<15616xi32, #tpu.memory_space<vmem>> -> memref<288xi32, #tpu.memory_space<vmem>>
          %dma_start3A_620 = arith.constant 499712 : i32
          %dma_start3A_621 = tpu.memref_slice %arg5[%dma_start3A_620] : memref<500000xi32, #tpu.memory_space<hbm>> -> memref<288xi32, #tpu.memory_space<hbm>>
          %dma_start3A_622 = arith.constant 0 : i32
          %dma_start3A_623 = tpu.memref_slice %arg11[%dma_start3A_622] : memref<15616xi32, #tpu.memory_space<vmem>> -> memref<288xi32, #tpu.memory_space<vmem>>
          %dma_start3A_624 = arith.constant 499712 : i32
          %dma_start3A_625 = tpu.memref_slice %arg5[%dma_start3A_624] : memref<500000xi32, #tpu.memory_space<hbm>> -> memref<288xi32, #tpu.memory_space<hbm>>
          tpu.enqueue_dma source(%dma_start3A_625 : memref<288xi32, #tpu.memory_space<hbm>>) target(%dma_start3A_623 : memref<288xi32, #tpu.memory_space<vmem>>) target_semaphore(%run_scoped3A : memref<!tpu.dma_semaphore, #tpu.memory_space<semaphore_mem>>)
          %dma_wait3A_626 = arith.constant 0 : i32
          %dma_wait3A_627 = tpu.memref_slice %arg11[%dma_wait3A_626] : memref<15616xi32, #tpu.memory_space<vmem>> -> memref<288xi32, #tpu.memory_space<vmem>>
          %dma_wait3A_628 = arith.constant 499712 : i32
          %dma_wait3A_629 = tpu.memref_slice %arg5[%dma_wait3A_628] : memref<500000xi32, #tpu.memory_space<hbm>> -> memref<288xi32, #tpu.memory_space<hbm>>
          %dma_wait3A_630 = arith.constant 0 : i32
          %dma_wait3A_631 = tpu.memref_slice %arg11[%dma_wait3A_630] : memref<15616xi32, #tpu.memory_space<vmem>> -> memref<288xi32, #tpu.memory_space<vmem>>
          %dma_wait3A_632 = arith.constant 499712 : i32
          %dma_wait3A_633 = tpu.memref_slice %arg5[%dma_wait3A_632] : memref<500000xi32, #tpu.memory_space<hbm>> -> memref<288xi32, #tpu.memory_space<hbm>>
          tpu.wait_dma2 semaphore(%run_scoped3A : memref<!tpu.dma_semaphore, #tpu.memory_space<semaphore_mem>>) src(%dma_wait3A_633 : memref<288xi32, #tpu.memory_space<hbm>>) dst(%dma_wait3A_631 : memref<288xi32, #tpu.memory_space<vmem>>)
          tpu.yield
        }) : () -> ()
        %scan3A_592 = arith.constant 0 : i32
        %scan3A_593 = arith.constant 0 : i32
        %scan3A_594 = arith.constant 2 : i32
        %scan3A_595 = arith.addi %scan3A_593, %scan3A_594 : i32
        %scan3A_596 = arith.constant 1 : i32
        %scan3A_597 = scf.for %scan3A_618 = %scan3A_593 to %scan3A_595 step %scan3A_596 iter_args(%scan3A_619 = %scan3A_592) -> (i32)  : i32 {
          %mul3A_620 = arith.constant 128 : i32
          %mul3A_621 = arith.muli %scan3A_618, %mul3A_620 : i32
          %multiple_of3A_622 = tpu.assume_multiple %mul3A_621, 128 : i32
          %dma_start3A_623 = tpu.memref_slice %arg12[%multiple_of3A_622] : memref<15616xf32, #tpu.memory_space<vmem>> -> memref<128xf32, #tpu.memory_space<vmem>>
          %dma_start3A_624 = tpu.memref_slice %arg11[%multiple_of3A_622] : memref<15616xi32, #tpu.memory_space<vmem>> -> memref<128xi32, #tpu.memory_space<vmem>>
          %dma_start3A_625 = arith.constant 0 : i32
          %dma_start3A_626 = tpu.memref_slice %arg3[%dma_start3A_625] : memref<1000000xf32, #tpu.memory_space<hbm>> -> memref<1000000xf32, #tpu.memory_space<hbm>>
          tpu.enqueue_indirect_dma source(%dma_start3A_626 : memref<1000000xf32, #tpu.memory_space<hbm>>) target(%dma_start3A_623 : memref<128xf32, #tpu.memory_space<vmem>>) offsets(%dma_start3A_624 : memref<128xi32, #tpu.memory_space<vmem>>) semaphore(%arg16 : memref<!tpu.dma_semaphore, #tpu.memory_space<semaphore_mem>>)
          %scan3A_627 = arith.constant 0 : i32
          scf.yield %scan3A_627 : i32
        }
        %scan3A_598 = arith.constant 2 : i32
        %dma_start3A_599 = arith.constant 256 : i32
        %dma_start3A_600 = tpu.memref_slice %arg12[%dma_start3A_599] : memref<15616xf32, #tpu.memory_space<vmem>> -> memref<32xf32, #tpu.memory_space<vmem>>
        %dma_start3A_601 = arith.constant 256 : i32
        %dma_start3A_602 = tpu.memref_slice %arg11[%dma_start3A_601] : memref<15616xi32, #tpu.memory_space<vmem>> -> memref<32xi32, #tpu.memory_space<vmem>>
        %dma_start3A_603 = arith.constant 0 : i32
        %dma_start3A_604 = tpu.memref_slice %arg3[%dma_start3A_603] : memref<1000000xf32, #tpu.memory_space<hbm>> -> memref<1000000xf32, #tpu.memory_space<hbm>>
        tpu.enqueue_indirect_dma source(%dma_start3A_604 : memref<1000000xf32, #tpu.memory_space<hbm>>) target(%dma_start3A_600 : memref<32xf32, #tpu.memory_space<vmem>>) offsets(%dma_start3A_602 : memref<32xi32, #tpu.memory_space<vmem>>) semaphore(%arg16 : memref<!tpu.dma_semaphore, #tpu.memory_space<semaphore_mem>>)
        %scan3A_605 = arith.constant 0 : i32
        %scan3A_606 = arith.constant 0 : i32
        %scan3A_607 = arith.constant 2 : i32
        %scan3A_608 = arith.addi %scan3A_606, %scan3A_607 : i32
        %scan3A_609 = arith.constant 1 : i32
        %scan3A_610 = scf.for %scan3A_618 = %scan3A_606 to %scan3A_608 step %scan3A_609 iter_args(%scan3A_619 = %scan3A_605) -> (i32)  : i32 {
          %dma_wait3A_620 = arith.constant 0 : i32
          %dma_wait3A_621 = tpu.memref_slice %arg12[%dma_wait3A_620] : memref<15616xf32, #tpu.memory_space<vmem>> -> memref<128xf32, #tpu.memory_space<vmem>>
          %dma_wait3A_622 = arith.constant 0 : i32
          %dma_wait3A_623 = tpu.memref_slice %arg11[%dma_wait3A_622] : memref<15616xi32, #tpu.memory_space<vmem>> -> memref<128xi32, #tpu.memory_space<vmem>>
          %dma_wait3A_624 = arith.constant 0 : i32
          %dma_wait3A_625 = tpu.memref_slice %arg3[%dma_wait3A_624] : memref<1000000xf32, #tpu.memory_space<hbm>> -> memref<1000000xf32, #tpu.memory_space<hbm>>
          tpu.wait_indirect_dma semaphore(%arg16 : memref<!tpu.dma_semaphore, #tpu.memory_space<semaphore_mem>>) src(%dma_wait3A_625 : memref<1000000xf32, #tpu.memory_space<hbm>>) dst(%dma_wait3A_621 : memref<128xf32, #tpu.memory_space<vmem>>)
          %scan3A_626 = arith.constant 0 : i32
          scf.yield %scan3A_626 : i32
        }
        %scan3A_611 = arith.constant 2 : i32
        %dma_wait3A_612 = arith.constant 0 : i32
        %dma_wait3A_613 = tpu.memref_slice %arg12[%dma_wait3A_612] : memref<15616xf32, #tpu.memory_space<vmem>> -> memref<32xf32, #tpu.memory_space<vmem>>
        %dma_wait3A_614 = arith.constant 0 : i32
        %dma_wait3A_615 = tpu.memref_slice %arg11[%dma_wait3A_614] : memref<15616xi32, #tpu.memory_space<vmem>> -> memref<32xi32, #tpu.memory_space<vmem>>
        %dma_wait3A_616 = arith.constant 0 : i32
        %dma_wait3A_617 = tpu.memref_slice %arg3[%dma_wait3A_616] : memref<1000000xf32, #tpu.memory_space<hbm>> -> memref<1000000xf32, #tpu.memory_space<hbm>>
        tpu.wait_indirect_dma semaphore(%arg16 : memref<!tpu.dma_semaphore, #tpu.memory_space<semaphore_mem>>) src(%dma_wait3A_617 : memref<1000000xf32, #tpu.memory_space<hbm>>) dst(%dma_wait3A_613 : memref<32xf32, #tpu.memory_space<vmem>>)
        "tpu.region"() ({
          %run_scoped3A = tpu.sem_alloc : memref<!tpu.dma_semaphore, #tpu.memory_space<semaphore_mem>>
          %dma_start3A_618 = arith.constant 0 : i32
          %dma_start3A_619 = tpu.memref_slice %arg12[%dma_start3A_618] : memref<15616xf32, #tpu.memory_space<vmem>> -> memref<288xf32, #tpu.memory_space<vmem>>
          %dma_start3A_620 = arith.constant 999712 : i32
          %dma_start3A_621 = tpu.memref_slice %arg8[%dma_start3A_620] : memref<1000000xf32, #tpu.memory_space<hbm>> -> memref<288xf32, #tpu.memory_space<hbm>>
          %dma_start3A_622 = arith.constant 999712 : i32
          %dma_start3A_623 = tpu.memref_slice %arg8[%dma_start3A_622] : memref<1000000xf32, #tpu.memory_space<hbm>> -> memref<288xf32, #tpu.memory_space<hbm>>
          %dma_start3A_624 = arith.constant 0 : i32
          %dma_start3A_625 = tpu.memref_slice %arg12[%dma_start3A_624] : memref<15616xf32, #tpu.memory_space<vmem>> -> memref<288xf32, #tpu.memory_space<vmem>>
          tpu.enqueue_dma source(%dma_start3A_625 : memref<288xf32, #tpu.memory_space<vmem>>) target(%dma_start3A_623 : memref<288xf32, #tpu.memory_space<hbm>>) target_semaphore(%run_scoped3A : memref<!tpu.dma_semaphore, #tpu.memory_space<semaphore_mem>>)
          %dma_wait3A_626 = arith.constant 0 : i32
          %dma_wait3A_627 = tpu.memref_slice %arg12[%dma_wait3A_626] : memref<15616xf32, #tpu.memory_space<vmem>> -> memref<288xf32, #tpu.memory_space<vmem>>
          %dma_wait3A_628 = arith.constant 999712 : i32
          %dma_wait3A_629 = tpu.memref_slice %arg8[%dma_wait3A_628] : memref<1000000xf32, #tpu.memory_space<hbm>> -> memref<288xf32, #tpu.memory_space<hbm>>
          %dma_wait3A_630 = arith.constant 999712 : i32
          %dma_wait3A_631 = tpu.memref_slice %arg8[%dma_wait3A_630] : memref<1000000xf32, #tpu.memory_space<hbm>> -> memref<288xf32, #tpu.memory_space<hbm>>
          %dma_wait3A_632 = arith.constant 0 : i32
          %dma_wait3A_633 = tpu.memref_slice %arg12[%dma_wait3A_632] : memref<15616xf32, #tpu.memory_space<vmem>> -> memref<288xf32, #tpu.memory_space<vmem>>
          tpu.wait_dma2 semaphore(%run_scoped3A : memref<!tpu.dma_semaphore, #tpu.memory_space<semaphore_mem>>) src(%dma_wait3A_633 : memref<288xf32, #tpu.memory_space<vmem>>) dst(%dma_wait3A_631 : memref<288xf32, #tpu.memory_space<hbm>>)
          tpu.yield
        }) : () -> ()
        "tpu.region"() ({
          %run_scoped3A = tpu.sem_alloc : memref<!tpu.dma_semaphore, #tpu.memory_space<semaphore_mem>>
          %dma_start3A_618 = arith.constant 0 : i32
          %dma_start3A_619 = tpu.memref_slice %arg12[%dma_start3A_618] : memref<15616xf32, #tpu.memory_space<vmem>> -> memref<288xf32, #tpu.memory_space<vmem>>
          %dma_start3A_620 = arith.constant 999712 : i32
          %dma_start3A_621 = tpu.memref_slice %arg10[%dma_start3A_620] : memref<1000000xf32, #tpu.memory_space<vmem_shared>> -> memref<288xf32, #tpu.memory_space<vmem_shared>>
          %dma_start3A_622 = arith.constant 999712 : i32
          %dma_start3A_623 = tpu.memref_slice %arg10[%dma_start3A_622] : memref<1000000xf32, #tpu.memory_space<vmem_shared>> -> memref<288xf32, #tpu.memory_space<vmem_shared>>
          %dma_start3A_624 = arith.constant 0 : i32
          %dma_start3A_625 = tpu.memref_slice %arg12[%dma_start3A_624] : memref<15616xf32, #tpu.memory_space<vmem>> -> memref<288xf32, #tpu.memory_space<vmem>>
          tpu.enqueue_dma source(%dma_start3A_625 : memref<288xf32, #tpu.memory_space<vmem>>) target(%dma_start3A_623 : memref<288xf32, #tpu.memory_space<vmem_shared>>) target_semaphore(%run_scoped3A : memref<!tpu.dma_semaphore, #tpu.memory_space<semaphore_mem>>)
          %dma_wait3A_626 = arith.constant 0 : i32
          %dma_wait3A_627 = tpu.memref_slice %arg12[%dma_wait3A_626] : memref<15616xf32, #tpu.memory_space<vmem>> -> memref<288xf32, #tpu.memory_space<vmem>>
          %dma_wait3A_628 = arith.constant 999712 : i32
          %dma_wait3A_629 = tpu.memref_slice %arg10[%dma_wait3A_628] : memref<1000000xf32, #tpu.memory_space<vmem_shared>> -> memref<288xf32, #tpu.memory_space<vmem_shared>>
          %dma_wait3A_630 = arith.constant 999712 : i32
          %dma_wait3A_631 = tpu.memref_slice %arg10[%dma_wait3A_630] : memref<1000000xf32, #tpu.memory_space<vmem_shared>> -> memref<288xf32, #tpu.memory_space<vmem_shared>>
          %dma_wait3A_632 = arith.constant 0 : i32
          %dma_wait3A_633 = tpu.memref_slice %arg12[%dma_wait3A_632] : memref<15616xf32, #tpu.memory_space<vmem>> -> memref<288xf32, #tpu.memory_space<vmem>>
          tpu.wait_dma2 semaphore(%run_scoped3A : memref<!tpu.dma_semaphore, #tpu.memory_space<semaphore_mem>>) src(%dma_wait3A_633 : memref<288xf32, #tpu.memory_space<vmem>>) dst(%dma_wait3A_631 : memref<288xf32, #tpu.memory_space<vmem_shared>>)
          tpu.yield
        }) : () -> ()
      } else {
      }
      %dma_wait3A_586 = arith.constant 0 : i32
      %dma_wait3A_587 = tpu.memref_slice %arg12[%dma_wait3A_586] : memref<15616xf32, #tpu.memory_space<vmem>> -> memref<15616xf32, #tpu.memory_space<vmem>>
      %dma_wait3A_588 = tpu.memref_slice %arg8[%add3A_572] : memref<1000000xf32, #tpu.memory_space<hbm>> -> memref<15616xf32, #tpu.memory_space<hbm>>
      %dma_wait3A_589 = tpu.memref_slice %arg8[%add3A_572] : memref<1000000xf32, #tpu.memory_space<hbm>> -> memref<15616xf32, #tpu.memory_space<hbm>>
      %dma_wait3A_590 = arith.constant 0 : i32
      %dma_wait3A_591 = tpu.memref_slice %arg12[%dma_wait3A_590] : memref<15616xf32, #tpu.memory_space<vmem>> -> memref<15616xf32, #tpu.memory_space<vmem>>
      tpu.wait_dma2 semaphore(%arg21 : memref<!tpu.dma_semaphore, #tpu.memory_space<semaphore_mem>>) src(%dma_wait3A_591 : memref<15616xf32, #tpu.memory_space<vmem>>) dst(%dma_wait3A_589 : memref<15616xf32, #tpu.memory_space<hbm>>)
    } else {
    }
    %barrier3A = arith.constant 0 : index
    tpu.barrier barrier_id(%barrier3A)
    %broadcast_in_dim3A = vector.broadcast %add3A_18 : i32 to vector<16xi32>
    %swap3A = arith.constant 0 : index
    %swap3A_26 = tpu.vector_load %arg15[%swap3A] {strides = array<i32>} : memref<16xi32, #tpu.memory_space<vmem>>, vector<16xi32>,
    %swap3A_27 = vector.shape_cast %swap3A_26 : vector<16xi32> to vector<16xi32>
    %swap3A_28 = vector.shape_cast %broadcast_in_dim3A : vector<16xi32> to vector<16xi32>
    tpu.vector_store %arg15[%swap3A], %swap3A_28 {strides = array<i32>} : memref<16xi32, #tpu.memory_space<vmem>>, vector<16xi32>,
    %mul3A_29 = arith.constant 8 : i32
    %mul3A_30 = arith.muli %arg0, %mul3A_29 : i32
    %multiple_of3A_31 = tpu.assume_multiple %mul3A_30, 8 : i32
    "tpu.region"() ({
      %run_scoped3A = tpu.sem_alloc : memref<!tpu.dma_semaphore, #tpu.memory_space<semaphore_mem>>
      %dma_start3A_519 = arith.constant 0 : i32
      %dma_start3A_520 = tpu.memref_slice %arg15[%dma_start3A_519] : memref<16xi32, #tpu.memory_space<vmem>> -> memref<8xi32, #tpu.memory_space<vmem>>
      %dma_start3A_521 = tpu.memref_slice %arg9[%multiple_of3A_31] : memref<16xi32, #tpu.memory_space<hbm>> -> memref<8xi32, #tpu.memory_space<hbm>>
      %dma_start3A_522 = tpu.memref_slice %arg9[%multiple_of3A_31] : memref<16xi32, #tpu.memory_space<hbm>> -> memref<8xi32, #tpu.memory_space<hbm>>
      %dma_start3A_523 = arith.constant 0 : i32
      %dma_start3A_524 = tpu.memref_slice %arg15[%dma_start3A_523] : memref<16xi32, #tpu.memory_space<vmem>> -> memref<8xi32, #tpu.memory_space<vmem>>
      tpu.enqueue_dma source(%dma_start3A_524 : memref<8xi32, #tpu.memory_space<vmem>>) target(%dma_start3A_522 : memref<8xi32, #tpu.memory_space<hbm>>) target_semaphore(%run_scoped3A : memref<!tpu.dma_semaphore, #tpu.memory_space<semaphore_mem>>)
      %dma_wait3A_525 = arith.constant 0 : i32
      %dma_wait3A_526 = tpu.memref_slice %arg15[%dma_wait3A_525] : memref<16xi32, #tpu.memory_space<vmem>> -> memref<8xi32, #tpu.memory_space<vmem>>
      %dma_wait3A_527 = tpu.memref_slice %arg9[%multiple_of3A_31] : memref<16xi32, #tpu.memory_space<hbm>> -> memref<8xi32, #tpu.memory_space<hbm>>
      %dma_wait3A_528 = tpu.memref_slice %arg9[%multiple_of3A_31] : memref<16xi32, #tpu.memory_space<hbm>> -> memref<8xi32, #tpu.memory_space<hbm>>
      %dma_wait3A_529 = arith.constant 0 : i32
      %dma_wait3A_530 = tpu.memref_slice %arg15[%dma_wait3A_529] : memref<16xi32, #tpu.memory_space<vmem>> -> memref<8xi32, #tpu.memory_space<vmem>>
      tpu.wait_dma2 semaphore(%run_scoped3A : memref<!tpu.dma_semaphore, #tpu.memory_space<semaphore_mem>>) src(%dma_wait3A_530 : memref<8xi32, #tpu.memory_space<vmem>>) dst(%dma_wait3A_528 : memref<8xi32, #tpu.memory_space<hbm>>)
      tpu.yield
    }) : () -> ()
    %scan3A = arith.constant 0 : i32
    %scan3A_32 = arith.constant 0 : i32
    %scan3A_33 = arith.constant 384 : i32
    %scan3A_34 = arith.addi %scan3A_32, %scan3A_33 : i32
    %scan3A_35 = arith.constant 1 : i32
    %scan3A_36 = scf.for %scan3A_519 = %scan3A_32 to %scan3A_34 step %scan3A_35 iter_args(%scan3A_520 = %scan3A) -> (i32)  : i32 {
      %eq3A_521 = arith.constant 0 : i32
      %eq3A_522 = arith.cmpi eq, %scan3A_520, %eq3A_521 : i32
      %convert_element_type3A_523 = arith.extui %eq3A_522 : i1 to i32
      %cond3A_524 = arith.constant 0 : i32
      %cond3A_525 = arith.cmpi ne, %convert_element_type3A_523, %cond3A_524 : i32
      scf.if %cond3A_525 {
        %sub3A_532 = arith.constant 1 : i32
        %sub3A_533 = arith.subi %sub3A_532, %arg0 : i32
        %mul3A_534 = arith.constant 8 : i32
        %mul3A_535 = arith.muli %sub3A_533, %mul3A_534 : i32
        %multiple_of3A_536 = tpu.assume_multiple %mul3A_535, 8 : i32
        "tpu.region"() ({
          %run_scoped3A = tpu.sem_alloc : memref<!tpu.dma_semaphore, #tpu.memory_space<semaphore_mem>>
          %dma_start3A_537 = arith.constant 8 : i32
          %dma_start3A_538 = tpu.memref_slice %arg15[%dma_start3A_537] : memref<16xi32, #tpu.memory_space<vmem>> -> memref<8xi32, #tpu.memory_space<vmem>>
          %dma_start3A_539 = tpu.memref_slice %arg9[%multiple_of3A_536] : memref<16xi32, #tpu.memory_space<hbm>> -> memref<8xi32, #tpu.memory_space<hbm>>
          %dma_start3A_540 = arith.constant 8 : i32
          %dma_start3A_541 = tpu.memref_slice %arg15[%dma_start3A_540] : memref<16xi32, #tpu.memory_space<vmem>> -> memref<8xi32, #tpu.memory_space<vmem>>
          %dma_start3A_542 = tpu.memref_slice %arg9[%multiple_of3A_536] : memref<16xi32, #tpu.memory_space<hbm>> -> memref<8xi32, #tpu.memory_space<hbm>>
          tpu.enqueue_dma source(%dma_start3A_542 : memref<8xi32, #tpu.memory_space<hbm>>) target(%dma_start3A_541 : memref<8xi32, #tpu.memory_space<vmem>>) target_semaphore(%run_scoped3A : memref<!tpu.dma_semaphore, #tpu.memory_space<semaphore_mem>>)
          %dma_wait3A_543 = arith.constant 8 : i32
          %dma_wait3A_544 = tpu.memref_slice %arg15[%dma_wait3A_543] : memref<16xi32, #tpu.memory_space<vmem>> -> memref<8xi32, #tpu.memory_space<vmem>>
          %dma_wait3A_545 = tpu.memref_slice %arg9[%multiple_of3A_536] : memref<16xi32, #tpu.memory_space<hbm>> -> memref<8xi32, #tpu.memory_space<hbm>>
          %dma_wait3A_546 = arith.constant 8 : i32
          %dma_wait3A_547 = tpu.memref_slice %arg15[%dma_wait3A_546] : memref<16xi32, #tpu.memory_space<vmem>> -> memref<8xi32, #tpu.memory_space<vmem>>
          %dma_wait3A_548 = tpu.memref_slice %arg9[%multiple_of3A_536] : memref<16xi32, #tpu.memory_space<hbm>> -> memref<8xi32, #tpu.memory_space<hbm>>
          tpu.wait_dma2 semaphore(%run_scoped3A : memref<!tpu.dma_semaphore, #tpu.memory_space<semaphore_mem>>) src(%dma_wait3A_548 : memref<8xi32, #tpu.memory_space<hbm>>) dst(%dma_wait3A_547 : memref<8xi32, #tpu.memory_space<vmem>>)
          tpu.yield
        }) : () -> ()
      } else {
      }
      %get3A_526 = arith.constant 0 : index
      %get3A_527 = tpu.vector_load %arg15[%get3A_526] {strides = array<i32>} : memref<16xi32, #tpu.memory_space<vmem>>, vector<16xi32>,
      %get3A_528 = vector.shape_cast %get3A_527 : vector<16xi32> to vector<16xi32>
      %slice3A_529 = vector.extract_strided_slice %get3A_528 {offsets = [8], sizes = [1], strides = [1]} : vector<16xi32> to vector<1xi32>
      %squeeze3A_530 = vector.extract %slice3A_529[0] : i32 from vector<1xi32>
      %eq3A_531 = arith.cmpi eq, %squeeze3A_530, %add3A_18 : i32
      %jit3A = arith.constant 1 : i32
      %select_n3A = arith.select %eq3A_531, %jit3A, %scan3A_520 : i32
      scf.yield %select_n3A : i32
    }
    %scan3A_37 = arith.constant 384 : i32
    %sub3A = arith.constant 1 : i32
    %sub3A_38 = arith.subi %sub3A, %arg0 : i32
    %mul3A_39 = arith.constant 500000 : i32
    %mul3A_40 = arith.muli %sub3A_38, %mul3A_39 : i32
    %multiple_of3A_41 = tpu.assume_multiple %mul3A_40, 8 : i32
    %mul3A_42 = arith.constant 31232 : i32
    %mul3A_43 = arith.muli %arg1, %mul3A_42 : i32
    %add3A_44 = arith.constant 0 : i32
    %add3A_45 = arith.addi %mul3A_43, %add3A_44 : i32
    %add3A_46 = arith.addi %multiple_of3A_41, %add3A_45 : i32
    "tpu.region"() ({
      %run_scoped3A = tpu.sem_alloc : memref<!tpu.dma_semaphore, #tpu.memory_space<semaphore_mem>>
      %dma_start3A_519 = arith.constant 0 : i32
      %dma_start3A_520 = tpu.memref_slice %arg12[%dma_start3A_519] : memref<15616xf32, #tpu.memory_space<vmem>> -> memref<15616xf32, #tpu.memory_space<vmem>>
      %dma_start3A_521 = tpu.memref_slice %arg8[%add3A_46] : memref<1000000xf32, #tpu.memory_space<hbm>> -> memref<15616xf32, #tpu.memory_space<hbm>>
      %dma_start3A_522 = arith.constant 0 : i32
      %dma_start3A_523 = tpu.memref_slice %arg12[%dma_start3A_522] : memref<15616xf32, #tpu.memory_space<vmem>> -> memref<15616xf32, #tpu.memory_space<vmem>>
      %dma_start3A_524 = tpu.memref_slice %arg8[%add3A_46] : memref<1000000xf32, #tpu.memory_space<hbm>> -> memref<15616xf32, #tpu.memory_space<hbm>>
      tpu.enqueue_dma source(%dma_start3A_524 : memref<15616xf32, #tpu.memory_space<hbm>>) target(%dma_start3A_523 : memref<15616xf32, #tpu.memory_space<vmem>>) target_semaphore(%run_scoped3A : memref<!tpu.dma_semaphore, #tpu.memory_space<semaphore_mem>>)
      %dma_wait3A_525 = arith.constant 0 : i32
      %dma_wait3A_526 = tpu.memref_slice %arg12[%dma_wait3A_525] : memref<15616xf32, #tpu.memory_space<vmem>> -> memref<15616xf32, #tpu.memory_space<vmem>>
      %dma_wait3A_527 = tpu.memref_slice %arg8[%add3A_46] : memref<1000000xf32, #tpu.memory_space<hbm>> -> memref<15616xf32, #tpu.memory_space<hbm>>
      %dma_wait3A_528 = arith.constant 0 : i32
      %dma_wait3A_529 = tpu.memref_slice %arg12[%dma_wait3A_528] : memref<15616xf32, #tpu.memory_space<vmem>> -> memref<15616xf32, #tpu.memory_space<vmem>>
      %dma_wait3A_530 = tpu.memref_slice %arg8[%add3A_46] : memref<1000000xf32, #tpu.memory_space<hbm>> -> memref<15616xf32, #tpu.memory_space<hbm>>
      tpu.wait_dma2 semaphore(%run_scoped3A : memref<!tpu.dma_semaphore, #tpu.memory_space<semaphore_mem>>) src(%dma_wait3A_530 : memref<15616xf32, #tpu.memory_space<hbm>>) dst(%dma_wait3A_529 : memref<15616xf32, #tpu.memory_space<vmem>>)
      tpu.yield
    }) : () -> ()
    %add3A_47 = arith.addi %multiple_of3A_41, %add3A_45 : i32
    "tpu.region"() ({
      %run_scoped3A = tpu.sem_alloc : memref<!tpu.dma_semaphore, #tpu.memory_space<semaphore_mem>>
      %dma_start3A_519 = arith.constant 0 : i32
      %dma_start3A_520 = tpu.memref_slice %arg12[%dma_start3A_519] : memref<15616xf32, #tpu.memory_space<vmem>> -> memref<15616xf32, #tpu.memory_space<vmem>>
      %dma_start3A_521 = tpu.memref_slice %arg10[%add3A_47] : memref<1000000xf32, #tpu.memory_space<vmem_shared>> -> memref<15616xf32, #tpu.memory_space<vmem_shared>>
      %dma_start3A_522 = tpu.memref_slice %arg10[%add3A_47] : memref<1000000xf32, #tpu.memory_space<vmem_shared>> -> memref<15616xf32, #tpu.memory_space<vmem_shared>>
      %dma_start3A_523 = arith.constant 0 : i32
      %dma_start3A_524 = tpu.memref_slice %arg12[%dma_start3A_523] : memref<15616xf32, #tpu.memory_space<vmem>> -> memref<15616xf32, #tpu.memory_space<vmem>>
      tpu.enqueue_dma source(%dma_start3A_524 : memref<15616xf32, #tpu.memory_space<vmem>>) target(%dma_start3A_522 : memref<15616xf32, #tpu.memory_space<vmem_shared>>) target_semaphore(%run_scoped3A : memref<!tpu.dma_semaphore, #tpu.memory_space<semaphore_mem>>)
      %dma_wait3A_525 = arith.constant 0 : i32
      %dma_wait3A_526 = tpu.memref_slice %arg12[%dma_wait3A_525] : memref<15616xf32, #tpu.memory_space<vmem>> -> memref<15616xf32, #tpu.memory_space<vmem>>
      %dma_wait3A_527 = tpu.memref_slice %arg10[%add3A_47] : memref<1000000xf32, #tpu.memory_space<vmem_shared>> -> memref<15616xf32, #tpu.memory_space<vmem_shared>>
      %dma_wait3A_528 = tpu.memref_slice %arg10[%add3A_47] : memref<1000000xf32, #tpu.memory_space<vmem_shared>> -> memref<15616xf32, #tpu.memory_space<vmem_shared>>
      %dma_wait3A_529 = arith.constant 0 : i32
      %dma_wait3A_530 = tpu.memref_slice %arg12[%dma_wait3A_529] : memref<15616xf32, #tpu.memory_space<vmem>> -> memref<15616xf32, #tpu.memory_space<vmem>>
      tpu.wait_dma2 semaphore(%run_scoped3A : memref<!tpu.dma_semaphore, #tpu.memory_space<semaphore_mem>>) src(%dma_wait3A_530 : memref<15616xf32, #tpu.memory_space<vmem>>) dst(%dma_wait3A_528 : memref<15616xf32, #tpu.memory_space<vmem_shared>>)
      tpu.yield
    }) : () -> ()
    %mul3A_48 = arith.constant 31232 : i32
    %mul3A_49 = arith.muli %arg1, %mul3A_48 : i32
    %add3A_50 = arith.constant 15616 : i32
    %add3A_51 = arith.addi %mul3A_49, %add3A_50 : i32
    %add3A_52 = arith.addi %multiple_of3A_41, %add3A_51 : i32
    "tpu.region"() ({
      %run_scoped3A = tpu.sem_alloc : memref<!tpu.dma_semaphore, #tpu.memory_space<semaphore_mem>>
      %dma_start3A_519 = arith.constant 0 : i32
      %dma_start3A_520 = tpu.memref_slice %arg12[%dma_start3A_519] : memref<15616xf32, #tpu.memory_space<vmem>> -> memref<15616xf32, #tpu.memory_space<vmem>>
      %dma_start3A_521 = tpu.memref_slice %arg8[%add3A_52] : memref<1000000xf32, #tpu.memory_space<hbm>> -> memref<15616xf32, #tpu.memory_space<hbm>>
      %dma_start3A_522 = arith.constant 0 : i32
      %dma_start3A_523 = tpu.memref_slice %arg12[%dma_start3A_522] : memref<15616xf32, #tpu.memory_space<vmem>> -> memref<15616xf32, #tpu.memory_space<vmem>>
      %dma_start3A_524 = tpu.memref_slice %arg8[%add3A_52] : memref<1000000xf32, #tpu.memory_space<hbm>> -> memref<15616xf32, #tpu.memory_space<hbm>>
      tpu.enqueue_dma source(%dma_start3A_524 : memref<15616xf32, #tpu.memory_space<hbm>>) target(%dma_start3A_523 : memref<15616xf32, #tpu.memory_space<vmem>>) target_semaphore(%run_scoped3A : memref<!tpu.dma_semaphore, #tpu.memory_space<semaphore_mem>>)
      %dma_wait3A_525 = arith.constant 0 : i32
      %dma_wait3A_526 = tpu.memref_slice %arg12[%dma_wait3A_525] : memref<15616xf32, #tpu.memory_space<vmem>> -> memref<15616xf32, #tpu.memory_space<vmem>>
      %dma_wait3A_527 = tpu.memref_slice %arg8[%add3A_52] : memref<1000000xf32, #tpu.memory_space<hbm>> -> memref<15616xf32, #tpu.memory_space<hbm>>
      %dma_wait3A_528 = arith.constant 0 : i32
      %dma_wait3A_529 = tpu.memref_slice %arg12[%dma_wait3A_528] : memref<15616xf32, #tpu.memory_space<vmem>> -> memref<15616xf32, #tpu.memory_space<vmem>>
      %dma_wait3A_530 = tpu.memref_slice %arg8[%add3A_52] : memref<1000000xf32, #tpu.memory_space<hbm>> -> memref<15616xf32, #tpu.memory_space<hbm>>
      tpu.wait_dma2 semaphore(%run_scoped3A : memref<!tpu.dma_semaphore, #tpu.memory_space<semaphore_mem>>) src(%dma_wait3A_530 : memref<15616xf32, #tpu.memory_space<hbm>>) dst(%dma_wait3A_529 : memref<15616xf32, #tpu.memory_space<vmem>>)
      tpu.yield
    }) : () -> ()
    %add3A_53 = arith.addi %multiple_of3A_41, %add3A_51 : i32
    "tpu.region"() ({
      %run_scoped3A = tpu.sem_alloc : memref<!tpu.dma_semaphore, #tpu.memory_space<semaphore_mem>>
      %dma_start3A_519 = arith.constant 0 : i32
      %dma_start3A_520 = tpu.memref_slice %arg12[%dma_start3A_519] : memref<15616xf32, #tpu.memory_space<vmem>> -> memref<15616xf32, #tpu.memory_space<vmem>>
      %dma_start3A_521 = tpu.memref_slice %arg10[%add3A_53] : memref<1000000xf32, #tpu.memory_space<vmem_shared>> -> memref<15616xf32, #tpu.memory_space<vmem_shared>>
      %dma_start3A_522 = tpu.memref_slice %arg10[%add3A_53] : memref<1000000xf32, #tpu.memory_space<vmem_shared>> -> memref<15616xf32, #tpu.memory_space<vmem_shared>>
      %dma_start3A_523 = arith.constant 0 : i32
      %dma_start3A_524 = tpu.memref_slice %arg12[%dma_start3A_523] : memref<15616xf32, #tpu.memory_space<vmem>> -> memref<15616xf32, #tpu.memory_space<vmem>>
      tpu.enqueue_dma source(%dma_start3A_524 : memref<15616xf32, #tpu.memory_space<vmem>>) target(%dma_start3A_522 : memref<15616xf32, #tpu.memory_space<vmem_shared>>) target_semaphore(%run_scoped3A : memref<!tpu.dma_semaphore, #tpu.memory_space<semaphore_mem>>)
      %dma_wait3A_525 = arith.constant 0 : i32
      %dma_wait3A_526 = tpu.memref_slice %arg12[%dma_wait3A_525] : memref<15616xf32, #tpu.memory_space<vmem>> -> memref<15616xf32, #tpu.memory_space<vmem>>
      %dma_wait3A_527 = tpu.memref_slice %arg10[%add3A_53] : memref<1000000xf32, #tpu.memory_space<vmem_shared>> -> memref<15616xf32, #tpu.memory_space<vmem_shared>>
      %dma_wait3A_528 = tpu.memref_slice %arg10[%add3A_53] : memref<1000000xf32, #tpu.memory_space<vmem_shared>> -> memref<15616xf32, #tpu.memory_space<vmem_shared>>
      %dma_wait3A_529 = arith.constant 0 : i32
      %dma_wait3A_530 = tpu.memref_slice %arg12[%dma_wait3A_529] : memref<15616xf32, #tpu.memory_space<vmem>> -> memref<15616xf32, #tpu.memory_space<vmem>>
      tpu.wait_dma2 semaphore(%run_scoped3A : memref<!tpu.dma_semaphore, #tpu.memory_space<semaphore_mem>>) src(%dma_wait3A_530 : memref<15616xf32, #tpu.memory_space<vmem>>) dst(%dma_wait3A_528 : memref<15616xf32, #tpu.memory_space<vmem_shared>>)
      tpu.yield
    }) : () -> ()
    %eq3A_54 = arith.constant 0 : i32
    %eq3A_55 = arith.cmpi eq, %arg1, %eq3A_54 : i32
    %convert_element_type3A_56 = arith.extui %eq3A_55 : i1 to i32
    %cond3A_57 = arith.constant 0 : i32
    %cond3A_58 = arith.cmpi ne, %convert_element_type3A_56, %cond3A_57 : i32
    scf.if %cond3A_58 {
      %add3A_519 = arith.constant 499712 : i32
      %add3A_520 = arith.addi %multiple_of3A_41, %add3A_519 : i32
      "tpu.region"() ({
        %run_scoped3A = tpu.sem_alloc : memref<!tpu.dma_semaphore, #tpu.memory_space<semaphore_mem>>
        %dma_start3A_523 = arith.constant 0 : i32
        %dma_start3A_524 = tpu.memref_slice %arg12[%dma_start3A_523] : memref<15616xf32, #tpu.memory_space<vmem>> -> memref<288xf32, #tpu.memory_space<vmem>>
        %dma_start3A_525 = tpu.memref_slice %arg8[%add3A_520] : memref<1000000xf32, #tpu.memory_space<hbm>> -> memref<288xf32, #tpu.memory_space<hbm>>
        %dma_start3A_526 = arith.constant 0 : i32
        %dma_start3A_527 = tpu.memref_slice %arg12[%dma_start3A_526] : memref<15616xf32, #tpu.memory_space<vmem>> -> memref<288xf32, #tpu.memory_space<vmem>>
        %dma_start3A_528 = tpu.memref_slice %arg8[%add3A_520] : memref<1000000xf32, #tpu.memory_space<hbm>> -> memref<288xf32, #tpu.memory_space<hbm>>
        tpu.enqueue_dma source(%dma_start3A_528 : memref<288xf32, #tpu.memory_space<hbm>>) target(%dma_start3A_527 : memref<288xf32, #tpu.memory_space<vmem>>) target_semaphore(%run_scoped3A : memref<!tpu.dma_semaphore, #tpu.memory_space<semaphore_mem>>)
        %dma_wait3A_529 = arith.constant 0 : i32
        %dma_wait3A_530 = tpu.memref_slice %arg12[%dma_wait3A_529] : memref<15616xf32, #tpu.memory_space<vmem>> -> memref<288xf32, #tpu.memory_space<vmem>>
        %dma_wait3A_531 = tpu.memref_slice %arg8[%add3A_520] : memref<1000000xf32, #tpu.memory_space<hbm>> -> memref<288xf32, #tpu.memory_space<hbm>>
        %dma_wait3A_532 = arith.constant 0 : i32
        %dma_wait3A_533 = tpu.memref_slice %arg12[%dma_wait3A_532] : memref<15616xf32, #tpu.memory_space<vmem>> -> memref<288xf32, #tpu.memory_space<vmem>>
        %dma_wait3A_534 = tpu.memref_slice %arg8[%add3A_520] : memref<1000000xf32, #tpu.memory_space<hbm>> -> memref<288xf32, #tpu.memory_space<hbm>>
        tpu.wait_dma2 semaphore(%run_scoped3A : memref<!tpu.dma_semaphore, #tpu.memory_space<semaphore_mem>>) src(%dma_wait3A_534 : memref<288xf32, #tpu.memory_space<hbm>>) dst(%dma_wait3A_533 : memref<288xf32, #tpu.memory_space<vmem>>)
        tpu.yield
      }) : () -> ()
      %add3A_521 = arith.constant 499712 : i32
      %add3A_522 = arith.addi %multiple_of3A_41, %add3A_521 : i32
      "tpu.region"() ({
        %run_scoped3A = tpu.sem_alloc : memref<!tpu.dma_semaphore, #tpu.memory_space<semaphore_mem>>
        %dma_start3A_523 = arith.constant 0 : i32
        %dma_start3A_524 = tpu.memref_slice %arg12[%dma_start3A_523] : memref<15616xf32, #tpu.memory_space<vmem>> -> memref<288xf32, #tpu.memory_space<vmem>>
        %dma_start3A_525 = tpu.memref_slice %arg10[%add3A_522] : memref<1000000xf32, #tpu.memory_space<vmem_shared>> -> memref<288xf32, #tpu.memory_space<vmem_shared>>
        %dma_start3A_526 = tpu.memref_slice %arg10[%add3A_522] : memref<1000000xf32, #tpu.memory_space<vmem_shared>> -> memref<288xf32, #tpu.memory_space<vmem_shared>>
        %dma_start3A_527 = arith.constant 0 : i32
        %dma_start3A_528 = tpu.memref_slice %arg12[%dma_start3A_527] : memref<15616xf32, #tpu.memory_space<vmem>> -> memref<288xf32, #tpu.memory_space<vmem>>
        tpu.enqueue_dma source(%dma_start3A_528 : memref<288xf32, #tpu.memory_space<vmem>>) target(%dma_start3A_526 : memref<288xf32, #tpu.memory_space<vmem_shared>>) target_semaphore(%run_scoped3A : memref<!tpu.dma_semaphore, #tpu.memory_space<semaphore_mem>>)
        %dma_wait3A_529 = arith.constant 0 : i32
        %dma_wait3A_530 = tpu.memref_slice %arg12[%dma_wait3A_529] : memref<15616xf32, #tpu.memory_space<vmem>> -> memref<288xf32, #tpu.memory_space<vmem>>
        %dma_wait3A_531 = tpu.memref_slice %arg10[%add3A_522] : memref<1000000xf32, #tpu.memory_space<vmem_shared>> -> memref<288xf32, #tpu.memory_space<vmem_shared>>
        %dma_wait3A_532 = tpu.memref_slice %arg10[%add3A_522] : memref<1000000xf32, #tpu.memory_space<vmem_shared>> -> memref<288xf32, #tpu.memory_space<vmem_shared>>
        %dma_wait3A_533 = arith.constant 0 : i32
        %dma_wait3A_534 = tpu.memref_slice %arg12[%dma_wait3A_533] : memref<15616xf32, #tpu.memory_space<vmem>> -> memref<288xf32, #tpu.memory_space<vmem>>
        tpu.wait_dma2 semaphore(%run_scoped3A : memref<!tpu.dma_semaphore, #tpu.memory_space<semaphore_mem>>) src(%dma_wait3A_534 : memref<288xf32, #tpu.memory_space<vmem>>) dst(%dma_wait3A_532 : memref<288xf32, #tpu.memory_space<vmem_shared>>)
        tpu.yield
      }) : () -> ()
    } else {
    }
    %barrier3A_59 = arith.constant 0 : index
    tpu.barrier barrier_id(%barrier3A_59)
    %scan3A_60 = arith.constant 0 : i32
    %scan3A_61 = arith.constant 0 : i32
    %scan3A_62 = arith.constant 7 : i32
    %scan3A_63 = arith.addi %scan3A_61, %scan3A_62 : i32
    %scan3A_64 = arith.constant 1 : i32
    %scan3A_65 = scf.for %scan3A_519 = %scan3A_61 to %scan3A_63 step %scan3A_64 iter_args(%scan3A_520 = %scan3A_60) -> (i32)  : i32 {
      %mul3A_521 = arith.constant 2 : i32
      %mul3A_522 = arith.muli %scan3A_519, %mul3A_521 : i32
      %add3A_523 = arith.constant 1 : i32
      %add3A_524 = arith.addi %mul3A_522, %add3A_523 : i32
      %mul3A_525 = arith.constant 70 : i32
      %mul3A_526 = arith.muli %mul3A_522, %mul3A_525 : i32
      %add3A_527 = arith.addi %min3A_3, %mul3A_526 : i32
      %mul3A_528 = arith.constant 128 : i32
      %mul3A_529 = arith.muli %add3A_527, %mul3A_528 : i32
      %multiple_of3A_530 = tpu.assume_multiple %mul3A_529, 128 : i32
      %dma_wait3A_531 = arith.constant 0 : i32
      %dma_wait3A_532 = tpu.memref_slice %arg13[%dma_wait3A_531] : memref<17920xi32, #tpu.memory_space<vmem>> -> memref<8960xi32, #tpu.memory_space<vmem>>
      %dma_wait3A_533 = tpu.memref_slice %arg6[%multiple_of3A_530] : memref<4000000xi32, #tpu.memory_space<hbm>> -> memref<8960xi32, #tpu.memory_space<hbm>>
      %dma_wait3A_534 = arith.constant 0 : i32
      %dma_wait3A_535 = tpu.memref_slice %arg13[%dma_wait3A_534] : memref<17920xi32, #tpu.memory_space<vmem>> -> memref<8960xi32, #tpu.memory_space<vmem>>
      %dma_wait3A_536 = tpu.memref_slice %arg6[%multiple_of3A_530] : memref<4000000xi32, #tpu.memory_space<hbm>> -> memref<8960xi32, #tpu.memory_space<hbm>>
      tpu.wait_dma2 semaphore(%arg17 : memref<!tpu.dma_semaphore, #tpu.memory_space<semaphore_mem>>) src(%dma_wait3A_536 : memref<8960xi32, #tpu.memory_space<hbm>>) dst(%dma_wait3A_535 : memref<8960xi32, #tpu.memory_space<vmem>>)
      %ge3A = arith.constant 1 : i32
      %ge3A_537 = arith.cmpi sge, %scan3A_519, %ge3A : i32
      %convert_element_type3A_538 = arith.extui %ge3A_537 : i1 to i32
      %cond3A_539 = arith.constant 0 : i32
      %cond3A_540 = arith.cmpi ne, %convert_element_type3A_538, %cond3A_539 : i32
      scf.if %cond3A_540 {
        %sub3A_1847 = arith.constant 2 : i32
        %sub3A_1848 = arith.subi %mul3A_522, %sub3A_1847 : i32
        %mul3A_1849 = arith.constant 70 : i32
        %mul3A_1850 = arith.muli %sub3A_1848, %mul3A_1849 : i32
        %add3A_1851 = arith.addi %min3A_3, %mul3A_1850 : i32
        %mul3A_1852 = arith.constant 128 : i32
        %mul3A_1853 = arith.muli %add3A_1851, %mul3A_1852 : i32
        %multiple_of3A_1854 = tpu.assume_multiple %mul3A_1853, 128 : i32
        %dma_wait3A_1855 = arith.constant 0 : i32
        %dma_wait3A_1856 = tpu.memref_slice %arg14[%dma_wait3A_1855] : memref<17920xf32, #tpu.memory_space<vmem>> -> memref<8960xf32, #tpu.memory_space<vmem>>
        %dma_wait3A_1857 = tpu.memref_slice %arg7[%multiple_of3A_1854] : memref<4000000xf32, #tpu.memory_space<hbm>> -> memref<8960xf32, #tpu.memory_space<hbm>>
        %dma_wait3A_1858 = tpu.memref_slice %arg7[%multiple_of3A_1854] : memref<4000000xf32, #tpu.memory_space<hbm>> -> memref<8960xf32, #tpu.memory_space<hbm>>
        %dma_wait3A_1859 = arith.constant 0 : i32
        %dma_wait3A_1860 = tpu.memref_slice %arg14[%dma_wait3A_1859] : memref<17920xf32, #tpu.memory_space<vmem>> -> memref<8960xf32, #tpu.memory_space<vmem>>
        tpu.wait_dma2 semaphore(%arg20 : memref<!tpu.dma_semaphore, #tpu.memory_space<semaphore_mem>>) src(%dma_wait3A_1860 : memref<8960xf32, #tpu.memory_space<vmem>>) dst(%dma_wait3A_1858 : memref<8960xf32, #tpu.memory_space<hbm>>)
      } else {
      }
      %dma_start3A_541 = arith.constant 0 : i32
      %dma_start3A_542 = tpu.memref_slice %arg14[%dma_start3A_541] : memref<17920xf32, #tpu.memory_space<vmem>> -> memref<128xf32, #tpu.memory_space<vmem>>
      %dma_start3A_543 = arith.constant 0 : i32
      %dma_start3A_544 = tpu.memref_slice %arg13[%dma_start3A_543] : memref<17920xi32, #tpu.memory_space<vmem>> -> memref<128xi32, #tpu.memory_space<vmem>>
      %dma_start3A_545 = arith.constant 0 : i32
      %dma_start3A_546 = tpu.memref_slice %arg10[%dma_start3A_545] : memref<1000000xf32, #tpu.memory_space<vmem_shared>> -> memref<1000000xf32, #tpu.memory_space<vmem_shared>>
      tpu.enqueue_indirect_dma source(%dma_start3A_546 : memref<1000000xf32, #tpu.memory_space<vmem_shared>>) target(%dma_start3A_542 : memref<128xf32, #tpu.memory_space<vmem>>) offsets(%dma_start3A_544 : memref<128xi32, #tpu.memory_space<vmem>>) semaphore(%arg18 : memref<!tpu.dma_semaphore, #tpu.memory_space<semaphore_mem>>)
      %dma_start3A_547 = arith.constant 128 : i32
      %dma_start3A_548 = tpu.memref_slice %arg14[%dma_start3A_547] : memref<17920xf32, #tpu.memory_space<vmem>> -> memref<128xf32, #tpu.memory_space<vmem>>
      %dma_start3A_549 = arith.constant 128 : i32
      %dma_start3A_550 = tpu.memref_slice %arg13[%dma_start3A_549] : memref<17920xi32, #tpu.memory_space<vmem>> -> memref<128xi32, #tpu.memory_space<vmem>>
      %dma_start3A_551 = arith.constant 0 : i32
      %dma_start3A_552 = tpu.memref_slice %arg10[%dma_start3A_551] : memref<1000000xf32, #tpu.memory_space<vmem_shared>> -> memref<1000000xf32, #tpu.memory_space<vmem_shared>>
      tpu.enqueue_indirect_dma source(%dma_start3A_552 : memref<1000000xf32, #tpu.memory_space<vmem_shared>>) target(%dma_start3A_548 : memref<128xf32, #tpu.memory_space<vmem>>) offsets(%dma_start3A_550 : memref<128xi32, #tpu.memory_space<vmem>>) semaphore(%arg18 : memref<!tpu.dma_semaphore, #tpu.memory_space<semaphore_mem>>)
      %dma_start3A_553 = arith.constant 256 : i32
      %dma_start3A_554 = tpu.memref_slice %arg14[%dma_start3A_553] : memref<17920xf32, #tpu.memory_space<vmem>> -> memref<128xf32, #tpu.memory_space<vmem>>
      %dma_start3A_555 = arith.constant 256 : i32
      %dma_start3A_556 = tpu.memref_slice %arg13[%dma_start3A_555] : memref<17920xi32, #tpu.memory_space<vmem>> -> memref<128xi32, #tpu.memory_space<vmem>>
      %dma_start3A_557 = arith.constant 0 : i32
      %dma_start3A_558 = tpu.memref_slice %arg10[%dma_start3A_557] : memref<1000000xf32, #tpu.memory_space<vmem_shared>> -> memref<1000000xf32, #tpu.memory_space<vmem_shared>>
      tpu.enqueue_indirect_dma source(%dma_start3A_558 : memref<1000000xf32, #tpu.memory_space<vmem_shared>>) target(%dma_start3A_554 : memref<128xf32, #tpu.memory_space<vmem>>) offsets(%dma_start3A_556 : memref<128xi32, #tpu.memory_space<vmem>>) semaphore(%arg18 : memref<!tpu.dma_semaphore, #tpu.memory_space<semaphore_mem>>)
      %dma_start3A_559 = arith.constant 384 : i32
      %dma_start3A_560 = tpu.memref_slice %arg14[%dma_start3A_559] : memref<17920xf32, #tpu.memory_space<vmem>> -> memref<128xf32, #tpu.memory_space<vmem>>
      %dma_start3A_561 = arith.constant 384 : i32
      %dma_start3A_562 = tpu.memref_slice %arg13[%dma_start3A_561] : memref<17920xi32, #tpu.memory_space<vmem>> -> memref<128xi32, #tpu.memory_space<vmem>>
      %dma_start3A_563 = arith.constant 0 : i32
      %dma_start3A_564 = tpu.memref_slice %arg10[%dma_start3A_563] : memref<1000000xf32, #tpu.memory_space<vmem_shared>> -> memref<1000000xf32, #tpu.memory_space<vmem_shared>>
      tpu.enqueue_indirect_dma source(%dma_start3A_564 : memref<1000000xf32, #tpu.memory_space<vmem_shared>>) target(%dma_start3A_560 : memref<128xf32, #tpu.memory_space<vmem>>) offsets(%dma_start3A_562 : memref<128xi32, #tpu.memory_space<vmem>>) semaphore(%arg18 : memref<!tpu.dma_semaphore, #tpu.memory_space<semaphore_mem>>)
      %dma_start3A_565 = arith.constant 512 : i32
      %dma_start3A_566 = tpu.memref_slice %arg14[%dma_start3A_565] : memref<17920xf32, #tpu.memory_space<vmem>> -> memref<128xf32, #tpu.memory_space<vmem>>
      %dma_start3A_567 = arith.constant 512 : i32
      %dma_start3A_568 = tpu.memref_slice %arg13[%dma_start3A_567] : memref<17920xi32, #tpu.memory_space<vmem>> -> memref<128xi32, #tpu.memory_space<vmem>>
      %dma_start3A_569 = arith.constant 0 : i32
      %dma_start3A_570 = tpu.memref_slice %arg10[%dma_start3A_569] : memref<1000000xf32, #tpu.memory_space<vmem_shared>> -> memref<1000000xf32, #tpu.memory_space<vmem_shared>>
      tpu.enqueue_indirect_dma source(%dma_start3A_570 : memref<1000000xf32, #tpu.memory_space<vmem_shared>>) target(%dma_start3A_566 : memref<128xf32, #tpu.memory_space<vmem>>) offsets(%dma_start3A_568 : memref<128xi32, #tpu.memory_space<vmem>>) semaphore(%arg18 : memref<!tpu.dma_semaphore, #tpu.memory_space<semaphore_mem>>)
      %dma_start3A_571 = arith.constant 640 : i32
      %dma_start3A_572 = tpu.memref_slice %arg14[%dma_start3A_571] : memref<17920xf32, #tpu.memory_space<vmem>> -> memref<128xf32, #tpu.memory_space<vmem>>
      %dma_start3A_573 = arith.constant 640 : i32
      %dma_start3A_574 = tpu.memref_slice %arg13[%dma_start3A_573] : memref<17920xi32, #tpu.memory_space<vmem>> -> memref<128xi32, #tpu.memory_space<vmem>>
      %dma_start3A_575 = arith.constant 0 : i32
      %dma_start3A_576 = tpu.memref_slice %arg10[%dma_start3A_575] : memref<1000000xf32, #tpu.memory_space<vmem_shared>> -> memref<1000000xf32, #tpu.memory_space<vmem_shared>>
      tpu.enqueue_indirect_dma source(%dma_start3A_576 : memref<1000000xf32, #tpu.memory_space<vmem_shared>>) target(%dma_start3A_572 : memref<128xf32, #tpu.memory_space<vmem>>) offsets(%dma_start3A_574 : memref<128xi32, #tpu.memory_space<vmem>>) semaphore(%arg18 : memref<!tpu.dma_semaphore, #tpu.memory_space<semaphore_mem>>)
      %dma_start3A_577 = arith.constant 768 : i32
      %dma_start3A_578 = tpu.memref_slice %arg14[%dma_start3A_577] : memref<17920xf32, #tpu.memory_space<vmem>> -> memref<128xf32, #tpu.memory_space<vmem>>
      %dma_start3A_579 = arith.constant 768 : i32
      %dma_start3A_580 = tpu.memref_slice %arg13[%dma_start3A_579] : memref<17920xi32, #tpu.memory_space<vmem>> -> memref<128xi32, #tpu.memory_space<vmem>>
      %dma_start3A_581 = arith.constant 0 : i32
      %dma_start3A_582 = tpu.memref_slice %arg10[%dma_start3A_581] : memref<1000000xf32, #tpu.memory_space<vmem_shared>> -> memref<1000000xf32, #tpu.memory_space<vmem_shared>>
      tpu.enqueue_indirect_dma source(%dma_start3A_582 : memref<1000000xf32, #tpu.memory_space<vmem_shared>>) target(%dma_start3A_578 : memref<128xf32, #tpu.memory_space<vmem>>) offsets(%dma_start3A_580 : memref<128xi32, #tpu.memory_space<vmem>>) semaphore(%arg18 : memref<!tpu.dma_semaphore, #tpu.memory_space<semaphore_mem>>)
      %dma_start3A_583 = arith.constant 896 : i32
      %dma_start3A_584 = tpu.memref_slice %arg14[%dma_start3A_583] : memref<17920xf32, #tpu.memory_space<vmem>> -> memref<128xf32, #tpu.memory_space<vmem>>
      %dma_start3A_585 = arith.constant 896 : i32
      %dma_start3A_586 = tpu.memref_slice %arg13[%dma_start3A_585] : memref<17920xi32, #tpu.memory_space<vmem>> -> memref<128xi32, #tpu.memory_space<vmem>>
      %dma_start3A_587 = arith.constant 0 : i32
      %dma_start3A_588 = tpu.memref_slice %arg10[%dma_start3A_587] : memref<1000000xf32, #tpu.memory_space<vmem_shared>> -> memref<1000000xf32, #tpu.memory_space<vmem_shared>>
      tpu.enqueue_indirect_dma source(%dma_start3A_588 : memref<1000000xf32, #tpu.memory_space<vmem_shared>>) target(%dma_start3A_584 : memref<128xf32, #tpu.memory_space<vmem>>) offsets(%dma_start3A_586 : memref<128xi32, #tpu.memory_space<vmem>>) semaphore(%arg18 : memref<!tpu.dma_semaphore, #tpu.memory_space<semaphore_mem>>)
      %dma_start3A_589 = arith.constant 1024 : i32
      %dma_start3A_590 = tpu.memref_slice %arg14[%dma_start3A_589] : memref<17920xf32, #tpu.memory_space<vmem>> -> memref<128xf32, #tpu.memory_space<vmem>>
      %dma_start3A_591 = arith.constant 1024 : i32
      %dma_start3A_592 = tpu.memref_slice %arg13[%dma_start3A_591] : memref<17920xi32, #tpu.memory_space<vmem>> -> memref<128xi32, #tpu.memory_space<vmem>>
      %dma_start3A_593 = arith.constant 0 : i32
      %dma_start3A_594 = tpu.memref_slice %arg10[%dma_start3A_593] : memref<1000000xf32, #tpu.memory_space<vmem_shared>> -> memref<1000000xf32, #tpu.memory_space<vmem_shared>>
      tpu.enqueue_indirect_dma source(%dma_start3A_594 : memref<1000000xf32, #tpu.memory_space<vmem_shared>>) target(%dma_start3A_590 : memref<128xf32, #tpu.memory_space<vmem>>) offsets(%dma_start3A_592 : memref<128xi32, #tpu.memory_space<vmem>>) semaphore(%arg18 : memref<!tpu.dma_semaphore, #tpu.memory_space<semaphore_mem>>)
      %dma_start3A_595 = arith.constant 1152 : i32
      %dma_start3A_596 = tpu.memref_slice %arg14[%dma_start3A_595] : memref<17920xf32, #tpu.memory_space<vmem>> -> memref<128xf32, #tpu.memory_space<vmem>>
      %dma_start3A_597 = arith.constant 1152 : i32
      %dma_start3A_598 = tpu.memref_slice %arg13[%dma_start3A_597] : memref<17920xi32, #tpu.memory_space<vmem>> -> memref<128xi32, #tpu.memory_space<vmem>>
      %dma_start3A_599 = arith.constant 0 : i32
      %dma_start3A_600 = tpu.memref_slice %arg10[%dma_start3A_599] : memref<1000000xf32, #tpu.memory_space<vmem_shared>> -> memref<1000000xf32, #tpu.memory_space<vmem_shared>>
      tpu.enqueue_indirect_dma source(%dma_start3A_600 : memref<1000000xf32, #tpu.memory_space<vmem_shared>>) target(%dma_start3A_596 : memref<128xf32, #tpu.memory_space<vmem>>) offsets(%dma_start3A_598 : memref<128xi32, #tpu.memory_space<vmem>>) semaphore(%arg18 : memref<!tpu.dma_semaphore, #tpu.memory_space<semaphore_mem>>)
      %dma_start3A_601 = arith.constant 1280 : i32
      %dma_start3A_602 = tpu.memref_slice %arg14[%dma_start3A_601] : memref<17920xf32, #tpu.memory_space<vmem>> -> memref<128xf32, #tpu.memory_space<vmem>>
      %dma_start3A_603 = arith.constant 1280 : i32
      %dma_start3A_604 = tpu.memref_slice %arg13[%dma_start3A_603] : memref<17920xi32, #tpu.memory_space<vmem>> -> memref<128xi32, #tpu.memory_space<vmem>>
      %dma_start3A_605 = arith.constant 0 : i32
      %dma_start3A_606 = tpu.memref_slice %arg10[%dma_start3A_605] : memref<1000000xf32, #tpu.memory_space<vmem_shared>> -> memref<1000000xf32, #tpu.memory_space<vmem_shared>>
      tpu.enqueue_indirect_dma source(%dma_start3A_606 : memref<1000000xf32, #tpu.memory_space<vmem_shared>>) target(%dma_start3A_602 : memref<128xf32, #tpu.memory_space<vmem>>) offsets(%dma_start3A_604 : memref<128xi32, #tpu.memory_space<vmem>>) semaphore(%arg18 : memref<!tpu.dma_semaphore, #tpu.memory_space<semaphore_mem>>)
      %dma_start3A_607 = arith.constant 1408 : i32
      %dma_start3A_608 = tpu.memref_slice %arg14[%dma_start3A_607] : memref<17920xf32, #tpu.memory_space<vmem>> -> memref<128xf32, #tpu.memory_space<vmem>>
      %dma_start3A_609 = arith.constant 1408 : i32
      %dma_start3A_610 = tpu.memref_slice %arg13[%dma_start3A_609] : memref<17920xi32, #tpu.memory_space<vmem>> -> memref<128xi32, #tpu.memory_space<vmem>>
      %dma_start3A_611 = arith.constant 0 : i32
      %dma_start3A_612 = tpu.memref_slice %arg10[%dma_start3A_611] : memref<1000000xf32, #tpu.memory_space<vmem_shared>> -> memref<1000000xf32, #tpu.memory_space<vmem_shared>>
      tpu.enqueue_indirect_dma source(%dma_start3A_612 : memref<1000000xf32, #tpu.memory_space<vmem_shared>>) target(%dma_start3A_608 : memref<128xf32, #tpu.memory_space<vmem>>) offsets(%dma_start3A_610 : memref<128xi32, #tpu.memory_space<vmem>>) semaphore(%arg18 : memref<!tpu.dma_semaphore, #tpu.memory_space<semaphore_mem>>)
      %dma_start3A_613 = arith.constant 1536 : i32
      %dma_start3A_614 = tpu.memref_slice %arg14[%dma_start3A_613] : memref<17920xf32, #tpu.memory_space<vmem>> -> memref<128xf32, #tpu.memory_space<vmem>>
      %dma_start3A_615 = arith.constant 1536 : i32
      %dma_start3A_616 = tpu.memref_slice %arg13[%dma_start3A_615] : memref<17920xi32, #tpu.memory_space<vmem>> -> memref<128xi32, #tpu.memory_space<vmem>>
      %dma_start3A_617 = arith.constant 0 : i32
      %dma_start3A_618 = tpu.memref_slice %arg10[%dma_start3A_617] : memref<1000000xf32, #tpu.memory_space<vmem_shared>> -> memref<1000000xf32, #tpu.memory_space<vmem_shared>>
      tpu.enqueue_indirect_dma source(%dma_start3A_618 : memref<1000000xf32, #tpu.memory_space<vmem_shared>>) target(%dma_start3A_614 : memref<128xf32, #tpu.memory_space<vmem>>) offsets(%dma_start3A_616 : memref<128xi32, #tpu.memory_space<vmem>>) semaphore(%arg18 : memref<!tpu.dma_semaphore, #tpu.memory_space<semaphore_mem>>)
      %dma_start3A_619 = arith.constant 1664 : i32
      %dma_start3A_620 = tpu.memref_slice %arg14[%dma_start3A_619] : memref<17920xf32, #tpu.memory_space<vmem>> -> memref<128xf32, #tpu.memory_space<vmem>>
      %dma_start3A_621 = arith.constant 1664 : i32
      %dma_start3A_622 = tpu.memref_slice %arg13[%dma_start3A_621] : memref<17920xi32, #tpu.memory_space<vmem>> -> memref<128xi32, #tpu.memory_space<vmem>>
      %dma_start3A_623 = arith.constant 0 : i32
      %dma_start3A_624 = tpu.memref_slice %arg10[%dma_start3A_623] : memref<1000000xf32, #tpu.memory_space<vmem_shared>> -> memref<1000000xf32, #tpu.memory_space<vmem_shared>>
      tpu.enqueue_indirect_dma source(%dma_start3A_624 : memref<1000000xf32, #tpu.memory_space<vmem_shared>>) target(%dma_start3A_620 : memref<128xf32, #tpu.memory_space<vmem>>) offsets(%dma_start3A_622 : memref<128xi32, #tpu.memory_space<vmem>>) semaphore(%arg18 : memref<!tpu.dma_semaphore, #tpu.memory_space<semaphore_mem>>)
      %dma_start3A_625 = arith.constant 1792 : i32
      %dma_start3A_626 = tpu.memref_slice %arg14[%dma_start3A_625] : memref<17920xf32, #tpu.memory_space<vmem>> -> memref<128xf32, #tpu.memory_space<vmem>>
      %dma_start3A_627 = arith.constant 1792 : i32
      %dma_start3A_628 = tpu.memref_slice %arg13[%dma_start3A_627] : memref<17920xi32, #tpu.memory_space<vmem>> -> memref<128xi32, #tpu.memory_space<vmem>>
      %dma_start3A_629 = arith.constant 0 : i32
      %dma_start3A_630 = tpu.memref_slice %arg10[%dma_start3A_629] : memref<1000000xf32, #tpu.memory_space<vmem_shared>> -> memref<1000000xf32, #tpu.memory_space<vmem_shared>>
      tpu.enqueue_indirect_dma source(%dma_start3A_630 : memref<1000000xf32, #tpu.memory_space<vmem_shared>>) target(%dma_start3A_626 : memref<128xf32, #tpu.memory_space<vmem>>) offsets(%dma_start3A_628 : memref<128xi32, #tpu.memory_space<vmem>>) semaphore(%arg18 : memref<!tpu.dma_semaphore, #tpu.memory_space<semaphore_mem>>)
      %dma_start3A_631 = arith.constant 1920 : i32
      %dma_start3A_632 = tpu.memref_slice %arg14[%dma_start3A_631] : memref<17920xf32, #tpu.memory_space<vmem>> -> memref<128xf32, #tpu.memory_space<vmem>>
      %dma_start3A_633 = arith.constant 1920 : i32
      %dma_start3A_634 = tpu.memref_slice %arg13[%dma_start3A_633] : memref<17920xi32, #tpu.memory_space<vmem>> -> memref<128xi32, #tpu.memory_space<vmem>>
      %dma_start3A_635 = arith.constant 0 : i32
      %dma_start3A_636 = tpu.memref_slice %arg10[%dma_start3A_635] : memref<1000000xf32, #tpu.memory_space<vmem_shared>> -> memref<1000000xf32, #tpu.memory_space<vmem_shared>>
      tpu.enqueue_indirect_dma source(%dma_start3A_636 : memref<1000000xf32, #tpu.memory_space<vmem_shared>>) target(%dma_start3A_632 : memref<128xf32, #tpu.memory_space<vmem>>) offsets(%dma_start3A_634 : memref<128xi32, #tpu.memory_space<vmem>>) semaphore(%arg18 : memref<!tpu.dma_semaphore, #tpu.memory_space<semaphore_mem>>)
      %dma_start3A_637 = arith.constant 2048 : i32
      %dma_start3A_638 = tpu.memref_slice %arg14[%dma_start3A_637] : memref<17920xf32, #tpu.memory_space<vmem>> -> memref<128xf32, #tpu.memory_space<vmem>>
      %dma_start3A_639 = arith.constant 2048 : i32
      %dma_start3A_640 = tpu.memref_slice %arg13[%dma_start3A_639] : memref<17920xi32, #tpu.memory_space<vmem>> -> memref<128xi32, #tpu.memory_space<vmem>>
      %dma_start3A_641 = arith.constant 0 : i32
      %dma_start3A_642 = tpu.memref_slice %arg10[%dma_start3A_641] : memref<1000000xf32, #tpu.memory_space<vmem_shared>> -> memref<1000000xf32, #tpu.memory_space<vmem_shared>>
      tpu.enqueue_indirect_dma source(%dma_start3A_642 : memref<1000000xf32, #tpu.memory_space<vmem_shared>>) target(%dma_start3A_638 : memref<128xf32, #tpu.memory_space<vmem>>) offsets(%dma_start3A_640 : memref<128xi32, #tpu.memory_space<vmem>>) semaphore(%arg18 : memref<!tpu.dma_semaphore, #tpu.memory_space<semaphore_mem>>)
      %dma_start3A_643 = arith.constant 2176 : i32
      %dma_start3A_644 = tpu.memref_slice %arg14[%dma_start3A_643] : memref<17920xf32, #tpu.memory_space<vmem>> -> memref<128xf32, #tpu.memory_space<vmem>>
      %dma_start3A_645 = arith.constant 2176 : i32
      %dma_start3A_646 = tpu.memref_slice %arg13[%dma_start3A_645] : memref<17920xi32, #tpu.memory_space<vmem>> -> memref<128xi32, #tpu.memory_space<vmem>>
      %dma_start3A_647 = arith.constant 0 : i32
      %dma_start3A_648 = tpu.memref_slice %arg10[%dma_start3A_647] : memref<1000000xf32, #tpu.memory_space<vmem_shared>> -> memref<1000000xf32, #tpu.memory_space<vmem_shared>>
      tpu.enqueue_indirect_dma source(%dma_start3A_648 : memref<1000000xf32, #tpu.memory_space<vmem_shared>>) target(%dma_start3A_644 : memref<128xf32, #tpu.memory_space<vmem>>) offsets(%dma_start3A_646 : memref<128xi32, #tpu.memory_space<vmem>>) semaphore(%arg18 : memref<!tpu.dma_semaphore, #tpu.memory_space<semaphore_mem>>)
      %dma_start3A_649 = arith.constant 2304 : i32
      %dma_start3A_650 = tpu.memref_slice %arg14[%dma_start3A_649] : memref<17920xf32, #tpu.memory_space<vmem>> -> memref<128xf32, #tpu.memory_space<vmem>>
      %dma_start3A_651 = arith.constant 2304 : i32
      %dma_start3A_652 = tpu.memref_slice %arg13[%dma_start3A_651] : memref<17920xi32, #tpu.memory_space<vmem>> -> memref<128xi32, #tpu.memory_space<vmem>>
      %dma_start3A_653 = arith.constant 0 : i32
      %dma_start3A_654 = tpu.memref_slice %arg10[%dma_start3A_653] : memref<1000000xf32, #tpu.memory_space<vmem_shared>> -> memref<1000000xf32, #tpu.memory_space<vmem_shared>>
      tpu.enqueue_indirect_dma source(%dma_start3A_654 : memref<1000000xf32, #tpu.memory_space<vmem_shared>>) target(%dma_start3A_650 : memref<128xf32, #tpu.memory_space<vmem>>) offsets(%dma_start3A_652 : memref<128xi32, #tpu.memory_space<vmem>>) semaphore(%arg18 : memref<!tpu.dma_semaphore, #tpu.memory_space<semaphore_mem>>)
      %dma_start3A_655 = arith.constant 2432 : i32
      %dma_start3A_656 = tpu.memref_slice %arg14[%dma_start3A_655] : memref<17920xf32, #tpu.memory_space<vmem>> -> memref<128xf32, #tpu.memory_space<vmem>>
      %dma_start3A_657 = arith.constant 2432 : i32
      %dma_start3A_658 = tpu.memref_slice %arg13[%dma_start3A_657] : memref<17920xi32, #tpu.memory_space<vmem>> -> memref<128xi32, #tpu.memory_space<vmem>>
      %dma_start3A_659 = arith.constant 0 : i32
      %dma_start3A_660 = tpu.memref_slice %arg10[%dma_start3A_659] : memref<1000000xf32, #tpu.memory_space<vmem_shared>> -> memref<1000000xf32, #tpu.memory_space<vmem_shared>>
      tpu.enqueue_indirect_dma source(%dma_start3A_660 : memref<1000000xf32, #tpu.memory_space<vmem_shared>>) target(%dma_start3A_656 : memref<128xf32, #tpu.memory_space<vmem>>) offsets(%dma_start3A_658 : memref<128xi32, #tpu.memory_space<vmem>>) semaphore(%arg18 : memref<!tpu.dma_semaphore, #tpu.memory_space<semaphore_mem>>)
      %dma_start3A_661 = arith.constant 2560 : i32
      %dma_start3A_662 = tpu.memref_slice %arg14[%dma_start3A_661] : memref<17920xf32, #tpu.memory_space<vmem>> -> memref<128xf32, #tpu.memory_space<vmem>>
      %dma_start3A_663 = arith.constant 2560 : i32
      %dma_start3A_664 = tpu.memref_slice %arg13[%dma_start3A_663] : memref<17920xi32, #tpu.memory_space<vmem>> -> memref<128xi32, #tpu.memory_space<vmem>>
      %dma_start3A_665 = arith.constant 0 : i32
      %dma_start3A_666 = tpu.memref_slice %arg10[%dma_start3A_665] : memref<1000000xf32, #tpu.memory_space<vmem_shared>> -> memref<1000000xf32, #tpu.memory_space<vmem_shared>>
      tpu.enqueue_indirect_dma source(%dma_start3A_666 : memref<1000000xf32, #tpu.memory_space<vmem_shared>>) target(%dma_start3A_662 : memref<128xf32, #tpu.memory_space<vmem>>) offsets(%dma_start3A_664 : memref<128xi32, #tpu.memory_space<vmem>>) semaphore(%arg18 : memref<!tpu.dma_semaphore, #tpu.memory_space<semaphore_mem>>)
      %dma_start3A_667 = arith.constant 2688 : i32
      %dma_start3A_668 = tpu.memref_slice %arg14[%dma_start3A_667] : memref<17920xf32, #tpu.memory_space<vmem>> -> memref<128xf32, #tpu.memory_space<vmem>>
      %dma_start3A_669 = arith.constant 2688 : i32
      %dma_start3A_670 = tpu.memref_slice %arg13[%dma_start3A_669] : memref<17920xi32, #tpu.memory_space<vmem>> -> memref<128xi32, #tpu.memory_space<vmem>>
      %dma_start3A_671 = arith.constant 0 : i32
      %dma_start3A_672 = tpu.memref_slice %arg10[%dma_start3A_671] : memref<1000000xf32, #tpu.memory_space<vmem_shared>> -> memref<1000000xf32, #tpu.memory_space<vmem_shared>>
      tpu.enqueue_indirect_dma source(%dma_start3A_672 : memref<1000000xf32, #tpu.memory_space<vmem_shared>>) target(%dma_start3A_668 : memref<128xf32, #tpu.memory_space<vmem>>) offsets(%dma_start3A_670 : memref<128xi32, #tpu.memory_space<vmem>>) semaphore(%arg18 : memref<!tpu.dma_semaphore, #tpu.memory_space<semaphore_mem>>)
      %dma_start3A_673 = arith.constant 2816 : i32
      %dma_start3A_674 = tpu.memref_slice %arg14[%dma_start3A_673] : memref<17920xf32, #tpu.memory_space<vmem>> -> memref<128xf32, #tpu.memory_space<vmem>>
      %dma_start3A_675 = arith.constant 2816 : i32
      %dma_start3A_676 = tpu.memref_slice %arg13[%dma_start3A_675] : memref<17920xi32, #tpu.memory_space<vmem>> -> memref<128xi32, #tpu.memory_space<vmem>>
      %dma_start3A_677 = arith.constant 0 : i32
      %dma_start3A_678 = tpu.memref_slice %arg10[%dma_start3A_677] : memref<1000000xf32, #tpu.memory_space<vmem_shared>> -> memref<1000000xf32, #tpu.memory_space<vmem_shared>>
      tpu.enqueue_indirect_dma source(%dma_start3A_678 : memref<1000000xf32, #tpu.memory_space<vmem_shared>>) target(%dma_start3A_674 : memref<128xf32, #tpu.memory_space<vmem>>) offsets(%dma_start3A_676 : memref<128xi32, #tpu.memory_space<vmem>>) semaphore(%arg18 : memref<!tpu.dma_semaphore, #tpu.memory_space<semaphore_mem>>)
      %dma_start3A_679 = arith.constant 2944 : i32
      %dma_start3A_680 = tpu.memref_slice %arg14[%dma_start3A_679] : memref<17920xf32, #tpu.memory_space<vmem>> -> memref<128xf32, #tpu.memory_space<vmem>>
      %dma_start3A_681 = arith.constant 2944 : i32
      %dma_start3A_682 = tpu.memref_slice %arg13[%dma_start3A_681] : memref<17920xi32, #tpu.memory_space<vmem>> -> memref<128xi32, #tpu.memory_space<vmem>>
      %dma_start3A_683 = arith.constant 0 : i32
      %dma_start3A_684 = tpu.memref_slice %arg10[%dma_start3A_683] : memref<1000000xf32, #tpu.memory_space<vmem_shared>> -> memref<1000000xf32, #tpu.memory_space<vmem_shared>>
      tpu.enqueue_indirect_dma source(%dma_start3A_684 : memref<1000000xf32, #tpu.memory_space<vmem_shared>>) target(%dma_start3A_680 : memref<128xf32, #tpu.memory_space<vmem>>) offsets(%dma_start3A_682 : memref<128xi32, #tpu.memory_space<vmem>>) semaphore(%arg18 : memref<!tpu.dma_semaphore, #tpu.memory_space<semaphore_mem>>)
      %dma_start3A_685 = arith.constant 3072 : i32
      %dma_start3A_686 = tpu.memref_slice %arg14[%dma_start3A_685] : memref<17920xf32, #tpu.memory_space<vmem>> -> memref<128xf32, #tpu.memory_space<vmem>>
      %dma_start3A_687 = arith.constant 3072 : i32
      %dma_start3A_688 = tpu.memref_slice %arg13[%dma_start3A_687] : memref<17920xi32, #tpu.memory_space<vmem>> -> memref<128xi32, #tpu.memory_space<vmem>>
      %dma_start3A_689 = arith.constant 0 : i32
      %dma_start3A_690 = tpu.memref_slice %arg10[%dma_start3A_689] : memref<1000000xf32, #tpu.memory_space<vmem_shared>> -> memref<1000000xf32, #tpu.memory_space<vmem_shared>>
      tpu.enqueue_indirect_dma source(%dma_start3A_690 : memref<1000000xf32, #tpu.memory_space<vmem_shared>>) target(%dma_start3A_686 : memref<128xf32, #tpu.memory_space<vmem>>) offsets(%dma_start3A_688 : memref<128xi32, #tpu.memory_space<vmem>>) semaphore(%arg18 : memref<!tpu.dma_semaphore, #tpu.memory_space<semaphore_mem>>)
      %dma_start3A_691 = arith.constant 3200 : i32
      %dma_start3A_692 = tpu.memref_slice %arg14[%dma_start3A_691] : memref<17920xf32, #tpu.memory_space<vmem>> -> memref<128xf32, #tpu.memory_space<vmem>>
      %dma_start3A_693 = arith.constant 3200 : i32
      %dma_start3A_694 = tpu.memref_slice %arg13[%dma_start3A_693] : memref<17920xi32, #tpu.memory_space<vmem>> -> memref<128xi32, #tpu.memory_space<vmem>>
      %dma_start3A_695 = arith.constant 0 : i32
      %dma_start3A_696 = tpu.memref_slice %arg10[%dma_start3A_695] : memref<1000000xf32, #tpu.memory_space<vmem_shared>> -> memref<1000000xf32, #tpu.memory_space<vmem_shared>>
      tpu.enqueue_indirect_dma source(%dma_start3A_696 : memref<1000000xf32, #tpu.memory_space<vmem_shared>>) target(%dma_start3A_692 : memref<128xf32, #tpu.memory_space<vmem>>) offsets(%dma_start3A_694 : memref<128xi32, #tpu.memory_space<vmem>>) semaphore(%arg18 : memref<!tpu.dma_semaphore, #tpu.memory_space<semaphore_mem>>)
      %dma_start3A_697 = arith.constant 3328 : i32
      %dma_start3A_698 = tpu.memref_slice %arg14[%dma_start3A_697] : memref<17920xf32, #tpu.memory_space<vmem>> -> memref<128xf32, #tpu.memory_space<vmem>>
      %dma_start3A_699 = arith.constant 3328 : i32
      %dma_start3A_700 = tpu.memref_slice %arg13[%dma_start3A_699] : memref<17920xi32, #tpu.memory_space<vmem>> -> memref<128xi32, #tpu.memory_space<vmem>>
      %dma_start3A_701 = arith.constant 0 : i32
      %dma_start3A_702 = tpu.memref_slice %arg10[%dma_start3A_701] : memref<1000000xf32, #tpu.memory_space<vmem_shared>> -> memref<1000000xf32, #tpu.memory_space<vmem_shared>>
      tpu.enqueue_indirect_dma source(%dma_start3A_702 : memref<1000000xf32, #tpu.memory_space<vmem_shared>>) target(%dma_start3A_698 : memref<128xf32, #tpu.memory_space<vmem>>) offsets(%dma_start3A_700 : memref<128xi32, #tpu.memory_space<vmem>>) semaphore(%arg18 : memref<!tpu.dma_semaphore, #tpu.memory_space<semaphore_mem>>)
      %dma_start3A_703 = arith.constant 3456 : i32
      %dma_start3A_704 = tpu.memref_slice %arg14[%dma_start3A_703] : memref<17920xf32, #tpu.memory_space<vmem>> -> memref<128xf32, #tpu.memory_space<vmem>>
      %dma_start3A_705 = arith.constant 3456 : i32
      %dma_start3A_706 = tpu.memref_slice %arg13[%dma_start3A_705] : memref<17920xi32, #tpu.memory_space<vmem>> -> memref<128xi32, #tpu.memory_space<vmem>>
      %dma_start3A_707 = arith.constant 0 : i32
      %dma_start3A_708 = tpu.memref_slice %arg10[%dma_start3A_707] : memref<1000000xf32, #tpu.memory_space<vmem_shared>> -> memref<1000000xf32, #tpu.memory_space<vmem_shared>>
      tpu.enqueue_indirect_dma source(%dma_start3A_708 : memref<1000000xf32, #tpu.memory_space<vmem_shared>>) target(%dma_start3A_704 : memref<128xf32, #tpu.memory_space<vmem>>) offsets(%dma_start3A_706 : memref<128xi32, #tpu.memory_space<vmem>>) semaphore(%arg18 : memref<!tpu.dma_semaphore, #tpu.memory_space<semaphore_mem>>)
      %dma_start3A_709 = arith.constant 3584 : i32
      %dma_start3A_710 = tpu.memref_slice %arg14[%dma_start3A_709] : memref<17920xf32, #tpu.memory_space<vmem>> -> memref<128xf32, #tpu.memory_space<vmem>>
      %dma_start3A_711 = arith.constant 3584 : i32
      %dma_start3A_712 = tpu.memref_slice %arg13[%dma_start3A_711] : memref<17920xi32, #tpu.memory_space<vmem>> -> memref<128xi32, #tpu.memory_space<vmem>>
      %dma_start3A_713 = arith.constant 0 : i32
      %dma_start3A_714 = tpu.memref_slice %arg10[%dma_start3A_713] : memref<1000000xf32, #tpu.memory_space<vmem_shared>> -> memref<1000000xf32, #tpu.memory_space<vmem_shared>>
      tpu.enqueue_indirect_dma source(%dma_start3A_714 : memref<1000000xf32, #tpu.memory_space<vmem_shared>>) target(%dma_start3A_710 : memref<128xf32, #tpu.memory_space<vmem>>) offsets(%dma_start3A_712 : memref<128xi32, #tpu.memory_space<vmem>>) semaphore(%arg18 : memref<!tpu.dma_semaphore, #tpu.memory_space<semaphore_mem>>)
      %dma_start3A_715 = arith.constant 3712 : i32
      %dma_start3A_716 = tpu.memref_slice %arg14[%dma_start3A_715] : memref<17920xf32, #tpu.memory_space<vmem>> -> memref<128xf32, #tpu.memory_space<vmem>>
      %dma_start3A_717 = arith.constant 3712 : i32
      %dma_start3A_718 = tpu.memref_slice %arg13[%dma_start3A_717] : memref<17920xi32, #tpu.memory_space<vmem>> -> memref<128xi32, #tpu.memory_space<vmem>>
      %dma_start3A_719 = arith.constant 0 : i32
      %dma_start3A_720 = tpu.memref_slice %arg10[%dma_start3A_719] : memref<1000000xf32, #tpu.memory_space<vmem_shared>> -> memref<1000000xf32, #tpu.memory_space<vmem_shared>>
      tpu.enqueue_indirect_dma source(%dma_start3A_720 : memref<1000000xf32, #tpu.memory_space<vmem_shared>>) target(%dma_start3A_716 : memref<128xf32, #tpu.memory_space<vmem>>) offsets(%dma_start3A_718 : memref<128xi32, #tpu.memory_space<vmem>>) semaphore(%arg18 : memref<!tpu.dma_semaphore, #tpu.memory_space<semaphore_mem>>)
      %dma_start3A_721 = arith.constant 3840 : i32
      %dma_start3A_722 = tpu.memref_slice %arg14[%dma_start3A_721] : memref<17920xf32, #tpu.memory_space<vmem>> -> memref<128xf32, #tpu.memory_space<vmem>>
      %dma_start3A_723 = arith.constant 3840 : i32
      %dma_start3A_724 = tpu.memref_slice %arg13[%dma_start3A_723] : memref<17920xi32, #tpu.memory_space<vmem>> -> memref<128xi32, #tpu.memory_space<vmem>>
      %dma_start3A_725 = arith.constant 0 : i32
      %dma_start3A_726 = tpu.memref_slice %arg10[%dma_start3A_725] : memref<1000000xf32, #tpu.memory_space<vmem_shared>> -> memref<1000000xf32, #tpu.memory_space<vmem_shared>>
      tpu.enqueue_indirect_dma source(%dma_start3A_726 : memref<1000000xf32, #tpu.memory_space<vmem_shared>>) target(%dma_start3A_722 : memref<128xf32, #tpu.memory_space<vmem>>) offsets(%dma_start3A_724 : memref<128xi32, #tpu.memory_space<vmem>>) semaphore(%arg18 : memref<!tpu.dma_semaphore, #tpu.memory_space<semaphore_mem>>)
      %dma_start3A_727 = arith.constant 3968 : i32
      %dma_start3A_728 = tpu.memref_slice %arg14[%dma_start3A_727] : memref<17920xf32, #tpu.memory_space<vmem>> -> memref<128xf32, #tpu.memory_space<vmem>>
      %dma_start3A_729 = arith.constant 3968 : i32
      %dma_start3A_730 = tpu.memref_slice %arg13[%dma_start3A_729] : memref<17920xi32, #tpu.memory_space<vmem>> -> memref<128xi32, #tpu.memory_space<vmem>>
      %dma_start3A_731 = arith.constant 0 : i32
      %dma_start3A_732 = tpu.memref_slice %arg10[%dma_start3A_731] : memref<1000000xf32, #tpu.memory_space<vmem_shared>> -> memref<1000000xf32, #tpu.memory_space<vmem_shared>>
      tpu.enqueue_indirect_dma source(%dma_start3A_732 : memref<1000000xf32, #tpu.memory_space<vmem_shared>>) target(%dma_start3A_728 : memref<128xf32, #tpu.memory_space<vmem>>) offsets(%dma_start3A_730 : memref<128xi32, #tpu.memory_space<vmem>>) semaphore(%arg18 : memref<!tpu.dma_semaphore, #tpu.memory_space<semaphore_mem>>)
      %dma_start3A_733 = arith.constant 4096 : i32
      %dma_start3A_734 = tpu.memref_slice %arg14[%dma_start3A_733] : memref<17920xf32, #tpu.memory_space<vmem>> -> memref<128xf32, #tpu.memory_space<vmem>>
      %dma_start3A_735 = arith.constant 4096 : i32
      %dma_start3A_736 = tpu.memref_slice %arg13[%dma_start3A_735] : memref<17920xi32, #tpu.memory_space<vmem>> -> memref<128xi32, #tpu.memory_space<vmem>>
      %dma_start3A_737 = arith.constant 0 : i32
      %dma_start3A_738 = tpu.memref_slice %arg10[%dma_start3A_737] : memref<1000000xf32, #tpu.memory_space<vmem_shared>> -> memref<1000000xf32, #tpu.memory_space<vmem_shared>>
      tpu.enqueue_indirect_dma source(%dma_start3A_738 : memref<1000000xf32, #tpu.memory_space<vmem_shared>>) target(%dma_start3A_734 : memref<128xf32, #tpu.memory_space<vmem>>) offsets(%dma_start3A_736 : memref<128xi32, #tpu.memory_space<vmem>>) semaphore(%arg18 : memref<!tpu.dma_semaphore, #tpu.memory_space<semaphore_mem>>)
      %dma_start3A_739 = arith.constant 4224 : i32
      %dma_start3A_740 = tpu.memref_slice %arg14[%dma_start3A_739] : memref<17920xf32, #tpu.memory_space<vmem>> -> memref<128xf32, #tpu.memory_space<vmem>>
      %dma_start3A_741 = arith.constant 4224 : i32
      %dma_start3A_742 = tpu.memref_slice %arg13[%dma_start3A_741] : memref<17920xi32, #tpu.memory_space<vmem>> -> memref<128xi32, #tpu.memory_space<vmem>>
      %dma_start3A_743 = arith.constant 0 : i32
      %dma_start3A_744 = tpu.memref_slice %arg10[%dma_start3A_743] : memref<1000000xf32, #tpu.memory_space<vmem_shared>> -> memref<1000000xf32, #tpu.memory_space<vmem_shared>>
      tpu.enqueue_indirect_dma source(%dma_start3A_744 : memref<1000000xf32, #tpu.memory_space<vmem_shared>>) target(%dma_start3A_740 : memref<128xf32, #tpu.memory_space<vmem>>) offsets(%dma_start3A_742 : memref<128xi32, #tpu.memory_space<vmem>>) semaphore(%arg18 : memref<!tpu.dma_semaphore, #tpu.memory_space<semaphore_mem>>)
      %dma_start3A_745 = arith.constant 4352 : i32
      %dma_start3A_746 = tpu.memref_slice %arg14[%dma_start3A_745] : memref<17920xf32, #tpu.memory_space<vmem>> -> memref<128xf32, #tpu.memory_space<vmem>>
      %dma_start3A_747 = arith.constant 4352 : i32
      %dma_start3A_748 = tpu.memref_slice %arg13[%dma_start3A_747] : memref<17920xi32, #tpu.memory_space<vmem>> -> memref<128xi32, #tpu.memory_space<vmem>>
      %dma_start3A_749 = arith.constant 0 : i32
      %dma_start3A_750 = tpu.memref_slice %arg10[%dma_start3A_749] : memref<1000000xf32, #tpu.memory_space<vmem_shared>> -> memref<1000000xf32, #tpu.memory_space<vmem_shared>>
      tpu.enqueue_indirect_dma source(%dma_start3A_750 : memref<1000000xf32, #tpu.memory_space<vmem_shared>>) target(%dma_start3A_746 : memref<128xf32, #tpu.memory_space<vmem>>) offsets(%dma_start3A_748 : memref<128xi32, #tpu.memory_space<vmem>>) semaphore(%arg18 : memref<!tpu.dma_semaphore, #tpu.memory_space<semaphore_mem>>)
      %dma_start3A_751 = arith.constant 4480 : i32
      %dma_start3A_752 = tpu.memref_slice %arg14[%dma_start3A_751] : memref<17920xf32, #tpu.memory_space<vmem>> -> memref<128xf32, #tpu.memory_space<vmem>>
      %dma_start3A_753 = arith.constant 4480 : i32
      %dma_start3A_754 = tpu.memref_slice %arg13[%dma_start3A_753] : memref<17920xi32, #tpu.memory_space<vmem>> -> memref<128xi32, #tpu.memory_space<vmem>>
      %dma_start3A_755 = arith.constant 0 : i32
      %dma_start3A_756 = tpu.memref_slice %arg10[%dma_start3A_755] : memref<1000000xf32, #tpu.memory_space<vmem_shared>> -> memref<1000000xf32, #tpu.memory_space<vmem_shared>>
      tpu.enqueue_indirect_dma source(%dma_start3A_756 : memref<1000000xf32, #tpu.memory_space<vmem_shared>>) target(%dma_start3A_752 : memref<128xf32, #tpu.memory_space<vmem>>) offsets(%dma_start3A_754 : memref<128xi32, #tpu.memory_space<vmem>>) semaphore(%arg18 : memref<!tpu.dma_semaphore, #tpu.memory_space<semaphore_mem>>)
      %dma_start3A_757 = arith.constant 4608 : i32
      %dma_start3A_758 = tpu.memref_slice %arg14[%dma_start3A_757] : memref<17920xf32, #tpu.memory_space<vmem>> -> memref<128xf32, #tpu.memory_space<vmem>>
      %dma_start3A_759 = arith.constant 4608 : i32
      %dma_start3A_760 = tpu.memref_slice %arg13[%dma_start3A_759] : memref<17920xi32, #tpu.memory_space<vmem>> -> memref<128xi32, #tpu.memory_space<vmem>>
      %dma_start3A_761 = arith.constant 0 : i32
      %dma_start3A_762 = tpu.memref_slice %arg10[%dma_start3A_761] : memref<1000000xf32, #tpu.memory_space<vmem_shared>> -> memref<1000000xf32, #tpu.memory_space<vmem_shared>>
      tpu.enqueue_indirect_dma source(%dma_start3A_762 : memref<1000000xf32, #tpu.memory_space<vmem_shared>>) target(%dma_start3A_758 : memref<128xf32, #tpu.memory_space<vmem>>) offsets(%dma_start3A_760 : memref<128xi32, #tpu.memory_space<vmem>>) semaphore(%arg18 : memref<!tpu.dma_semaphore, #tpu.memory_space<semaphore_mem>>)
      %dma_start3A_763 = arith.constant 4736 : i32
      %dma_start3A_764 = tpu.memref_slice %arg14[%dma_start3A_763] : memref<17920xf32, #tpu.memory_space<vmem>> -> memref<128xf32, #tpu.memory_space<vmem>>
      %dma_start3A_765 = arith.constant 4736 : i32
      %dma_start3A_766 = tpu.memref_slice %arg13[%dma_start3A_765] : memref<17920xi32, #tpu.memory_space<vmem>> -> memref<128xi32, #tpu.memory_space<vmem>>
      %dma_start3A_767 = arith.constant 0 : i32
      %dma_start3A_768 = tpu.memref_slice %arg10[%dma_start3A_767] : memref<1000000xf32, #tpu.memory_space<vmem_shared>> -> memref<1000000xf32, #tpu.memory_space<vmem_shared>>
      tpu.enqueue_indirect_dma source(%dma_start3A_768 : memref<1000000xf32, #tpu.memory_space<vmem_shared>>) target(%dma_start3A_764 : memref<128xf32, #tpu.memory_space<vmem>>) offsets(%dma_start3A_766 : memref<128xi32, #tpu.memory_space<vmem>>) semaphore(%arg18 : memref<!tpu.dma_semaphore, #tpu.memory_space<semaphore_mem>>)
      %dma_start3A_769 = arith.constant 4864 : i32
      %dma_start3A_770 = tpu.memref_slice %arg14[%dma_start3A_769] : memref<17920xf32, #tpu.memory_space<vmem>> -> memref<128xf32, #tpu.memory_space<vmem>>
      %dma_start3A_771 = arith.constant 4864 : i32
      %dma_start3A_772 = tpu.memref_slice %arg13[%dma_start3A_771] : memref<17920xi32, #tpu.memory_space<vmem>> -> memref<128xi32, #tpu.memory_space<vmem>>
      %dma_start3A_773 = arith.constant 0 : i32
      %dma_start3A_774 = tpu.memref_slice %arg10[%dma_start3A_773] : memref<1000000xf32, #tpu.memory_space<vmem_shared>> -> memref<1000000xf32, #tpu.memory_space<vmem_shared>>
      tpu.enqueue_indirect_dma source(%dma_start3A_774 : memref<1000000xf32, #tpu.memory_space<vmem_shared>>) target(%dma_start3A_770 : memref<128xf32, #tpu.memory_space<vmem>>) offsets(%dma_start3A_772 : memref<128xi32, #tpu.memory_space<vmem>>) semaphore(%arg18 : memref<!tpu.dma_semaphore, #tpu.memory_space<semaphore_mem>>)
      %dma_start3A_775 = arith.constant 4992 : i32
      %dma_start3A_776 = tpu.memref_slice %arg14[%dma_start3A_775] : memref<17920xf32, #tpu.memory_space<vmem>> -> memref<128xf32, #tpu.memory_space<vmem>>
      %dma_start3A_777 = arith.constant 4992 : i32
      %dma_start3A_778 = tpu.memref_slice %arg13[%dma_start3A_777] : memref<17920xi32, #tpu.memory_space<vmem>> -> memref<128xi32, #tpu.memory_space<vmem>>
      %dma_start3A_779 = arith.constant 0 : i32
      %dma_start3A_780 = tpu.memref_slice %arg10[%dma_start3A_779] : memref<1000000xf32, #tpu.memory_space<vmem_shared>> -> memref<1000000xf32, #tpu.memory_space<vmem_shared>>
      tpu.enqueue_indirect_dma source(%dma_start3A_780 : memref<1000000xf32, #tpu.memory_space<vmem_shared>>) target(%dma_start3A_776 : memref<128xf32, #tpu.memory_space<vmem>>) offsets(%dma_start3A_778 : memref<128xi32, #tpu.memory_space<vmem>>) semaphore(%arg18 : memref<!tpu.dma_semaphore, #tpu.memory_space<semaphore_mem>>)
      %dma_start3A_781 = arith.constant 5120 : i32
      %dma_start3A_782 = tpu.memref_slice %arg14[%dma_start3A_781] : memref<17920xf32, #tpu.memory_space<vmem>> -> memref<128xf32, #tpu.memory_space<vmem>>
      %dma_start3A_783 = arith.constant 5120 : i32
      %dma_start3A_784 = tpu.memref_slice %arg13[%dma_start3A_783] : memref<17920xi32, #tpu.memory_space<vmem>> -> memref<128xi32, #tpu.memory_space<vmem>>
      %dma_start3A_785 = arith.constant 0 : i32
      %dma_start3A_786 = tpu.memref_slice %arg10[%dma_start3A_785] : memref<1000000xf32, #tpu.memory_space<vmem_shared>> -> memref<1000000xf32, #tpu.memory_space<vmem_shared>>
      tpu.enqueue_indirect_dma source(%dma_start3A_786 : memref<1000000xf32, #tpu.memory_space<vmem_shared>>) target(%dma_start3A_782 : memref<128xf32, #tpu.memory_space<vmem>>) offsets(%dma_start3A_784 : memref<128xi32, #tpu.memory_space<vmem>>) semaphore(%arg18 : memref<!tpu.dma_semaphore, #tpu.memory_space<semaphore_mem>>)
      %dma_start3A_787 = arith.constant 5248 : i32
      %dma_start3A_788 = tpu.memref_slice %arg14[%dma_start3A_787] : memref<17920xf32, #tpu.memory_space<vmem>> -> memref<128xf32, #tpu.memory_space<vmem>>
      %dma_start3A_789 = arith.constant 5248 : i32
      %dma_start3A_790 = tpu.memref_slice %arg13[%dma_start3A_789] : memref<17920xi32, #tpu.memory_space<vmem>> -> memref<128xi32, #tpu.memory_space<vmem>>
      %dma_start3A_791 = arith.constant 0 : i32
      %dma_start3A_792 = tpu.memref_slice %arg10[%dma_start3A_791] : memref<1000000xf32, #tpu.memory_space<vmem_shared>> -> memref<1000000xf32, #tpu.memory_space<vmem_shared>>
      tpu.enqueue_indirect_dma source(%dma_start3A_792 : memref<1000000xf32, #tpu.memory_space<vmem_shared>>) target(%dma_start3A_788 : memref<128xf32, #tpu.memory_space<vmem>>) offsets(%dma_start3A_790 : memref<128xi32, #tpu.memory_space<vmem>>) semaphore(%arg18 : memref<!tpu.dma_semaphore, #tpu.memory_space<semaphore_mem>>)
      %dma_start3A_793 = arith.constant 5376 : i32
      %dma_start3A_794 = tpu.memref_slice %arg14[%dma_start3A_793] : memref<17920xf32, #tpu.memory_space<vmem>> -> memref<128xf32, #tpu.memory_space<vmem>>
      %dma_start3A_795 = arith.constant 5376 : i32
      %dma_start3A_796 = tpu.memref_slice %arg13[%dma_start3A_795] : memref<17920xi32, #tpu.memory_space<vmem>> -> memref<128xi32, #tpu.memory_space<vmem>>
      %dma_start3A_797 = arith.constant 0 : i32
      %dma_start3A_798 = tpu.memref_slice %arg10[%dma_start3A_797] : memref<1000000xf32, #tpu.memory_space<vmem_shared>> -> memref<1000000xf32, #tpu.memory_space<vmem_shared>>
      tpu.enqueue_indirect_dma source(%dma_start3A_798 : memref<1000000xf32, #tpu.memory_space<vmem_shared>>) target(%dma_start3A_794 : memref<128xf32, #tpu.memory_space<vmem>>) offsets(%dma_start3A_796 : memref<128xi32, #tpu.memory_space<vmem>>) semaphore(%arg18 : memref<!tpu.dma_semaphore, #tpu.memory_space<semaphore_mem>>)
      %dma_start3A_799 = arith.constant 5504 : i32
      %dma_start3A_800 = tpu.memref_slice %arg14[%dma_start3A_799] : memref<17920xf32, #tpu.memory_space<vmem>> -> memref<128xf32, #tpu.memory_space<vmem>>
      %dma_start3A_801 = arith.constant 5504 : i32
      %dma_start3A_802 = tpu.memref_slice %arg13[%dma_start3A_801] : memref<17920xi32, #tpu.memory_space<vmem>> -> memref<128xi32, #tpu.memory_space<vmem>>
      %dma_start3A_803 = arith.constant 0 : i32
      %dma_start3A_804 = tpu.memref_slice %arg10[%dma_start3A_803] : memref<1000000xf32, #tpu.memory_space<vmem_shared>> -> memref<1000000xf32, #tpu.memory_space<vmem_shared>>
      tpu.enqueue_indirect_dma source(%dma_start3A_804 : memref<1000000xf32, #tpu.memory_space<vmem_shared>>) target(%dma_start3A_800 : memref<128xf32, #tpu.memory_space<vmem>>) offsets(%dma_start3A_802 : memref<128xi32, #tpu.memory_space<vmem>>) semaphore(%arg18 : memref<!tpu.dma_semaphore, #tpu.memory_space<semaphore_mem>>)
      %dma_start3A_805 = arith.constant 5632 : i32
      %dma_start3A_806 = tpu.memref_slice %arg14[%dma_start3A_805] : memref<17920xf32, #tpu.memory_space<vmem>> -> memref<128xf32, #tpu.memory_space<vmem>>
      %dma_start3A_807 = arith.constant 5632 : i32
      %dma_start3A_808 = tpu.memref_slice %arg13[%dma_start3A_807] : memref<17920xi32, #tpu.memory_space<vmem>> -> memref<128xi32, #tpu.memory_space<vmem>>
      %dma_start3A_809 = arith.constant 0 : i32
      %dma_start3A_810 = tpu.memref_slice %arg10[%dma_start3A_809] : memref<1000000xf32, #tpu.memory_space<vmem_shared>> -> memref<1000000xf32, #tpu.memory_space<vmem_shared>>
      tpu.enqueue_indirect_dma source(%dma_start3A_810 : memref<1000000xf32, #tpu.memory_space<vmem_shared>>) target(%dma_start3A_806 : memref<128xf32, #tpu.memory_space<vmem>>) offsets(%dma_start3A_808 : memref<128xi32, #tpu.memory_space<vmem>>) semaphore(%arg18 : memref<!tpu.dma_semaphore, #tpu.memory_space<semaphore_mem>>)
      %dma_start3A_811 = arith.constant 5760 : i32
      %dma_start3A_812 = tpu.memref_slice %arg14[%dma_start3A_811] : memref<17920xf32, #tpu.memory_space<vmem>> -> memref<128xf32, #tpu.memory_space<vmem>>
      %dma_start3A_813 = arith.constant 5760 : i32
      %dma_start3A_814 = tpu.memref_slice %arg13[%dma_start3A_813] : memref<17920xi32, #tpu.memory_space<vmem>> -> memref<128xi32, #tpu.memory_space<vmem>>
      %dma_start3A_815 = arith.constant 0 : i32
      %dma_start3A_816 = tpu.memref_slice %arg10[%dma_start3A_815] : memref<1000000xf32, #tpu.memory_space<vmem_shared>> -> memref<1000000xf32, #tpu.memory_space<vmem_shared>>
      tpu.enqueue_indirect_dma source(%dma_start3A_816 : memref<1000000xf32, #tpu.memory_space<vmem_shared>>) target(%dma_start3A_812 : memref<128xf32, #tpu.memory_space<vmem>>) offsets(%dma_start3A_814 : memref<128xi32, #tpu.memory_space<vmem>>) semaphore(%arg18 : memref<!tpu.dma_semaphore, #tpu.memory_space<semaphore_mem>>)
      %dma_start3A_817 = arith.constant 5888 : i32
      %dma_start3A_818 = tpu.memref_slice %arg14[%dma_start3A_817] : memref<17920xf32, #tpu.memory_space<vmem>> -> memref<128xf32, #tpu.memory_space<vmem>>
      %dma_start3A_819 = arith.constant 5888 : i32
      %dma_start3A_820 = tpu.memref_slice %arg13[%dma_start3A_819] : memref<17920xi32, #tpu.memory_space<vmem>> -> memref<128xi32, #tpu.memory_space<vmem>>
      %dma_start3A_821 = arith.constant 0 : i32
      %dma_start3A_822 = tpu.memref_slice %arg10[%dma_start3A_821] : memref<1000000xf32, #tpu.memory_space<vmem_shared>> -> memref<1000000xf32, #tpu.memory_space<vmem_shared>>
      tpu.enqueue_indirect_dma source(%dma_start3A_822 : memref<1000000xf32, #tpu.memory_space<vmem_shared>>) target(%dma_start3A_818 : memref<128xf32, #tpu.memory_space<vmem>>) offsets(%dma_start3A_820 : memref<128xi32, #tpu.memory_space<vmem>>) semaphore(%arg18 : memref<!tpu.dma_semaphore, #tpu.memory_space<semaphore_mem>>)
      %dma_start3A_823 = arith.constant 6016 : i32
      %dma_start3A_824 = tpu.memref_slice %arg14[%dma_start3A_823] : memref<17920xf32, #tpu.memory_space<vmem>> -> memref<128xf32, #tpu.memory_space<vmem>>
      %dma_start3A_825 = arith.constant 6016 : i32
      %dma_start3A_826 = tpu.memref_slice %arg13[%dma_start3A_825] : memref<17920xi32, #tpu.memory_space<vmem>> -> memref<128xi32, #tpu.memory_space<vmem>>
      %dma_start3A_827 = arith.constant 0 : i32
      %dma_start3A_828 = tpu.memref_slice %arg10[%dma_start3A_827] : memref<1000000xf32, #tpu.memory_space<vmem_shared>> -> memref<1000000xf32, #tpu.memory_space<vmem_shared>>
      tpu.enqueue_indirect_dma source(%dma_start3A_828 : memref<1000000xf32, #tpu.memory_space<vmem_shared>>) target(%dma_start3A_824 : memref<128xf32, #tpu.memory_space<vmem>>) offsets(%dma_start3A_826 : memref<128xi32, #tpu.memory_space<vmem>>) semaphore(%arg18 : memref<!tpu.dma_semaphore, #tpu.memory_space<semaphore_mem>>)
      %dma_start3A_829 = arith.constant 6144 : i32
      %dma_start3A_830 = tpu.memref_slice %arg14[%dma_start3A_829] : memref<17920xf32, #tpu.memory_space<vmem>> -> memref<128xf32, #tpu.memory_space<vmem>>
      %dma_start3A_831 = arith.constant 6144 : i32
      %dma_start3A_832 = tpu.memref_slice %arg13[%dma_start3A_831] : memref<17920xi32, #tpu.memory_space<vmem>> -> memref<128xi32, #tpu.memory_space<vmem>>
      %dma_start3A_833 = arith.constant 0 : i32
      %dma_start3A_834 = tpu.memref_slice %arg10[%dma_start3A_833] : memref<1000000xf32, #tpu.memory_space<vmem_shared>> -> memref<1000000xf32, #tpu.memory_space<vmem_shared>>
      tpu.enqueue_indirect_dma source(%dma_start3A_834 : memref<1000000xf32, #tpu.memory_space<vmem_shared>>) target(%dma_start3A_830 : memref<128xf32, #tpu.memory_space<vmem>>) offsets(%dma_start3A_832 : memref<128xi32, #tpu.memory_space<vmem>>) semaphore(%arg18 : memref<!tpu.dma_semaphore, #tpu.memory_space<semaphore_mem>>)
      %dma_start3A_835 = arith.constant 6272 : i32
      %dma_start3A_836 = tpu.memref_slice %arg14[%dma_start3A_835] : memref<17920xf32, #tpu.memory_space<vmem>> -> memref<128xf32, #tpu.memory_space<vmem>>
      %dma_start3A_837 = arith.constant 6272 : i32
      %dma_start3A_838 = tpu.memref_slice %arg13[%dma_start3A_837] : memref<17920xi32, #tpu.memory_space<vmem>> -> memref<128xi32, #tpu.memory_space<vmem>>
      %dma_start3A_839 = arith.constant 0 : i32
      %dma_start3A_840 = tpu.memref_slice %arg10[%dma_start3A_839] : memref<1000000xf32, #tpu.memory_space<vmem_shared>> -> memref<1000000xf32, #tpu.memory_space<vmem_shared>>
      tpu.enqueue_indirect_dma source(%dma_start3A_840 : memref<1000000xf32, #tpu.memory_space<vmem_shared>>) target(%dma_start3A_836 : memref<128xf32, #tpu.memory_space<vmem>>) offsets(%dma_start3A_838 : memref<128xi32, #tpu.memory_space<vmem>>) semaphore(%arg18 : memref<!tpu.dma_semaphore, #tpu.memory_space<semaphore_mem>>)
      %dma_start3A_841 = arith.constant 6400 : i32
      %dma_start3A_842 = tpu.memref_slice %arg14[%dma_start3A_841] : memref<17920xf32, #tpu.memory_space<vmem>> -> memref<128xf32, #tpu.memory_space<vmem>>
      %dma_start3A_843 = arith.constant 6400 : i32
      %dma_start3A_844 = tpu.memref_slice %arg13[%dma_start3A_843] : memref<17920xi32, #tpu.memory_space<vmem>> -> memref<128xi32, #tpu.memory_space<vmem>>
      %dma_start3A_845 = arith.constant 0 : i32
      %dma_start3A_846 = tpu.memref_slice %arg10[%dma_start3A_845] : memref<1000000xf32, #tpu.memory_space<vmem_shared>> -> memref<1000000xf32, #tpu.memory_space<vmem_shared>>
      tpu.enqueue_indirect_dma source(%dma_start3A_846 : memref<1000000xf32, #tpu.memory_space<vmem_shared>>) target(%dma_start3A_842 : memref<128xf32, #tpu.memory_space<vmem>>) offsets(%dma_start3A_844 : memref<128xi32, #tpu.memory_space<vmem>>) semaphore(%arg18 : memref<!tpu.dma_semaphore, #tpu.memory_space<semaphore_mem>>)
      %dma_start3A_847 = arith.constant 6528 : i32
      %dma_start3A_848 = tpu.memref_slice %arg14[%dma_start3A_847] : memref<17920xf32, #tpu.memory_space<vmem>> -> memref<128xf32, #tpu.memory_space<vmem>>
      %dma_start3A_849 = arith.constant 6528 : i32
      %dma_start3A_850 = tpu.memref_slice %arg13[%dma_start3A_849] : memref<17920xi32, #tpu.memory_space<vmem>> -> memref<128xi32, #tpu.memory_space<vmem>>
      %dma_start3A_851 = arith.constant 0 : i32
      %dma_start3A_852 = tpu.memref_slice %arg10[%dma_start3A_851] : memref<1000000xf32, #tpu.memory_space<vmem_shared>> -> memref<1000000xf32, #tpu.memory_space<vmem_shared>>
      tpu.enqueue_indirect_dma source(%dma_start3A_852 : memref<1000000xf32, #tpu.memory_space<vmem_shared>>) target(%dma_start3A_848 : memref<128xf32, #tpu.memory_space<vmem>>) offsets(%dma_start3A_850 : memref<128xi32, #tpu.memory_space<vmem>>) semaphore(%arg18 : memref<!tpu.dma_semaphore, #tpu.memory_space<semaphore_mem>>)
      %dma_start3A_853 = arith.constant 6656 : i32
      %dma_start3A_854 = tpu.memref_slice %arg14[%dma_start3A_853] : memref<17920xf32, #tpu.memory_space<vmem>> -> memref<128xf32, #tpu.memory_space<vmem>>
      %dma_start3A_855 = arith.constant 6656 : i32
      %dma_start3A_856 = tpu.memref_slice %arg13[%dma_start3A_855] : memref<17920xi32, #tpu.memory_space<vmem>> -> memref<128xi32, #tpu.memory_space<vmem>>
      %dma_start3A_857 = arith.constant 0 : i32
      %dma_start3A_858 = tpu.memref_slice %arg10[%dma_start3A_857] : memref<1000000xf32, #tpu.memory_space<vmem_shared>> -> memref<1000000xf32, #tpu.memory_space<vmem_shared>>
      tpu.enqueue_indirect_dma source(%dma_start3A_858 : memref<1000000xf32, #tpu.memory_space<vmem_shared>>) target(%dma_start3A_854 : memref<128xf32, #tpu.memory_space<vmem>>) offsets(%dma_start3A_856 : memref<128xi32, #tpu.memory_space<vmem>>) semaphore(%arg18 : memref<!tpu.dma_semaphore, #tpu.memory_space<semaphore_mem>>)
      %dma_start3A_859 = arith.constant 6784 : i32
      %dma_start3A_860 = tpu.memref_slice %arg14[%dma_start3A_859] : memref<17920xf32, #tpu.memory_space<vmem>> -> memref<128xf32, #tpu.memory_space<vmem>>
      %dma_start3A_861 = arith.constant 6784 : i32
      %dma_start3A_862 = tpu.memref_slice %arg13[%dma_start3A_861] : memref<17920xi32, #tpu.memory_space<vmem>> -> memref<128xi32, #tpu.memory_space<vmem>>
      %dma_start3A_863 = arith.constant 0 : i32
      %dma_start3A_864 = tpu.memref_slice %arg10[%dma_start3A_863] : memref<1000000xf32, #tpu.memory_space<vmem_shared>> -> memref<1000000xf32, #tpu.memory_space<vmem_shared>>
      tpu.enqueue_indirect_dma source(%dma_start3A_864 : memref<1000000xf32, #tpu.memory_space<vmem_shared>>) target(%dma_start3A_860 : memref<128xf32, #tpu.memory_space<vmem>>) offsets(%dma_start3A_862 : memref<128xi32, #tpu.memory_space<vmem>>) semaphore(%arg18 : memref<!tpu.dma_semaphore, #tpu.memory_space<semaphore_mem>>)
      %dma_start3A_865 = arith.constant 6912 : i32
      %dma_start3A_866 = tpu.memref_slice %arg14[%dma_start3A_865] : memref<17920xf32, #tpu.memory_space<vmem>> -> memref<128xf32, #tpu.memory_space<vmem>>
      %dma_start3A_867 = arith.constant 6912 : i32
      %dma_start3A_868 = tpu.memref_slice %arg13[%dma_start3A_867] : memref<17920xi32, #tpu.memory_space<vmem>> -> memref<128xi32, #tpu.memory_space<vmem>>
      %dma_start3A_869 = arith.constant 0 : i32
      %dma_start3A_870 = tpu.memref_slice %arg10[%dma_start3A_869] : memref<1000000xf32, #tpu.memory_space<vmem_shared>> -> memref<1000000xf32, #tpu.memory_space<vmem_shared>>
      tpu.enqueue_indirect_dma source(%dma_start3A_870 : memref<1000000xf32, #tpu.memory_space<vmem_shared>>) target(%dma_start3A_866 : memref<128xf32, #tpu.memory_space<vmem>>) offsets(%dma_start3A_868 : memref<128xi32, #tpu.memory_space<vmem>>) semaphore(%arg18 : memref<!tpu.dma_semaphore, #tpu.memory_space<semaphore_mem>>)
      %dma_start3A_871 = arith.constant 7040 : i32
      %dma_start3A_872 = tpu.memref_slice %arg14[%dma_start3A_871] : memref<17920xf32, #tpu.memory_space<vmem>> -> memref<128xf32, #tpu.memory_space<vmem>>
      %dma_start3A_873 = arith.constant 7040 : i32
      %dma_start3A_874 = tpu.memref_slice %arg13[%dma_start3A_873] : memref<17920xi32, #tpu.memory_space<vmem>> -> memref<128xi32, #tpu.memory_space<vmem>>
      %dma_start3A_875 = arith.constant 0 : i32
      %dma_start3A_876 = tpu.memref_slice %arg10[%dma_start3A_875] : memref<1000000xf32, #tpu.memory_space<vmem_shared>> -> memref<1000000xf32, #tpu.memory_space<vmem_shared>>
      tpu.enqueue_indirect_dma source(%dma_start3A_876 : memref<1000000xf32, #tpu.memory_space<vmem_shared>>) target(%dma_start3A_872 : memref<128xf32, #tpu.memory_space<vmem>>) offsets(%dma_start3A_874 : memref<128xi32, #tpu.memory_space<vmem>>) semaphore(%arg18 : memref<!tpu.dma_semaphore, #tpu.memory_space<semaphore_mem>>)
      %dma_start3A_877 = arith.constant 7168 : i32
      %dma_start3A_878 = tpu.memref_slice %arg14[%dma_start3A_877] : memref<17920xf32, #tpu.memory_space<vmem>> -> memref<128xf32, #tpu.memory_space<vmem>>
      %dma_start3A_879 = arith.constant 7168 : i32
      %dma_start3A_880 = tpu.memref_slice %arg13[%dma_start3A_879] : memref<17920xi32, #tpu.memory_space<vmem>> -> memref<128xi32, #tpu.memory_space<vmem>>
      %dma_start3A_881 = arith.constant 0 : i32
      %dma_start3A_882 = tpu.memref_slice %arg10[%dma_start3A_881] : memref<1000000xf32, #tpu.memory_space<vmem_shared>> -> memref<1000000xf32, #tpu.memory_space<vmem_shared>>
      tpu.enqueue_indirect_dma source(%dma_start3A_882 : memref<1000000xf32, #tpu.memory_space<vmem_shared>>) target(%dma_start3A_878 : memref<128xf32, #tpu.memory_space<vmem>>) offsets(%dma_start3A_880 : memref<128xi32, #tpu.memory_space<vmem>>) semaphore(%arg18 : memref<!tpu.dma_semaphore, #tpu.memory_space<semaphore_mem>>)
      %dma_start3A_883 = arith.constant 7296 : i32
      %dma_start3A_884 = tpu.memref_slice %arg14[%dma_start3A_883] : memref<17920xf32, #tpu.memory_space<vmem>> -> memref<128xf32, #tpu.memory_space<vmem>>
      %dma_start3A_885 = arith.constant 7296 : i32
      %dma_start3A_886 = tpu.memref_slice %arg13[%dma_start3A_885] : memref<17920xi32, #tpu.memory_space<vmem>> -> memref<128xi32, #tpu.memory_space<vmem>>
      %dma_start3A_887 = arith.constant 0 : i32
      %dma_start3A_888 = tpu.memref_slice %arg10[%dma_start3A_887] : memref<1000000xf32, #tpu.memory_space<vmem_shared>> -> memref<1000000xf32, #tpu.memory_space<vmem_shared>>
      tpu.enqueue_indirect_dma source(%dma_start3A_888 : memref<1000000xf32, #tpu.memory_space<vmem_shared>>) target(%dma_start3A_884 : memref<128xf32, #tpu.memory_space<vmem>>) offsets(%dma_start3A_886 : memref<128xi32, #tpu.memory_space<vmem>>) semaphore(%arg18 : memref<!tpu.dma_semaphore, #tpu.memory_space<semaphore_mem>>)
      %dma_start3A_889 = arith.constant 7424 : i32
      %dma_start3A_890 = tpu.memref_slice %arg14[%dma_start3A_889] : memref<17920xf32, #tpu.memory_space<vmem>> -> memref<128xf32, #tpu.memory_space<vmem>>
      %dma_start3A_891 = arith.constant 7424 : i32
      %dma_start3A_892 = tpu.memref_slice %arg13[%dma_start3A_891] : memref<17920xi32, #tpu.memory_space<vmem>> -> memref<128xi32, #tpu.memory_space<vmem>>
      %dma_start3A_893 = arith.constant 0 : i32
      %dma_start3A_894 = tpu.memref_slice %arg10[%dma_start3A_893] : memref<1000000xf32, #tpu.memory_space<vmem_shared>> -> memref<1000000xf32, #tpu.memory_space<vmem_shared>>
      tpu.enqueue_indirect_dma source(%dma_start3A_894 : memref<1000000xf32, #tpu.memory_space<vmem_shared>>) target(%dma_start3A_890 : memref<128xf32, #tpu.memory_space<vmem>>) offsets(%dma_start3A_892 : memref<128xi32, #tpu.memory_space<vmem>>) semaphore(%arg18 : memref<!tpu.dma_semaphore, #tpu.memory_space<semaphore_mem>>)
      %dma_start3A_895 = arith.constant 7552 : i32
      %dma_start3A_896 = tpu.memref_slice %arg14[%dma_start3A_895] : memref<17920xf32, #tpu.memory_space<vmem>> -> memref<128xf32, #tpu.memory_space<vmem>>
      %dma_start3A_897 = arith.constant 7552 : i32
      %dma_start3A_898 = tpu.memref_slice %arg13[%dma_start3A_897] : memref<17920xi32, #tpu.memory_space<vmem>> -> memref<128xi32, #tpu.memory_space<vmem>>
      %dma_start3A_899 = arith.constant 0 : i32
      %dma_start3A_900 = tpu.memref_slice %arg10[%dma_start3A_899] : memref<1000000xf32, #tpu.memory_space<vmem_shared>> -> memref<1000000xf32, #tpu.memory_space<vmem_shared>>
      tpu.enqueue_indirect_dma source(%dma_start3A_900 : memref<1000000xf32, #tpu.memory_space<vmem_shared>>) target(%dma_start3A_896 : memref<128xf32, #tpu.memory_space<vmem>>) offsets(%dma_start3A_898 : memref<128xi32, #tpu.memory_space<vmem>>) semaphore(%arg18 : memref<!tpu.dma_semaphore, #tpu.memory_space<semaphore_mem>>)
      %dma_start3A_901 = arith.constant 7680 : i32
      %dma_start3A_902 = tpu.memref_slice %arg14[%dma_start3A_901] : memref<17920xf32, #tpu.memory_space<vmem>> -> memref<128xf32, #tpu.memory_space<vmem>>
      %dma_start3A_903 = arith.constant 7680 : i32
      %dma_start3A_904 = tpu.memref_slice %arg13[%dma_start3A_903] : memref<17920xi32, #tpu.memory_space<vmem>> -> memref<128xi32, #tpu.memory_space<vmem>>
      %dma_start3A_905 = arith.constant 0 : i32
      %dma_start3A_906 = tpu.memref_slice %arg10[%dma_start3A_905] : memref<1000000xf32, #tpu.memory_space<vmem_shared>> -> memref<1000000xf32, #tpu.memory_space<vmem_shared>>
      tpu.enqueue_indirect_dma source(%dma_start3A_906 : memref<1000000xf32, #tpu.memory_space<vmem_shared>>) target(%dma_start3A_902 : memref<128xf32, #tpu.memory_space<vmem>>) offsets(%dma_start3A_904 : memref<128xi32, #tpu.memory_space<vmem>>) semaphore(%arg18 : memref<!tpu.dma_semaphore, #tpu.memory_space<semaphore_mem>>)
      %dma_start3A_907 = arith.constant 7808 : i32
      %dma_start3A_908 = tpu.memref_slice %arg14[%dma_start3A_907] : memref<17920xf32, #tpu.memory_space<vmem>> -> memref<128xf32, #tpu.memory_space<vmem>>
      %dma_start3A_909 = arith.constant 7808 : i32
      %dma_start3A_910 = tpu.memref_slice %arg13[%dma_start3A_909] : memref<17920xi32, #tpu.memory_space<vmem>> -> memref<128xi32, #tpu.memory_space<vmem>>
      %dma_start3A_911 = arith.constant 0 : i32
      %dma_start3A_912 = tpu.memref_slice %arg10[%dma_start3A_911] : memref<1000000xf32, #tpu.memory_space<vmem_shared>> -> memref<1000000xf32, #tpu.memory_space<vmem_shared>>
      tpu.enqueue_indirect_dma source(%dma_start3A_912 : memref<1000000xf32, #tpu.memory_space<vmem_shared>>) target(%dma_start3A_908 : memref<128xf32, #tpu.memory_space<vmem>>) offsets(%dma_start3A_910 : memref<128xi32, #tpu.memory_space<vmem>>) semaphore(%arg18 : memref<!tpu.dma_semaphore, #tpu.memory_space<semaphore_mem>>)
      %dma_start3A_913 = arith.constant 7936 : i32
      %dma_start3A_914 = tpu.memref_slice %arg14[%dma_start3A_913] : memref<17920xf32, #tpu.memory_space<vmem>> -> memref<128xf32, #tpu.memory_space<vmem>>
      %dma_start3A_915 = arith.constant 7936 : i32
      %dma_start3A_916 = tpu.memref_slice %arg13[%dma_start3A_915] : memref<17920xi32, #tpu.memory_space<vmem>> -> memref<128xi32, #tpu.memory_space<vmem>>
      %dma_start3A_917 = arith.constant 0 : i32
      %dma_start3A_918 = tpu.memref_slice %arg10[%dma_start3A_917] : memref<1000000xf32, #tpu.memory_space<vmem_shared>> -> memref<1000000xf32, #tpu.memory_space<vmem_shared>>
      tpu.enqueue_indirect_dma source(%dma_start3A_918 : memref<1000000xf32, #tpu.memory_space<vmem_shared>>) target(%dma_start3A_914 : memref<128xf32, #tpu.memory_space<vmem>>) offsets(%dma_start3A_916 : memref<128xi32, #tpu.memory_space<vmem>>) semaphore(%arg18 : memref<!tpu.dma_semaphore, #tpu.memory_space<semaphore_mem>>)
      %dma_start3A_919 = arith.constant 8064 : i32
      %dma_start3A_920 = tpu.memref_slice %arg14[%dma_start3A_919] : memref<17920xf32, #tpu.memory_space<vmem>> -> memref<128xf32, #tpu.memory_space<vmem>>
      %dma_start3A_921 = arith.constant 8064 : i32
      %dma_start3A_922 = tpu.memref_slice %arg13[%dma_start3A_921] : memref<17920xi32, #tpu.memory_space<vmem>> -> memref<128xi32, #tpu.memory_space<vmem>>
      %dma_start3A_923 = arith.constant 0 : i32
      %dma_start3A_924 = tpu.memref_slice %arg10[%dma_start3A_923] : memref<1000000xf32, #tpu.memory_space<vmem_shared>> -> memref<1000000xf32, #tpu.memory_space<vmem_shared>>
      tpu.enqueue_indirect_dma source(%dma_start3A_924 : memref<1000000xf32, #tpu.memory_space<vmem_shared>>) target(%dma_start3A_920 : memref<128xf32, #tpu.memory_space<vmem>>) offsets(%dma_start3A_922 : memref<128xi32, #tpu.memory_space<vmem>>) semaphore(%arg18 : memref<!tpu.dma_semaphore, #tpu.memory_space<semaphore_mem>>)
      %dma_start3A_925 = arith.constant 8192 : i32
      %dma_start3A_926 = tpu.memref_slice %arg14[%dma_start3A_925] : memref<17920xf32, #tpu.memory_space<vmem>> -> memref<128xf32, #tpu.memory_space<vmem>>
      %dma_start3A_927 = arith.constant 8192 : i32
      %dma_start3A_928 = tpu.memref_slice %arg13[%dma_start3A_927] : memref<17920xi32, #tpu.memory_space<vmem>> -> memref<128xi32, #tpu.memory_space<vmem>>
      %dma_start3A_929 = arith.constant 0 : i32
      %dma_start3A_930 = tpu.memref_slice %arg10[%dma_start3A_929] : memref<1000000xf32, #tpu.memory_space<vmem_shared>> -> memref<1000000xf32, #tpu.memory_space<vmem_shared>>
      tpu.enqueue_indirect_dma source(%dma_start3A_930 : memref<1000000xf32, #tpu.memory_space<vmem_shared>>) target(%dma_start3A_926 : memref<128xf32, #tpu.memory_space<vmem>>) offsets(%dma_start3A_928 : memref<128xi32, #tpu.memory_space<vmem>>) semaphore(%arg18 : memref<!tpu.dma_semaphore, #tpu.memory_space<semaphore_mem>>)
      %dma_start3A_931 = arith.constant 8320 : i32
      %dma_start3A_932 = tpu.memref_slice %arg14[%dma_start3A_931] : memref<17920xf32, #tpu.memory_space<vmem>> -> memref<128xf32, #tpu.memory_space<vmem>>
      %dma_start3A_933 = arith.constant 8320 : i32
      %dma_start3A_934 = tpu.memref_slice %arg13[%dma_start3A_933] : memref<17920xi32, #tpu.memory_space<vmem>> -> memref<128xi32, #tpu.memory_space<vmem>>
      %dma_start3A_935 = arith.constant 0 : i32
      %dma_start3A_936 = tpu.memref_slice %arg10[%dma_start3A_935] : memref<1000000xf32, #tpu.memory_space<vmem_shared>> -> memref<1000000xf32, #tpu.memory_space<vmem_shared>>
      tpu.enqueue_indirect_dma source(%dma_start3A_936 : memref<1000000xf32, #tpu.memory_space<vmem_shared>>) target(%dma_start3A_932 : memref<128xf32, #tpu.memory_space<vmem>>) offsets(%dma_start3A_934 : memref<128xi32, #tpu.memory_space<vmem>>) semaphore(%arg18 : memref<!tpu.dma_semaphore, #tpu.memory_space<semaphore_mem>>)
      %dma_start3A_937 = arith.constant 8448 : i32
      %dma_start3A_938 = tpu.memref_slice %arg14[%dma_start3A_937] : memref<17920xf32, #tpu.memory_space<vmem>> -> memref<128xf32, #tpu.memory_space<vmem>>
      %dma_start3A_939 = arith.constant 8448 : i32
      %dma_start3A_940 = tpu.memref_slice %arg13[%dma_start3A_939] : memref<17920xi32, #tpu.memory_space<vmem>> -> memref<128xi32, #tpu.memory_space<vmem>>
      %dma_start3A_941 = arith.constant 0 : i32
      %dma_start3A_942 = tpu.memref_slice %arg10[%dma_start3A_941] : memref<1000000xf32, #tpu.memory_space<vmem_shared>> -> memref<1000000xf32, #tpu.memory_space<vmem_shared>>
      tpu.enqueue_indirect_dma source(%dma_start3A_942 : memref<1000000xf32, #tpu.memory_space<vmem_shared>>) target(%dma_start3A_938 : memref<128xf32, #tpu.memory_space<vmem>>) offsets(%dma_start3A_940 : memref<128xi32, #tpu.memory_space<vmem>>) semaphore(%arg18 : memref<!tpu.dma_semaphore, #tpu.memory_space<semaphore_mem>>)
      %dma_start3A_943 = arith.constant 8576 : i32
      %dma_start3A_944 = tpu.memref_slice %arg14[%dma_start3A_943] : memref<17920xf32, #tpu.memory_space<vmem>> -> memref<128xf32, #tpu.memory_space<vmem>>
      %dma_start3A_945 = arith.constant 8576 : i32
      %dma_start3A_946 = tpu.memref_slice %arg13[%dma_start3A_945] : memref<17920xi32, #tpu.memory_space<vmem>> -> memref<128xi32, #tpu.memory_space<vmem>>
      %dma_start3A_947 = arith.constant 0 : i32
      %dma_start3A_948 = tpu.memref_slice %arg10[%dma_start3A_947] : memref<1000000xf32, #tpu.memory_space<vmem_shared>> -> memref<1000000xf32, #tpu.memory_space<vmem_shared>>
      tpu.enqueue_indirect_dma source(%dma_start3A_948 : memref<1000000xf32, #tpu.memory_space<vmem_shared>>) target(%dma_start3A_944 : memref<128xf32, #tpu.memory_space<vmem>>) offsets(%dma_start3A_946 : memref<128xi32, #tpu.memory_space<vmem>>) semaphore(%arg18 : memref<!tpu.dma_semaphore, #tpu.memory_space<semaphore_mem>>)
      %dma_start3A_949 = arith.constant 8704 : i32
      %dma_start3A_950 = tpu.memref_slice %arg14[%dma_start3A_949] : memref<17920xf32, #tpu.memory_space<vmem>> -> memref<128xf32, #tpu.memory_space<vmem>>
      %dma_start3A_951 = arith.constant 8704 : i32
      %dma_start3A_952 = tpu.memref_slice %arg13[%dma_start3A_951] : memref<17920xi32, #tpu.memory_space<vmem>> -> memref<128xi32, #tpu.memory_space<vmem>>
      %dma_start3A_953 = arith.constant 0 : i32
      %dma_start3A_954 = tpu.memref_slice %arg10[%dma_start3A_953] : memref<1000000xf32, #tpu.memory_space<vmem_shared>> -> memref<1000000xf32, #tpu.memory_space<vmem_shared>>
      tpu.enqueue_indirect_dma source(%dma_start3A_954 : memref<1000000xf32, #tpu.memory_space<vmem_shared>>) target(%dma_start3A_950 : memref<128xf32, #tpu.memory_space<vmem>>) offsets(%dma_start3A_952 : memref<128xi32, #tpu.memory_space<vmem>>) semaphore(%arg18 : memref<!tpu.dma_semaphore, #tpu.memory_space<semaphore_mem>>)
      %dma_start3A_955 = arith.constant 8832 : i32
      %dma_start3A_956 = tpu.memref_slice %arg14[%dma_start3A_955] : memref<17920xf32, #tpu.memory_space<vmem>> -> memref<128xf32, #tpu.memory_space<vmem>>
      %dma_start3A_957 = arith.constant 8832 : i32
      %dma_start3A_958 = tpu.memref_slice %arg13[%dma_start3A_957] : memref<17920xi32, #tpu.memory_space<vmem>> -> memref<128xi32, #tpu.memory_space<vmem>>
      %dma_start3A_959 = arith.constant 0 : i32
      %dma_start3A_960 = tpu.memref_slice %arg10[%dma_start3A_959] : memref<1000000xf32, #tpu.memory_space<vmem_shared>> -> memref<1000000xf32, #tpu.memory_space<vmem_shared>>
      tpu.enqueue_indirect_dma source(%dma_start3A_960 : memref<1000000xf32, #tpu.memory_space<vmem_shared>>) target(%dma_start3A_956 : memref<128xf32, #tpu.memory_space<vmem>>) offsets(%dma_start3A_958 : memref<128xi32, #tpu.memory_space<vmem>>) semaphore(%arg18 : memref<!tpu.dma_semaphore, #tpu.memory_space<semaphore_mem>>)
      %ge3A_961 = arith.constant 1 : i32
      %ge3A_962 = arith.cmpi sge, %scan3A_519, %ge3A_961 : i32
      %convert_element_type3A_963 = arith.extui %ge3A_962 : i1 to i32
      %cond3A_964 = arith.constant 0 : i32
      %cond3A_965 = arith.cmpi ne, %convert_element_type3A_963, %cond3A_964 : i32
      scf.if %cond3A_965 {
        %dma_wait3A_1847 = arith.constant 8960 : i32
        %dma_wait3A_1848 = tpu.memref_slice %arg14[%dma_wait3A_1847] : memref<17920xf32, #tpu.memory_space<vmem>> -> memref<128xf32, #tpu.memory_space<vmem>>
        %dma_wait3A_1849 = arith.constant 8960 : i32
        %dma_wait3A_1850 = tpu.memref_slice %arg13[%dma_wait3A_1849] : memref<17920xi32, #tpu.memory_space<vmem>> -> memref<128xi32, #tpu.memory_space<vmem>>
        %dma_wait3A_1851 = arith.constant 0 : i32
        %dma_wait3A_1852 = tpu.memref_slice %arg10[%dma_wait3A_1851] : memref<1000000xf32, #tpu.memory_space<vmem_shared>> -> memref<1000000xf32, #tpu.memory_space<vmem_shared>>
        tpu.wait_indirect_dma semaphore(%arg19 : memref<!tpu.dma_semaphore, #tpu.memory_space<semaphore_mem>>) src(%dma_wait3A_1852 : memref<1000000xf32, #tpu.memory_space<vmem_shared>>) dst(%dma_wait3A_1848 : memref<128xf32, #tpu.memory_space<vmem>>)
        %dma_wait3A_1853 = arith.constant 9088 : i32
        %dma_wait3A_1854 = tpu.memref_slice %arg14[%dma_wait3A_1853] : memref<17920xf32, #tpu.memory_space<vmem>> -> memref<128xf32, #tpu.memory_space<vmem>>
        %dma_wait3A_1855 = arith.constant 9088 : i32
        %dma_wait3A_1856 = tpu.memref_slice %arg13[%dma_wait3A_1855] : memref<17920xi32, #tpu.memory_space<vmem>> -> memref<128xi32, #tpu.memory_space<vmem>>
        %dma_wait3A_1857 = arith.constant 0 : i32
        %dma_wait3A_1858 = tpu.memref_slice %arg10[%dma_wait3A_1857] : memref<1000000xf32, #tpu.memory_space<vmem_shared>> -> memref<1000000xf32, #tpu.memory_space<vmem_shared>>
        tpu.wait_indirect_dma semaphore(%arg19 : memref<!tpu.dma_semaphore, #tpu.memory_space<semaphore_mem>>) src(%dma_wait3A_1858 : memref<1000000xf32, #tpu.memory_space<vmem_shared>>) dst(%dma_wait3A_1854 : memref<128xf32, #tpu.memory_space<vmem>>)
        %dma_wait3A_1859 = arith.constant 9216 : i32
        %dma_wait3A_1860 = tpu.memref_slice %arg14[%dma_wait3A_1859] : memref<17920xf32, #tpu.memory_space<vmem>> -> memref<128xf32, #tpu.memory_space<vmem>>
        %dma_wait3A_1861 = arith.constant 9216 : i32
        %dma_wait3A_1862 = tpu.memref_slice %arg13[%dma_wait3A_1861] : memref<17920xi32, #tpu.memory_space<vmem>> -> memref<128xi32, #tpu.memory_space<vmem>>
        %dma_wait3A_1863 = arith.constant 0 : i32
        %dma_wait3A_1864 = tpu.memref_slice %arg10[%dma_wait3A_1863] : memref<1000000xf32, #tpu.memory_space<vmem_shared>> -> memref<1000000xf32, #tpu.memory_space<vmem_shared>>
        tpu.wait_indirect_dma semaphore(%arg19 : memref<!tpu.dma_semaphore, #tpu.memory_space<semaphore_mem>>) src(%dma_wait3A_1864 : memref<1000000xf32, #tpu.memory_space<vmem_shared>>) dst(%dma_wait3A_1860 : memref<128xf32, #tpu.memory_space<vmem>>)
        %dma_wait3A_1865 = arith.constant 9344 : i32
        %dma_wait3A_1866 = tpu.memref_slice %arg14[%dma_wait3A_1865] : memref<17920xf32, #tpu.memory_space<vmem>> -> memref<128xf32, #tpu.memory_space<vmem>>
        %dma_wait3A_1867 = arith.constant 9344 : i32
        %dma_wait3A_1868 = tpu.memref_slice %arg13[%dma_wait3A_1867] : memref<17920xi32, #tpu.memory_space<vmem>> -> memref<128xi32, #tpu.memory_space<vmem>>
        %dma_wait3A_1869 = arith.constant 0 : i32
        %dma_wait3A_1870 = tpu.memref_slice %arg10[%dma_wait3A_1869] : memref<1000000xf32, #tpu.memory_space<vmem_shared>> -> memref<1000000xf32, #tpu.memory_space<vmem_shared>>
        tpu.wait_indirect_dma semaphore(%arg19 : memref<!tpu.dma_semaphore, #tpu.memory_space<semaphore_mem>>) src(%dma_wait3A_1870 : memref<1000000xf32, #tpu.memory_space<vmem_shared>>) dst(%dma_wait3A_1866 : memref<128xf32, #tpu.memory_space<vmem>>)
        %dma_wait3A_1871 = arith.constant 9472 : i32
        %dma_wait3A_1872 = tpu.memref_slice %arg14[%dma_wait3A_1871] : memref<17920xf32, #tpu.memory_space<vmem>> -> memref<128xf32, #tpu.memory_space<vmem>>
        %dma_wait3A_1873 = arith.constant 9472 : i32
        %dma_wait3A_1874 = tpu.memref_slice %arg13[%dma_wait3A_1873] : memref<17920xi32, #tpu.memory_space<vmem>> -> memref<128xi32, #tpu.memory_space<vmem>>
        %dma_wait3A_1875 = arith.constant 0 : i32
        %dma_wait3A_1876 = tpu.memref_slice %arg10[%dma_wait3A_1875] : memref<1000000xf32, #tpu.memory_space<vmem_shared>> -> memref<1000000xf32, #tpu.memory_space<vmem_shared>>
        tpu.wait_indirect_dma semaphore(%arg19 : memref<!tpu.dma_semaphore, #tpu.memory_space<semaphore_mem>>) src(%dma_wait3A_1876 : memref<1000000xf32, #tpu.memory_space<vmem_shared>>) dst(%dma_wait3A_1872 : memref<128xf32, #tpu.memory_space<vmem>>)
        %dma_wait3A_1877 = arith.constant 9600 : i32
        %dma_wait3A_1878 = tpu.memref_slice %arg14[%dma_wait3A_1877] : memref<17920xf32, #tpu.memory_space<vmem>> -> memref<128xf32, #tpu.memory_space<vmem>>
        %dma_wait3A_1879 = arith.constant 9600 : i32
        %dma_wait3A_1880 = tpu.memref_slice %arg13[%dma_wait3A_1879] : memref<17920xi32, #tpu.memory_space<vmem>> -> memref<128xi32, #tpu.memory_space<vmem>>
        %dma_wait3A_1881 = arith.constant 0 : i32
        %dma_wait3A_1882 = tpu.memref_slice %arg10[%dma_wait3A_1881] : memref<1000000xf32, #tpu.memory_space<vmem_shared>> -> memref<1000000xf32, #tpu.memory_space<vmem_shared>>
        tpu.wait_indirect_dma semaphore(%arg19 : memref<!tpu.dma_semaphore, #tpu.memory_space<semaphore_mem>>) src(%dma_wait3A_1882 : memref<1000000xf32, #tpu.memory_space<vmem_shared>>) dst(%dma_wait3A_1878 : memref<128xf32, #tpu.memory_space<vmem>>)
        %dma_wait3A_1883 = arith.constant 9728 : i32
        %dma_wait3A_1884 = tpu.memref_slice %arg14[%dma_wait3A_1883] : memref<17920xf32, #tpu.memory_space<vmem>> -> memref<128xf32, #tpu.memory_space<vmem>>
        %dma_wait3A_1885 = arith.constant 9728 : i32
        %dma_wait3A_1886 = tpu.memref_slice %arg13[%dma_wait3A_1885] : memref<17920xi32, #tpu.memory_space<vmem>> -> memref<128xi32, #tpu.memory_space<vmem>>
        %dma_wait3A_1887 = arith.constant 0 : i32
        %dma_wait3A_1888 = tpu.memref_slice %arg10[%dma_wait3A_1887] : memref<1000000xf32, #tpu.memory_space<vmem_shared>> -> memref<1000000xf32, #tpu.memory_space<vmem_shared>>
        tpu.wait_indirect_dma semaphore(%arg19 : memref<!tpu.dma_semaphore, #tpu.memory_space<semaphore_mem>>) src(%dma_wait3A_1888 : memref<1000000xf32, #tpu.memory_space<vmem_shared>>) dst(%dma_wait3A_1884 : memref<128xf32, #tpu.memory_space<vmem>>)
        %dma_wait3A_1889 = arith.constant 9856 : i32
        %dma_wait3A_1890 = tpu.memref_slice %arg14[%dma_wait3A_1889] : memref<17920xf32, #tpu.memory_space<vmem>> -> memref<128xf32, #tpu.memory_space<vmem>>
        %dma_wait3A_1891 = arith.constant 9856 : i32
        %dma_wait3A_1892 = tpu.memref_slice %arg13[%dma_wait3A_1891] : memref<17920xi32, #tpu.memory_space<vmem>> -> memref<128xi32, #tpu.memory_space<vmem>>
        %dma_wait3A_1893 = arith.constant 0 : i32
        %dma_wait3A_1894 = tpu.memref_slice %arg10[%dma_wait3A_1893] : memref<1000000xf32, #tpu.memory_space<vmem_shared>> -> memref<1000000xf32, #tpu.memory_space<vmem_shared>>
        tpu.wait_indirect_dma semaphore(%arg19 : memref<!tpu.dma_semaphore, #tpu.memory_space<semaphore_mem>>) src(%dma_wait3A_1894 : memref<1000000xf32, #tpu.memory_space<vmem_shared>>) dst(%dma_wait3A_1890 : memref<128xf32, #tpu.memory_space<vmem>>)
        %dma_wait3A_1895 = arith.constant 9984 : i32
        %dma_wait3A_1896 = tpu.memref_slice %arg14[%dma_wait3A_1895] : memref<17920xf32, #tpu.memory_space<vmem>> -> memref<128xf32, #tpu.memory_space<vmem>>
        %dma_wait3A_1897 = arith.constant 9984 : i32
        %dma_wait3A_1898 = tpu.memref_slice %arg13[%dma_wait3A_1897] : memref<17920xi32, #tpu.memory_space<vmem>> -> memref<128xi32, #tpu.memory_space<vmem>>
        %dma_wait3A_1899 = arith.constant 0 : i32
        %dma_wait3A_1900 = tpu.memref_slice %arg10[%dma_wait3A_1899] : memref<1000000xf32, #tpu.memory_space<vmem_shared>> -> memref<1000000xf32, #tpu.memory_space<vmem_shared>>
        tpu.wait_indirect_dma semaphore(%arg19 : memref<!tpu.dma_semaphore, #tpu.memory_space<semaphore_mem>>) src(%dma_wait3A_1900 : memref<1000000xf32, #tpu.memory_space<vmem_shared>>) dst(%dma_wait3A_1896 : memref<128xf32, #tpu.memory_space<vmem>>)
        %dma_wait3A_1901 = arith.constant 10112 : i32
        %dma_wait3A_1902 = tpu.memref_slice %arg14[%dma_wait3A_1901] : memref<17920xf32, #tpu.memory_space<vmem>> -> memref<128xf32, #tpu.memory_space<vmem>>
        %dma_wait3A_1903 = arith.constant 10112 : i32
        %dma_wait3A_1904 = tpu.memref_slice %arg13[%dma_wait3A_1903] : memref<17920xi32, #tpu.memory_space<vmem>> -> memref<128xi32, #tpu.memory_space<vmem>>
        %dma_wait3A_1905 = arith.constant 0 : i32
        %dma_wait3A_1906 = tpu.memref_slice %arg10[%dma_wait3A_1905] : memref<1000000xf32, #tpu.memory_space<vmem_shared>> -> memref<1000000xf32, #tpu.memory_space<vmem_shared>>
        tpu.wait_indirect_dma semaphore(%arg19 : memref<!tpu.dma_semaphore, #tpu.memory_space<semaphore_mem>>) src(%dma_wait3A_1906 : memref<1000000xf32, #tpu.memory_space<vmem_shared>>) dst(%dma_wait3A_1902 : memref<128xf32, #tpu.memory_space<vmem>>)
        %dma_wait3A_1907 = arith.constant 10240 : i32
        %dma_wait3A_1908 = tpu.memref_slice %arg14[%dma_wait3A_1907] : memref<17920xf32, #tpu.memory_space<vmem>> -> memref<128xf32, #tpu.memory_space<vmem>>
        %dma_wait3A_1909 = arith.constant 10240 : i32
        %dma_wait3A_1910 = tpu.memref_slice %arg13[%dma_wait3A_1909] : memref<17920xi32, #tpu.memory_space<vmem>> -> memref<128xi32, #tpu.memory_space<vmem>>
        %dma_wait3A_1911 = arith.constant 0 : i32
        %dma_wait3A_1912 = tpu.memref_slice %arg10[%dma_wait3A_1911] : memref<1000000xf32, #tpu.memory_space<vmem_shared>> -> memref<1000000xf32, #tpu.memory_space<vmem_shared>>
        tpu.wait_indirect_dma semaphore(%arg19 : memref<!tpu.dma_semaphore, #tpu.memory_space<semaphore_mem>>) src(%dma_wait3A_1912 : memref<1000000xf32, #tpu.memory_space<vmem_shared>>) dst(%dma_wait3A_1908 : memref<128xf32, #tpu.memory_space<vmem>>)
        %dma_wait3A_1913 = arith.constant 10368 : i32
        %dma_wait3A_1914 = tpu.memref_slice %arg14[%dma_wait3A_1913] : memref<17920xf32, #tpu.memory_space<vmem>> -> memref<128xf32, #tpu.memory_space<vmem>>
        %dma_wait3A_1915 = arith.constant 10368 : i32
        %dma_wait3A_1916 = tpu.memref_slice %arg13[%dma_wait3A_1915] : memref<17920xi32, #tpu.memory_space<vmem>> -> memref<128xi32, #tpu.memory_space<vmem>>
        %dma_wait3A_1917 = arith.constant 0 : i32
        %dma_wait3A_1918 = tpu.memref_slice %arg10[%dma_wait3A_1917] : memref<1000000xf32, #tpu.memory_space<vmem_shared>> -> memref<1000000xf32, #tpu.memory_space<vmem_shared>>
        tpu.wait_indirect_dma semaphore(%arg19 : memref<!tpu.dma_semaphore, #tpu.memory_space<semaphore_mem>>) src(%dma_wait3A_1918 : memref<1000000xf32, #tpu.memory_space<vmem_shared>>) dst(%dma_wait3A_1914 : memref<128xf32, #tpu.memory_space<vmem>>)
        %dma_wait3A_1919 = arith.constant 10496 : i32
        %dma_wait3A_1920 = tpu.memref_slice %arg14[%dma_wait3A_1919] : memref<17920xf32, #tpu.memory_space<vmem>> -> memref<128xf32, #tpu.memory_space<vmem>>
        %dma_wait3A_1921 = arith.constant 10496 : i32
        %dma_wait3A_1922 = tpu.memref_slice %arg13[%dma_wait3A_1921] : memref<17920xi32, #tpu.memory_space<vmem>> -> memref<128xi32, #tpu.memory_space<vmem>>
        %dma_wait3A_1923 = arith.constant 0 : i32
        %dma_wait3A_1924 = tpu.memref_slice %arg10[%dma_wait3A_1923] : memref<1000000xf32, #tpu.memory_space<vmem_shared>> -> memref<1000000xf32, #tpu.memory_space<vmem_shared>>
        tpu.wait_indirect_dma semaphore(%arg19 : memref<!tpu.dma_semaphore, #tpu.memory_space<semaphore_mem>>) src(%dma_wait3A_1924 : memref<1000000xf32, #tpu.memory_space<vmem_shared>>) dst(%dma_wait3A_1920 : memref<128xf32, #tpu.memory_space<vmem>>)
        %dma_wait3A_1925 = arith.constant 10624 : i32
        %dma_wait3A_1926 = tpu.memref_slice %arg14[%dma_wait3A_1925] : memref<17920xf32, #tpu.memory_space<vmem>> -> memref<128xf32, #tpu.memory_space<vmem>>
        %dma_wait3A_1927 = arith.constant 10624 : i32
        %dma_wait3A_1928 = tpu.memref_slice %arg13[%dma_wait3A_1927] : memref<17920xi32, #tpu.memory_space<vmem>> -> memref<128xi32, #tpu.memory_space<vmem>>
        %dma_wait3A_1929 = arith.constant 0 : i32
        %dma_wait3A_1930 = tpu.memref_slice %arg10[%dma_wait3A_1929] : memref<1000000xf32, #tpu.memory_space<vmem_shared>> -> memref<1000000xf32, #tpu.memory_space<vmem_shared>>
        tpu.wait_indirect_dma semaphore(%arg19 : memref<!tpu.dma_semaphore, #tpu.memory_space<semaphore_mem>>) src(%dma_wait3A_1930 : memref<1000000xf32, #tpu.memory_space<vmem_shared>>) dst(%dma_wait3A_1926 : memref<128xf32, #tpu.memory_space<vmem>>)
        %dma_wait3A_1931 = arith.constant 10752 : i32
        %dma_wait3A_1932 = tpu.memref_slice %arg14[%dma_wait3A_1931] : memref<17920xf32, #tpu.memory_space<vmem>> -> memref<128xf32, #tpu.memory_space<vmem>>
        %dma_wait3A_1933 = arith.constant 10752 : i32
        %dma_wait3A_1934 = tpu.memref_slice %arg13[%dma_wait3A_1933] : memref<17920xi32, #tpu.memory_space<vmem>> -> memref<128xi32, #tpu.memory_space<vmem>>
        %dma_wait3A_1935 = arith.constant 0 : i32
        %dma_wait3A_1936 = tpu.memref_slice %arg10[%dma_wait3A_1935] : memref<1000000xf32, #tpu.memory_space<vmem_shared>> -> memref<1000000xf32, #tpu.memory_space<vmem_shared>>
        tpu.wait_indirect_dma semaphore(%arg19 : memref<!tpu.dma_semaphore, #tpu.memory_space<semaphore_mem>>) src(%dma_wait3A_1936 : memref<1000000xf32, #tpu.memory_space<vmem_shared>>) dst(%dma_wait3A_1932 : memref<128xf32, #tpu.memory_space<vmem>>)
        %dma_wait3A_1937 = arith.constant 10880 : i32
        %dma_wait3A_1938 = tpu.memref_slice %arg14[%dma_wait3A_1937] : memref<17920xf32, #tpu.memory_space<vmem>> -> memref<128xf32, #tpu.memory_space<vmem>>
        %dma_wait3A_1939 = arith.constant 10880 : i32
        %dma_wait3A_1940 = tpu.memref_slice %arg13[%dma_wait3A_1939] : memref<17920xi32, #tpu.memory_space<vmem>> -> memref<128xi32, #tpu.memory_space<vmem>>
        %dma_wait3A_1941 = arith.constant 0 : i32
        %dma_wait3A_1942 = tpu.memref_slice %arg10[%dma_wait3A_1941] : memref<1000000xf32, #tpu.memory_space<vmem_shared>> -> memref<1000000xf32, #tpu.memory_space<vmem_shared>>
        tpu.wait_indirect_dma semaphore(%arg19 : memref<!tpu.dma_semaphore, #tpu.memory_space<semaphore_mem>>) src(%dma_wait3A_1942 : memref<1000000xf32, #tpu.memory_space<vmem_shared>>) dst(%dma_wait3A_1938 : memref<128xf32, #tpu.memory_space<vmem>>)
        %dma_wait3A_1943 = arith.constant 11008 : i32
        %dma_wait3A_1944 = tpu.memref_slice %arg14[%dma_wait3A_1943] : memref<17920xf32, #tpu.memory_space<vmem>> -> memref<128xf32, #tpu.memory_space<vmem>>
        %dma_wait3A_1945 = arith.constant 11008 : i32
        %dma_wait3A_1946 = tpu.memref_slice %arg13[%dma_wait3A_1945] : memref<17920xi32, #tpu.memory_space<vmem>> -> memref<128xi32, #tpu.memory_space<vmem>>
        %dma_wait3A_1947 = arith.constant 0 : i32
        %dma_wait3A_1948 = tpu.memref_slice %arg10[%dma_wait3A_1947] : memref<1000000xf32, #tpu.memory_space<vmem_shared>> -> memref<1000000xf32, #tpu.memory_space<vmem_shared>>
        tpu.wait_indirect_dma semaphore(%arg19 : memref<!tpu.dma_semaphore, #tpu.memory_space<semaphore_mem>>) src(%dma_wait3A_1948 : memref<1000000xf32, #tpu.memory_space<vmem_shared>>) dst(%dma_wait3A_1944 : memref<128xf32, #tpu.memory_space<vmem>>)
        %dma_wait3A_1949 = arith.constant 11136 : i32
        %dma_wait3A_1950 = tpu.memref_slice %arg14[%dma_wait3A_1949] : memref<17920xf32, #tpu.memory_space<vmem>> -> memref<128xf32, #tpu.memory_space<vmem>>
        %dma_wait3A_1951 = arith.constant 11136 : i32
        %dma_wait3A_1952 = tpu.memref_slice %arg13[%dma_wait3A_1951] : memref<17920xi32, #tpu.memory_space<vmem>> -> memref<128xi32, #tpu.memory_space<vmem>>
        %dma_wait3A_1953 = arith.constant 0 : i32
        %dma_wait3A_1954 = tpu.memref_slice %arg10[%dma_wait3A_1953] : memref<1000000xf32, #tpu.memory_space<vmem_shared>> -> memref<1000000xf32, #tpu.memory_space<vmem_shared>>
        tpu.wait_indirect_dma semaphore(%arg19 : memref<!tpu.dma_semaphore, #tpu.memory_space<semaphore_mem>>) src(%dma_wait3A_1954 : memref<1000000xf32, #tpu.memory_space<vmem_shared>>) dst(%dma_wait3A_1950 : memref<128xf32, #tpu.memory_space<vmem>>)
        %dma_wait3A_1955 = arith.constant 11264 : i32
        %dma_wait3A_1956 = tpu.memref_slice %arg14[%dma_wait3A_1955] : memref<17920xf32, #tpu.memory_space<vmem>> -> memref<128xf32, #tpu.memory_space<vmem>>
        %dma_wait3A_1957 = arith.constant 11264 : i32
        %dma_wait3A_1958 = tpu.memref_slice %arg13[%dma_wait3A_1957] : memref<17920xi32, #tpu.memory_space<vmem>> -> memref<128xi32, #tpu.memory_space<vmem>>
        %dma_wait3A_1959 = arith.constant 0 : i32
        %dma_wait3A_1960 = tpu.memref_slice %arg10[%dma_wait3A_1959] : memref<1000000xf32, #tpu.memory_space<vmem_shared>> -> memref<1000000xf32, #tpu.memory_space<vmem_shared>>
        tpu.wait_indirect_dma semaphore(%arg19 : memref<!tpu.dma_semaphore, #tpu.memory_space<semaphore_mem>>) src(%dma_wait3A_1960 : memref<1000000xf32, #tpu.memory_space<vmem_shared>>) dst(%dma_wait3A_1956 : memref<128xf32, #tpu.memory_space<vmem>>)
        %dma_wait3A_1961 = arith.constant 11392 : i32
        %dma_wait3A_1962 = tpu.memref_slice %arg14[%dma_wait3A_1961] : memref<17920xf32, #tpu.memory_space<vmem>> -> memref<128xf32, #tpu.memory_space<vmem>>
        %dma_wait3A_1963 = arith.constant 11392 : i32
        %dma_wait3A_1964 = tpu.memref_slice %arg13[%dma_wait3A_1963] : memref<17920xi32, #tpu.memory_space<vmem>> -> memref<128xi32, #tpu.memory_space<vmem>>
        %dma_wait3A_1965 = arith.constant 0 : i32
        %dma_wait3A_1966 = tpu.memref_slice %arg10[%dma_wait3A_1965] : memref<1000000xf32, #tpu.memory_space<vmem_shared>> -> memref<1000000xf32, #tpu.memory_space<vmem_shared>>
        tpu.wait_indirect_dma semaphore(%arg19 : memref<!tpu.dma_semaphore, #tpu.memory_space<semaphore_mem>>) src(%dma_wait3A_1966 : memref<1000000xf32, #tpu.memory_space<vmem_shared>>) dst(%dma_wait3A_1962 : memref<128xf32, #tpu.memory_space<vmem>>)
        %dma_wait3A_1967 = arith.constant 11520 : i32
        %dma_wait3A_1968 = tpu.memref_slice %arg14[%dma_wait3A_1967] : memref<17920xf32, #tpu.memory_space<vmem>> -> memref<128xf32, #tpu.memory_space<vmem>>
        %dma_wait3A_1969 = arith.constant 11520 : i32
        %dma_wait3A_1970 = tpu.memref_slice %arg13[%dma_wait3A_1969] : memref<17920xi32, #tpu.memory_space<vmem>> -> memref<128xi32, #tpu.memory_space<vmem>>
        %dma_wait3A_1971 = arith.constant 0 : i32
        %dma_wait3A_1972 = tpu.memref_slice %arg10[%dma_wait3A_1971] : memref<1000000xf32, #tpu.memory_space<vmem_shared>> -> memref<1000000xf32, #tpu.memory_space<vmem_shared>>
        tpu.wait_indirect_dma semaphore(%arg19 : memref<!tpu.dma_semaphore, #tpu.memory_space<semaphore_mem>>) src(%dma_wait3A_1972 : memref<1000000xf32, #tpu.memory_space<vmem_shared>>) dst(%dma_wait3A_1968 : memref<128xf32, #tpu.memory_space<vmem>>)
        %dma_wait3A_1973 = arith.constant 11648 : i32
        %dma_wait3A_1974 = tpu.memref_slice %arg14[%dma_wait3A_1973] : memref<17920xf32, #tpu.memory_space<vmem>> -> memref<128xf32, #tpu.memory_space<vmem>>
        %dma_wait3A_1975 = arith.constant 11648 : i32
        %dma_wait3A_1976 = tpu.memref_slice %arg13[%dma_wait3A_1975] : memref<17920xi32, #tpu.memory_space<vmem>> -> memref<128xi32, #tpu.memory_space<vmem>>
        %dma_wait3A_1977 = arith.constant 0 : i32
        %dma_wait3A_1978 = tpu.memref_slice %arg10[%dma_wait3A_1977] : memref<1000000xf32, #tpu.memory_space<vmem_shared>> -> memref<1000000xf32, #tpu.memory_space<vmem_shared>>
        tpu.wait_indirect_dma semaphore(%arg19 : memref<!tpu.dma_semaphore, #tpu.memory_space<semaphore_mem>>) src(%dma_wait3A_1978 : memref<1000000xf32, #tpu.memory_space<vmem_shared>>) dst(%dma_wait3A_1974 : memref<128xf32, #tpu.memory_space<vmem>>)
        %dma_wait3A_1979 = arith.constant 11776 : i32
        %dma_wait3A_1980 = tpu.memref_slice %arg14[%dma_wait3A_1979] : memref<17920xf32, #tpu.memory_space<vmem>> -> memref<128xf32, #tpu.memory_space<vmem>>
        %dma_wait3A_1981 = arith.constant 11776 : i32
        %dma_wait3A_1982 = tpu.memref_slice %arg13[%dma_wait3A_1981] : memref<17920xi32, #tpu.memory_space<vmem>> -> memref<128xi32, #tpu.memory_space<vmem>>
        %dma_wait3A_1983 = arith.constant 0 : i32
        %dma_wait3A_1984 = tpu.memref_slice %arg10[%dma_wait3A_1983] : memref<1000000xf32, #tpu.memory_space<vmem_shared>> -> memref<1000000xf32, #tpu.memory_space<vmem_shared>>
        tpu.wait_indirect_dma semaphore(%arg19 : memref<!tpu.dma_semaphore, #tpu.memory_space<semaphore_mem>>) src(%dma_wait3A_1984 : memref<1000000xf32, #tpu.memory_space<vmem_shared>>) dst(%dma_wait3A_1980 : memref<128xf32, #tpu.memory_space<vmem>>)
        %dma_wait3A_1985 = arith.constant 11904 : i32
        %dma_wait3A_1986 = tpu.memref_slice %arg14[%dma_wait3A_1985] : memref<17920xf32, #tpu.memory_space<vmem>> -> memref<128xf32, #tpu.memory_space<vmem>>
        %dma_wait3A_1987 = arith.constant 11904 : i32
        %dma_wait3A_1988 = tpu.memref_slice %arg13[%dma_wait3A_1987] : memref<17920xi32, #tpu.memory_space<vmem>> -> memref<128xi32, #tpu.memory_space<vmem>>
        %dma_wait3A_1989 = arith.constant 0 : i32
        %dma_wait3A_1990 = tpu.memref_slice %arg10[%dma_wait3A_1989] : memref<1000000xf32, #tpu.memory_space<vmem_shared>> -> memref<1000000xf32, #tpu.memory_space<vmem_shared>>
        tpu.wait_indirect_dma semaphore(%arg19 : memref<!tpu.dma_semaphore, #tpu.memory_space<semaphore_mem>>) src(%dma_wait3A_1990 : memref<1000000xf32, #tpu.memory_space<vmem_shared>>) dst(%dma_wait3A_1986 : memref<128xf32, #tpu.memory_space<vmem>>)
        %dma_wait3A_1991 = arith.constant 12032 : i32
        %dma_wait3A_1992 = tpu.memref_slice %arg14[%dma_wait3A_1991] : memref<17920xf32, #tpu.memory_space<vmem>> -> memref<128xf32, #tpu.memory_space<vmem>>
        %dma_wait3A_1993 = arith.constant 12032 : i32
        %dma_wait3A_1994 = tpu.memref_slice %arg13[%dma_wait3A_1993] : memref<17920xi32, #tpu.memory_space<vmem>> -> memref<128xi32, #tpu.memory_space<vmem>>
        %dma_wait3A_1995 = arith.constant 0 : i32
        %dma_wait3A_1996 = tpu.memref_slice %arg10[%dma_wait3A_1995] : memref<1000000xf32, #tpu.memory_space<vmem_shared>> -> memref<1000000xf32, #tpu.memory_space<vmem_shared>>
        tpu.wait_indirect_dma semaphore(%arg19 : memref<!tpu.dma_semaphore, #tpu.memory_space<semaphore_mem>>) src(%dma_wait3A_1996 : memref<1000000xf32, #tpu.memory_space<vmem_shared>>) dst(%dma_wait3A_1992 : memref<128xf32, #tpu.memory_space<vmem>>)
        %dma_wait3A_1997 = arith.constant 12160 : i32
        %dma_wait3A_1998 = tpu.memref_slice %arg14[%dma_wait3A_1997] : memref<17920xf32, #tpu.memory_space<vmem>> -> memref<128xf32, #tpu.memory_space<vmem>>
        %dma_wait3A_1999 = arith.constant 12160 : i32
        %dma_wait3A_2000 = tpu.memref_slice %arg13[%dma_wait3A_1999] : memref<17920xi32, #tpu.memory_space<vmem>> -> memref<128xi32, #tpu.memory_space<vmem>>
        %dma_wait3A_2001 = arith.constant 0 : i32
        %dma_wait3A_2002 = tpu.memref_slice %arg10[%dma_wait3A_2001] : memref<1000000xf32, #tpu.memory_space<vmem_shared>> -> memref<1000000xf32, #tpu.memory_space<vmem_shared>>
        tpu.wait_indirect_dma semaphore(%arg19 : memref<!tpu.dma_semaphore, #tpu.memory_space<semaphore_mem>>) src(%dma_wait3A_2002 : memref<1000000xf32, #tpu.memory_space<vmem_shared>>) dst(%dma_wait3A_1998 : memref<128xf32, #tpu.memory_space<vmem>>)
        %dma_wait3A_2003 = arith.constant 12288 : i32
        %dma_wait3A_2004 = tpu.memref_slice %arg14[%dma_wait3A_2003] : memref<17920xf32, #tpu.memory_space<vmem>> -> memref<128xf32, #tpu.memory_space<vmem>>
        %dma_wait3A_2005 = arith.constant 12288 : i32
        %dma_wait3A_2006 = tpu.memref_slice %arg13[%dma_wait3A_2005] : memref<17920xi32, #tpu.memory_space<vmem>> -> memref<128xi32, #tpu.memory_space<vmem>>
        %dma_wait3A_2007 = arith.constant 0 : i32
        %dma_wait3A_2008 = tpu.memref_slice %arg10[%dma_wait3A_2007] : memref<1000000xf32, #tpu.memory_space<vmem_shared>> -> memref<1000000xf32, #tpu.memory_space<vmem_shared>>
        tpu.wait_indirect_dma semaphore(%arg19 : memref<!tpu.dma_semaphore, #tpu.memory_space<semaphore_mem>>) src(%dma_wait3A_2008 : memref<1000000xf32, #tpu.memory_space<vmem_shared>>) dst(%dma_wait3A_2004 : memref<128xf32, #tpu.memory_space<vmem>>)
        %dma_wait3A_2009 = arith.constant 12416 : i32
        %dma_wait3A_2010 = tpu.memref_slice %arg14[%dma_wait3A_2009] : memref<17920xf32, #tpu.memory_space<vmem>> -> memref<128xf32, #tpu.memory_space<vmem>>
        %dma_wait3A_2011 = arith.constant 12416 : i32
        %dma_wait3A_2012 = tpu.memref_slice %arg13[%dma_wait3A_2011] : memref<17920xi32, #tpu.memory_space<vmem>> -> memref<128xi32, #tpu.memory_space<vmem>>
        %dma_wait3A_2013 = arith.constant 0 : i32
        %dma_wait3A_2014 = tpu.memref_slice %arg10[%dma_wait3A_2013] : memref<1000000xf32, #tpu.memory_space<vmem_shared>> -> memref<1000000xf32, #tpu.memory_space<vmem_shared>>
        tpu.wait_indirect_dma semaphore(%arg19 : memref<!tpu.dma_semaphore, #tpu.memory_space<semaphore_mem>>) src(%dma_wait3A_2014 : memref<1000000xf32, #tpu.memory_space<vmem_shared>>) dst(%dma_wait3A_2010 : memref<128xf32, #tpu.memory_space<vmem>>)
        %dma_wait3A_2015 = arith.constant 12544 : i32
        %dma_wait3A_2016 = tpu.memref_slice %arg14[%dma_wait3A_2015] : memref<17920xf32, #tpu.memory_space<vmem>> -> memref<128xf32, #tpu.memory_space<vmem>>
        %dma_wait3A_2017 = arith.constant 12544 : i32
        %dma_wait3A_2018 = tpu.memref_slice %arg13[%dma_wait3A_2017] : memref<17920xi32, #tpu.memory_space<vmem>> -> memref<128xi32, #tpu.memory_space<vmem>>
        %dma_wait3A_2019 = arith.constant 0 : i32
        %dma_wait3A_2020 = tpu.memref_slice %arg10[%dma_wait3A_2019] : memref<1000000xf32, #tpu.memory_space<vmem_shared>> -> memref<1000000xf32, #tpu.memory_space<vmem_shared>>
        tpu.wait_indirect_dma semaphore(%arg19 : memref<!tpu.dma_semaphore, #tpu.memory_space<semaphore_mem>>) src(%dma_wait3A_2020 : memref<1000000xf32, #tpu.memory_space<vmem_shared>>) dst(%dma_wait3A_2016 : memref<128xf32, #tpu.memory_space<vmem>>)
        %dma_wait3A_2021 = arith.constant 12672 : i32
        %dma_wait3A_2022 = tpu.memref_slice %arg14[%dma_wait3A_2021] : memref<17920xf32, #tpu.memory_space<vmem>> -> memref<128xf32, #tpu.memory_space<vmem>>
        %dma_wait3A_2023 = arith.constant 12672 : i32
        %dma_wait3A_2024 = tpu.memref_slice %arg13[%dma_wait3A_2023] : memref<17920xi32, #tpu.memory_space<vmem>> -> memref<128xi32, #tpu.memory_space<vmem>>
        %dma_wait3A_2025 = arith.constant 0 : i32
        %dma_wait3A_2026 = tpu.memref_slice %arg10[%dma_wait3A_2025] : memref<1000000xf32, #tpu.memory_space<vmem_shared>> -> memref<1000000xf32, #tpu.memory_space<vmem_shared>>
        tpu.wait_indirect_dma semaphore(%arg19 : memref<!tpu.dma_semaphore, #tpu.memory_space<semaphore_mem>>) src(%dma_wait3A_2026 : memref<1000000xf32, #tpu.memory_space<vmem_shared>>) dst(%dma_wait3A_2022 : memref<128xf32, #tpu.memory_space<vmem>>)
        %dma_wait3A_2027 = arith.constant 12800 : i32
        %dma_wait3A_2028 = tpu.memref_slice %arg14[%dma_wait3A_2027] : memref<17920xf32, #tpu.memory_space<vmem>> -> memref<128xf32, #tpu.memory_space<vmem>>
        %dma_wait3A_2029 = arith.constant 12800 : i32
        %dma_wait3A_2030 = tpu.memref_slice %arg13[%dma_wait3A_2029] : memref<17920xi32, #tpu.memory_space<vmem>> -> memref<128xi32, #tpu.memory_space<vmem>>
        %dma_wait3A_2031 = arith.constant 0 : i32
        %dma_wait3A_2032 = tpu.memref_slice %arg10[%dma_wait3A_2031] : memref<1000000xf32, #tpu.memory_space<vmem_shared>> -> memref<1000000xf32, #tpu.memory_space<vmem_shared>>
        tpu.wait_indirect_dma semaphore(%arg19 : memref<!tpu.dma_semaphore, #tpu.memory_space<semaphore_mem>>) src(%dma_wait3A_2032 : memref<1000000xf32, #tpu.memory_space<vmem_shared>>) dst(%dma_wait3A_2028 : memref<128xf32, #tpu.memory_space<vmem>>)
        %dma_wait3A_2033 = arith.constant 12928 : i32
        %dma_wait3A_2034 = tpu.memref_slice %arg14[%dma_wait3A_2033] : memref<17920xf32, #tpu.memory_space<vmem>> -> memref<128xf32, #tpu.memory_space<vmem>>
        %dma_wait3A_2035 = arith.constant 12928 : i32
        %dma_wait3A_2036 = tpu.memref_slice %arg13[%dma_wait3A_2035] : memref<17920xi32, #tpu.memory_space<vmem>> -> memref<128xi32, #tpu.memory_space<vmem>>
        %dma_wait3A_2037 = arith.constant 0 : i32
        %dma_wait3A_2038 = tpu.memref_slice %arg10[%dma_wait3A_2037] : memref<1000000xf32, #tpu.memory_space<vmem_shared>> -> memref<1000000xf32, #tpu.memory_space<vmem_shared>>
        tpu.wait_indirect_dma semaphore(%arg19 : memref<!tpu.dma_semaphore, #tpu.memory_space<semaphore_mem>>) src(%dma_wait3A_2038 : memref<1000000xf32, #tpu.memory_space<vmem_shared>>) dst(%dma_wait3A_2034 : memref<128xf32, #tpu.memory_space<vmem>>)
        %dma_wait3A_2039 = arith.constant 13056 : i32
        %dma_wait3A_2040 = tpu.memref_slice %arg14[%dma_wait3A_2039] : memref<17920xf32, #tpu.memory_space<vmem>> -> memref<128xf32, #tpu.memory_space<vmem>>
        %dma_wait3A_2041 = arith.constant 13056 : i32
        %dma_wait3A_2042 = tpu.memref_slice %arg13[%dma_wait3A_2041] : memref<17920xi32, #tpu.memory_space<vmem>> -> memref<128xi32, #tpu.memory_space<vmem>>
        %dma_wait3A_2043 = arith.constant 0 : i32
        %dma_wait3A_2044 = tpu.memref_slice %arg10[%dma_wait3A_2043] : memref<1000000xf32, #tpu.memory_space<vmem_shared>> -> memref<1000000xf32, #tpu.memory_space<vmem_shared>>
        tpu.wait_indirect_dma semaphore(%arg19 : memref<!tpu.dma_semaphore, #tpu.memory_space<semaphore_mem>>) src(%dma_wait3A_2044 : memref<1000000xf32, #tpu.memory_space<vmem_shared>>) dst(%dma_wait3A_2040 : memref<128xf32, #tpu.memory_space<vmem>>)
        %dma_wait3A_2045 = arith.constant 13184 : i32
        %dma_wait3A_2046 = tpu.memref_slice %arg14[%dma_wait3A_2045] : memref<17920xf32, #tpu.memory_space<vmem>> -> memref<128xf32, #tpu.memory_space<vmem>>
        %dma_wait3A_2047 = arith.constant 13184 : i32
        %dma_wait3A_2048 = tpu.memref_slice %arg13[%dma_wait3A_2047] : memref<17920xi32, #tpu.memory_space<vmem>> -> memref<128xi32, #tpu.memory_space<vmem>>
        %dma_wait3A_2049 = arith.constant 0 : i32
        %dma_wait3A_2050 = tpu.memref_slice %arg10[%dma_wait3A_2049] : memref<1000000xf32, #tpu.memory_space<vmem_shared>> -> memref<1000000xf32, #tpu.memory_space<vmem_shared>>
        tpu.wait_indirect_dma semaphore(%arg19 : memref<!tpu.dma_semaphore, #tpu.memory_space<semaphore_mem>>) src(%dma_wait3A_2050 : memref<1000000xf32, #tpu.memory_space<vmem_shared>>) dst(%dma_wait3A_2046 : memref<128xf32, #tpu.memory_space<vmem>>)
        %dma_wait3A_2051 = arith.constant 13312 : i32
        %dma_wait3A_2052 = tpu.memref_slice %arg14[%dma_wait3A_2051] : memref<17920xf32, #tpu.memory_space<vmem>> -> memref<128xf32, #tpu.memory_space<vmem>>
        %dma_wait3A_2053 = arith.constant 13312 : i32
        %dma_wait3A_2054 = tpu.memref_slice %arg13[%dma_wait3A_2053] : memref<17920xi32, #tpu.memory_space<vmem>> -> memref<128xi32, #tpu.memory_space<vmem>>
        %dma_wait3A_2055 = arith.constant 0 : i32
        %dma_wait3A_2056 = tpu.memref_slice %arg10[%dma_wait3A_2055] : memref<1000000xf32, #tpu.memory_space<vmem_shared>> -> memref<1000000xf32, #tpu.memory_space<vmem_shared>>
        tpu.wait_indirect_dma semaphore(%arg19 : memref<!tpu.dma_semaphore, #tpu.memory_space<semaphore_mem>>) src(%dma_wait3A_2056 : memref<1000000xf32, #tpu.memory_space<vmem_shared>>) dst(%dma_wait3A_2052 : memref<128xf32, #tpu.memory_space<vmem>>)
        %dma_wait3A_2057 = arith.constant 13440 : i32
        %dma_wait3A_2058 = tpu.memref_slice %arg14[%dma_wait3A_2057] : memref<17920xf32, #tpu.memory_space<vmem>> -> memref<128xf32, #tpu.memory_space<vmem>>
        %dma_wait3A_2059 = arith.constant 13440 : i32
        %dma_wait3A_2060 = tpu.memref_slice %arg13[%dma_wait3A_2059] : memref<17920xi32, #tpu.memory_space<vmem>> -> memref<128xi32, #tpu.memory_space<vmem>>
        %dma_wait3A_2061 = arith.constant 0 : i32
        %dma_wait3A_2062 = tpu.memref_slice %arg10[%dma_wait3A_2061] : memref<1000000xf32, #tpu.memory_space<vmem_shared>> -> memref<1000000xf32, #tpu.memory_space<vmem_shared>>
        tpu.wait_indirect_dma semaphore(%arg19 : memref<!tpu.dma_semaphore, #tpu.memory_space<semaphore_mem>>) src(%dma_wait3A_2062 : memref<1000000xf32, #tpu.memory_space<vmem_shared>>) dst(%dma_wait3A_2058 : memref<128xf32, #tpu.memory_space<vmem>>)
        %dma_wait3A_2063 = arith.constant 13568 : i32
        %dma_wait3A_2064 = tpu.memref_slice %arg14[%dma_wait3A_2063] : memref<17920xf32, #tpu.memory_space<vmem>> -> memref<128xf32, #tpu.memory_space<vmem>>
        %dma_wait3A_2065 = arith.constant 13568 : i32
        %dma_wait3A_2066 = tpu.memref_slice %arg13[%dma_wait3A_2065] : memref<17920xi32, #tpu.memory_space<vmem>> -> memref<128xi32, #tpu.memory_space<vmem>>
        %dma_wait3A_2067 = arith.constant 0 : i32
        %dma_wait3A_2068 = tpu.memref_slice %arg10[%dma_wait3A_2067] : memref<1000000xf32, #tpu.memory_space<vmem_shared>> -> memref<1000000xf32, #tpu.memory_space<vmem_shared>>
        tpu.wait_indirect_dma semaphore(%arg19 : memref<!tpu.dma_semaphore, #tpu.memory_space<semaphore_mem>>) src(%dma_wait3A_2068 : memref<1000000xf32, #tpu.memory_space<vmem_shared>>) dst(%dma_wait3A_2064 : memref<128xf32, #tpu.memory_space<vmem>>)
        %dma_wait3A_2069 = arith.constant 13696 : i32
        %dma_wait3A_2070 = tpu.memref_slice %arg14[%dma_wait3A_2069] : memref<17920xf32, #tpu.memory_space<vmem>> -> memref<128xf32, #tpu.memory_space<vmem>>
        %dma_wait3A_2071 = arith.constant 13696 : i32
        %dma_wait3A_2072 = tpu.memref_slice %arg13[%dma_wait3A_2071] : memref<17920xi32, #tpu.memory_space<vmem>> -> memref<128xi32, #tpu.memory_space<vmem>>
        %dma_wait3A_2073 = arith.constant 0 : i32
        %dma_wait3A_2074 = tpu.memref_slice %arg10[%dma_wait3A_2073] : memref<1000000xf32, #tpu.memory_space<vmem_shared>> -> memref<1000000xf32, #tpu.memory_space<vmem_shared>>
        tpu.wait_indirect_dma semaphore(%arg19 : memref<!tpu.dma_semaphore, #tpu.memory_space<semaphore_mem>>) src(%dma_wait3A_2074 : memref<1000000xf32, #tpu.memory_space<vmem_shared>>) dst(%dma_wait3A_2070 : memref<128xf32, #tpu.memory_space<vmem>>)
        %dma_wait3A_2075 = arith.constant 13824 : i32
        %dma_wait3A_2076 = tpu.memref_slice %arg14[%dma_wait3A_2075] : memref<17920xf32, #tpu.memory_space<vmem>> -> memref<128xf32, #tpu.memory_space<vmem>>
        %dma_wait3A_2077 = arith.constant 13824 : i32
        %dma_wait3A_2078 = tpu.memref_slice %arg13[%dma_wait3A_2077] : memref<17920xi32, #tpu.memory_space<vmem>> -> memref<128xi32, #tpu.memory_space<vmem>>
        %dma_wait3A_2079 = arith.constant 0 : i32
        %dma_wait3A_2080 = tpu.memref_slice %arg10[%dma_wait3A_2079] : memref<1000000xf32, #tpu.memory_space<vmem_shared>> -> memref<1000000xf32, #tpu.memory_space<vmem_shared>>
        tpu.wait_indirect_dma semaphore(%arg19 : memref<!tpu.dma_semaphore, #tpu.memory_space<semaphore_mem>>) src(%dma_wait3A_2080 : memref<1000000xf32, #tpu.memory_space<vmem_shared>>) dst(%dma_wait3A_2076 : memref<128xf32, #tpu.memory_space<vmem>>)
        %dma_wait3A_2081 = arith.constant 13952 : i32
        %dma_wait3A_2082 = tpu.memref_slice %arg14[%dma_wait3A_2081] : memref<17920xf32, #tpu.memory_space<vmem>> -> memref<128xf32, #tpu.memory_space<vmem>>
        %dma_wait3A_2083 = arith.constant 13952 : i32
        %dma_wait3A_2084 = tpu.memref_slice %arg13[%dma_wait3A_2083] : memref<17920xi32, #tpu.memory_space<vmem>> -> memref<128xi32, #tpu.memory_space<vmem>>
        %dma_wait3A_2085 = arith.constant 0 : i32
        %dma_wait3A_2086 = tpu.memref_slice %arg10[%dma_wait3A_2085] : memref<1000000xf32, #tpu.memory_space<vmem_shared>> -> memref<1000000xf32, #tpu.memory_space<vmem_shared>>
        tpu.wait_indirect_dma semaphore(%arg19 : memref<!tpu.dma_semaphore, #tpu.memory_space<semaphore_mem>>) src(%dma_wait3A_2086 : memref<1000000xf32, #tpu.memory_space<vmem_shared>>) dst(%dma_wait3A_2082 : memref<128xf32, #tpu.memory_space<vmem>>)
        %dma_wait3A_2087 = arith.constant 14080 : i32
        %dma_wait3A_2088 = tpu.memref_slice %arg14[%dma_wait3A_2087] : memref<17920xf32, #tpu.memory_space<vmem>> -> memref<128xf32, #tpu.memory_space<vmem>>
        %dma_wait3A_2089 = arith.constant 14080 : i32
        %dma_wait3A_2090 = tpu.memref_slice %arg13[%dma_wait3A_2089] : memref<17920xi32, #tpu.memory_space<vmem>> -> memref<128xi32, #tpu.memory_space<vmem>>
        %dma_wait3A_2091 = arith.constant 0 : i32
        %dma_wait3A_2092 = tpu.memref_slice %arg10[%dma_wait3A_2091] : memref<1000000xf32, #tpu.memory_space<vmem_shared>> -> memref<1000000xf32, #tpu.memory_space<vmem_shared>>
        tpu.wait_indirect_dma semaphore(%arg19 : memref<!tpu.dma_semaphore, #tpu.memory_space<semaphore_mem>>) src(%dma_wait3A_2092 : memref<1000000xf32, #tpu.memory_space<vmem_shared>>) dst(%dma_wait3A_2088 : memref<128xf32, #tpu.memory_space<vmem>>)
        %dma_wait3A_2093 = arith.constant 14208 : i32
        %dma_wait3A_2094 = tpu.memref_slice %arg14[%dma_wait3A_2093] : memref<17920xf32, #tpu.memory_space<vmem>> -> memref<128xf32, #tpu.memory_space<vmem>>
        %dma_wait3A_2095 = arith.constant 14208 : i32
        %dma_wait3A_2096 = tpu.memref_slice %arg13[%dma_wait3A_2095] : memref<17920xi32, #tpu.memory_space<vmem>> -> memref<128xi32, #tpu.memory_space<vmem>>
        %dma_wait3A_2097 = arith.constant 0 : i32
        %dma_wait3A_2098 = tpu.memref_slice %arg10[%dma_wait3A_2097] : memref<1000000xf32, #tpu.memory_space<vmem_shared>> -> memref<1000000xf32, #tpu.memory_space<vmem_shared>>
        tpu.wait_indirect_dma semaphore(%arg19 : memref<!tpu.dma_semaphore, #tpu.memory_space<semaphore_mem>>) src(%dma_wait3A_2098 : memref<1000000xf32, #tpu.memory_space<vmem_shared>>) dst(%dma_wait3A_2094 : memref<128xf32, #tpu.memory_space<vmem>>)
        %dma_wait3A_2099 = arith.constant 14336 : i32
        %dma_wait3A_2100 = tpu.memref_slice %arg14[%dma_wait3A_2099] : memref<17920xf32, #tpu.memory_space<vmem>> -> memref<128xf32, #tpu.memory_space<vmem>>
        %dma_wait3A_2101 = arith.constant 14336 : i32
        %dma_wait3A_2102 = tpu.memref_slice %arg13[%dma_wait3A_2101] : memref<17920xi32, #tpu.memory_space<vmem>> -> memref<128xi32, #tpu.memory_space<vmem>>
        %dma_wait3A_2103 = arith.constant 0 : i32
        %dma_wait3A_2104 = tpu.memref_slice %arg10[%dma_wait3A_2103] : memref<1000000xf32, #tpu.memory_space<vmem_shared>> -> memref<1000000xf32, #tpu.memory_space<vmem_shared>>
        tpu.wait_indirect_dma semaphore(%arg19 : memref<!tpu.dma_semaphore, #tpu.memory_space<semaphore_mem>>) src(%dma_wait3A_2104 : memref<1000000xf32, #tpu.memory_space<vmem_shared>>) dst(%dma_wait3A_2100 : memref<128xf32, #tpu.memory_space<vmem>>)
        %dma_wait3A_2105 = arith.constant 14464 : i32
        %dma_wait3A_2106 = tpu.memref_slice %arg14[%dma_wait3A_2105] : memref<17920xf32, #tpu.memory_space<vmem>> -> memref<128xf32, #tpu.memory_space<vmem>>
        %dma_wait3A_2107 = arith.constant 14464 : i32
        %dma_wait3A_2108 = tpu.memref_slice %arg13[%dma_wait3A_2107] : memref<17920xi32, #tpu.memory_space<vmem>> -> memref<128xi32, #tpu.memory_space<vmem>>
        %dma_wait3A_2109 = arith.constant 0 : i32
        %dma_wait3A_2110 = tpu.memref_slice %arg10[%dma_wait3A_2109] : memref<1000000xf32, #tpu.memory_space<vmem_shared>> -> memref<1000000xf32, #tpu.memory_space<vmem_shared>>
        tpu.wait_indirect_dma semaphore(%arg19 : memref<!tpu.dma_semaphore, #tpu.memory_space<semaphore_mem>>) src(%dma_wait3A_2110 : memref<1000000xf32, #tpu.memory_space<vmem_shared>>) dst(%dma_wait3A_2106 : memref<128xf32, #tpu.memory_space<vmem>>)
        %dma_wait3A_2111 = arith.constant 14592 : i32
        %dma_wait3A_2112 = tpu.memref_slice %arg14[%dma_wait3A_2111] : memref<17920xf32, #tpu.memory_space<vmem>> -> memref<128xf32, #tpu.memory_space<vmem>>
        %dma_wait3A_2113 = arith.constant 14592 : i32
        %dma_wait3A_2114 = tpu.memref_slice %arg13[%dma_wait3A_2113] : memref<17920xi32, #tpu.memory_space<vmem>> -> memref<128xi32, #tpu.memory_space<vmem>>
        %dma_wait3A_2115 = arith.constant 0 : i32
        %dma_wait3A_2116 = tpu.memref_slice %arg10[%dma_wait3A_2115] : memref<1000000xf32, #tpu.memory_space<vmem_shared>> -> memref<1000000xf32, #tpu.memory_space<vmem_shared>>
        tpu.wait_indirect_dma semaphore(%arg19 : memref<!tpu.dma_semaphore, #tpu.memory_space<semaphore_mem>>) src(%dma_wait3A_2116 : memref<1000000xf32, #tpu.memory_space<vmem_shared>>) dst(%dma_wait3A_2112 : memref<128xf32, #tpu.memory_space<vmem>>)
        %dma_wait3A_2117 = arith.constant 14720 : i32
        %dma_wait3A_2118 = tpu.memref_slice %arg14[%dma_wait3A_2117] : memref<17920xf32, #tpu.memory_space<vmem>> -> memref<128xf32, #tpu.memory_space<vmem>>
        %dma_wait3A_2119 = arith.constant 14720 : i32
        %dma_wait3A_2120 = tpu.memref_slice %arg13[%dma_wait3A_2119] : memref<17920xi32, #tpu.memory_space<vmem>> -> memref<128xi32, #tpu.memory_space<vmem>>
        %dma_wait3A_2121 = arith.constant 0 : i32
        %dma_wait3A_2122 = tpu.memref_slice %arg10[%dma_wait3A_2121] : memref<1000000xf32, #tpu.memory_space<vmem_shared>> -> memref<1000000xf32, #tpu.memory_space<vmem_shared>>
        tpu.wait_indirect_dma semaphore(%arg19 : memref<!tpu.dma_semaphore, #tpu.memory_space<semaphore_mem>>) src(%dma_wait3A_2122 : memref<1000000xf32, #tpu.memory_space<vmem_shared>>) dst(%dma_wait3A_2118 : memref<128xf32, #tpu.memory_space<vmem>>)
        %dma_wait3A_2123 = arith.constant 14848 : i32
        %dma_wait3A_2124 = tpu.memref_slice %arg14[%dma_wait3A_2123] : memref<17920xf32, #tpu.memory_space<vmem>> -> memref<128xf32, #tpu.memory_space<vmem>>
        %dma_wait3A_2125 = arith.constant 14848 : i32
        %dma_wait3A_2126 = tpu.memref_slice %arg13[%dma_wait3A_2125] : memref<17920xi32, #tpu.memory_space<vmem>> -> memref<128xi32, #tpu.memory_space<vmem>>
        %dma_wait3A_2127 = arith.constant 0 : i32
        %dma_wait3A_2128 = tpu.memref_slice %arg10[%dma_wait3A_2127] : memref<1000000xf32, #tpu.memory_space<vmem_shared>> -> memref<1000000xf32, #tpu.memory_space<vmem_shared>>
        tpu.wait_indirect_dma semaphore(%arg19 : memref<!tpu.dma_semaphore, #tpu.memory_space<semaphore_mem>>) src(%dma_wait3A_2128 : memref<1000000xf32, #tpu.memory_space<vmem_shared>>) dst(%dma_wait3A_2124 : memref<128xf32, #tpu.memory_space<vmem>>)
        %dma_wait3A_2129 = arith.constant 14976 : i32
        %dma_wait3A_2130 = tpu.memref_slice %arg14[%dma_wait3A_2129] : memref<17920xf32, #tpu.memory_space<vmem>> -> memref<128xf32, #tpu.memory_space<vmem>>
        %dma_wait3A_2131 = arith.constant 14976 : i32
        %dma_wait3A_2132 = tpu.memref_slice %arg13[%dma_wait3A_2131] : memref<17920xi32, #tpu.memory_space<vmem>> -> memref<128xi32, #tpu.memory_space<vmem>>
        %dma_wait3A_2133 = arith.constant 0 : i32
        %dma_wait3A_2134 = tpu.memref_slice %arg10[%dma_wait3A_2133] : memref<1000000xf32, #tpu.memory_space<vmem_shared>> -> memref<1000000xf32, #tpu.memory_space<vmem_shared>>
        tpu.wait_indirect_dma semaphore(%arg19 : memref<!tpu.dma_semaphore, #tpu.memory_space<semaphore_mem>>) src(%dma_wait3A_2134 : memref<1000000xf32, #tpu.memory_space<vmem_shared>>) dst(%dma_wait3A_2130 : memref<128xf32, #tpu.memory_space<vmem>>)
        %dma_wait3A_2135 = arith.constant 15104 : i32
        %dma_wait3A_2136 = tpu.memref_slice %arg14[%dma_wait3A_2135] : memref<17920xf32, #tpu.memory_space<vmem>> -> memref<128xf32, #tpu.memory_space<vmem>>
        %dma_wait3A_2137 = arith.constant 15104 : i32
        %dma_wait3A_2138 = tpu.memref_slice %arg13[%dma_wait3A_2137] : memref<17920xi32, #tpu.memory_space<vmem>> -> memref<128xi32, #tpu.memory_space<vmem>>
        %dma_wait3A_2139 = arith.constant 0 : i32
        %dma_wait3A_2140 = tpu.memref_slice %arg10[%dma_wait3A_2139] : memref<1000000xf32, #tpu.memory_space<vmem_shared>> -> memref<1000000xf32, #tpu.memory_space<vmem_shared>>
        tpu.wait_indirect_dma semaphore(%arg19 : memref<!tpu.dma_semaphore, #tpu.memory_space<semaphore_mem>>) src(%dma_wait3A_2140 : memref<1000000xf32, #tpu.memory_space<vmem_shared>>) dst(%dma_wait3A_2136 : memref<128xf32, #tpu.memory_space<vmem>>)
        %dma_wait3A_2141 = arith.constant 15232 : i32
        %dma_wait3A_2142 = tpu.memref_slice %arg14[%dma_wait3A_2141] : memref<17920xf32, #tpu.memory_space<vmem>> -> memref<128xf32, #tpu.memory_space<vmem>>
        %dma_wait3A_2143 = arith.constant 15232 : i32
        %dma_wait3A_2144 = tpu.memref_slice %arg13[%dma_wait3A_2143] : memref<17920xi32, #tpu.memory_space<vmem>> -> memref<128xi32, #tpu.memory_space<vmem>>
        %dma_wait3A_2145 = arith.constant 0 : i32
        %dma_wait3A_2146 = tpu.memref_slice %arg10[%dma_wait3A_2145] : memref<1000000xf32, #tpu.memory_space<vmem_shared>> -> memref<1000000xf32, #tpu.memory_space<vmem_shared>>
        tpu.wait_indirect_dma semaphore(%arg19 : memref<!tpu.dma_semaphore, #tpu.memory_space<semaphore_mem>>) src(%dma_wait3A_2146 : memref<1000000xf32, #tpu.memory_space<vmem_shared>>) dst(%dma_wait3A_2142 : memref<128xf32, #tpu.memory_space<vmem>>)
        %dma_wait3A_2147 = arith.constant 15360 : i32
        %dma_wait3A_2148 = tpu.memref_slice %arg14[%dma_wait3A_2147] : memref<17920xf32, #tpu.memory_space<vmem>> -> memref<128xf32, #tpu.memory_space<vmem>>
        %dma_wait3A_2149 = arith.constant 15360 : i32
        %dma_wait3A_2150 = tpu.memref_slice %arg13[%dma_wait3A_2149] : memref<17920xi32, #tpu.memory_space<vmem>> -> memref<128xi32, #tpu.memory_space<vmem>>
        %dma_wait3A_2151 = arith.constant 0 : i32
        %dma_wait3A_2152 = tpu.memref_slice %arg10[%dma_wait3A_2151] : memref<1000000xf32, #tpu.memory_space<vmem_shared>> -> memref<1000000xf32, #tpu.memory_space<vmem_shared>>
        tpu.wait_indirect_dma semaphore(%arg19 : memref<!tpu.dma_semaphore, #tpu.memory_space<semaphore_mem>>) src(%dma_wait3A_2152 : memref<1000000xf32, #tpu.memory_space<vmem_shared>>) dst(%dma_wait3A_2148 : memref<128xf32, #tpu.memory_space<vmem>>)
        %dma_wait3A_2153 = arith.constant 15488 : i32
        %dma_wait3A_2154 = tpu.memref_slice %arg14[%dma_wait3A_2153] : memref<17920xf32, #tpu.memory_space<vmem>> -> memref<128xf32, #tpu.memory_space<vmem>>
        %dma_wait3A_2155 = arith.constant 15488 : i32
        %dma_wait3A_2156 = tpu.memref_slice %arg13[%dma_wait3A_2155] : memref<17920xi32, #tpu.memory_space<vmem>> -> memref<128xi32, #tpu.memory_space<vmem>>
        %dma_wait3A_2157 = arith.constant 0 : i32
        %dma_wait3A_2158 = tpu.memref_slice %arg10[%dma_wait3A_2157] : memref<1000000xf32, #tpu.memory_space<vmem_shared>> -> memref<1000000xf32, #tpu.memory_space<vmem_shared>>
        tpu.wait_indirect_dma semaphore(%arg19 : memref<!tpu.dma_semaphore, #tpu.memory_space<semaphore_mem>>) src(%dma_wait3A_2158 : memref<1000000xf32, #tpu.memory_space<vmem_shared>>) dst(%dma_wait3A_2154 : memref<128xf32, #tpu.memory_space<vmem>>)
        %dma_wait3A_2159 = arith.constant 15616 : i32
        %dma_wait3A_2160 = tpu.memref_slice %arg14[%dma_wait3A_2159] : memref<17920xf32, #tpu.memory_space<vmem>> -> memref<128xf32, #tpu.memory_space<vmem>>
        %dma_wait3A_2161 = arith.constant 15616 : i32
        %dma_wait3A_2162 = tpu.memref_slice %arg13[%dma_wait3A_2161] : memref<17920xi32, #tpu.memory_space<vmem>> -> memref<128xi32, #tpu.memory_space<vmem>>
        %dma_wait3A_2163 = arith.constant 0 : i32
        %dma_wait3A_2164 = tpu.memref_slice %arg10[%dma_wait3A_2163] : memref<1000000xf32, #tpu.memory_space<vmem_shared>> -> memref<1000000xf32, #tpu.memory_space<vmem_shared>>
        tpu.wait_indirect_dma semaphore(%arg19 : memref<!tpu.dma_semaphore, #tpu.memory_space<semaphore_mem>>) src(%dma_wait3A_2164 : memref<1000000xf32, #tpu.memory_space<vmem_shared>>) dst(%dma_wait3A_2160 : memref<128xf32, #tpu.memory_space<vmem>>)
        %dma_wait3A_2165 = arith.constant 15744 : i32
        %dma_wait3A_2166 = tpu.memref_slice %arg14[%dma_wait3A_2165] : memref<17920xf32, #tpu.memory_space<vmem>> -> memref<128xf32, #tpu.memory_space<vmem>>
        %dma_wait3A_2167 = arith.constant 15744 : i32
        %dma_wait3A_2168 = tpu.memref_slice %arg13[%dma_wait3A_2167] : memref<17920xi32, #tpu.memory_space<vmem>> -> memref<128xi32, #tpu.memory_space<vmem>>
        %dma_wait3A_2169 = arith.constant 0 : i32
        %dma_wait3A_2170 = tpu.memref_slice %arg10[%dma_wait3A_2169] : memref<1000000xf32, #tpu.memory_space<vmem_shared>> -> memref<1000000xf32, #tpu.memory_space<vmem_shared>>
        tpu.wait_indirect_dma semaphore(%arg19 : memref<!tpu.dma_semaphore, #tpu.memory_space<semaphore_mem>>) src(%dma_wait3A_2170 : memref<1000000xf32, #tpu.memory_space<vmem_shared>>) dst(%dma_wait3A_2166 : memref<128xf32, #tpu.memory_space<vmem>>)
        %dma_wait3A_2171 = arith.constant 15872 : i32
        %dma_wait3A_2172 = tpu.memref_slice %arg14[%dma_wait3A_2171] : memref<17920xf32, #tpu.memory_space<vmem>> -> memref<128xf32, #tpu.memory_space<vmem>>
        %dma_wait3A_2173 = arith.constant 15872 : i32
        %dma_wait3A_2174 = tpu.memref_slice %arg13[%dma_wait3A_2173] : memref<17920xi32, #tpu.memory_space<vmem>> -> memref<128xi32, #tpu.memory_space<vmem>>
        %dma_wait3A_2175 = arith.constant 0 : i32
        %dma_wait3A_2176 = tpu.memref_slice %arg10[%dma_wait3A_2175] : memref<1000000xf32, #tpu.memory_space<vmem_shared>> -> memref<1000000xf32, #tpu.memory_space<vmem_shared>>
        tpu.wait_indirect_dma semaphore(%arg19 : memref<!tpu.dma_semaphore, #tpu.memory_space<semaphore_mem>>) src(%dma_wait3A_2176 : memref<1000000xf32, #tpu.memory_space<vmem_shared>>) dst(%dma_wait3A_2172 : memref<128xf32, #tpu.memory_space<vmem>>)
        %dma_wait3A_2177 = arith.constant 16000 : i32
        %dma_wait3A_2178 = tpu.memref_slice %arg14[%dma_wait3A_2177] : memref<17920xf32, #tpu.memory_space<vmem>> -> memref<128xf32, #tpu.memory_space<vmem>>
        %dma_wait3A_2179 = arith.constant 16000 : i32
        %dma_wait3A_2180 = tpu.memref_slice %arg13[%dma_wait3A_2179] : memref<17920xi32, #tpu.memory_space<vmem>> -> memref<128xi32, #tpu.memory_space<vmem>>
        %dma_wait3A_2181 = arith.constant 0 : i32
        %dma_wait3A_2182 = tpu.memref_slice %arg10[%dma_wait3A_2181] : memref<1000000xf32, #tpu.memory_space<vmem_shared>> -> memref<1000000xf32, #tpu.memory_space<vmem_shared>>
        tpu.wait_indirect_dma semaphore(%arg19 : memref<!tpu.dma_semaphore, #tpu.memory_space<semaphore_mem>>) src(%dma_wait3A_2182 : memref<1000000xf32, #tpu.memory_space<vmem_shared>>) dst(%dma_wait3A_2178 : memref<128xf32, #tpu.memory_space<vmem>>)
        %dma_wait3A_2183 = arith.constant 16128 : i32
        %dma_wait3A_2184 = tpu.memref_slice %arg14[%dma_wait3A_2183] : memref<17920xf32, #tpu.memory_space<vmem>> -> memref<128xf32, #tpu.memory_space<vmem>>
        %dma_wait3A_2185 = arith.constant 16128 : i32
        %dma_wait3A_2186 = tpu.memref_slice %arg13[%dma_wait3A_2185] : memref<17920xi32, #tpu.memory_space<vmem>> -> memref<128xi32, #tpu.memory_space<vmem>>
        %dma_wait3A_2187 = arith.constant 0 : i32
        %dma_wait3A_2188 = tpu.memref_slice %arg10[%dma_wait3A_2187] : memref<1000000xf32, #tpu.memory_space<vmem_shared>> -> memref<1000000xf32, #tpu.memory_space<vmem_shared>>
        tpu.wait_indirect_dma semaphore(%arg19 : memref<!tpu.dma_semaphore, #tpu.memory_space<semaphore_mem>>) src(%dma_wait3A_2188 : memref<1000000xf32, #tpu.memory_space<vmem_shared>>) dst(%dma_wait3A_2184 : memref<128xf32, #tpu.memory_space<vmem>>)
        %dma_wait3A_2189 = arith.constant 16256 : i32
        %dma_wait3A_2190 = tpu.memref_slice %arg14[%dma_wait3A_2189] : memref<17920xf32, #tpu.memory_space<vmem>> -> memref<128xf32, #tpu.memory_space<vmem>>
        %dma_wait3A_2191 = arith.constant 16256 : i32
        %dma_wait3A_2192 = tpu.memref_slice %arg13[%dma_wait3A_2191] : memref<17920xi32, #tpu.memory_space<vmem>> -> memref<128xi32, #tpu.memory_space<vmem>>
        %dma_wait3A_2193 = arith.constant 0 : i32
        %dma_wait3A_2194 = tpu.memref_slice %arg10[%dma_wait3A_2193] : memref<1000000xf32, #tpu.memory_space<vmem_shared>> -> memref<1000000xf32, #tpu.memory_space<vmem_shared>>
        tpu.wait_indirect_dma semaphore(%arg19 : memref<!tpu.dma_semaphore, #tpu.memory_space<semaphore_mem>>) src(%dma_wait3A_2194 : memref<1000000xf32, #tpu.memory_space<vmem_shared>>) dst(%dma_wait3A_2190 : memref<128xf32, #tpu.memory_space<vmem>>)
        %dma_wait3A_2195 = arith.constant 16384 : i32
        %dma_wait3A_2196 = tpu.memref_slice %arg14[%dma_wait3A_2195] : memref<17920xf32, #tpu.memory_space<vmem>> -> memref<128xf32, #tpu.memory_space<vmem>>
        %dma_wait3A_2197 = arith.constant 16384 : i32
        %dma_wait3A_2198 = tpu.memref_slice %arg13[%dma_wait3A_2197] : memref<17920xi32, #tpu.memory_space<vmem>> -> memref<128xi32, #tpu.memory_space<vmem>>
        %dma_wait3A_2199 = arith.constant 0 : i32
        %dma_wait3A_2200 = tpu.memref_slice %arg10[%dma_wait3A_2199] : memref<1000000xf32, #tpu.memory_space<vmem_shared>> -> memref<1000000xf32, #tpu.memory_space<vmem_shared>>
        tpu.wait_indirect_dma semaphore(%arg19 : memref<!tpu.dma_semaphore, #tpu.memory_space<semaphore_mem>>) src(%dma_wait3A_2200 : memref<1000000xf32, #tpu.memory_space<vmem_shared>>) dst(%dma_wait3A_2196 : memref<128xf32, #tpu.memory_space<vmem>>)
        %dma_wait3A_2201 = arith.constant 16512 : i32
        %dma_wait3A_2202 = tpu.memref_slice %arg14[%dma_wait3A_2201] : memref<17920xf32, #tpu.memory_space<vmem>> -> memref<128xf32, #tpu.memory_space<vmem>>
        %dma_wait3A_2203 = arith.constant 16512 : i32
        %dma_wait3A_2204 = tpu.memref_slice %arg13[%dma_wait3A_2203] : memref<17920xi32, #tpu.memory_space<vmem>> -> memref<128xi32, #tpu.memory_space<vmem>>
        %dma_wait3A_2205 = arith.constant 0 : i32
        %dma_wait3A_2206 = tpu.memref_slice %arg10[%dma_wait3A_2205] : memref<1000000xf32, #tpu.memory_space<vmem_shared>> -> memref<1000000xf32, #tpu.memory_space<vmem_shared>>
        tpu.wait_indirect_dma semaphore(%arg19 : memref<!tpu.dma_semaphore, #tpu.memory_space<semaphore_mem>>) src(%dma_wait3A_2206 : memref<1000000xf32, #tpu.memory_space<vmem_shared>>) dst(%dma_wait3A_2202 : memref<128xf32, #tpu.memory_space<vmem>>)
        %dma_wait3A_2207 = arith.constant 16640 : i32
        %dma_wait3A_2208 = tpu.memref_slice %arg14[%dma_wait3A_2207] : memref<17920xf32, #tpu.memory_space<vmem>> -> memref<128xf32, #tpu.memory_space<vmem>>
        %dma_wait3A_2209 = arith.constant 16640 : i32
        %dma_wait3A_2210 = tpu.memref_slice %arg13[%dma_wait3A_2209] : memref<17920xi32, #tpu.memory_space<vmem>> -> memref<128xi32, #tpu.memory_space<vmem>>
        %dma_wait3A_2211 = arith.constant 0 : i32
        %dma_wait3A_2212 = tpu.memref_slice %arg10[%dma_wait3A_2211] : memref<1000000xf32, #tpu.memory_space<vmem_shared>> -> memref<1000000xf32, #tpu.memory_space<vmem_shared>>
        tpu.wait_indirect_dma semaphore(%arg19 : memref<!tpu.dma_semaphore, #tpu.memory_space<semaphore_mem>>) src(%dma_wait3A_2212 : memref<1000000xf32, #tpu.memory_space<vmem_shared>>) dst(%dma_wait3A_2208 : memref<128xf32, #tpu.memory_space<vmem>>)
        %dma_wait3A_2213 = arith.constant 16768 : i32
        %dma_wait3A_2214 = tpu.memref_slice %arg14[%dma_wait3A_2213] : memref<17920xf32, #tpu.memory_space<vmem>> -> memref<128xf32, #tpu.memory_space<vmem>>
        %dma_wait3A_2215 = arith.constant 16768 : i32
        %dma_wait3A_2216 = tpu.memref_slice %arg13[%dma_wait3A_2215] : memref<17920xi32, #tpu.memory_space<vmem>> -> memref<128xi32, #tpu.memory_space<vmem>>
        %dma_wait3A_2217 = arith.constant 0 : i32
        %dma_wait3A_2218 = tpu.memref_slice %arg10[%dma_wait3A_2217] : memref<1000000xf32, #tpu.memory_space<vmem_shared>> -> memref<1000000xf32, #tpu.memory_space<vmem_shared>>
        tpu.wait_indirect_dma semaphore(%arg19 : memref<!tpu.dma_semaphore, #tpu.memory_space<semaphore_mem>>) src(%dma_wait3A_2218 : memref<1000000xf32, #tpu.memory_space<vmem_shared>>) dst(%dma_wait3A_2214 : memref<128xf32, #tpu.memory_space<vmem>>)
        %dma_wait3A_2219 = arith.constant 16896 : i32
        %dma_wait3A_2220 = tpu.memref_slice %arg14[%dma_wait3A_2219] : memref<17920xf32, #tpu.memory_space<vmem>> -> memref<128xf32, #tpu.memory_space<vmem>>
        %dma_wait3A_2221 = arith.constant 16896 : i32
        %dma_wait3A_2222 = tpu.memref_slice %arg13[%dma_wait3A_2221] : memref<17920xi32, #tpu.memory_space<vmem>> -> memref<128xi32, #tpu.memory_space<vmem>>
        %dma_wait3A_2223 = arith.constant 0 : i32
        %dma_wait3A_2224 = tpu.memref_slice %arg10[%dma_wait3A_2223] : memref<1000000xf32, #tpu.memory_space<vmem_shared>> -> memref<1000000xf32, #tpu.memory_space<vmem_shared>>
        tpu.wait_indirect_dma semaphore(%arg19 : memref<!tpu.dma_semaphore, #tpu.memory_space<semaphore_mem>>) src(%dma_wait3A_2224 : memref<1000000xf32, #tpu.memory_space<vmem_shared>>) dst(%dma_wait3A_2220 : memref<128xf32, #tpu.memory_space<vmem>>)
        %dma_wait3A_2225 = arith.constant 17024 : i32
        %dma_wait3A_2226 = tpu.memref_slice %arg14[%dma_wait3A_2225] : memref<17920xf32, #tpu.memory_space<vmem>> -> memref<128xf32, #tpu.memory_space<vmem>>
        %dma_wait3A_2227 = arith.constant 17024 : i32
        %dma_wait3A_2228 = tpu.memref_slice %arg13[%dma_wait3A_2227] : memref<17920xi32, #tpu.memory_space<vmem>> -> memref<128xi32, #tpu.memory_space<vmem>>
        %dma_wait3A_2229 = arith.constant 0 : i32
        %dma_wait3A_2230 = tpu.memref_slice %arg10[%dma_wait3A_2229] : memref<1000000xf32, #tpu.memory_space<vmem_shared>> -> memref<1000000xf32, #tpu.memory_space<vmem_shared>>
        tpu.wait_indirect_dma semaphore(%arg19 : memref<!tpu.dma_semaphore, #tpu.memory_space<semaphore_mem>>) src(%dma_wait3A_2230 : memref<1000000xf32, #tpu.memory_space<vmem_shared>>) dst(%dma_wait3A_2226 : memref<128xf32, #tpu.memory_space<vmem>>)
        %dma_wait3A_2231 = arith.constant 17152 : i32
        %dma_wait3A_2232 = tpu.memref_slice %arg14[%dma_wait3A_2231] : memref<17920xf32, #tpu.memory_space<vmem>> -> memref<128xf32, #tpu.memory_space<vmem>>
        %dma_wait3A_2233 = arith.constant 17152 : i32
        %dma_wait3A_2234 = tpu.memref_slice %arg13[%dma_wait3A_2233] : memref<17920xi32, #tpu.memory_space<vmem>> -> memref<128xi32, #tpu.memory_space<vmem>>
        %dma_wait3A_2235 = arith.constant 0 : i32
        %dma_wait3A_2236 = tpu.memref_slice %arg10[%dma_wait3A_2235] : memref<1000000xf32, #tpu.memory_space<vmem_shared>> -> memref<1000000xf32, #tpu.memory_space<vmem_shared>>
        tpu.wait_indirect_dma semaphore(%arg19 : memref<!tpu.dma_semaphore, #tpu.memory_space<semaphore_mem>>) src(%dma_wait3A_2236 : memref<1000000xf32, #tpu.memory_space<vmem_shared>>) dst(%dma_wait3A_2232 : memref<128xf32, #tpu.memory_space<vmem>>)
        %dma_wait3A_2237 = arith.constant 17280 : i32
        %dma_wait3A_2238 = tpu.memref_slice %arg14[%dma_wait3A_2237] : memref<17920xf32, #tpu.memory_space<vmem>> -> memref<128xf32, #tpu.memory_space<vmem>>
        %dma_wait3A_2239 = arith.constant 17280 : i32
        %dma_wait3A_2240 = tpu.memref_slice %arg13[%dma_wait3A_2239] : memref<17920xi32, #tpu.memory_space<vmem>> -> memref<128xi32, #tpu.memory_space<vmem>>
        %dma_wait3A_2241 = arith.constant 0 : i32
        %dma_wait3A_2242 = tpu.memref_slice %arg10[%dma_wait3A_2241] : memref<1000000xf32, #tpu.memory_space<vmem_shared>> -> memref<1000000xf32, #tpu.memory_space<vmem_shared>>
        tpu.wait_indirect_dma semaphore(%arg19 : memref<!tpu.dma_semaphore, #tpu.memory_space<semaphore_mem>>) src(%dma_wait3A_2242 : memref<1000000xf32, #tpu.memory_space<vmem_shared>>) dst(%dma_wait3A_2238 : memref<128xf32, #tpu.memory_space<vmem>>)
        %dma_wait3A_2243 = arith.constant 17408 : i32
        %dma_wait3A_2244 = tpu.memref_slice %arg14[%dma_wait3A_2243] : memref<17920xf32, #tpu.memory_space<vmem>> -> memref<128xf32, #tpu.memory_space<vmem>>
        %dma_wait3A_2245 = arith.constant 17408 : i32
        %dma_wait3A_2246 = tpu.memref_slice %arg13[%dma_wait3A_2245] : memref<17920xi32, #tpu.memory_space<vmem>> -> memref<128xi32, #tpu.memory_space<vmem>>
        %dma_wait3A_2247 = arith.constant 0 : i32
        %dma_wait3A_2248 = tpu.memref_slice %arg10[%dma_wait3A_2247] : memref<1000000xf32, #tpu.memory_space<vmem_shared>> -> memref<1000000xf32, #tpu.memory_space<vmem_shared>>
        tpu.wait_indirect_dma semaphore(%arg19 : memref<!tpu.dma_semaphore, #tpu.memory_space<semaphore_mem>>) src(%dma_wait3A_2248 : memref<1000000xf32, #tpu.memory_space<vmem_shared>>) dst(%dma_wait3A_2244 : memref<128xf32, #tpu.memory_space<vmem>>)
        %dma_wait3A_2249 = arith.constant 17536 : i32
        %dma_wait3A_2250 = tpu.memref_slice %arg14[%dma_wait3A_2249] : memref<17920xf32, #tpu.memory_space<vmem>> -> memref<128xf32, #tpu.memory_space<vmem>>
        %dma_wait3A_2251 = arith.constant 17536 : i32
        %dma_wait3A_2252 = tpu.memref_slice %arg13[%dma_wait3A_2251] : memref<17920xi32, #tpu.memory_space<vmem>> -> memref<128xi32, #tpu.memory_space<vmem>>
        %dma_wait3A_2253 = arith.constant 0 : i32
        %dma_wait3A_2254 = tpu.memref_slice %arg10[%dma_wait3A_2253] : memref<1000000xf32, #tpu.memory_space<vmem_shared>> -> memref<1000000xf32, #tpu.memory_space<vmem_shared>>
        tpu.wait_indirect_dma semaphore(%arg19 : memref<!tpu.dma_semaphore, #tpu.memory_space<semaphore_mem>>) src(%dma_wait3A_2254 : memref<1000000xf32, #tpu.memory_space<vmem_shared>>) dst(%dma_wait3A_2250 : memref<128xf32, #tpu.memory_space<vmem>>)
        %dma_wait3A_2255 = arith.constant 17664 : i32
        %dma_wait3A_2256 = tpu.memref_slice %arg14[%dma_wait3A_2255] : memref<17920xf32, #tpu.memory_space<vmem>> -> memref<128xf32, #tpu.memory_space<vmem>>
        %dma_wait3A_2257 = arith.constant 17664 : i32
        %dma_wait3A_2258 = tpu.memref_slice %arg13[%dma_wait3A_2257] : memref<17920xi32, #tpu.memory_space<vmem>> -> memref<128xi32, #tpu.memory_space<vmem>>
        %dma_wait3A_2259 = arith.constant 0 : i32
        %dma_wait3A_2260 = tpu.memref_slice %arg10[%dma_wait3A_2259] : memref<1000000xf32, #tpu.memory_space<vmem_shared>> -> memref<1000000xf32, #tpu.memory_space<vmem_shared>>
        tpu.wait_indirect_dma semaphore(%arg19 : memref<!tpu.dma_semaphore, #tpu.memory_space<semaphore_mem>>) src(%dma_wait3A_2260 : memref<1000000xf32, #tpu.memory_space<vmem_shared>>) dst(%dma_wait3A_2256 : memref<128xf32, #tpu.memory_space<vmem>>)
        %dma_wait3A_2261 = arith.constant 17792 : i32
        %dma_wait3A_2262 = tpu.memref_slice %arg14[%dma_wait3A_2261] : memref<17920xf32, #tpu.memory_space<vmem>> -> memref<128xf32, #tpu.memory_space<vmem>>
        %dma_wait3A_2263 = arith.constant 17792 : i32
        %dma_wait3A_2264 = tpu.memref_slice %arg13[%dma_wait3A_2263] : memref<17920xi32, #tpu.memory_space<vmem>> -> memref<128xi32, #tpu.memory_space<vmem>>
        %dma_wait3A_2265 = arith.constant 0 : i32
        %dma_wait3A_2266 = tpu.memref_slice %arg10[%dma_wait3A_2265] : memref<1000000xf32, #tpu.memory_space<vmem_shared>> -> memref<1000000xf32, #tpu.memory_space<vmem_shared>>
        tpu.wait_indirect_dma semaphore(%arg19 : memref<!tpu.dma_semaphore, #tpu.memory_space<semaphore_mem>>) src(%dma_wait3A_2266 : memref<1000000xf32, #tpu.memory_space<vmem_shared>>) dst(%dma_wait3A_2262 : memref<128xf32, #tpu.memory_space<vmem>>)
        %sub3A_2267 = arith.constant 1 : i32
        %sub3A_2268 = arith.subi %mul3A_522, %sub3A_2267 : i32
        %mul3A_2269 = arith.constant 70 : i32
        %mul3A_2270 = arith.muli %sub3A_2268, %mul3A_2269 : i32
        %add3A_2271 = arith.addi %min3A_3, %mul3A_2270 : i32
        %mul3A_2272 = arith.constant 128 : i32
        %mul3A_2273 = arith.muli %add3A_2271, %mul3A_2272 : i32
        %multiple_of3A_2274 = tpu.assume_multiple %mul3A_2273, 128 : i32
        %dma_start3A_2275 = arith.constant 8960 : i32
        %dma_start3A_2276 = tpu.memref_slice %arg14[%dma_start3A_2275] : memref<17920xf32, #tpu.memory_space<vmem>> -> memref<8960xf32, #tpu.memory_space<vmem>>
        %dma_start3A_2277 = tpu.memref_slice %arg7[%multiple_of3A_2274] : memref<4000000xf32, #tpu.memory_space<hbm>> -> memref<8960xf32, #tpu.memory_space<hbm>>
        %dma_start3A_2278 = tpu.memref_slice %arg7[%multiple_of3A_2274] : memref<4000000xf32, #tpu.memory_space<hbm>> -> memref<8960xf32, #tpu.memory_space<hbm>>
        %dma_start3A_2279 = arith.constant 8960 : i32
        %dma_start3A_2280 = tpu.memref_slice %arg14[%dma_start3A_2279] : memref<17920xf32, #tpu.memory_space<vmem>> -> memref<8960xf32, #tpu.memory_space<vmem>>
        tpu.enqueue_dma source(%dma_start3A_2280 : memref<8960xf32, #tpu.memory_space<vmem>>) target(%dma_start3A_2278 : memref<8960xf32, #tpu.memory_space<hbm>>) target_semaphore(%arg20 : memref<!tpu.dma_semaphore, #tpu.memory_space<semaphore_mem>>)
      } else {
      }
      %lt3A = arith.constant 14 : i32
      %lt3A_966 = arith.cmpi slt, %add3A_524, %lt3A : i32
      %convert_element_type3A_967 = arith.extui %lt3A_966 : i1 to i32
      %cond3A_968 = arith.constant 0 : i32
      %cond3A_969 = arith.cmpi ne, %convert_element_type3A_967, %cond3A_968 : i32
      scf.if %cond3A_969 {
        %mul3A_1847 = arith.constant 70 : i32
        %mul3A_1848 = arith.muli %add3A_524, %mul3A_1847 : i32
        %add3A_1849 = arith.addi %min3A_3, %mul3A_1848 : i32
        %mul3A_1850 = arith.constant 128 : i32
        %mul3A_1851 = arith.muli %add3A_1849, %mul3A_1850 : i32
        %multiple_of3A_1852 = tpu.assume_multiple %mul3A_1851, 128 : i32
        %dma_start3A_1853 = arith.constant 8960 : i32
        %dma_start3A_1854 = tpu.memref_slice %arg13[%dma_start3A_1853] : memref<17920xi32, #tpu.memory_space<vmem>> -> memref<8960xi32, #tpu.memory_space<vmem>>
        %dma_start3A_1855 = tpu.memref_slice %arg6[%multiple_of3A_1852] : memref<4000000xi32, #tpu.memory_space<hbm>> -> memref<8960xi32, #tpu.memory_space<hbm>>
        %dma_start3A_1856 = arith.constant 8960 : i32
        %dma_start3A_1857 = tpu.memref_slice %arg13[%dma_start3A_1856] : memref<17920xi32, #tpu.memory_space<vmem>> -> memref<8960xi32, #tpu.memory_space<vmem>>
        %dma_start3A_1858 = tpu.memref_slice %arg6[%multiple_of3A_1852] : memref<4000000xi32, #tpu.memory_space<hbm>> -> memref<8960xi32, #tpu.memory_space<hbm>>
        tpu.enqueue_dma source(%dma_start3A_1858 : memref<8960xi32, #tpu.memory_space<hbm>>) target(%dma_start3A_1857 : memref<8960xi32, #tpu.memory_space<vmem>>) target_semaphore(%arg17 : memref<!tpu.dma_semaphore, #tpu.memory_space<semaphore_mem>>)
      } else {
      }
      %mul3A_970 = arith.constant 70 : i32
      %mul3A_971 = arith.muli %add3A_524, %mul3A_970 : i32
      %add3A_972 = arith.addi %min3A_3, %mul3A_971 : i32
      %mul3A_973 = arith.constant 128 : i32
      %mul3A_974 = arith.muli %add3A_972, %mul3A_973 : i32
      %multiple_of3A_975 = tpu.assume_multiple %mul3A_974, 128 : i32
      %dma_wait3A_976 = arith.constant 8960 : i32
      %dma_wait3A_977 = tpu.memref_slice %arg13[%dma_wait3A_976] : memref<17920xi32, #tpu.memory_space<vmem>> -> memref<8960xi32, #tpu.memory_space<vmem>>
      %dma_wait3A_978 = tpu.memref_slice %arg6[%multiple_of3A_975] : memref<4000000xi32, #tpu.memory_space<hbm>> -> memref<8960xi32, #tpu.memory_space<hbm>>
      %dma_wait3A_979 = arith.constant 8960 : i32
      %dma_wait3A_980 = tpu.memref_slice %arg13[%dma_wait3A_979] : memref<17920xi32, #tpu.memory_space<vmem>> -> memref<8960xi32, #tpu.memory_space<vmem>>
      %dma_wait3A_981 = tpu.memref_slice %arg6[%multiple_of3A_975] : memref<4000000xi32, #tpu.memory_space<hbm>> -> memref<8960xi32, #tpu.memory_space<hbm>>
      tpu.wait_dma2 semaphore(%arg17 : memref<!tpu.dma_semaphore, #tpu.memory_space<semaphore_mem>>) src(%dma_wait3A_981 : memref<8960xi32, #tpu.memory_space<hbm>>) dst(%dma_wait3A_980 : memref<8960xi32, #tpu.memory_space<vmem>>)
      %ge3A_982 = arith.constant 1 : i32
      %ge3A_983 = arith.cmpi sge, %scan3A_519, %ge3A_982 : i32
      %convert_element_type3A_984 = arith.extui %ge3A_983 : i1 to i32
      %cond3A_985 = arith.constant 0 : i32
      %cond3A_986 = arith.cmpi ne, %convert_element_type3A_984, %cond3A_985 : i32
      scf.if %cond3A_986 {
        %sub3A_1847 = arith.constant 2 : i32
        %sub3A_1848 = arith.subi %add3A_524, %sub3A_1847 : i32
        %mul3A_1849 = arith.constant 70 : i32
        %mul3A_1850 = arith.muli %sub3A_1848, %mul3A_1849 : i32
        %add3A_1851 = arith.addi %min3A_3, %mul3A_1850 : i32
        %mul3A_1852 = arith.constant 128 : i32
        %mul3A_1853 = arith.muli %add3A_1851, %mul3A_1852 : i32
        %multiple_of3A_1854 = tpu.assume_multiple %mul3A_1853, 128 : i32
        %dma_wait3A_1855 = arith.constant 8960 : i32
        %dma_wait3A_1856 = tpu.memref_slice %arg14[%dma_wait3A_1855] : memref<17920xf32, #tpu.memory_space<vmem>> -> memref<8960xf32, #tpu.memory_space<vmem>>
        %dma_wait3A_1857 = tpu.memref_slice %arg7[%multiple_of3A_1854] : memref<4000000xf32, #tpu.memory_space<hbm>> -> memref<8960xf32, #tpu.memory_space<hbm>>
        %dma_wait3A_1858 = tpu.memref_slice %arg7[%multiple_of3A_1854] : memref<4000000xf32, #tpu.memory_space<hbm>> -> memref<8960xf32, #tpu.memory_space<hbm>>
        %dma_wait3A_1859 = arith.constant 8960 : i32
        %dma_wait3A_1860 = tpu.memref_slice %arg14[%dma_wait3A_1859] : memref<17920xf32, #tpu.memory_space<vmem>> -> memref<8960xf32, #tpu.memory_space<vmem>>
        tpu.wait_dma2 semaphore(%arg20 : memref<!tpu.dma_semaphore, #tpu.memory_space<semaphore_mem>>) src(%dma_wait3A_1860 : memref<8960xf32, #tpu.memory_space<vmem>>) dst(%dma_wait3A_1858 : memref<8960xf32, #tpu.memory_space<hbm>>)
      } else {
      }
      %dma_start3A_987 = arith.constant 8960 : i32
      %dma_start3A_988 = tpu.memref_slice %arg14[%dma_start3A_987] : memref<17920xf32, #tpu.memory_space<vmem>> -> memref<128xf32, #tpu.memory_space<vmem>>
      %dma_start3A_989 = arith.constant 8960 : i32
      %dma_start3A_990 = tpu.memref_slice %arg13[%dma_start3A_989] : memref<17920xi32, #tpu.memory_space<vmem>> -> memref<128xi32, #tpu.memory_space<vmem>>
      %dma_start3A_991 = arith.constant 0 : i32
      %dma_start3A_992 = tpu.memref_slice %arg10[%dma_start3A_991] : memref<1000000xf32, #tpu.memory_space<vmem_shared>> -> memref<1000000xf32, #tpu.memory_space<vmem_shared>>
      tpu.enqueue_indirect_dma source(%dma_start3A_992 : memref<1000000xf32, #tpu.memory_space<vmem_shared>>) target(%dma_start3A_988 : memref<128xf32, #tpu.memory_space<vmem>>) offsets(%dma_start3A_990 : memref<128xi32, #tpu.memory_space<vmem>>) semaphore(%arg19 : memref<!tpu.dma_semaphore, #tpu.memory_space<semaphore_mem>>)
      %dma_start3A_993 = arith.constant 9088 : i32
      %dma_start3A_994 = tpu.memref_slice %arg14[%dma_start3A_993] : memref<17920xf32, #tpu.memory_space<vmem>> -> memref<128xf32, #tpu.memory_space<vmem>>
      %dma_start3A_995 = arith.constant 9088 : i32
      %dma_start3A_996 = tpu.memref_slice %arg13[%dma_start3A_995] : memref<17920xi32, #tpu.memory_space<vmem>> -> memref<128xi32, #tpu.memory_space<vmem>>
      %dma_start3A_997 = arith.constant 0 : i32
      %dma_start3A_998 = tpu.memref_slice %arg10[%dma_start3A_997] : memref<1000000xf32, #tpu.memory_space<vmem_shared>> -> memref<1000000xf32, #tpu.memory_space<vmem_shared>>
      tpu.enqueue_indirect_dma source(%dma_start3A_998 : memref<1000000xf32, #tpu.memory_space<vmem_shared>>) target(%dma_start3A_994 : memref<128xf32, #tpu.memory_space<vmem>>) offsets(%dma_start3A_996 : memref<128xi32, #tpu.memory_space<vmem>>) semaphore(%arg19 : memref<!tpu.dma_semaphore, #tpu.memory_space<semaphore_mem>>)
      %dma_start3A_999 = arith.constant 9216 : i32
      %dma_start3A_1000 = tpu.memref_slice %arg14[%dma_start3A_999] : memref<17920xf32, #tpu.memory_space<vmem>> -> memref<128xf32, #tpu.memory_space<vmem>>
      %dma_start3A_1001 = arith.constant 9216 : i32
      %dma_start3A_1002 = tpu.memref_slice %arg13[%dma_start3A_1001] : memref<17920xi32, #tpu.memory_space<vmem>> -> memref<128xi32, #tpu.memory_space<vmem>>
      %dma_start3A_1003 = arith.constant 0 : i32
      %dma_start3A_1004 = tpu.memref_slice %arg10[%dma_start3A_1003] : memref<1000000xf32, #tpu.memory_space<vmem_shared>> -> memref<1000000xf32, #tpu.memory_space<vmem_shared>>
      tpu.enqueue_indirect_dma source(%dma_start3A_1004 : memref<1000000xf32, #tpu.memory_space<vmem_shared>>) target(%dma_start3A_1000 : memref<128xf32, #tpu.memory_space<vmem>>) offsets(%dma_start3A_1002 : memref<128xi32, #tpu.memory_space<vmem>>) semaphore(%arg19 : memref<!tpu.dma_semaphore, #tpu.memory_space<semaphore_mem>>)
      %dma_start3A_1005 = arith.constant 9344 : i32
      %dma_start3A_1006 = tpu.memref_slice %arg14[%dma_start3A_1005] : memref<17920xf32, #tpu.memory_space<vmem>> -> memref<128xf32, #tpu.memory_space<vmem>>
      %dma_start3A_1007 = arith.constant 9344 : i32
      %dma_start3A_1008 = tpu.memref_slice %arg13[%dma_start3A_1007] : memref<17920xi32, #tpu.memory_space<vmem>> -> memref<128xi32, #tpu.memory_space<vmem>>
      %dma_start3A_1009 = arith.constant 0 : i32
      %dma_start3A_1010 = tpu.memref_slice %arg10[%dma_start3A_1009] : memref<1000000xf32, #tpu.memory_space<vmem_shared>> -> memref<1000000xf32, #tpu.memory_space<vmem_shared>>
      tpu.enqueue_indirect_dma source(%dma_start3A_1010 : memref<1000000xf32, #tpu.memory_space<vmem_shared>>) target(%dma_start3A_1006 : memref<128xf32, #tpu.memory_space<vmem>>) offsets(%dma_start3A_1008 : memref<128xi32, #tpu.memory_space<vmem>>) semaphore(%arg19 : memref<!tpu.dma_semaphore, #tpu.memory_space<semaphore_mem>>)
      %dma_start3A_1011 = arith.constant 9472 : i32
      %dma_start3A_1012 = tpu.memref_slice %arg14[%dma_start3A_1011] : memref<17920xf32, #tpu.memory_space<vmem>> -> memref<128xf32, #tpu.memory_space<vmem>>
      %dma_start3A_1013 = arith.constant 9472 : i32
      %dma_start3A_1014 = tpu.memref_slice %arg13[%dma_start3A_1013] : memref<17920xi32, #tpu.memory_space<vmem>> -> memref<128xi32, #tpu.memory_space<vmem>>
      %dma_start3A_1015 = arith.constant 0 : i32
      %dma_start3A_1016 = tpu.memref_slice %arg10[%dma_start3A_1015] : memref<1000000xf32, #tpu.memory_space<vmem_shared>> -> memref<1000000xf32, #tpu.memory_space<vmem_shared>>
      tpu.enqueue_indirect_dma source(%dma_start3A_1016 : memref<1000000xf32, #tpu.memory_space<vmem_shared>>) target(%dma_start3A_1012 : memref<128xf32, #tpu.memory_space<vmem>>) offsets(%dma_start3A_1014 : memref<128xi32, #tpu.memory_space<vmem>>) semaphore(%arg19 : memref<!tpu.dma_semaphore, #tpu.memory_space<semaphore_mem>>)
      %dma_start3A_1017 = arith.constant 9600 : i32
      %dma_start3A_1018 = tpu.memref_slice %arg14[%dma_start3A_1017] : memref<17920xf32, #tpu.memory_space<vmem>> -> memref<128xf32, #tpu.memory_space<vmem>>
      %dma_start3A_1019 = arith.constant 9600 : i32
      %dma_start3A_1020 = tpu.memref_slice %arg13[%dma_start3A_1019] : memref<17920xi32, #tpu.memory_space<vmem>> -> memref<128xi32, #tpu.memory_space<vmem>>
      %dma_start3A_1021 = arith.constant 0 : i32
      %dma_start3A_1022 = tpu.memref_slice %arg10[%dma_start3A_1021] : memref<1000000xf32, #tpu.memory_space<vmem_shared>> -> memref<1000000xf32, #tpu.memory_space<vmem_shared>>
      tpu.enqueue_indirect_dma source(%dma_start3A_1022 : memref<1000000xf32, #tpu.memory_space<vmem_shared>>) target(%dma_start3A_1018 : memref<128xf32, #tpu.memory_space<vmem>>) offsets(%dma_start3A_1020 : memref<128xi32, #tpu.memory_space<vmem>>) semaphore(%arg19 : memref<!tpu.dma_semaphore, #tpu.memory_space<semaphore_mem>>)
      %dma_start3A_1023 = arith.constant 9728 : i32
      %dma_start3A_1024 = tpu.memref_slice %arg14[%dma_start3A_1023] : memref<17920xf32, #tpu.memory_space<vmem>> -> memref<128xf32, #tpu.memory_space<vmem>>
      %dma_start3A_1025 = arith.constant 9728 : i32
      %dma_start3A_1026 = tpu.memref_slice %arg13[%dma_start3A_1025] : memref<17920xi32, #tpu.memory_space<vmem>> -> memref<128xi32, #tpu.memory_space<vmem>>
      %dma_start3A_1027 = arith.constant 0 : i32
      %dma_start3A_1028 = tpu.memref_slice %arg10[%dma_start3A_1027] : memref<1000000xf32, #tpu.memory_space<vmem_shared>> -> memref<1000000xf32, #tpu.memory_space<vmem_shared>>
      tpu.enqueue_indirect_dma source(%dma_start3A_1028 : memref<1000000xf32, #tpu.memory_space<vmem_shared>>) target(%dma_start3A_1024 : memref<128xf32, #tpu.memory_space<vmem>>) offsets(%dma_start3A_1026 : memref<128xi32, #tpu.memory_space<vmem>>) semaphore(%arg19 : memref<!tpu.dma_semaphore, #tpu.memory_space<semaphore_mem>>)
      %dma_start3A_1029 = arith.constant 9856 : i32
      %dma_start3A_1030 = tpu.memref_slice %arg14[%dma_start3A_1029] : memref<17920xf32, #tpu.memory_space<vmem>> -> memref<128xf32, #tpu.memory_space<vmem>>
      %dma_start3A_1031 = arith.constant 9856 : i32
      %dma_start3A_1032 = tpu.memref_slice %arg13[%dma_start3A_1031] : memref<17920xi32, #tpu.memory_space<vmem>> -> memref<128xi32, #tpu.memory_space<vmem>>
      %dma_start3A_1033 = arith.constant 0 : i32
      %dma_start3A_1034 = tpu.memref_slice %arg10[%dma_start3A_1033] : memref<1000000xf32, #tpu.memory_space<vmem_shared>> -> memref<1000000xf32, #tpu.memory_space<vmem_shared>>
      tpu.enqueue_indirect_dma source(%dma_start3A_1034 : memref<1000000xf32, #tpu.memory_space<vmem_shared>>) target(%dma_start3A_1030 : memref<128xf32, #tpu.memory_space<vmem>>) offsets(%dma_start3A_1032 : memref<128xi32, #tpu.memory_space<vmem>>) semaphore(%arg19 : memref<!tpu.dma_semaphore, #tpu.memory_space<semaphore_mem>>)
      %dma_start3A_1035 = arith.constant 9984 : i32
      %dma_start3A_1036 = tpu.memref_slice %arg14[%dma_start3A_1035] : memref<17920xf32, #tpu.memory_space<vmem>> -> memref<128xf32, #tpu.memory_space<vmem>>
      %dma_start3A_1037 = arith.constant 9984 : i32
      %dma_start3A_1038 = tpu.memref_slice %arg13[%dma_start3A_1037] : memref<17920xi32, #tpu.memory_space<vmem>> -> memref<128xi32, #tpu.memory_space<vmem>>
      %dma_start3A_1039 = arith.constant 0 : i32
      %dma_start3A_1040 = tpu.memref_slice %arg10[%dma_start3A_1039] : memref<1000000xf32, #tpu.memory_space<vmem_shared>> -> memref<1000000xf32, #tpu.memory_space<vmem_shared>>
      tpu.enqueue_indirect_dma source(%dma_start3A_1040 : memref<1000000xf32, #tpu.memory_space<vmem_shared>>) target(%dma_start3A_1036 : memref<128xf32, #tpu.memory_space<vmem>>) offsets(%dma_start3A_1038 : memref<128xi32, #tpu.memory_space<vmem>>) semaphore(%arg19 : memref<!tpu.dma_semaphore, #tpu.memory_space<semaphore_mem>>)
      %dma_start3A_1041 = arith.constant 10112 : i32
      %dma_start3A_1042 = tpu.memref_slice %arg14[%dma_start3A_1041] : memref<17920xf32, #tpu.memory_space<vmem>> -> memref<128xf32, #tpu.memory_space<vmem>>
      %dma_start3A_1043 = arith.constant 10112 : i32
      %dma_start3A_1044 = tpu.memref_slice %arg13[%dma_start3A_1043] : memref<17920xi32, #tpu.memory_space<vmem>> -> memref<128xi32, #tpu.memory_space<vmem>>
      %dma_start3A_1045 = arith.constant 0 : i32
      %dma_start3A_1046 = tpu.memref_slice %arg10[%dma_start3A_1045] : memref<1000000xf32, #tpu.memory_space<vmem_shared>> -> memref<1000000xf32, #tpu.memory_space<vmem_shared>>
      tpu.enqueue_indirect_dma source(%dma_start3A_1046 : memref<1000000xf32, #tpu.memory_space<vmem_shared>>) target(%dma_start3A_1042 : memref<128xf32, #tpu.memory_space<vmem>>) offsets(%dma_start3A_1044 : memref<128xi32, #tpu.memory_space<vmem>>) semaphore(%arg19 : memref<!tpu.dma_semaphore, #tpu.memory_space<semaphore_mem>>)
      %dma_start3A_1047 = arith.constant 10240 : i32
      %dma_start3A_1048 = tpu.memref_slice %arg14[%dma_start3A_1047] : memref<17920xf32, #tpu.memory_space<vmem>> -> memref<128xf32, #tpu.memory_space<vmem>>
      %dma_start3A_1049 = arith.constant 10240 : i32
      %dma_start3A_1050 = tpu.memref_slice %arg13[%dma_start3A_1049] : memref<17920xi32, #tpu.memory_space<vmem>> -> memref<128xi32, #tpu.memory_space<vmem>>
      %dma_start3A_1051 = arith.constant 0 : i32
      %dma_start3A_1052 = tpu.memref_slice %arg10[%dma_start3A_1051] : memref<1000000xf32, #tpu.memory_space<vmem_shared>> -> memref<1000000xf32, #tpu.memory_space<vmem_shared>>
      tpu.enqueue_indirect_dma source(%dma_start3A_1052 : memref<1000000xf32, #tpu.memory_space<vmem_shared>>) target(%dma_start3A_1048 : memref<128xf32, #tpu.memory_space<vmem>>) offsets(%dma_start3A_1050 : memref<128xi32, #tpu.memory_space<vmem>>) semaphore(%arg19 : memref<!tpu.dma_semaphore, #tpu.memory_space<semaphore_mem>>)
      %dma_start3A_1053 = arith.constant 10368 : i32
      %dma_start3A_1054 = tpu.memref_slice %arg14[%dma_start3A_1053] : memref<17920xf32, #tpu.memory_space<vmem>> -> memref<128xf32, #tpu.memory_space<vmem>>
      %dma_start3A_1055 = arith.constant 10368 : i32
      %dma_start3A_1056 = tpu.memref_slice %arg13[%dma_start3A_1055] : memref<17920xi32, #tpu.memory_space<vmem>> -> memref<128xi32, #tpu.memory_space<vmem>>
      %dma_start3A_1057 = arith.constant 0 : i32
      %dma_start3A_1058 = tpu.memref_slice %arg10[%dma_start3A_1057] : memref<1000000xf32, #tpu.memory_space<vmem_shared>> -> memref<1000000xf32, #tpu.memory_space<vmem_shared>>
      tpu.enqueue_indirect_dma source(%dma_start3A_1058 : memref<1000000xf32, #tpu.memory_space<vmem_shared>>) target(%dma_start3A_1054 : memref<128xf32, #tpu.memory_space<vmem>>) offsets(%dma_start3A_1056 : memref<128xi32, #tpu.memory_space<vmem>>) semaphore(%arg19 : memref<!tpu.dma_semaphore, #tpu.memory_space<semaphore_mem>>)
      %dma_start3A_1059 = arith.constant 10496 : i32
      %dma_start3A_1060 = tpu.memref_slice %arg14[%dma_start3A_1059] : memref<17920xf32, #tpu.memory_space<vmem>> -> memref<128xf32, #tpu.memory_space<vmem>>
      %dma_start3A_1061 = arith.constant 10496 : i32
      %dma_start3A_1062 = tpu.memref_slice %arg13[%dma_start3A_1061] : memref<17920xi32, #tpu.memory_space<vmem>> -> memref<128xi32, #tpu.memory_space<vmem>>
      %dma_start3A_1063 = arith.constant 0 : i32
      %dma_start3A_1064 = tpu.memref_slice %arg10[%dma_start3A_1063] : memref<1000000xf32, #tpu.memory_space<vmem_shared>> -> memref<1000000xf32, #tpu.memory_space<vmem_shared>>
      tpu.enqueue_indirect_dma source(%dma_start3A_1064 : memref<1000000xf32, #tpu.memory_space<vmem_shared>>) target(%dma_start3A_1060 : memref<128xf32, #tpu.memory_space<vmem>>) offsets(%dma_start3A_1062 : memref<128xi32, #tpu.memory_space<vmem>>) semaphore(%arg19 : memref<!tpu.dma_semaphore, #tpu.memory_space<semaphore_mem>>)
      %dma_start3A_1065 = arith.constant 10624 : i32
      %dma_start3A_1066 = tpu.memref_slice %arg14[%dma_start3A_1065] : memref<17920xf32, #tpu.memory_space<vmem>> -> memref<128xf32, #tpu.memory_space<vmem>>
      %dma_start3A_1067 = arith.constant 10624 : i32
      %dma_start3A_1068 = tpu.memref_slice %arg13[%dma_start3A_1067] : memref<17920xi32, #tpu.memory_space<vmem>> -> memref<128xi32, #tpu.memory_space<vmem>>
      %dma_start3A_1069 = arith.constant 0 : i32
      %dma_start3A_1070 = tpu.memref_slice %arg10[%dma_start3A_1069] : memref<1000000xf32, #tpu.memory_space<vmem_shared>> -> memref<1000000xf32, #tpu.memory_space<vmem_shared>>
      tpu.enqueue_indirect_dma source(%dma_start3A_1070 : memref<1000000xf32, #tpu.memory_space<vmem_shared>>) target(%dma_start3A_1066 : memref<128xf32, #tpu.memory_space<vmem>>) offsets(%dma_start3A_1068 : memref<128xi32, #tpu.memory_space<vmem>>) semaphore(%arg19 : memref<!tpu.dma_semaphore, #tpu.memory_space<semaphore_mem>>)
      %dma_start3A_1071 = arith.constant 10752 : i32
      %dma_start3A_1072 = tpu.memref_slice %arg14[%dma_start3A_1071] : memref<17920xf32, #tpu.memory_space<vmem>> -> memref<128xf32, #tpu.memory_space<vmem>>
      %dma_start3A_1073 = arith.constant 10752 : i32
      %dma_start3A_1074 = tpu.memref_slice %arg13[%dma_start3A_1073] : memref<17920xi32, #tpu.memory_space<vmem>> -> memref<128xi32, #tpu.memory_space<vmem>>
      %dma_start3A_1075 = arith.constant 0 : i32
      %dma_start3A_1076 = tpu.memref_slice %arg10[%dma_start3A_1075] : memref<1000000xf32, #tpu.memory_space<vmem_shared>> -> memref<1000000xf32, #tpu.memory_space<vmem_shared>>
      tpu.enqueue_indirect_dma source(%dma_start3A_1076 : memref<1000000xf32, #tpu.memory_space<vmem_shared>>) target(%dma_start3A_1072 : memref<128xf32, #tpu.memory_space<vmem>>) offsets(%dma_start3A_1074 : memref<128xi32, #tpu.memory_space<vmem>>) semaphore(%arg19 : memref<!tpu.dma_semaphore, #tpu.memory_space<semaphore_mem>>)
      %dma_start3A_1077 = arith.constant 10880 : i32
      %dma_start3A_1078 = tpu.memref_slice %arg14[%dma_start3A_1077] : memref<17920xf32, #tpu.memory_space<vmem>> -> memref<128xf32, #tpu.memory_space<vmem>>
      %dma_start3A_1079 = arith.constant 10880 : i32
      %dma_start3A_1080 = tpu.memref_slice %arg13[%dma_start3A_1079] : memref<17920xi32, #tpu.memory_space<vmem>> -> memref<128xi32, #tpu.memory_space<vmem>>
      %dma_start3A_1081 = arith.constant 0 : i32
      %dma_start3A_1082 = tpu.memref_slice %arg10[%dma_start3A_1081] : memref<1000000xf32, #tpu.memory_space<vmem_shared>> -> memref<1000000xf32, #tpu.memory_space<vmem_shared>>
      tpu.enqueue_indirect_dma source(%dma_start3A_1082 : memref<1000000xf32, #tpu.memory_space<vmem_shared>>) target(%dma_start3A_1078 : memref<128xf32, #tpu.memory_space<vmem>>) offsets(%dma_start3A_1080 : memref<128xi32, #tpu.memory_space<vmem>>) semaphore(%arg19 : memref<!tpu.dma_semaphore, #tpu.memory_space<semaphore_mem>>)
      %dma_start3A_1083 = arith.constant 11008 : i32
      %dma_start3A_1084 = tpu.memref_slice %arg14[%dma_start3A_1083] : memref<17920xf32, #tpu.memory_space<vmem>> -> memref<128xf32, #tpu.memory_space<vmem>>
      %dma_start3A_1085 = arith.constant 11008 : i32
      %dma_start3A_1086 = tpu.memref_slice %arg13[%dma_start3A_1085] : memref<17920xi32, #tpu.memory_space<vmem>> -> memref<128xi32, #tpu.memory_space<vmem>>
      %dma_start3A_1087 = arith.constant 0 : i32
      %dma_start3A_1088 = tpu.memref_slice %arg10[%dma_start3A_1087] : memref<1000000xf32, #tpu.memory_space<vmem_shared>> -> memref<1000000xf32, #tpu.memory_space<vmem_shared>>
      tpu.enqueue_indirect_dma source(%dma_start3A_1088 : memref<1000000xf32, #tpu.memory_space<vmem_shared>>) target(%dma_start3A_1084 : memref<128xf32, #tpu.memory_space<vmem>>) offsets(%dma_start3A_1086 : memref<128xi32, #tpu.memory_space<vmem>>) semaphore(%arg19 : memref<!tpu.dma_semaphore, #tpu.memory_space<semaphore_mem>>)
      %dma_start3A_1089 = arith.constant 11136 : i32
      %dma_start3A_1090 = tpu.memref_slice %arg14[%dma_start3A_1089] : memref<17920xf32, #tpu.memory_space<vmem>> -> memref<128xf32, #tpu.memory_space<vmem>>
      %dma_start3A_1091 = arith.constant 11136 : i32
      %dma_start3A_1092 = tpu.memref_slice %arg13[%dma_start3A_1091] : memref<17920xi32, #tpu.memory_space<vmem>> -> memref<128xi32, #tpu.memory_space<vmem>>
      %dma_start3A_1093 = arith.constant 0 : i32
      %dma_start3A_1094 = tpu.memref_slice %arg10[%dma_start3A_1093] : memref<1000000xf32, #tpu.memory_space<vmem_shared>> -> memref<1000000xf32, #tpu.memory_space<vmem_shared>>
      tpu.enqueue_indirect_dma source(%dma_start3A_1094 : memref<1000000xf32, #tpu.memory_space<vmem_shared>>) target(%dma_start3A_1090 : memref<128xf32, #tpu.memory_space<vmem>>) offsets(%dma_start3A_1092 : memref<128xi32, #tpu.memory_space<vmem>>) semaphore(%arg19 : memref<!tpu.dma_semaphore, #tpu.memory_space<semaphore_mem>>)
      %dma_start3A_1095 = arith.constant 11264 : i32
      %dma_start3A_1096 = tpu.memref_slice %arg14[%dma_start3A_1095] : memref<17920xf32, #tpu.memory_space<vmem>> -> memref<128xf32, #tpu.memory_space<vmem>>
      %dma_start3A_1097 = arith.constant 11264 : i32
      %dma_start3A_1098 = tpu.memref_slice %arg13[%dma_start3A_1097] : memref<17920xi32, #tpu.memory_space<vmem>> -> memref<128xi32, #tpu.memory_space<vmem>>
      %dma_start3A_1099 = arith.constant 0 : i32
      %dma_start3A_1100 = tpu.memref_slice %arg10[%dma_start3A_1099] : memref<1000000xf32, #tpu.memory_space<vmem_shared>> -> memref<1000000xf32, #tpu.memory_space<vmem_shared>>
      tpu.enqueue_indirect_dma source(%dma_start3A_1100 : memref<1000000xf32, #tpu.memory_space<vmem_shared>>) target(%dma_start3A_1096 : memref<128xf32, #tpu.memory_space<vmem>>) offsets(%dma_start3A_1098 : memref<128xi32, #tpu.memory_space<vmem>>) semaphore(%arg19 : memref<!tpu.dma_semaphore, #tpu.memory_space<semaphore_mem>>)
      %dma_start3A_1101 = arith.constant 11392 : i32
      %dma_start3A_1102 = tpu.memref_slice %arg14[%dma_start3A_1101] : memref<17920xf32, #tpu.memory_space<vmem>> -> memref<128xf32, #tpu.memory_space<vmem>>
      %dma_start3A_1103 = arith.constant 11392 : i32
      %dma_start3A_1104 = tpu.memref_slice %arg13[%dma_start3A_1103] : memref<17920xi32, #tpu.memory_space<vmem>> -> memref<128xi32, #tpu.memory_space<vmem>>
      %dma_start3A_1105 = arith.constant 0 : i32
      %dma_start3A_1106 = tpu.memref_slice %arg10[%dma_start3A_1105] : memref<1000000xf32, #tpu.memory_space<vmem_shared>> -> memref<1000000xf32, #tpu.memory_space<vmem_shared>>
      tpu.enqueue_indirect_dma source(%dma_start3A_1106 : memref<1000000xf32, #tpu.memory_space<vmem_shared>>) target(%dma_start3A_1102 : memref<128xf32, #tpu.memory_space<vmem>>) offsets(%dma_start3A_1104 : memref<128xi32, #tpu.memory_space<vmem>>) semaphore(%arg19 : memref<!tpu.dma_semaphore, #tpu.memory_space<semaphore_mem>>)
      %dma_start3A_1107 = arith.constant 11520 : i32
      %dma_start3A_1108 = tpu.memref_slice %arg14[%dma_start3A_1107] : memref<17920xf32, #tpu.memory_space<vmem>> -> memref<128xf32, #tpu.memory_space<vmem>>
      %dma_start3A_1109 = arith.constant 11520 : i32
      %dma_start3A_1110 = tpu.memref_slice %arg13[%dma_start3A_1109] : memref<17920xi32, #tpu.memory_space<vmem>> -> memref<128xi32, #tpu.memory_space<vmem>>
      %dma_start3A_1111 = arith.constant 0 : i32
      %dma_start3A_1112 = tpu.memref_slice %arg10[%dma_start3A_1111] : memref<1000000xf32, #tpu.memory_space<vmem_shared>> -> memref<1000000xf32, #tpu.memory_space<vmem_shared>>
      tpu.enqueue_indirect_dma source(%dma_start3A_1112 : memref<1000000xf32, #tpu.memory_space<vmem_shared>>) target(%dma_start3A_1108 : memref<128xf32, #tpu.memory_space<vmem>>) offsets(%dma_start3A_1110 : memref<128xi32, #tpu.memory_space<vmem>>) semaphore(%arg19 : memref<!tpu.dma_semaphore, #tpu.memory_space<semaphore_mem>>)
      %dma_start3A_1113 = arith.constant 11648 : i32
      %dma_start3A_1114 = tpu.memref_slice %arg14[%dma_start3A_1113] : memref<17920xf32, #tpu.memory_space<vmem>> -> memref<128xf32, #tpu.memory_space<vmem>>
      %dma_start3A_1115 = arith.constant 11648 : i32
      %dma_start3A_1116 = tpu.memref_slice %arg13[%dma_start3A_1115] : memref<17920xi32, #tpu.memory_space<vmem>> -> memref<128xi32, #tpu.memory_space<vmem>>
      %dma_start3A_1117 = arith.constant 0 : i32
      %dma_start3A_1118 = tpu.memref_slice %arg10[%dma_start3A_1117] : memref<1000000xf32, #tpu.memory_space<vmem_shared>> -> memref<1000000xf32, #tpu.memory_space<vmem_shared>>
      tpu.enqueue_indirect_dma source(%dma_start3A_1118 : memref<1000000xf32, #tpu.memory_space<vmem_shared>>) target(%dma_start3A_1114 : memref<128xf32, #tpu.memory_space<vmem>>) offsets(%dma_start3A_1116 : memref<128xi32, #tpu.memory_space<vmem>>) semaphore(%arg19 : memref<!tpu.dma_semaphore, #tpu.memory_space<semaphore_mem>>)
      %dma_start3A_1119 = arith.constant 11776 : i32
      %dma_start3A_1120 = tpu.memref_slice %arg14[%dma_start3A_1119] : memref<17920xf32, #tpu.memory_space<vmem>> -> memref<128xf32, #tpu.memory_space<vmem>>
      %dma_start3A_1121 = arith.constant 11776 : i32
      %dma_start3A_1122 = tpu.memref_slice %arg13[%dma_start3A_1121] : memref<17920xi32, #tpu.memory_space<vmem>> -> memref<128xi32, #tpu.memory_space<vmem>>
      %dma_start3A_1123 = arith.constant 0 : i32
      %dma_start3A_1124 = tpu.memref_slice %arg10[%dma_start3A_1123] : memref<1000000xf32, #tpu.memory_space<vmem_shared>> -> memref<1000000xf32, #tpu.memory_space<vmem_shared>>
      tpu.enqueue_indirect_dma source(%dma_start3A_1124 : memref<1000000xf32, #tpu.memory_space<vmem_shared>>) target(%dma_start3A_1120 : memref<128xf32, #tpu.memory_space<vmem>>) offsets(%dma_start3A_1122 : memref<128xi32, #tpu.memory_space<vmem>>) semaphore(%arg19 : memref<!tpu.dma_semaphore, #tpu.memory_space<semaphore_mem>>)
      %dma_start3A_1125 = arith.constant 11904 : i32
      %dma_start3A_1126 = tpu.memref_slice %arg14[%dma_start3A_1125] : memref<17920xf32, #tpu.memory_space<vmem>> -> memref<128xf32, #tpu.memory_space<vmem>>
      %dma_start3A_1127 = arith.constant 11904 : i32
      %dma_start3A_1128 = tpu.memref_slice %arg13[%dma_start3A_1127] : memref<17920xi32, #tpu.memory_space<vmem>> -> memref<128xi32, #tpu.memory_space<vmem>>
      %dma_start3A_1129 = arith.constant 0 : i32
      %dma_start3A_1130 = tpu.memref_slice %arg10[%dma_start3A_1129] : memref<1000000xf32, #tpu.memory_space<vmem_shared>> -> memref<1000000xf32, #tpu.memory_space<vmem_shared>>
      tpu.enqueue_indirect_dma source(%dma_start3A_1130 : memref<1000000xf32, #tpu.memory_space<vmem_shared>>) target(%dma_start3A_1126 : memref<128xf32, #tpu.memory_space<vmem>>) offsets(%dma_start3A_1128 : memref<128xi32, #tpu.memory_space<vmem>>) semaphore(%arg19 : memref<!tpu.dma_semaphore, #tpu.memory_space<semaphore_mem>>)
      %dma_start3A_1131 = arith.constant 12032 : i32
      %dma_start3A_1132 = tpu.memref_slice %arg14[%dma_start3A_1131] : memref<17920xf32, #tpu.memory_space<vmem>> -> memref<128xf32, #tpu.memory_space<vmem>>
      %dma_start3A_1133 = arith.constant 12032 : i32
      %dma_start3A_1134 = tpu.memref_slice %arg13[%dma_start3A_1133] : memref<17920xi32, #tpu.memory_space<vmem>> -> memref<128xi32, #tpu.memory_space<vmem>>
      %dma_start3A_1135 = arith.constant 0 : i32
      %dma_start3A_1136 = tpu.memref_slice %arg10[%dma_start3A_1135] : memref<1000000xf32, #tpu.memory_space<vmem_shared>> -> memref<1000000xf32, #tpu.memory_space<vmem_shared>>
      tpu.enqueue_indirect_dma source(%dma_start3A_1136 : memref<1000000xf32, #tpu.memory_space<vmem_shared>>) target(%dma_start3A_1132 : memref<128xf32, #tpu.memory_space<vmem>>) offsets(%dma_start3A_1134 : memref<128xi32, #tpu.memory_space<vmem>>) semaphore(%arg19 : memref<!tpu.dma_semaphore, #tpu.memory_space<semaphore_mem>>)
      %dma_start3A_1137 = arith.constant 12160 : i32
      %dma_start3A_1138 = tpu.memref_slice %arg14[%dma_start3A_1137] : memref<17920xf32, #tpu.memory_space<vmem>> -> memref<128xf32, #tpu.memory_space<vmem>>
      %dma_start3A_1139 = arith.constant 12160 : i32
      %dma_start3A_1140 = tpu.memref_slice %arg13[%dma_start3A_1139] : memref<17920xi32, #tpu.memory_space<vmem>> -> memref<128xi32, #tpu.memory_space<vmem>>
      %dma_start3A_1141 = arith.constant 0 : i32
      %dma_start3A_1142 = tpu.memref_slice %arg10[%dma_start3A_1141] : memref<1000000xf32, #tpu.memory_space<vmem_shared>> -> memref<1000000xf32, #tpu.memory_space<vmem_shared>>
      tpu.enqueue_indirect_dma source(%dma_start3A_1142 : memref<1000000xf32, #tpu.memory_space<vmem_shared>>) target(%dma_start3A_1138 : memref<128xf32, #tpu.memory_space<vmem>>) offsets(%dma_start3A_1140 : memref<128xi32, #tpu.memory_space<vmem>>) semaphore(%arg19 : memref<!tpu.dma_semaphore, #tpu.memory_space<semaphore_mem>>)
      %dma_start3A_1143 = arith.constant 12288 : i32
      %dma_start3A_1144 = tpu.memref_slice %arg14[%dma_start3A_1143] : memref<17920xf32, #tpu.memory_space<vmem>> -> memref<128xf32, #tpu.memory_space<vmem>>
      %dma_start3A_1145 = arith.constant 12288 : i32
      %dma_start3A_1146 = tpu.memref_slice %arg13[%dma_start3A_1145] : memref<17920xi32, #tpu.memory_space<vmem>> -> memref<128xi32, #tpu.memory_space<vmem>>
      %dma_start3A_1147 = arith.constant 0 : i32
      %dma_start3A_1148 = tpu.memref_slice %arg10[%dma_start3A_1147] : memref<1000000xf32, #tpu.memory_space<vmem_shared>> -> memref<1000000xf32, #tpu.memory_space<vmem_shared>>
      tpu.enqueue_indirect_dma source(%dma_start3A_1148 : memref<1000000xf32, #tpu.memory_space<vmem_shared>>) target(%dma_start3A_1144 : memref<128xf32, #tpu.memory_space<vmem>>) offsets(%dma_start3A_1146 : memref<128xi32, #tpu.memory_space<vmem>>) semaphore(%arg19 : memref<!tpu.dma_semaphore, #tpu.memory_space<semaphore_mem>>)
      %dma_start3A_1149 = arith.constant 12416 : i32
      %dma_start3A_1150 = tpu.memref_slice %arg14[%dma_start3A_1149] : memref<17920xf32, #tpu.memory_space<vmem>> -> memref<128xf32, #tpu.memory_space<vmem>>
      %dma_start3A_1151 = arith.constant 12416 : i32
      %dma_start3A_1152 = tpu.memref_slice %arg13[%dma_start3A_1151] : memref<17920xi32, #tpu.memory_space<vmem>> -> memref<128xi32, #tpu.memory_space<vmem>>
      %dma_start3A_1153 = arith.constant 0 : i32
      %dma_start3A_1154 = tpu.memref_slice %arg10[%dma_start3A_1153] : memref<1000000xf32, #tpu.memory_space<vmem_shared>> -> memref<1000000xf32, #tpu.memory_space<vmem_shared>>
      tpu.enqueue_indirect_dma source(%dma_start3A_1154 : memref<1000000xf32, #tpu.memory_space<vmem_shared>>) target(%dma_start3A_1150 : memref<128xf32, #tpu.memory_space<vmem>>) offsets(%dma_start3A_1152 : memref<128xi32, #tpu.memory_space<vmem>>) semaphore(%arg19 : memref<!tpu.dma_semaphore, #tpu.memory_space<semaphore_mem>>)
      %dma_start3A_1155 = arith.constant 12544 : i32
      %dma_start3A_1156 = tpu.memref_slice %arg14[%dma_start3A_1155] : memref<17920xf32, #tpu.memory_space<vmem>> -> memref<128xf32, #tpu.memory_space<vmem>>
      %dma_start3A_1157 = arith.constant 12544 : i32
      %dma_start3A_1158 = tpu.memref_slice %arg13[%dma_start3A_1157] : memref<17920xi32, #tpu.memory_space<vmem>> -> memref<128xi32, #tpu.memory_space<vmem>>
      %dma_start3A_1159 = arith.constant 0 : i32
      %dma_start3A_1160 = tpu.memref_slice %arg10[%dma_start3A_1159] : memref<1000000xf32, #tpu.memory_space<vmem_shared>> -> memref<1000000xf32, #tpu.memory_space<vmem_shared>>
      tpu.enqueue_indirect_dma source(%dma_start3A_1160 : memref<1000000xf32, #tpu.memory_space<vmem_shared>>) target(%dma_start3A_1156 : memref<128xf32, #tpu.memory_space<vmem>>) offsets(%dma_start3A_1158 : memref<128xi32, #tpu.memory_space<vmem>>) semaphore(%arg19 : memref<!tpu.dma_semaphore, #tpu.memory_space<semaphore_mem>>)
      %dma_start3A_1161 = arith.constant 12672 : i32
      %dma_start3A_1162 = tpu.memref_slice %arg14[%dma_start3A_1161] : memref<17920xf32, #tpu.memory_space<vmem>> -> memref<128xf32, #tpu.memory_space<vmem>>
      %dma_start3A_1163 = arith.constant 12672 : i32
      %dma_start3A_1164 = tpu.memref_slice %arg13[%dma_start3A_1163] : memref<17920xi32, #tpu.memory_space<vmem>> -> memref<128xi32, #tpu.memory_space<vmem>>
      %dma_start3A_1165 = arith.constant 0 : i32
      %dma_start3A_1166 = tpu.memref_slice %arg10[%dma_start3A_1165] : memref<1000000xf32, #tpu.memory_space<vmem_shared>> -> memref<1000000xf32, #tpu.memory_space<vmem_shared>>
      tpu.enqueue_indirect_dma source(%dma_start3A_1166 : memref<1000000xf32, #tpu.memory_space<vmem_shared>>) target(%dma_start3A_1162 : memref<128xf32, #tpu.memory_space<vmem>>) offsets(%dma_start3A_1164 : memref<128xi32, #tpu.memory_space<vmem>>) semaphore(%arg19 : memref<!tpu.dma_semaphore, #tpu.memory_space<semaphore_mem>>)
      %dma_start3A_1167 = arith.constant 12800 : i32
      %dma_start3A_1168 = tpu.memref_slice %arg14[%dma_start3A_1167] : memref<17920xf32, #tpu.memory_space<vmem>> -> memref<128xf32, #tpu.memory_space<vmem>>
      %dma_start3A_1169 = arith.constant 12800 : i32
      %dma_start3A_1170 = tpu.memref_slice %arg13[%dma_start3A_1169] : memref<17920xi32, #tpu.memory_space<vmem>> -> memref<128xi32, #tpu.memory_space<vmem>>
      %dma_start3A_1171 = arith.constant 0 : i32
      %dma_start3A_1172 = tpu.memref_slice %arg10[%dma_start3A_1171] : memref<1000000xf32, #tpu.memory_space<vmem_shared>> -> memref<1000000xf32, #tpu.memory_space<vmem_shared>>
      tpu.enqueue_indirect_dma source(%dma_start3A_1172 : memref<1000000xf32, #tpu.memory_space<vmem_shared>>) target(%dma_start3A_1168 : memref<128xf32, #tpu.memory_space<vmem>>) offsets(%dma_start3A_1170 : memref<128xi32, #tpu.memory_space<vmem>>) semaphore(%arg19 : memref<!tpu.dma_semaphore, #tpu.memory_space<semaphore_mem>>)
      %dma_start3A_1173 = arith.constant 12928 : i32
      %dma_start3A_1174 = tpu.memref_slice %arg14[%dma_start3A_1173] : memref<17920xf32, #tpu.memory_space<vmem>> -> memref<128xf32, #tpu.memory_space<vmem>>
      %dma_start3A_1175 = arith.constant 12928 : i32
      %dma_start3A_1176 = tpu.memref_slice %arg13[%dma_start3A_1175] : memref<17920xi32, #tpu.memory_space<vmem>> -> memref<128xi32, #tpu.memory_space<vmem>>
      %dma_start3A_1177 = arith.constant 0 : i32
      %dma_start3A_1178 = tpu.memref_slice %arg10[%dma_start3A_1177] : memref<1000000xf32, #tpu.memory_space<vmem_shared>> -> memref<1000000xf32, #tpu.memory_space<vmem_shared>>
      tpu.enqueue_indirect_dma source(%dma_start3A_1178 : memref<1000000xf32, #tpu.memory_space<vmem_shared>>) target(%dma_start3A_1174 : memref<128xf32, #tpu.memory_space<vmem>>) offsets(%dma_start3A_1176 : memref<128xi32, #tpu.memory_space<vmem>>) semaphore(%arg19 : memref<!tpu.dma_semaphore, #tpu.memory_space<semaphore_mem>>)
      %dma_start3A_1179 = arith.constant 13056 : i32
      %dma_start3A_1180 = tpu.memref_slice %arg14[%dma_start3A_1179] : memref<17920xf32, #tpu.memory_space<vmem>> -> memref<128xf32, #tpu.memory_space<vmem>>
      %dma_start3A_1181 = arith.constant 13056 : i32
      %dma_start3A_1182 = tpu.memref_slice %arg13[%dma_start3A_1181] : memref<17920xi32, #tpu.memory_space<vmem>> -> memref<128xi32, #tpu.memory_space<vmem>>
      %dma_start3A_1183 = arith.constant 0 : i32
      %dma_start3A_1184 = tpu.memref_slice %arg10[%dma_start3A_1183] : memref<1000000xf32, #tpu.memory_space<vmem_shared>> -> memref<1000000xf32, #tpu.memory_space<vmem_shared>>
      tpu.enqueue_indirect_dma source(%dma_start3A_1184 : memref<1000000xf32, #tpu.memory_space<vmem_shared>>) target(%dma_start3A_1180 : memref<128xf32, #tpu.memory_space<vmem>>) offsets(%dma_start3A_1182 : memref<128xi32, #tpu.memory_space<vmem>>) semaphore(%arg19 : memref<!tpu.dma_semaphore, #tpu.memory_space<semaphore_mem>>)
      %dma_start3A_1185 = arith.constant 13184 : i32
      %dma_start3A_1186 = tpu.memref_slice %arg14[%dma_start3A_1185] : memref<17920xf32, #tpu.memory_space<vmem>> -> memref<128xf32, #tpu.memory_space<vmem>>
      %dma_start3A_1187 = arith.constant 13184 : i32
      %dma_start3A_1188 = tpu.memref_slice %arg13[%dma_start3A_1187] : memref<17920xi32, #tpu.memory_space<vmem>> -> memref<128xi32, #tpu.memory_space<vmem>>
      %dma_start3A_1189 = arith.constant 0 : i32
      %dma_start3A_1190 = tpu.memref_slice %arg10[%dma_start3A_1189] : memref<1000000xf32, #tpu.memory_space<vmem_shared>> -> memref<1000000xf32, #tpu.memory_space<vmem_shared>>
      tpu.enqueue_indirect_dma source(%dma_start3A_1190 : memref<1000000xf32, #tpu.memory_space<vmem_shared>>) target(%dma_start3A_1186 : memref<128xf32, #tpu.memory_space<vmem>>) offsets(%dma_start3A_1188 : memref<128xi32, #tpu.memory_space<vmem>>) semaphore(%arg19 : memref<!tpu.dma_semaphore, #tpu.memory_space<semaphore_mem>>)
      %dma_start3A_1191 = arith.constant 13312 : i32
      %dma_start3A_1192 = tpu.memref_slice %arg14[%dma_start3A_1191] : memref<17920xf32, #tpu.memory_space<vmem>> -> memref<128xf32, #tpu.memory_space<vmem>>
      %dma_start3A_1193 = arith.constant 13312 : i32
      %dma_start3A_1194 = tpu.memref_slice %arg13[%dma_start3A_1193] : memref<17920xi32, #tpu.memory_space<vmem>> -> memref<128xi32, #tpu.memory_space<vmem>>
      %dma_start3A_1195 = arith.constant 0 : i32
      %dma_start3A_1196 = tpu.memref_slice %arg10[%dma_start3A_1195] : memref<1000000xf32, #tpu.memory_space<vmem_shared>> -> memref<1000000xf32, #tpu.memory_space<vmem_shared>>
      tpu.enqueue_indirect_dma source(%dma_start3A_1196 : memref<1000000xf32, #tpu.memory_space<vmem_shared>>) target(%dma_start3A_1192 : memref<128xf32, #tpu.memory_space<vmem>>) offsets(%dma_start3A_1194 : memref<128xi32, #tpu.memory_space<vmem>>) semaphore(%arg19 : memref<!tpu.dma_semaphore, #tpu.memory_space<semaphore_mem>>)
      %dma_start3A_1197 = arith.constant 13440 : i32
      %dma_start3A_1198 = tpu.memref_slice %arg14[%dma_start3A_1197] : memref<17920xf32, #tpu.memory_space<vmem>> -> memref<128xf32, #tpu.memory_space<vmem>>
      %dma_start3A_1199 = arith.constant 13440 : i32
      %dma_start3A_1200 = tpu.memref_slice %arg13[%dma_start3A_1199] : memref<17920xi32, #tpu.memory_space<vmem>> -> memref<128xi32, #tpu.memory_space<vmem>>
      %dma_start3A_1201 = arith.constant 0 : i32
      %dma_start3A_1202 = tpu.memref_slice %arg10[%dma_start3A_1201] : memref<1000000xf32, #tpu.memory_space<vmem_shared>> -> memref<1000000xf32, #tpu.memory_space<vmem_shared>>
      tpu.enqueue_indirect_dma source(%dma_start3A_1202 : memref<1000000xf32, #tpu.memory_space<vmem_shared>>) target(%dma_start3A_1198 : memref<128xf32, #tpu.memory_space<vmem>>) offsets(%dma_start3A_1200 : memref<128xi32, #tpu.memory_space<vmem>>) semaphore(%arg19 : memref<!tpu.dma_semaphore, #tpu.memory_space<semaphore_mem>>)
      %dma_start3A_1203 = arith.constant 13568 : i32
      %dma_start3A_1204 = tpu.memref_slice %arg14[%dma_start3A_1203] : memref<17920xf32, #tpu.memory_space<vmem>> -> memref<128xf32, #tpu.memory_space<vmem>>
      %dma_start3A_1205 = arith.constant 13568 : i32
      %dma_start3A_1206 = tpu.memref_slice %arg13[%dma_start3A_1205] : memref<17920xi32, #tpu.memory_space<vmem>> -> memref<128xi32, #tpu.memory_space<vmem>>
      %dma_start3A_1207 = arith.constant 0 : i32
      %dma_start3A_1208 = tpu.memref_slice %arg10[%dma_start3A_1207] : memref<1000000xf32, #tpu.memory_space<vmem_shared>> -> memref<1000000xf32, #tpu.memory_space<vmem_shared>>
      tpu.enqueue_indirect_dma source(%dma_start3A_1208 : memref<1000000xf32, #tpu.memory_space<vmem_shared>>) target(%dma_start3A_1204 : memref<128xf32, #tpu.memory_space<vmem>>) offsets(%dma_start3A_1206 : memref<128xi32, #tpu.memory_space<vmem>>) semaphore(%arg19 : memref<!tpu.dma_semaphore, #tpu.memory_space<semaphore_mem>>)
      %dma_start3A_1209 = arith.constant 13696 : i32
      %dma_start3A_1210 = tpu.memref_slice %arg14[%dma_start3A_1209] : memref<17920xf32, #tpu.memory_space<vmem>> -> memref<128xf32, #tpu.memory_space<vmem>>
      %dma_start3A_1211 = arith.constant 13696 : i32
      %dma_start3A_1212 = tpu.memref_slice %arg13[%dma_start3A_1211] : memref<17920xi32, #tpu.memory_space<vmem>> -> memref<128xi32, #tpu.memory_space<vmem>>
      %dma_start3A_1213 = arith.constant 0 : i32
      %dma_start3A_1214 = tpu.memref_slice %arg10[%dma_start3A_1213] : memref<1000000xf32, #tpu.memory_space<vmem_shared>> -> memref<1000000xf32, #tpu.memory_space<vmem_shared>>
      tpu.enqueue_indirect_dma source(%dma_start3A_1214 : memref<1000000xf32, #tpu.memory_space<vmem_shared>>) target(%dma_start3A_1210 : memref<128xf32, #tpu.memory_space<vmem>>) offsets(%dma_start3A_1212 : memref<128xi32, #tpu.memory_space<vmem>>) semaphore(%arg19 : memref<!tpu.dma_semaphore, #tpu.memory_space<semaphore_mem>>)
      %dma_start3A_1215 = arith.constant 13824 : i32
      %dma_start3A_1216 = tpu.memref_slice %arg14[%dma_start3A_1215] : memref<17920xf32, #tpu.memory_space<vmem>> -> memref<128xf32, #tpu.memory_space<vmem>>
      %dma_start3A_1217 = arith.constant 13824 : i32
      %dma_start3A_1218 = tpu.memref_slice %arg13[%dma_start3A_1217] : memref<17920xi32, #tpu.memory_space<vmem>> -> memref<128xi32, #tpu.memory_space<vmem>>
      %dma_start3A_1219 = arith.constant 0 : i32
      %dma_start3A_1220 = tpu.memref_slice %arg10[%dma_start3A_1219] : memref<1000000xf32, #tpu.memory_space<vmem_shared>> -> memref<1000000xf32, #tpu.memory_space<vmem_shared>>
      tpu.enqueue_indirect_dma source(%dma_start3A_1220 : memref<1000000xf32, #tpu.memory_space<vmem_shared>>) target(%dma_start3A_1216 : memref<128xf32, #tpu.memory_space<vmem>>) offsets(%dma_start3A_1218 : memref<128xi32, #tpu.memory_space<vmem>>) semaphore(%arg19 : memref<!tpu.dma_semaphore, #tpu.memory_space<semaphore_mem>>)
      %dma_start3A_1221 = arith.constant 13952 : i32
      %dma_start3A_1222 = tpu.memref_slice %arg14[%dma_start3A_1221] : memref<17920xf32, #tpu.memory_space<vmem>> -> memref<128xf32, #tpu.memory_space<vmem>>
      %dma_start3A_1223 = arith.constant 13952 : i32
      %dma_start3A_1224 = tpu.memref_slice %arg13[%dma_start3A_1223] : memref<17920xi32, #tpu.memory_space<vmem>> -> memref<128xi32, #tpu.memory_space<vmem>>
      %dma_start3A_1225 = arith.constant 0 : i32
      %dma_start3A_1226 = tpu.memref_slice %arg10[%dma_start3A_1225] : memref<1000000xf32, #tpu.memory_space<vmem_shared>> -> memref<1000000xf32, #tpu.memory_space<vmem_shared>>
      tpu.enqueue_indirect_dma source(%dma_start3A_1226 : memref<1000000xf32, #tpu.memory_space<vmem_shared>>) target(%dma_start3A_1222 : memref<128xf32, #tpu.memory_space<vmem>>) offsets(%dma_start3A_1224 : memref<128xi32, #tpu.memory_space<vmem>>) semaphore(%arg19 : memref<!tpu.dma_semaphore, #tpu.memory_space<semaphore_mem>>)
      %dma_start3A_1227 = arith.constant 14080 : i32
      %dma_start3A_1228 = tpu.memref_slice %arg14[%dma_start3A_1227] : memref<17920xf32, #tpu.memory_space<vmem>> -> memref<128xf32, #tpu.memory_space<vmem>>
      %dma_start3A_1229 = arith.constant 14080 : i32
      %dma_start3A_1230 = tpu.memref_slice %arg13[%dma_start3A_1229] : memref<17920xi32, #tpu.memory_space<vmem>> -> memref<128xi32, #tpu.memory_space<vmem>>
      %dma_start3A_1231 = arith.constant 0 : i32
      %dma_start3A_1232 = tpu.memref_slice %arg10[%dma_start3A_1231] : memref<1000000xf32, #tpu.memory_space<vmem_shared>> -> memref<1000000xf32, #tpu.memory_space<vmem_shared>>
      tpu.enqueue_indirect_dma source(%dma_start3A_1232 : memref<1000000xf32, #tpu.memory_space<vmem_shared>>) target(%dma_start3A_1228 : memref<128xf32, #tpu.memory_space<vmem>>) offsets(%dma_start3A_1230 : memref<128xi32, #tpu.memory_space<vmem>>) semaphore(%arg19 : memref<!tpu.dma_semaphore, #tpu.memory_space<semaphore_mem>>)
      %dma_start3A_1233 = arith.constant 14208 : i32
      %dma_start3A_1234 = tpu.memref_slice %arg14[%dma_start3A_1233] : memref<17920xf32, #tpu.memory_space<vmem>> -> memref<128xf32, #tpu.memory_space<vmem>>
      %dma_start3A_1235 = arith.constant 14208 : i32
      %dma_start3A_1236 = tpu.memref_slice %arg13[%dma_start3A_1235] : memref<17920xi32, #tpu.memory_space<vmem>> -> memref<128xi32, #tpu.memory_space<vmem>>
      %dma_start3A_1237 = arith.constant 0 : i32
      %dma_start3A_1238 = tpu.memref_slice %arg10[%dma_start3A_1237] : memref<1000000xf32, #tpu.memory_space<vmem_shared>> -> memref<1000000xf32, #tpu.memory_space<vmem_shared>>
      tpu.enqueue_indirect_dma source(%dma_start3A_1238 : memref<1000000xf32, #tpu.memory_space<vmem_shared>>) target(%dma_start3A_1234 : memref<128xf32, #tpu.memory_space<vmem>>) offsets(%dma_start3A_1236 : memref<128xi32, #tpu.memory_space<vmem>>) semaphore(%arg19 : memref<!tpu.dma_semaphore, #tpu.memory_space<semaphore_mem>>)
      %dma_start3A_1239 = arith.constant 14336 : i32
      %dma_start3A_1240 = tpu.memref_slice %arg14[%dma_start3A_1239] : memref<17920xf32, #tpu.memory_space<vmem>> -> memref<128xf32, #tpu.memory_space<vmem>>
      %dma_start3A_1241 = arith.constant 14336 : i32
      %dma_start3A_1242 = tpu.memref_slice %arg13[%dma_start3A_1241] : memref<17920xi32, #tpu.memory_space<vmem>> -> memref<128xi32, #tpu.memory_space<vmem>>
      %dma_start3A_1243 = arith.constant 0 : i32
      %dma_start3A_1244 = tpu.memref_slice %arg10[%dma_start3A_1243] : memref<1000000xf32, #tpu.memory_space<vmem_shared>> -> memref<1000000xf32, #tpu.memory_space<vmem_shared>>
      tpu.enqueue_indirect_dma source(%dma_start3A_1244 : memref<1000000xf32, #tpu.memory_space<vmem_shared>>) target(%dma_start3A_1240 : memref<128xf32, #tpu.memory_space<vmem>>) offsets(%dma_start3A_1242 : memref<128xi32, #tpu.memory_space<vmem>>) semaphore(%arg19 : memref<!tpu.dma_semaphore, #tpu.memory_space<semaphore_mem>>)
      %dma_start3A_1245 = arith.constant 14464 : i32
      %dma_start3A_1246 = tpu.memref_slice %arg14[%dma_start3A_1245] : memref<17920xf32, #tpu.memory_space<vmem>> -> memref<128xf32, #tpu.memory_space<vmem>>
      %dma_start3A_1247 = arith.constant 14464 : i32
      %dma_start3A_1248 = tpu.memref_slice %arg13[%dma_start3A_1247] : memref<17920xi32, #tpu.memory_space<vmem>> -> memref<128xi32, #tpu.memory_space<vmem>>
      %dma_start3A_1249 = arith.constant 0 : i32
      %dma_start3A_1250 = tpu.memref_slice %arg10[%dma_start3A_1249] : memref<1000000xf32, #tpu.memory_space<vmem_shared>> -> memref<1000000xf32, #tpu.memory_space<vmem_shared>>
      tpu.enqueue_indirect_dma source(%dma_start3A_1250 : memref<1000000xf32, #tpu.memory_space<vmem_shared>>) target(%dma_start3A_1246 : memref<128xf32, #tpu.memory_space<vmem>>) offsets(%dma_start3A_1248 : memref<128xi32, #tpu.memory_space<vmem>>) semaphore(%arg19 : memref<!tpu.dma_semaphore, #tpu.memory_space<semaphore_mem>>)
      %dma_start3A_1251 = arith.constant 14592 : i32
      %dma_start3A_1252 = tpu.memref_slice %arg14[%dma_start3A_1251] : memref<17920xf32, #tpu.memory_space<vmem>> -> memref<128xf32, #tpu.memory_space<vmem>>
      %dma_start3A_1253 = arith.constant 14592 : i32
      %dma_start3A_1254 = tpu.memref_slice %arg13[%dma_start3A_1253] : memref<17920xi32, #tpu.memory_space<vmem>> -> memref<128xi32, #tpu.memory_space<vmem>>
      %dma_start3A_1255 = arith.constant 0 : i32
      %dma_start3A_1256 = tpu.memref_slice %arg10[%dma_start3A_1255] : memref<1000000xf32, #tpu.memory_space<vmem_shared>> -> memref<1000000xf32, #tpu.memory_space<vmem_shared>>
      tpu.enqueue_indirect_dma source(%dma_start3A_1256 : memref<1000000xf32, #tpu.memory_space<vmem_shared>>) target(%dma_start3A_1252 : memref<128xf32, #tpu.memory_space<vmem>>) offsets(%dma_start3A_1254 : memref<128xi32, #tpu.memory_space<vmem>>) semaphore(%arg19 : memref<!tpu.dma_semaphore, #tpu.memory_space<semaphore_mem>>)
      %dma_start3A_1257 = arith.constant 14720 : i32
      %dma_start3A_1258 = tpu.memref_slice %arg14[%dma_start3A_1257] : memref<17920xf32, #tpu.memory_space<vmem>> -> memref<128xf32, #tpu.memory_space<vmem>>
      %dma_start3A_1259 = arith.constant 14720 : i32
      %dma_start3A_1260 = tpu.memref_slice %arg13[%dma_start3A_1259] : memref<17920xi32, #tpu.memory_space<vmem>> -> memref<128xi32, #tpu.memory_space<vmem>>
      %dma_start3A_1261 = arith.constant 0 : i32
      %dma_start3A_1262 = tpu.memref_slice %arg10[%dma_start3A_1261] : memref<1000000xf32, #tpu.memory_space<vmem_shared>> -> memref<1000000xf32, #tpu.memory_space<vmem_shared>>
      tpu.enqueue_indirect_dma source(%dma_start3A_1262 : memref<1000000xf32, #tpu.memory_space<vmem_shared>>) target(%dma_start3A_1258 : memref<128xf32, #tpu.memory_space<vmem>>) offsets(%dma_start3A_1260 : memref<128xi32, #tpu.memory_space<vmem>>) semaphore(%arg19 : memref<!tpu.dma_semaphore, #tpu.memory_space<semaphore_mem>>)
      %dma_start3A_1263 = arith.constant 14848 : i32
      %dma_start3A_1264 = tpu.memref_slice %arg14[%dma_start3A_1263] : memref<17920xf32, #tpu.memory_space<vmem>> -> memref<128xf32, #tpu.memory_space<vmem>>
      %dma_start3A_1265 = arith.constant 14848 : i32
      %dma_start3A_1266 = tpu.memref_slice %arg13[%dma_start3A_1265] : memref<17920xi32, #tpu.memory_space<vmem>> -> memref<128xi32, #tpu.memory_space<vmem>>
      %dma_start3A_1267 = arith.constant 0 : i32
      %dma_start3A_1268 = tpu.memref_slice %arg10[%dma_start3A_1267] : memref<1000000xf32, #tpu.memory_space<vmem_shared>> -> memref<1000000xf32, #tpu.memory_space<vmem_shared>>
      tpu.enqueue_indirect_dma source(%dma_start3A_1268 : memref<1000000xf32, #tpu.memory_space<vmem_shared>>) target(%dma_start3A_1264 : memref<128xf32, #tpu.memory_space<vmem>>) offsets(%dma_start3A_1266 : memref<128xi32, #tpu.memory_space<vmem>>) semaphore(%arg19 : memref<!tpu.dma_semaphore, #tpu.memory_space<semaphore_mem>>)
      %dma_start3A_1269 = arith.constant 14976 : i32
      %dma_start3A_1270 = tpu.memref_slice %arg14[%dma_start3A_1269] : memref<17920xf32, #tpu.memory_space<vmem>> -> memref<128xf32, #tpu.memory_space<vmem>>
      %dma_start3A_1271 = arith.constant 14976 : i32
      %dma_start3A_1272 = tpu.memref_slice %arg13[%dma_start3A_1271] : memref<17920xi32, #tpu.memory_space<vmem>> -> memref<128xi32, #tpu.memory_space<vmem>>
      %dma_start3A_1273 = arith.constant 0 : i32
      %dma_start3A_1274 = tpu.memref_slice %arg10[%dma_start3A_1273] : memref<1000000xf32, #tpu.memory_space<vmem_shared>> -> memref<1000000xf32, #tpu.memory_space<vmem_shared>>
      tpu.enqueue_indirect_dma source(%dma_start3A_1274 : memref<1000000xf32, #tpu.memory_space<vmem_shared>>) target(%dma_start3A_1270 : memref<128xf32, #tpu.memory_space<vmem>>) offsets(%dma_start3A_1272 : memref<128xi32, #tpu.memory_space<vmem>>) semaphore(%arg19 : memref<!tpu.dma_semaphore, #tpu.memory_space<semaphore_mem>>)
      %dma_start3A_1275 = arith.constant 15104 : i32
      %dma_start3A_1276 = tpu.memref_slice %arg14[%dma_start3A_1275] : memref<17920xf32, #tpu.memory_space<vmem>> -> memref<128xf32, #tpu.memory_space<vmem>>
      %dma_start3A_1277 = arith.constant 15104 : i32
      %dma_start3A_1278 = tpu.memref_slice %arg13[%dma_start3A_1277] : memref<17920xi32, #tpu.memory_space<vmem>> -> memref<128xi32, #tpu.memory_space<vmem>>
      %dma_start3A_1279 = arith.constant 0 : i32
      %dma_start3A_1280 = tpu.memref_slice %arg10[%dma_start3A_1279] : memref<1000000xf32, #tpu.memory_space<vmem_shared>> -> memref<1000000xf32, #tpu.memory_space<vmem_shared>>
      tpu.enqueue_indirect_dma source(%dma_start3A_1280 : memref<1000000xf32, #tpu.memory_space<vmem_shared>>) target(%dma_start3A_1276 : memref<128xf32, #tpu.memory_space<vmem>>) offsets(%dma_start3A_1278 : memref<128xi32, #tpu.memory_space<vmem>>) semaphore(%arg19 : memref<!tpu.dma_semaphore, #tpu.memory_space<semaphore_mem>>)
      %dma_start3A_1281 = arith.constant 15232 : i32
      %dma_start3A_1282 = tpu.memref_slice %arg14[%dma_start3A_1281] : memref<17920xf32, #tpu.memory_space<vmem>> -> memref<128xf32, #tpu.memory_space<vmem>>
      %dma_start3A_1283 = arith.constant 15232 : i32
      %dma_start3A_1284 = tpu.memref_slice %arg13[%dma_start3A_1283] : memref<17920xi32, #tpu.memory_space<vmem>> -> memref<128xi32, #tpu.memory_space<vmem>>
      %dma_start3A_1285 = arith.constant 0 : i32
      %dma_start3A_1286 = tpu.memref_slice %arg10[%dma_start3A_1285] : memref<1000000xf32, #tpu.memory_space<vmem_shared>> -> memref<1000000xf32, #tpu.memory_space<vmem_shared>>
      tpu.enqueue_indirect_dma source(%dma_start3A_1286 : memref<1000000xf32, #tpu.memory_space<vmem_shared>>) target(%dma_start3A_1282 : memref<128xf32, #tpu.memory_space<vmem>>) offsets(%dma_start3A_1284 : memref<128xi32, #tpu.memory_space<vmem>>) semaphore(%arg19 : memref<!tpu.dma_semaphore, #tpu.memory_space<semaphore_mem>>)
      %dma_start3A_1287 = arith.constant 15360 : i32
      %dma_start3A_1288 = tpu.memref_slice %arg14[%dma_start3A_1287] : memref<17920xf32, #tpu.memory_space<vmem>> -> memref<128xf32, #tpu.memory_space<vmem>>
      %dma_start3A_1289 = arith.constant 15360 : i32
      %dma_start3A_1290 = tpu.memref_slice %arg13[%dma_start3A_1289] : memref<17920xi32, #tpu.memory_space<vmem>> -> memref<128xi32, #tpu.memory_space<vmem>>
      %dma_start3A_1291 = arith.constant 0 : i32
      %dma_start3A_1292 = tpu.memref_slice %arg10[%dma_start3A_1291] : memref<1000000xf32, #tpu.memory_space<vmem_shared>> -> memref<1000000xf32, #tpu.memory_space<vmem_shared>>
      tpu.enqueue_indirect_dma source(%dma_start3A_1292 : memref<1000000xf32, #tpu.memory_space<vmem_shared>>) target(%dma_start3A_1288 : memref<128xf32, #tpu.memory_space<vmem>>) offsets(%dma_start3A_1290 : memref<128xi32, #tpu.memory_space<vmem>>) semaphore(%arg19 : memref<!tpu.dma_semaphore, #tpu.memory_space<semaphore_mem>>)
      %dma_start3A_1293 = arith.constant 15488 : i32
      %dma_start3A_1294 = tpu.memref_slice %arg14[%dma_start3A_1293] : memref<17920xf32, #tpu.memory_space<vmem>> -> memref<128xf32, #tpu.memory_space<vmem>>
      %dma_start3A_1295 = arith.constant 15488 : i32
      %dma_start3A_1296 = tpu.memref_slice %arg13[%dma_start3A_1295] : memref<17920xi32, #tpu.memory_space<vmem>> -> memref<128xi32, #tpu.memory_space<vmem>>
      %dma_start3A_1297 = arith.constant 0 : i32
      %dma_start3A_1298 = tpu.memref_slice %arg10[%dma_start3A_1297] : memref<1000000xf32, #tpu.memory_space<vmem_shared>> -> memref<1000000xf32, #tpu.memory_space<vmem_shared>>
      tpu.enqueue_indirect_dma source(%dma_start3A_1298 : memref<1000000xf32, #tpu.memory_space<vmem_shared>>) target(%dma_start3A_1294 : memref<128xf32, #tpu.memory_space<vmem>>) offsets(%dma_start3A_1296 : memref<128xi32, #tpu.memory_space<vmem>>) semaphore(%arg19 : memref<!tpu.dma_semaphore, #tpu.memory_space<semaphore_mem>>)
      %dma_start3A_1299 = arith.constant 15616 : i32
      %dma_start3A_1300 = tpu.memref_slice %arg14[%dma_start3A_1299] : memref<17920xf32, #tpu.memory_space<vmem>> -> memref<128xf32, #tpu.memory_space<vmem>>
      %dma_start3A_1301 = arith.constant 15616 : i32
      %dma_start3A_1302 = tpu.memref_slice %arg13[%dma_start3A_1301] : memref<17920xi32, #tpu.memory_space<vmem>> -> memref<128xi32, #tpu.memory_space<vmem>>
      %dma_start3A_1303 = arith.constant 0 : i32
      %dma_start3A_1304 = tpu.memref_slice %arg10[%dma_start3A_1303] : memref<1000000xf32, #tpu.memory_space<vmem_shared>> -> memref<1000000xf32, #tpu.memory_space<vmem_shared>>
      tpu.enqueue_indirect_dma source(%dma_start3A_1304 : memref<1000000xf32, #tpu.memory_space<vmem_shared>>) target(%dma_start3A_1300 : memref<128xf32, #tpu.memory_space<vmem>>) offsets(%dma_start3A_1302 : memref<128xi32, #tpu.memory_space<vmem>>) semaphore(%arg19 : memref<!tpu.dma_semaphore, #tpu.memory_space<semaphore_mem>>)
      %dma_start3A_1305 = arith.constant 15744 : i32
      %dma_start3A_1306 = tpu.memref_slice %arg14[%dma_start3A_1305] : memref<17920xf32, #tpu.memory_space<vmem>> -> memref<128xf32, #tpu.memory_space<vmem>>
      %dma_start3A_1307 = arith.constant 15744 : i32
      %dma_start3A_1308 = tpu.memref_slice %arg13[%dma_start3A_1307] : memref<17920xi32, #tpu.memory_space<vmem>> -> memref<128xi32, #tpu.memory_space<vmem>>
      %dma_start3A_1309 = arith.constant 0 : i32
      %dma_start3A_1310 = tpu.memref_slice %arg10[%dma_start3A_1309] : memref<1000000xf32, #tpu.memory_space<vmem_shared>> -> memref<1000000xf32, #tpu.memory_space<vmem_shared>>
      tpu.enqueue_indirect_dma source(%dma_start3A_1310 : memref<1000000xf32, #tpu.memory_space<vmem_shared>>) target(%dma_start3A_1306 : memref<128xf32, #tpu.memory_space<vmem>>) offsets(%dma_start3A_1308 : memref<128xi32, #tpu.memory_space<vmem>>) semaphore(%arg19 : memref<!tpu.dma_semaphore, #tpu.memory_space<semaphore_mem>>)
      %dma_start3A_1311 = arith.constant 15872 : i32
      %dma_start3A_1312 = tpu.memref_slice %arg14[%dma_start3A_1311] : memref<17920xf32, #tpu.memory_space<vmem>> -> memref<128xf32, #tpu.memory_space<vmem>>
      %dma_start3A_1313 = arith.constant 15872 : i32
      %dma_start3A_1314 = tpu.memref_slice %arg13[%dma_start3A_1313] : memref<17920xi32, #tpu.memory_space<vmem>> -> memref<128xi32, #tpu.memory_space<vmem>>
      %dma_start3A_1315 = arith.constant 0 : i32
      %dma_start3A_1316 = tpu.memref_slice %arg10[%dma_start3A_1315] : memref<1000000xf32, #tpu.memory_space<vmem_shared>> -> memref<1000000xf32, #tpu.memory_space<vmem_shared>>
      tpu.enqueue_indirect_dma source(%dma_start3A_1316 : memref<1000000xf32, #tpu.memory_space<vmem_shared>>) target(%dma_start3A_1312 : memref<128xf32, #tpu.memory_space<vmem>>) offsets(%dma_start3A_1314 : memref<128xi32, #tpu.memory_space<vmem>>) semaphore(%arg19 : memref<!tpu.dma_semaphore, #tpu.memory_space<semaphore_mem>>)
      %dma_start3A_1317 = arith.constant 16000 : i32
      %dma_start3A_1318 = tpu.memref_slice %arg14[%dma_start3A_1317] : memref<17920xf32, #tpu.memory_space<vmem>> -> memref<128xf32, #tpu.memory_space<vmem>>
      %dma_start3A_1319 = arith.constant 16000 : i32
      %dma_start3A_1320 = tpu.memref_slice %arg13[%dma_start3A_1319] : memref<17920xi32, #tpu.memory_space<vmem>> -> memref<128xi32, #tpu.memory_space<vmem>>
      %dma_start3A_1321 = arith.constant 0 : i32
      %dma_start3A_1322 = tpu.memref_slice %arg10[%dma_start3A_1321] : memref<1000000xf32, #tpu.memory_space<vmem_shared>> -> memref<1000000xf32, #tpu.memory_space<vmem_shared>>
      tpu.enqueue_indirect_dma source(%dma_start3A_1322 : memref<1000000xf32, #tpu.memory_space<vmem_shared>>) target(%dma_start3A_1318 : memref<128xf32, #tpu.memory_space<vmem>>) offsets(%dma_start3A_1320 : memref<128xi32, #tpu.memory_space<vmem>>) semaphore(%arg19 : memref<!tpu.dma_semaphore, #tpu.memory_space<semaphore_mem>>)
      %dma_start3A_1323 = arith.constant 16128 : i32
      %dma_start3A_1324 = tpu.memref_slice %arg14[%dma_start3A_1323] : memref<17920xf32, #tpu.memory_space<vmem>> -> memref<128xf32, #tpu.memory_space<vmem>>
      %dma_start3A_1325 = arith.constant 16128 : i32
      %dma_start3A_1326 = tpu.memref_slice %arg13[%dma_start3A_1325] : memref<17920xi32, #tpu.memory_space<vmem>> -> memref<128xi32, #tpu.memory_space<vmem>>
      %dma_start3A_1327 = arith.constant 0 : i32
      %dma_start3A_1328 = tpu.memref_slice %arg10[%dma_start3A_1327] : memref<1000000xf32, #tpu.memory_space<vmem_shared>> -> memref<1000000xf32, #tpu.memory_space<vmem_shared>>
      tpu.enqueue_indirect_dma source(%dma_start3A_1328 : memref<1000000xf32, #tpu.memory_space<vmem_shared>>) target(%dma_start3A_1324 : memref<128xf32, #tpu.memory_space<vmem>>) offsets(%dma_start3A_1326 : memref<128xi32, #tpu.memory_space<vmem>>) semaphore(%arg19 : memref<!tpu.dma_semaphore, #tpu.memory_space<semaphore_mem>>)
      %dma_start3A_1329 = arith.constant 16256 : i32
      %dma_start3A_1330 = tpu.memref_slice %arg14[%dma_start3A_1329] : memref<17920xf32, #tpu.memory_space<vmem>> -> memref<128xf32, #tpu.memory_space<vmem>>
      %dma_start3A_1331 = arith.constant 16256 : i32
      %dma_start3A_1332 = tpu.memref_slice %arg13[%dma_start3A_1331] : memref<17920xi32, #tpu.memory_space<vmem>> -> memref<128xi32, #tpu.memory_space<vmem>>
      %dma_start3A_1333 = arith.constant 0 : i32
      %dma_start3A_1334 = tpu.memref_slice %arg10[%dma_start3A_1333] : memref<1000000xf32, #tpu.memory_space<vmem_shared>> -> memref<1000000xf32, #tpu.memory_space<vmem_shared>>
      tpu.enqueue_indirect_dma source(%dma_start3A_1334 : memref<1000000xf32, #tpu.memory_space<vmem_shared>>) target(%dma_start3A_1330 : memref<128xf32, #tpu.memory_space<vmem>>) offsets(%dma_start3A_1332 : memref<128xi32, #tpu.memory_space<vmem>>) semaphore(%arg19 : memref<!tpu.dma_semaphore, #tpu.memory_space<semaphore_mem>>)
      %dma_start3A_1335 = arith.constant 16384 : i32
      %dma_start3A_1336 = tpu.memref_slice %arg14[%dma_start3A_1335] : memref<17920xf32, #tpu.memory_space<vmem>> -> memref<128xf32, #tpu.memory_space<vmem>>
      %dma_start3A_1337 = arith.constant 16384 : i32
      %dma_start3A_1338 = tpu.memref_slice %arg13[%dma_start3A_1337] : memref<17920xi32, #tpu.memory_space<vmem>> -> memref<128xi32, #tpu.memory_space<vmem>>
      %dma_start3A_1339 = arith.constant 0 : i32
      %dma_start3A_1340 = tpu.memref_slice %arg10[%dma_start3A_1339] : memref<1000000xf32, #tpu.memory_space<vmem_shared>> -> memref<1000000xf32, #tpu.memory_space<vmem_shared>>
      tpu.enqueue_indirect_dma source(%dma_start3A_1340 : memref<1000000xf32, #tpu.memory_space<vmem_shared>>) target(%dma_start3A_1336 : memref<128xf32, #tpu.memory_space<vmem>>) offsets(%dma_start3A_1338 : memref<128xi32, #tpu.memory_space<vmem>>) semaphore(%arg19 : memref<!tpu.dma_semaphore, #tpu.memory_space<semaphore_mem>>)
      %dma_start3A_1341 = arith.constant 16512 : i32
      %dma_start3A_1342 = tpu.memref_slice %arg14[%dma_start3A_1341] : memref<17920xf32, #tpu.memory_space<vmem>> -> memref<128xf32, #tpu.memory_space<vmem>>
      %dma_start3A_1343 = arith.constant 16512 : i32
      %dma_start3A_1344 = tpu.memref_slice %arg13[%dma_start3A_1343] : memref<17920xi32, #tpu.memory_space<vmem>> -> memref<128xi32, #tpu.memory_space<vmem>>
      %dma_start3A_1345 = arith.constant 0 : i32
      %dma_start3A_1346 = tpu.memref_slice %arg10[%dma_start3A_1345] : memref<1000000xf32, #tpu.memory_space<vmem_shared>> -> memref<1000000xf32, #tpu.memory_space<vmem_shared>>
      tpu.enqueue_indirect_dma source(%dma_start3A_1346 : memref<1000000xf32, #tpu.memory_space<vmem_shared>>) target(%dma_start3A_1342 : memref<128xf32, #tpu.memory_space<vmem>>) offsets(%dma_start3A_1344 : memref<128xi32, #tpu.memory_space<vmem>>) semaphore(%arg19 : memref<!tpu.dma_semaphore, #tpu.memory_space<semaphore_mem>>)
      %dma_start3A_1347 = arith.constant 16640 : i32
      %dma_start3A_1348 = tpu.memref_slice %arg14[%dma_start3A_1347] : memref<17920xf32, #tpu.memory_space<vmem>> -> memref<128xf32, #tpu.memory_space<vmem>>
      %dma_start3A_1349 = arith.constant 16640 : i32
      %dma_start3A_1350 = tpu.memref_slice %arg13[%dma_start3A_1349] : memref<17920xi32, #tpu.memory_space<vmem>> -> memref<128xi32, #tpu.memory_space<vmem>>
      %dma_start3A_1351 = arith.constant 0 : i32
      %dma_start3A_1352 = tpu.memref_slice %arg10[%dma_start3A_1351] : memref<1000000xf32, #tpu.memory_space<vmem_shared>> -> memref<1000000xf32, #tpu.memory_space<vmem_shared>>
      tpu.enqueue_indirect_dma source(%dma_start3A_1352 : memref<1000000xf32, #tpu.memory_space<vmem_shared>>) target(%dma_start3A_1348 : memref<128xf32, #tpu.memory_space<vmem>>) offsets(%dma_start3A_1350 : memref<128xi32, #tpu.memory_space<vmem>>) semaphore(%arg19 : memref<!tpu.dma_semaphore, #tpu.memory_space<semaphore_mem>>)
      %dma_start3A_1353 = arith.constant 16768 : i32
      %dma_start3A_1354 = tpu.memref_slice %arg14[%dma_start3A_1353] : memref<17920xf32, #tpu.memory_space<vmem>> -> memref<128xf32, #tpu.memory_space<vmem>>
      %dma_start3A_1355 = arith.constant 16768 : i32
      %dma_start3A_1356 = tpu.memref_slice %arg13[%dma_start3A_1355] : memref<17920xi32, #tpu.memory_space<vmem>> -> memref<128xi32, #tpu.memory_space<vmem>>
      %dma_start3A_1357 = arith.constant 0 : i32
      %dma_start3A_1358 = tpu.memref_slice %arg10[%dma_start3A_1357] : memref<1000000xf32, #tpu.memory_space<vmem_shared>> -> memref<1000000xf32, #tpu.memory_space<vmem_shared>>
      tpu.enqueue_indirect_dma source(%dma_start3A_1358 : memref<1000000xf32, #tpu.memory_space<vmem_shared>>) target(%dma_start3A_1354 : memref<128xf32, #tpu.memory_space<vmem>>) offsets(%dma_start3A_1356 : memref<128xi32, #tpu.memory_space<vmem>>) semaphore(%arg19 : memref<!tpu.dma_semaphore, #tpu.memory_space<semaphore_mem>>)
      %dma_start3A_1359 = arith.constant 16896 : i32
      %dma_start3A_1360 = tpu.memref_slice %arg14[%dma_start3A_1359] : memref<17920xf32, #tpu.memory_space<vmem>> -> memref<128xf32, #tpu.memory_space<vmem>>
      %dma_start3A_1361 = arith.constant 16896 : i32
      %dma_start3A_1362 = tpu.memref_slice %arg13[%dma_start3A_1361] : memref<17920xi32, #tpu.memory_space<vmem>> -> memref<128xi32, #tpu.memory_space<vmem>>
      %dma_start3A_1363 = arith.constant 0 : i32
      %dma_start3A_1364 = tpu.memref_slice %arg10[%dma_start3A_1363] : memref<1000000xf32, #tpu.memory_space<vmem_shared>> -> memref<1000000xf32, #tpu.memory_space<vmem_shared>>
      tpu.enqueue_indirect_dma source(%dma_start3A_1364 : memref<1000000xf32, #tpu.memory_space<vmem_shared>>) target(%dma_start3A_1360 : memref<128xf32, #tpu.memory_space<vmem>>) offsets(%dma_start3A_1362 : memref<128xi32, #tpu.memory_space<vmem>>) semaphore(%arg19 : memref<!tpu.dma_semaphore, #tpu.memory_space<semaphore_mem>>)
      %dma_start3A_1365 = arith.constant 17024 : i32
      %dma_start3A_1366 = tpu.memref_slice %arg14[%dma_start3A_1365] : memref<17920xf32, #tpu.memory_space<vmem>> -> memref<128xf32, #tpu.memory_space<vmem>>
      %dma_start3A_1367 = arith.constant 17024 : i32
      %dma_start3A_1368 = tpu.memref_slice %arg13[%dma_start3A_1367] : memref<17920xi32, #tpu.memory_space<vmem>> -> memref<128xi32, #tpu.memory_space<vmem>>
      %dma_start3A_1369 = arith.constant 0 : i32
      %dma_start3A_1370 = tpu.memref_slice %arg10[%dma_start3A_1369] : memref<1000000xf32, #tpu.memory_space<vmem_shared>> -> memref<1000000xf32, #tpu.memory_space<vmem_shared>>
      tpu.enqueue_indirect_dma source(%dma_start3A_1370 : memref<1000000xf32, #tpu.memory_space<vmem_shared>>) target(%dma_start3A_1366 : memref<128xf32, #tpu.memory_space<vmem>>) offsets(%dma_start3A_1368 : memref<128xi32, #tpu.memory_space<vmem>>) semaphore(%arg19 : memref<!tpu.dma_semaphore, #tpu.memory_space<semaphore_mem>>)
      %dma_start3A_1371 = arith.constant 17152 : i32
      %dma_start3A_1372 = tpu.memref_slice %arg14[%dma_start3A_1371] : memref<17920xf32, #tpu.memory_space<vmem>> -> memref<128xf32, #tpu.memory_space<vmem>>
      %dma_start3A_1373 = arith.constant 17152 : i32
      %dma_start3A_1374 = tpu.memref_slice %arg13[%dma_start3A_1373] : memref<17920xi32, #tpu.memory_space<vmem>> -> memref<128xi32, #tpu.memory_space<vmem>>
      %dma_start3A_1375 = arith.constant 0 : i32
      %dma_start3A_1376 = tpu.memref_slice %arg10[%dma_start3A_1375] : memref<1000000xf32, #tpu.memory_space<vmem_shared>> -> memref<1000000xf32, #tpu.memory_space<vmem_shared>>
      tpu.enqueue_indirect_dma source(%dma_start3A_1376 : memref<1000000xf32, #tpu.memory_space<vmem_shared>>) target(%dma_start3A_1372 : memref<128xf32, #tpu.memory_space<vmem>>) offsets(%dma_start3A_1374 : memref<128xi32, #tpu.memory_space<vmem>>) semaphore(%arg19 : memref<!tpu.dma_semaphore, #tpu.memory_space<semaphore_mem>>)
      %dma_start3A_1377 = arith.constant 17280 : i32
      %dma_start3A_1378 = tpu.memref_slice %arg14[%dma_start3A_1377] : memref<17920xf32, #tpu.memory_space<vmem>> -> memref<128xf32, #tpu.memory_space<vmem>>
      %dma_start3A_1379 = arith.constant 17280 : i32
      %dma_start3A_1380 = tpu.memref_slice %arg13[%dma_start3A_1379] : memref<17920xi32, #tpu.memory_space<vmem>> -> memref<128xi32, #tpu.memory_space<vmem>>
      %dma_start3A_1381 = arith.constant 0 : i32
      %dma_start3A_1382 = tpu.memref_slice %arg10[%dma_start3A_1381] : memref<1000000xf32, #tpu.memory_space<vmem_shared>> -> memref<1000000xf32, #tpu.memory_space<vmem_shared>>
      tpu.enqueue_indirect_dma source(%dma_start3A_1382 : memref<1000000xf32, #tpu.memory_space<vmem_shared>>) target(%dma_start3A_1378 : memref<128xf32, #tpu.memory_space<vmem>>) offsets(%dma_start3A_1380 : memref<128xi32, #tpu.memory_space<vmem>>) semaphore(%arg19 : memref<!tpu.dma_semaphore, #tpu.memory_space<semaphore_mem>>)
      %dma_start3A_1383 = arith.constant 17408 : i32
      %dma_start3A_1384 = tpu.memref_slice %arg14[%dma_start3A_1383] : memref<17920xf32, #tpu.memory_space<vmem>> -> memref<128xf32, #tpu.memory_space<vmem>>
      %dma_start3A_1385 = arith.constant 17408 : i32
      %dma_start3A_1386 = tpu.memref_slice %arg13[%dma_start3A_1385] : memref<17920xi32, #tpu.memory_space<vmem>> -> memref<128xi32, #tpu.memory_space<vmem>>
      %dma_start3A_1387 = arith.constant 0 : i32
      %dma_start3A_1388 = tpu.memref_slice %arg10[%dma_start3A_1387] : memref<1000000xf32, #tpu.memory_space<vmem_shared>> -> memref<1000000xf32, #tpu.memory_space<vmem_shared>>
      tpu.enqueue_indirect_dma source(%dma_start3A_1388 : memref<1000000xf32, #tpu.memory_space<vmem_shared>>) target(%dma_start3A_1384 : memref<128xf32, #tpu.memory_space<vmem>>) offsets(%dma_start3A_1386 : memref<128xi32, #tpu.memory_space<vmem>>) semaphore(%arg19 : memref<!tpu.dma_semaphore, #tpu.memory_space<semaphore_mem>>)
      %dma_start3A_1389 = arith.constant 17536 : i32
      %dma_start3A_1390 = tpu.memref_slice %arg14[%dma_start3A_1389] : memref<17920xf32, #tpu.memory_space<vmem>> -> memref<128xf32, #tpu.memory_space<vmem>>
      %dma_start3A_1391 = arith.constant 17536 : i32
      %dma_start3A_1392 = tpu.memref_slice %arg13[%dma_start3A_1391] : memref<17920xi32, #tpu.memory_space<vmem>> -> memref<128xi32, #tpu.memory_space<vmem>>
      %dma_start3A_1393 = arith.constant 0 : i32
      %dma_start3A_1394 = tpu.memref_slice %arg10[%dma_start3A_1393] : memref<1000000xf32, #tpu.memory_space<vmem_shared>> -> memref<1000000xf32, #tpu.memory_space<vmem_shared>>
      tpu.enqueue_indirect_dma source(%dma_start3A_1394 : memref<1000000xf32, #tpu.memory_space<vmem_shared>>) target(%dma_start3A_1390 : memref<128xf32, #tpu.memory_space<vmem>>) offsets(%dma_start3A_1392 : memref<128xi32, #tpu.memory_space<vmem>>) semaphore(%arg19 : memref<!tpu.dma_semaphore, #tpu.memory_space<semaphore_mem>>)
      %dma_start3A_1395 = arith.constant 17664 : i32
      %dma_start3A_1396 = tpu.memref_slice %arg14[%dma_start3A_1395] : memref<17920xf32, #tpu.memory_space<vmem>> -> memref<128xf32, #tpu.memory_space<vmem>>
      %dma_start3A_1397 = arith.constant 17664 : i32
      %dma_start3A_1398 = tpu.memref_slice %arg13[%dma_start3A_1397] : memref<17920xi32, #tpu.memory_space<vmem>> -> memref<128xi32, #tpu.memory_space<vmem>>
      %dma_start3A_1399 = arith.constant 0 : i32
      %dma_start3A_1400 = tpu.memref_slice %arg10[%dma_start3A_1399] : memref<1000000xf32, #tpu.memory_space<vmem_shared>> -> memref<1000000xf32, #tpu.memory_space<vmem_shared>>
      tpu.enqueue_indirect_dma source(%dma_start3A_1400 : memref<1000000xf32, #tpu.memory_space<vmem_shared>>) target(%dma_start3A_1396 : memref<128xf32, #tpu.memory_space<vmem>>) offsets(%dma_start3A_1398 : memref<128xi32, #tpu.memory_space<vmem>>) semaphore(%arg19 : memref<!tpu.dma_semaphore, #tpu.memory_space<semaphore_mem>>)
      %dma_start3A_1401 = arith.constant 17792 : i32
      %dma_start3A_1402 = tpu.memref_slice %arg14[%dma_start3A_1401] : memref<17920xf32, #tpu.memory_space<vmem>> -> memref<128xf32, #tpu.memory_space<vmem>>
      %dma_start3A_1403 = arith.constant 17792 : i32
      %dma_start3A_1404 = tpu.memref_slice %arg13[%dma_start3A_1403] : memref<17920xi32, #tpu.memory_space<vmem>> -> memref<128xi32, #tpu.memory_space<vmem>>
      %dma_start3A_1405 = arith.constant 0 : i32
      %dma_start3A_1406 = tpu.memref_slice %arg10[%dma_start3A_1405] : memref<1000000xf32, #tpu.memory_space<vmem_shared>> -> memref<1000000xf32, #tpu.memory_space<vmem_shared>>
      tpu.enqueue_indirect_dma source(%dma_start3A_1406 : memref<1000000xf32, #tpu.memory_space<vmem_shared>>) target(%dma_start3A_1402 : memref<128xf32, #tpu.memory_space<vmem>>) offsets(%dma_start3A_1404 : memref<128xi32, #tpu.memory_space<vmem>>) semaphore(%arg19 : memref<!tpu.dma_semaphore, #tpu.memory_space<semaphore_mem>>)
      %dma_wait3A_1407 = arith.constant 0 : i32
      %dma_wait3A_1408 = tpu.memref_slice %arg14[%dma_wait3A_1407] : memref<17920xf32, #tpu.memory_space<vmem>> -> memref<128xf32, #tpu.memory_space<vmem>>
      %dma_wait3A_1409 = arith.constant 0 : i32
      %dma_wait3A_1410 = tpu.memref_slice %arg13[%dma_wait3A_1409] : memref<17920xi32, #tpu.memory_space<vmem>> -> memref<128xi32, #tpu.memory_space<vmem>>
      %dma_wait3A_1411 = arith.constant 0 : i32
      %dma_wait3A_1412 = tpu.memref_slice %arg10[%dma_wait3A_1411] : memref<1000000xf32, #tpu.memory_space<vmem_shared>> -> memref<1000000xf32, #tpu.memory_space<vmem_shared>>
      tpu.wait_indirect_dma semaphore(%arg18 : memref<!tpu.dma_semaphore, #tpu.memory_space<semaphore_mem>>) src(%dma_wait3A_1412 : memref<1000000xf32, #tpu.memory_space<vmem_shared>>) dst(%dma_wait3A_1408 : memref<128xf32, #tpu.memory_space<vmem>>)
      %dma_wait3A_1413 = arith.constant 128 : i32
      %dma_wait3A_1414 = tpu.memref_slice %arg14[%dma_wait3A_1413] : memref<17920xf32, #tpu.memory_space<vmem>> -> memref<128xf32, #tpu.memory_space<vmem>>
      %dma_wait3A_1415 = arith.constant 128 : i32
      %dma_wait3A_1416 = tpu.memref_slice %arg13[%dma_wait3A_1415] : memref<17920xi32, #tpu.memory_space<vmem>> -> memref<128xi32, #tpu.memory_space<vmem>>
      %dma_wait3A_1417 = arith.constant 0 : i32
      %dma_wait3A_1418 = tpu.memref_slice %arg10[%dma_wait3A_1417] : memref<1000000xf32, #tpu.memory_space<vmem_shared>> -> memref<1000000xf32, #tpu.memory_space<vmem_shared>>
      tpu.wait_indirect_dma semaphore(%arg18 : memref<!tpu.dma_semaphore, #tpu.memory_space<semaphore_mem>>) src(%dma_wait3A_1418 : memref<1000000xf32, #tpu.memory_space<vmem_shared>>) dst(%dma_wait3A_1414 : memref<128xf32, #tpu.memory_space<vmem>>)
      %dma_wait3A_1419 = arith.constant 256 : i32
      %dma_wait3A_1420 = tpu.memref_slice %arg14[%dma_wait3A_1419] : memref<17920xf32, #tpu.memory_space<vmem>> -> memref<128xf32, #tpu.memory_space<vmem>>
      %dma_wait3A_1421 = arith.constant 256 : i32
      %dma_wait3A_1422 = tpu.memref_slice %arg13[%dma_wait3A_1421] : memref<17920xi32, #tpu.memory_space<vmem>> -> memref<128xi32, #tpu.memory_space<vmem>>
      %dma_wait3A_1423 = arith.constant 0 : i32
      %dma_wait3A_1424 = tpu.memref_slice %arg10[%dma_wait3A_1423] : memref<1000000xf32, #tpu.memory_space<vmem_shared>> -> memref<1000000xf32, #tpu.memory_space<vmem_shared>>
      tpu.wait_indirect_dma semaphore(%arg18 : memref<!tpu.dma_semaphore, #tpu.memory_space<semaphore_mem>>) src(%dma_wait3A_1424 : memref<1000000xf32, #tpu.memory_space<vmem_shared>>) dst(%dma_wait3A_1420 : memref<128xf32, #tpu.memory_space<vmem>>)
      %dma_wait3A_1425 = arith.constant 384 : i32
      %dma_wait3A_1426 = tpu.memref_slice %arg14[%dma_wait3A_1425] : memref<17920xf32, #tpu.memory_space<vmem>> -> memref<128xf32, #tpu.memory_space<vmem>>
      %dma_wait3A_1427 = arith.constant 384 : i32
      %dma_wait3A_1428 = tpu.memref_slice %arg13[%dma_wait3A_1427] : memref<17920xi32, #tpu.memory_space<vmem>> -> memref<128xi32, #tpu.memory_space<vmem>>
      %dma_wait3A_1429 = arith.constant 0 : i32
      %dma_wait3A_1430 = tpu.memref_slice %arg10[%dma_wait3A_1429] : memref<1000000xf32, #tpu.memory_space<vmem_shared>> -> memref<1000000xf32, #tpu.memory_space<vmem_shared>>
      tpu.wait_indirect_dma semaphore(%arg18 : memref<!tpu.dma_semaphore, #tpu.memory_space<semaphore_mem>>) src(%dma_wait3A_1430 : memref<1000000xf32, #tpu.memory_space<vmem_shared>>) dst(%dma_wait3A_1426 : memref<128xf32, #tpu.memory_space<vmem>>)
      %dma_wait3A_1431 = arith.constant 512 : i32
      %dma_wait3A_1432 = tpu.memref_slice %arg14[%dma_wait3A_1431] : memref<17920xf32, #tpu.memory_space<vmem>> -> memref<128xf32, #tpu.memory_space<vmem>>
      %dma_wait3A_1433 = arith.constant 512 : i32
      %dma_wait3A_1434 = tpu.memref_slice %arg13[%dma_wait3A_1433] : memref<17920xi32, #tpu.memory_space<vmem>> -> memref<128xi32, #tpu.memory_space<vmem>>
      %dma_wait3A_1435 = arith.constant 0 : i32
      %dma_wait3A_1436 = tpu.memref_slice %arg10[%dma_wait3A_1435] : memref<1000000xf32, #tpu.memory_space<vmem_shared>> -> memref<1000000xf32, #tpu.memory_space<vmem_shared>>
      tpu.wait_indirect_dma semaphore(%arg18 : memref<!tpu.dma_semaphore, #tpu.memory_space<semaphore_mem>>) src(%dma_wait3A_1436 : memref<1000000xf32, #tpu.memory_space<vmem_shared>>) dst(%dma_wait3A_1432 : memref<128xf32, #tpu.memory_space<vmem>>)
      %dma_wait3A_1437 = arith.constant 640 : i32
      %dma_wait3A_1438 = tpu.memref_slice %arg14[%dma_wait3A_1437] : memref<17920xf32, #tpu.memory_space<vmem>> -> memref<128xf32, #tpu.memory_space<vmem>>
      %dma_wait3A_1439 = arith.constant 640 : i32
      %dma_wait3A_1440 = tpu.memref_slice %arg13[%dma_wait3A_1439] : memref<17920xi32, #tpu.memory_space<vmem>> -> memref<128xi32, #tpu.memory_space<vmem>>
      %dma_wait3A_1441 = arith.constant 0 : i32
      %dma_wait3A_1442 = tpu.memref_slice %arg10[%dma_wait3A_1441] : memref<1000000xf32, #tpu.memory_space<vmem_shared>> -> memref<1000000xf32, #tpu.memory_space<vmem_shared>>
      tpu.wait_indirect_dma semaphore(%arg18 : memref<!tpu.dma_semaphore, #tpu.memory_space<semaphore_mem>>) src(%dma_wait3A_1442 : memref<1000000xf32, #tpu.memory_space<vmem_shared>>) dst(%dma_wait3A_1438 : memref<128xf32, #tpu.memory_space<vmem>>)
      %dma_wait3A_1443 = arith.constant 768 : i32
      %dma_wait3A_1444 = tpu.memref_slice %arg14[%dma_wait3A_1443] : memref<17920xf32, #tpu.memory_space<vmem>> -> memref<128xf32, #tpu.memory_space<vmem>>
      %dma_wait3A_1445 = arith.constant 768 : i32
      %dma_wait3A_1446 = tpu.memref_slice %arg13[%dma_wait3A_1445] : memref<17920xi32, #tpu.memory_space<vmem>> -> memref<128xi32, #tpu.memory_space<vmem>>
      %dma_wait3A_1447 = arith.constant 0 : i32
      %dma_wait3A_1448 = tpu.memref_slice %arg10[%dma_wait3A_1447] : memref<1000000xf32, #tpu.memory_space<vmem_shared>> -> memref<1000000xf32, #tpu.memory_space<vmem_shared>>
      tpu.wait_indirect_dma semaphore(%arg18 : memref<!tpu.dma_semaphore, #tpu.memory_space<semaphore_mem>>) src(%dma_wait3A_1448 : memref<1000000xf32, #tpu.memory_space<vmem_shared>>) dst(%dma_wait3A_1444 : memref<128xf32, #tpu.memory_space<vmem>>)
      %dma_wait3A_1449 = arith.constant 896 : i32
      %dma_wait3A_1450 = tpu.memref_slice %arg14[%dma_wait3A_1449] : memref<17920xf32, #tpu.memory_space<vmem>> -> memref<128xf32, #tpu.memory_space<vmem>>
      %dma_wait3A_1451 = arith.constant 896 : i32
      %dma_wait3A_1452 = tpu.memref_slice %arg13[%dma_wait3A_1451] : memref<17920xi32, #tpu.memory_space<vmem>> -> memref<128xi32, #tpu.memory_space<vmem>>
      %dma_wait3A_1453 = arith.constant 0 : i32
      %dma_wait3A_1454 = tpu.memref_slice %arg10[%dma_wait3A_1453] : memref<1000000xf32, #tpu.memory_space<vmem_shared>> -> memref<1000000xf32, #tpu.memory_space<vmem_shared>>
      tpu.wait_indirect_dma semaphore(%arg18 : memref<!tpu.dma_semaphore, #tpu.memory_space<semaphore_mem>>) src(%dma_wait3A_1454 : memref<1000000xf32, #tpu.memory_space<vmem_shared>>) dst(%dma_wait3A_1450 : memref<128xf32, #tpu.memory_space<vmem>>)
      %dma_wait3A_1455 = arith.constant 1024 : i32
      %dma_wait3A_1456 = tpu.memref_slice %arg14[%dma_wait3A_1455] : memref<17920xf32, #tpu.memory_space<vmem>> -> memref<128xf32, #tpu.memory_space<vmem>>
      %dma_wait3A_1457 = arith.constant 1024 : i32
      %dma_wait3A_1458 = tpu.memref_slice %arg13[%dma_wait3A_1457] : memref<17920xi32, #tpu.memory_space<vmem>> -> memref<128xi32, #tpu.memory_space<vmem>>
      %dma_wait3A_1459 = arith.constant 0 : i32
      %dma_wait3A_1460 = tpu.memref_slice %arg10[%dma_wait3A_1459] : memref<1000000xf32, #tpu.memory_space<vmem_shared>> -> memref<1000000xf32, #tpu.memory_space<vmem_shared>>
      tpu.wait_indirect_dma semaphore(%arg18 : memref<!tpu.dma_semaphore, #tpu.memory_space<semaphore_mem>>) src(%dma_wait3A_1460 : memref<1000000xf32, #tpu.memory_space<vmem_shared>>) dst(%dma_wait3A_1456 : memref<128xf32, #tpu.memory_space<vmem>>)
      %dma_wait3A_1461 = arith.constant 1152 : i32
      %dma_wait3A_1462 = tpu.memref_slice %arg14[%dma_wait3A_1461] : memref<17920xf32, #tpu.memory_space<vmem>> -> memref<128xf32, #tpu.memory_space<vmem>>
      %dma_wait3A_1463 = arith.constant 1152 : i32
      %dma_wait3A_1464 = tpu.memref_slice %arg13[%dma_wait3A_1463] : memref<17920xi32, #tpu.memory_space<vmem>> -> memref<128xi32, #tpu.memory_space<vmem>>
      %dma_wait3A_1465 = arith.constant 0 : i32
      %dma_wait3A_1466 = tpu.memref_slice %arg10[%dma_wait3A_1465] : memref<1000000xf32, #tpu.memory_space<vmem_shared>> -> memref<1000000xf32, #tpu.memory_space<vmem_shared>>
      tpu.wait_indirect_dma semaphore(%arg18 : memref<!tpu.dma_semaphore, #tpu.memory_space<semaphore_mem>>) src(%dma_wait3A_1466 : memref<1000000xf32, #tpu.memory_space<vmem_shared>>) dst(%dma_wait3A_1462 : memref<128xf32, #tpu.memory_space<vmem>>)
      %dma_wait3A_1467 = arith.constant 1280 : i32
      %dma_wait3A_1468 = tpu.memref_slice %arg14[%dma_wait3A_1467] : memref<17920xf32, #tpu.memory_space<vmem>> -> memref<128xf32, #tpu.memory_space<vmem>>
      %dma_wait3A_1469 = arith.constant 1280 : i32
      %dma_wait3A_1470 = tpu.memref_slice %arg13[%dma_wait3A_1469] : memref<17920xi32, #tpu.memory_space<vmem>> -> memref<128xi32, #tpu.memory_space<vmem>>
      %dma_wait3A_1471 = arith.constant 0 : i32
      %dma_wait3A_1472 = tpu.memref_slice %arg10[%dma_wait3A_1471] : memref<1000000xf32, #tpu.memory_space<vmem_shared>> -> memref<1000000xf32, #tpu.memory_space<vmem_shared>>
      tpu.wait_indirect_dma semaphore(%arg18 : memref<!tpu.dma_semaphore, #tpu.memory_space<semaphore_mem>>) src(%dma_wait3A_1472 : memref<1000000xf32, #tpu.memory_space<vmem_shared>>) dst(%dma_wait3A_1468 : memref<128xf32, #tpu.memory_space<vmem>>)
      %dma_wait3A_1473 = arith.constant 1408 : i32
      %dma_wait3A_1474 = tpu.memref_slice %arg14[%dma_wait3A_1473] : memref<17920xf32, #tpu.memory_space<vmem>> -> memref<128xf32, #tpu.memory_space<vmem>>
      %dma_wait3A_1475 = arith.constant 1408 : i32
      %dma_wait3A_1476 = tpu.memref_slice %arg13[%dma_wait3A_1475] : memref<17920xi32, #tpu.memory_space<vmem>> -> memref<128xi32, #tpu.memory_space<vmem>>
      %dma_wait3A_1477 = arith.constant 0 : i32
      %dma_wait3A_1478 = tpu.memref_slice %arg10[%dma_wait3A_1477] : memref<1000000xf32, #tpu.memory_space<vmem_shared>> -> memref<1000000xf32, #tpu.memory_space<vmem_shared>>
      tpu.wait_indirect_dma semaphore(%arg18 : memref<!tpu.dma_semaphore, #tpu.memory_space<semaphore_mem>>) src(%dma_wait3A_1478 : memref<1000000xf32, #tpu.memory_space<vmem_shared>>) dst(%dma_wait3A_1474 : memref<128xf32, #tpu.memory_space<vmem>>)
      %dma_wait3A_1479 = arith.constant 1536 : i32
      %dma_wait3A_1480 = tpu.memref_slice %arg14[%dma_wait3A_1479] : memref<17920xf32, #tpu.memory_space<vmem>> -> memref<128xf32, #tpu.memory_space<vmem>>
      %dma_wait3A_1481 = arith.constant 1536 : i32
      %dma_wait3A_1482 = tpu.memref_slice %arg13[%dma_wait3A_1481] : memref<17920xi32, #tpu.memory_space<vmem>> -> memref<128xi32, #tpu.memory_space<vmem>>
      %dma_wait3A_1483 = arith.constant 0 : i32
      %dma_wait3A_1484 = tpu.memref_slice %arg10[%dma_wait3A_1483] : memref<1000000xf32, #tpu.memory_space<vmem_shared>> -> memref<1000000xf32, #tpu.memory_space<vmem_shared>>
      tpu.wait_indirect_dma semaphore(%arg18 : memref<!tpu.dma_semaphore, #tpu.memory_space<semaphore_mem>>) src(%dma_wait3A_1484 : memref<1000000xf32, #tpu.memory_space<vmem_shared>>) dst(%dma_wait3A_1480 : memref<128xf32, #tpu.memory_space<vmem>>)
      %dma_wait3A_1485 = arith.constant 1664 : i32
      %dma_wait3A_1486 = tpu.memref_slice %arg14[%dma_wait3A_1485] : memref<17920xf32, #tpu.memory_space<vmem>> -> memref<128xf32, #tpu.memory_space<vmem>>
      %dma_wait3A_1487 = arith.constant 1664 : i32
      %dma_wait3A_1488 = tpu.memref_slice %arg13[%dma_wait3A_1487] : memref<17920xi32, #tpu.memory_space<vmem>> -> memref<128xi32, #tpu.memory_space<vmem>>
      %dma_wait3A_1489 = arith.constant 0 : i32
      %dma_wait3A_1490 = tpu.memref_slice %arg10[%dma_wait3A_1489] : memref<1000000xf32, #tpu.memory_space<vmem_shared>> -> memref<1000000xf32, #tpu.memory_space<vmem_shared>>
      tpu.wait_indirect_dma semaphore(%arg18 : memref<!tpu.dma_semaphore, #tpu.memory_space<semaphore_mem>>) src(%dma_wait3A_1490 : memref<1000000xf32, #tpu.memory_space<vmem_shared>>) dst(%dma_wait3A_1486 : memref<128xf32, #tpu.memory_space<vmem>>)
      %dma_wait3A_1491 = arith.constant 1792 : i32
      %dma_wait3A_1492 = tpu.memref_slice %arg14[%dma_wait3A_1491] : memref<17920xf32, #tpu.memory_space<vmem>> -> memref<128xf32, #tpu.memory_space<vmem>>
      %dma_wait3A_1493 = arith.constant 1792 : i32
      %dma_wait3A_1494 = tpu.memref_slice %arg13[%dma_wait3A_1493] : memref<17920xi32, #tpu.memory_space<vmem>> -> memref<128xi32, #tpu.memory_space<vmem>>
      %dma_wait3A_1495 = arith.constant 0 : i32
      %dma_wait3A_1496 = tpu.memref_slice %arg10[%dma_wait3A_1495] : memref<1000000xf32, #tpu.memory_space<vmem_shared>> -> memref<1000000xf32, #tpu.memory_space<vmem_shared>>
      tpu.wait_indirect_dma semaphore(%arg18 : memref<!tpu.dma_semaphore, #tpu.memory_space<semaphore_mem>>) src(%dma_wait3A_1496 : memref<1000000xf32, #tpu.memory_space<vmem_shared>>) dst(%dma_wait3A_1492 : memref<128xf32, #tpu.memory_space<vmem>>)
      %dma_wait3A_1497 = arith.constant 1920 : i32
      %dma_wait3A_1498 = tpu.memref_slice %arg14[%dma_wait3A_1497] : memref<17920xf32, #tpu.memory_space<vmem>> -> memref<128xf32, #tpu.memory_space<vmem>>
      %dma_wait3A_1499 = arith.constant 1920 : i32
      %dma_wait3A_1500 = tpu.memref_slice %arg13[%dma_wait3A_1499] : memref<17920xi32, #tpu.memory_space<vmem>> -> memref<128xi32, #tpu.memory_space<vmem>>
      %dma_wait3A_1501 = arith.constant 0 : i32
      %dma_wait3A_1502 = tpu.memref_slice %arg10[%dma_wait3A_1501] : memref<1000000xf32, #tpu.memory_space<vmem_shared>> -> memref<1000000xf32, #tpu.memory_space<vmem_shared>>
      tpu.wait_indirect_dma semaphore(%arg18 : memref<!tpu.dma_semaphore, #tpu.memory_space<semaphore_mem>>) src(%dma_wait3A_1502 : memref<1000000xf32, #tpu.memory_space<vmem_shared>>) dst(%dma_wait3A_1498 : memref<128xf32, #tpu.memory_space<vmem>>)
      %dma_wait3A_1503 = arith.constant 2048 : i32
      %dma_wait3A_1504 = tpu.memref_slice %arg14[%dma_wait3A_1503] : memref<17920xf32, #tpu.memory_space<vmem>> -> memref<128xf32, #tpu.memory_space<vmem>>
      %dma_wait3A_1505 = arith.constant 2048 : i32
      %dma_wait3A_1506 = tpu.memref_slice %arg13[%dma_wait3A_1505] : memref<17920xi32, #tpu.memory_space<vmem>> -> memref<128xi32, #tpu.memory_space<vmem>>
      %dma_wait3A_1507 = arith.constant 0 : i32
      %dma_wait3A_1508 = tpu.memref_slice %arg10[%dma_wait3A_1507] : memref<1000000xf32, #tpu.memory_space<vmem_shared>> -> memref<1000000xf32, #tpu.memory_space<vmem_shared>>
      tpu.wait_indirect_dma semaphore(%arg18 : memref<!tpu.dma_semaphore, #tpu.memory_space<semaphore_mem>>) src(%dma_wait3A_1508 : memref<1000000xf32, #tpu.memory_space<vmem_shared>>) dst(%dma_wait3A_1504 : memref<128xf32, #tpu.memory_space<vmem>>)
      %dma_wait3A_1509 = arith.constant 2176 : i32
      %dma_wait3A_1510 = tpu.memref_slice %arg14[%dma_wait3A_1509] : memref<17920xf32, #tpu.memory_space<vmem>> -> memref<128xf32, #tpu.memory_space<vmem>>
      %dma_wait3A_1511 = arith.constant 2176 : i32
      %dma_wait3A_1512 = tpu.memref_slice %arg13[%dma_wait3A_1511] : memref<17920xi32, #tpu.memory_space<vmem>> -> memref<128xi32, #tpu.memory_space<vmem>>
      %dma_wait3A_1513 = arith.constant 0 : i32
      %dma_wait3A_1514 = tpu.memref_slice %arg10[%dma_wait3A_1513] : memref<1000000xf32, #tpu.memory_space<vmem_shared>> -> memref<1000000xf32, #tpu.memory_space<vmem_shared>>
      tpu.wait_indirect_dma semaphore(%arg18 : memref<!tpu.dma_semaphore, #tpu.memory_space<semaphore_mem>>) src(%dma_wait3A_1514 : memref<1000000xf32, #tpu.memory_space<vmem_shared>>) dst(%dma_wait3A_1510 : memref<128xf32, #tpu.memory_space<vmem>>)
      %dma_wait3A_1515 = arith.constant 2304 : i32
      %dma_wait3A_1516 = tpu.memref_slice %arg14[%dma_wait3A_1515] : memref<17920xf32, #tpu.memory_space<vmem>> -> memref<128xf32, #tpu.memory_space<vmem>>
      %dma_wait3A_1517 = arith.constant 2304 : i32
      %dma_wait3A_1518 = tpu.memref_slice %arg13[%dma_wait3A_1517] : memref<17920xi32, #tpu.memory_space<vmem>> -> memref<128xi32, #tpu.memory_space<vmem>>
      %dma_wait3A_1519 = arith.constant 0 : i32
      %dma_wait3A_1520 = tpu.memref_slice %arg10[%dma_wait3A_1519] : memref<1000000xf32, #tpu.memory_space<vmem_shared>> -> memref<1000000xf32, #tpu.memory_space<vmem_shared>>
      tpu.wait_indirect_dma semaphore(%arg18 : memref<!tpu.dma_semaphore, #tpu.memory_space<semaphore_mem>>) src(%dma_wait3A_1520 : memref<1000000xf32, #tpu.memory_space<vmem_shared>>) dst(%dma_wait3A_1516 : memref<128xf32, #tpu.memory_space<vmem>>)
      %dma_wait3A_1521 = arith.constant 2432 : i32
      %dma_wait3A_1522 = tpu.memref_slice %arg14[%dma_wait3A_1521] : memref<17920xf32, #tpu.memory_space<vmem>> -> memref<128xf32, #tpu.memory_space<vmem>>
      %dma_wait3A_1523 = arith.constant 2432 : i32
      %dma_wait3A_1524 = tpu.memref_slice %arg13[%dma_wait3A_1523] : memref<17920xi32, #tpu.memory_space<vmem>> -> memref<128xi32, #tpu.memory_space<vmem>>
      %dma_wait3A_1525 = arith.constant 0 : i32
      %dma_wait3A_1526 = tpu.memref_slice %arg10[%dma_wait3A_1525] : memref<1000000xf32, #tpu.memory_space<vmem_shared>> -> memref<1000000xf32, #tpu.memory_space<vmem_shared>>
      tpu.wait_indirect_dma semaphore(%arg18 : memref<!tpu.dma_semaphore, #tpu.memory_space<semaphore_mem>>) src(%dma_wait3A_1526 : memref<1000000xf32, #tpu.memory_space<vmem_shared>>) dst(%dma_wait3A_1522 : memref<128xf32, #tpu.memory_space<vmem>>)
      %dma_wait3A_1527 = arith.constant 2560 : i32
      %dma_wait3A_1528 = tpu.memref_slice %arg14[%dma_wait3A_1527] : memref<17920xf32, #tpu.memory_space<vmem>> -> memref<128xf32, #tpu.memory_space<vmem>>
      %dma_wait3A_1529 = arith.constant 2560 : i32
      %dma_wait3A_1530 = tpu.memref_slice %arg13[%dma_wait3A_1529] : memref<17920xi32, #tpu.memory_space<vmem>> -> memref<128xi32, #tpu.memory_space<vmem>>
      %dma_wait3A_1531 = arith.constant 0 : i32
      %dma_wait3A_1532 = tpu.memref_slice %arg10[%dma_wait3A_1531] : memref<1000000xf32, #tpu.memory_space<vmem_shared>> -> memref<1000000xf32, #tpu.memory_space<vmem_shared>>
      tpu.wait_indirect_dma semaphore(%arg18 : memref<!tpu.dma_semaphore, #tpu.memory_space<semaphore_mem>>) src(%dma_wait3A_1532 : memref<1000000xf32, #tpu.memory_space<vmem_shared>>) dst(%dma_wait3A_1528 : memref<128xf32, #tpu.memory_space<vmem>>)
      %dma_wait3A_1533 = arith.constant 2688 : i32
      %dma_wait3A_1534 = tpu.memref_slice %arg14[%dma_wait3A_1533] : memref<17920xf32, #tpu.memory_space<vmem>> -> memref<128xf32, #tpu.memory_space<vmem>>
      %dma_wait3A_1535 = arith.constant 2688 : i32
      %dma_wait3A_1536 = tpu.memref_slice %arg13[%dma_wait3A_1535] : memref<17920xi32, #tpu.memory_space<vmem>> -> memref<128xi32, #tpu.memory_space<vmem>>
      %dma_wait3A_1537 = arith.constant 0 : i32
      %dma_wait3A_1538 = tpu.memref_slice %arg10[%dma_wait3A_1537] : memref<1000000xf32, #tpu.memory_space<vmem_shared>> -> memref<1000000xf32, #tpu.memory_space<vmem_shared>>
      tpu.wait_indirect_dma semaphore(%arg18 : memref<!tpu.dma_semaphore, #tpu.memory_space<semaphore_mem>>) src(%dma_wait3A_1538 : memref<1000000xf32, #tpu.memory_space<vmem_shared>>) dst(%dma_wait3A_1534 : memref<128xf32, #tpu.memory_space<vmem>>)
      %dma_wait3A_1539 = arith.constant 2816 : i32
      %dma_wait3A_1540 = tpu.memref_slice %arg14[%dma_wait3A_1539] : memref<17920xf32, #tpu.memory_space<vmem>> -> memref<128xf32, #tpu.memory_space<vmem>>
      %dma_wait3A_1541 = arith.constant 2816 : i32
      %dma_wait3A_1542 = tpu.memref_slice %arg13[%dma_wait3A_1541] : memref<17920xi32, #tpu.memory_space<vmem>> -> memref<128xi32, #tpu.memory_space<vmem>>
      %dma_wait3A_1543 = arith.constant 0 : i32
      %dma_wait3A_1544 = tpu.memref_slice %arg10[%dma_wait3A_1543] : memref<1000000xf32, #tpu.memory_space<vmem_shared>> -> memref<1000000xf32, #tpu.memory_space<vmem_shared>>
      tpu.wait_indirect_dma semaphore(%arg18 : memref<!tpu.dma_semaphore, #tpu.memory_space<semaphore_mem>>) src(%dma_wait3A_1544 : memref<1000000xf32, #tpu.memory_space<vmem_shared>>) dst(%dma_wait3A_1540 : memref<128xf32, #tpu.memory_space<vmem>>)
      %dma_wait3A_1545 = arith.constant 2944 : i32
      %dma_wait3A_1546 = tpu.memref_slice %arg14[%dma_wait3A_1545] : memref<17920xf32, #tpu.memory_space<vmem>> -> memref<128xf32, #tpu.memory_space<vmem>>
      %dma_wait3A_1547 = arith.constant 2944 : i32
      %dma_wait3A_1548 = tpu.memref_slice %arg13[%dma_wait3A_1547] : memref<17920xi32, #tpu.memory_space<vmem>> -> memref<128xi32, #tpu.memory_space<vmem>>
      %dma_wait3A_1549 = arith.constant 0 : i32
      %dma_wait3A_1550 = tpu.memref_slice %arg10[%dma_wait3A_1549] : memref<1000000xf32, #tpu.memory_space<vmem_shared>> -> memref<1000000xf32, #tpu.memory_space<vmem_shared>>
      tpu.wait_indirect_dma semaphore(%arg18 : memref<!tpu.dma_semaphore, #tpu.memory_space<semaphore_mem>>) src(%dma_wait3A_1550 : memref<1000000xf32, #tpu.memory_space<vmem_shared>>) dst(%dma_wait3A_1546 : memref<128xf32, #tpu.memory_space<vmem>>)
      %dma_wait3A_1551 = arith.constant 3072 : i32
      %dma_wait3A_1552 = tpu.memref_slice %arg14[%dma_wait3A_1551] : memref<17920xf32, #tpu.memory_space<vmem>> -> memref<128xf32, #tpu.memory_space<vmem>>
      %dma_wait3A_1553 = arith.constant 3072 : i32
      %dma_wait3A_1554 = tpu.memref_slice %arg13[%dma_wait3A_1553] : memref<17920xi32, #tpu.memory_space<vmem>> -> memref<128xi32, #tpu.memory_space<vmem>>
      %dma_wait3A_1555 = arith.constant 0 : i32
      %dma_wait3A_1556 = tpu.memref_slice %arg10[%dma_wait3A_1555] : memref<1000000xf32, #tpu.memory_space<vmem_shared>> -> memref<1000000xf32, #tpu.memory_space<vmem_shared>>
      tpu.wait_indirect_dma semaphore(%arg18 : memref<!tpu.dma_semaphore, #tpu.memory_space<semaphore_mem>>) src(%dma_wait3A_1556 : memref<1000000xf32, #tpu.memory_space<vmem_shared>>) dst(%dma_wait3A_1552 : memref<128xf32, #tpu.memory_space<vmem>>)
      %dma_wait3A_1557 = arith.constant 3200 : i32
      %dma_wait3A_1558 = tpu.memref_slice %arg14[%dma_wait3A_1557] : memref<17920xf32, #tpu.memory_space<vmem>> -> memref<128xf32, #tpu.memory_space<vmem>>
      %dma_wait3A_1559 = arith.constant 3200 : i32
      %dma_wait3A_1560 = tpu.memref_slice %arg13[%dma_wait3A_1559] : memref<17920xi32, #tpu.memory_space<vmem>> -> memref<128xi32, #tpu.memory_space<vmem>>
      %dma_wait3A_1561 = arith.constant 0 : i32
      %dma_wait3A_1562 = tpu.memref_slice %arg10[%dma_wait3A_1561] : memref<1000000xf32, #tpu.memory_space<vmem_shared>> -> memref<1000000xf32, #tpu.memory_space<vmem_shared>>
      tpu.wait_indirect_dma semaphore(%arg18 : memref<!tpu.dma_semaphore, #tpu.memory_space<semaphore_mem>>) src(%dma_wait3A_1562 : memref<1000000xf32, #tpu.memory_space<vmem_shared>>) dst(%dma_wait3A_1558 : memref<128xf32, #tpu.memory_space<vmem>>)
      %dma_wait3A_1563 = arith.constant 3328 : i32
      %dma_wait3A_1564 = tpu.memref_slice %arg14[%dma_wait3A_1563] : memref<17920xf32, #tpu.memory_space<vmem>> -> memref<128xf32, #tpu.memory_space<vmem>>
      %dma_wait3A_1565 = arith.constant 3328 : i32
      %dma_wait3A_1566 = tpu.memref_slice %arg13[%dma_wait3A_1565] : memref<17920xi32, #tpu.memory_space<vmem>> -> memref<128xi32, #tpu.memory_space<vmem>>
      %dma_wait3A_1567 = arith.constant 0 : i32
      %dma_wait3A_1568 = tpu.memref_slice %arg10[%dma_wait3A_1567] : memref<1000000xf32, #tpu.memory_space<vmem_shared>> -> memref<1000000xf32, #tpu.memory_space<vmem_shared>>
      tpu.wait_indirect_dma semaphore(%arg18 : memref<!tpu.dma_semaphore, #tpu.memory_space<semaphore_mem>>) src(%dma_wait3A_1568 : memref<1000000xf32, #tpu.memory_space<vmem_shared>>) dst(%dma_wait3A_1564 : memref<128xf32, #tpu.memory_space<vmem>>)
      %dma_wait3A_1569 = arith.constant 3456 : i32
      %dma_wait3A_1570 = tpu.memref_slice %arg14[%dma_wait3A_1569] : memref<17920xf32, #tpu.memory_space<vmem>> -> memref<128xf32, #tpu.memory_space<vmem>>
      %dma_wait3A_1571 = arith.constant 3456 : i32
      %dma_wait3A_1572 = tpu.memref_slice %arg13[%dma_wait3A_1571] : memref<17920xi32, #tpu.memory_space<vmem>> -> memref<128xi32, #tpu.memory_space<vmem>>
      %dma_wait3A_1573 = arith.constant 0 : i32
      %dma_wait3A_1574 = tpu.memref_slice %arg10[%dma_wait3A_1573] : memref<1000000xf32, #tpu.memory_space<vmem_shared>> -> memref<1000000xf32, #tpu.memory_space<vmem_shared>>
      tpu.wait_indirect_dma semaphore(%arg18 : memref<!tpu.dma_semaphore, #tpu.memory_space<semaphore_mem>>) src(%dma_wait3A_1574 : memref<1000000xf32, #tpu.memory_space<vmem_shared>>) dst(%dma_wait3A_1570 : memref<128xf32, #tpu.memory_space<vmem>>)
      %dma_wait3A_1575 = arith.constant 3584 : i32
      %dma_wait3A_1576 = tpu.memref_slice %arg14[%dma_wait3A_1575] : memref<17920xf32, #tpu.memory_space<vmem>> -> memref<128xf32, #tpu.memory_space<vmem>>
      %dma_wait3A_1577 = arith.constant 3584 : i32
      %dma_wait3A_1578 = tpu.memref_slice %arg13[%dma_wait3A_1577] : memref<17920xi32, #tpu.memory_space<vmem>> -> memref<128xi32, #tpu.memory_space<vmem>>
      %dma_wait3A_1579 = arith.constant 0 : i32
      %dma_wait3A_1580 = tpu.memref_slice %arg10[%dma_wait3A_1579] : memref<1000000xf32, #tpu.memory_space<vmem_shared>> -> memref<1000000xf32, #tpu.memory_space<vmem_shared>>
      tpu.wait_indirect_dma semaphore(%arg18 : memref<!tpu.dma_semaphore, #tpu.memory_space<semaphore_mem>>) src(%dma_wait3A_1580 : memref<1000000xf32, #tpu.memory_space<vmem_shared>>) dst(%dma_wait3A_1576 : memref<128xf32, #tpu.memory_space<vmem>>)
      %dma_wait3A_1581 = arith.constant 3712 : i32
      %dma_wait3A_1582 = tpu.memref_slice %arg14[%dma_wait3A_1581] : memref<17920xf32, #tpu.memory_space<vmem>> -> memref<128xf32, #tpu.memory_space<vmem>>
      %dma_wait3A_1583 = arith.constant 3712 : i32
      %dma_wait3A_1584 = tpu.memref_slice %arg13[%dma_wait3A_1583] : memref<17920xi32, #tpu.memory_space<vmem>> -> memref<128xi32, #tpu.memory_space<vmem>>
      %dma_wait3A_1585 = arith.constant 0 : i32
      %dma_wait3A_1586 = tpu.memref_slice %arg10[%dma_wait3A_1585] : memref<1000000xf32, #tpu.memory_space<vmem_shared>> -> memref<1000000xf32, #tpu.memory_space<vmem_shared>>
      tpu.wait_indirect_dma semaphore(%arg18 : memref<!tpu.dma_semaphore, #tpu.memory_space<semaphore_mem>>) src(%dma_wait3A_1586 : memref<1000000xf32, #tpu.memory_space<vmem_shared>>) dst(%dma_wait3A_1582 : memref<128xf32, #tpu.memory_space<vmem>>)
      %dma_wait3A_1587 = arith.constant 3840 : i32
      %dma_wait3A_1588 = tpu.memref_slice %arg14[%dma_wait3A_1587] : memref<17920xf32, #tpu.memory_space<vmem>> -> memref<128xf32, #tpu.memory_space<vmem>>
      %dma_wait3A_1589 = arith.constant 3840 : i32
      %dma_wait3A_1590 = tpu.memref_slice %arg13[%dma_wait3A_1589] : memref<17920xi32, #tpu.memory_space<vmem>> -> memref<128xi32, #tpu.memory_space<vmem>>
      %dma_wait3A_1591 = arith.constant 0 : i32
      %dma_wait3A_1592 = tpu.memref_slice %arg10[%dma_wait3A_1591] : memref<1000000xf32, #tpu.memory_space<vmem_shared>> -> memref<1000000xf32, #tpu.memory_space<vmem_shared>>
      tpu.wait_indirect_dma semaphore(%arg18 : memref<!tpu.dma_semaphore, #tpu.memory_space<semaphore_mem>>) src(%dma_wait3A_1592 : memref<1000000xf32, #tpu.memory_space<vmem_shared>>) dst(%dma_wait3A_1588 : memref<128xf32, #tpu.memory_space<vmem>>)
      %dma_wait3A_1593 = arith.constant 3968 : i32
      %dma_wait3A_1594 = tpu.memref_slice %arg14[%dma_wait3A_1593] : memref<17920xf32, #tpu.memory_space<vmem>> -> memref<128xf32, #tpu.memory_space<vmem>>
      %dma_wait3A_1595 = arith.constant 3968 : i32
      %dma_wait3A_1596 = tpu.memref_slice %arg13[%dma_wait3A_1595] : memref<17920xi32, #tpu.memory_space<vmem>> -> memref<128xi32, #tpu.memory_space<vmem>>
      %dma_wait3A_1597 = arith.constant 0 : i32
      %dma_wait3A_1598 = tpu.memref_slice %arg10[%dma_wait3A_1597] : memref<1000000xf32, #tpu.memory_space<vmem_shared>> -> memref<1000000xf32, #tpu.memory_space<vmem_shared>>
      tpu.wait_indirect_dma semaphore(%arg18 : memref<!tpu.dma_semaphore, #tpu.memory_space<semaphore_mem>>) src(%dma_wait3A_1598 : memref<1000000xf32, #tpu.memory_space<vmem_shared>>) dst(%dma_wait3A_1594 : memref<128xf32, #tpu.memory_space<vmem>>)
      %dma_wait3A_1599 = arith.constant 4096 : i32
      %dma_wait3A_1600 = tpu.memref_slice %arg14[%dma_wait3A_1599] : memref<17920xf32, #tpu.memory_space<vmem>> -> memref<128xf32, #tpu.memory_space<vmem>>
      %dma_wait3A_1601 = arith.constant 4096 : i32
      %dma_wait3A_1602 = tpu.memref_slice %arg13[%dma_wait3A_1601] : memref<17920xi32, #tpu.memory_space<vmem>> -> memref<128xi32, #tpu.memory_space<vmem>>
      %dma_wait3A_1603 = arith.constant 0 : i32
      %dma_wait3A_1604 = tpu.memref_slice %arg10[%dma_wait3A_1603] : memref<1000000xf32, #tpu.memory_space<vmem_shared>> -> memref<1000000xf32, #tpu.memory_space<vmem_shared>>
      tpu.wait_indirect_dma semaphore(%arg18 : memref<!tpu.dma_semaphore, #tpu.memory_space<semaphore_mem>>) src(%dma_wait3A_1604 : memref<1000000xf32, #tpu.memory_space<vmem_shared>>) dst(%dma_wait3A_1600 : memref<128xf32, #tpu.memory_space<vmem>>)
      %dma_wait3A_1605 = arith.constant 4224 : i32
      %dma_wait3A_1606 = tpu.memref_slice %arg14[%dma_wait3A_1605] : memref<17920xf32, #tpu.memory_space<vmem>> -> memref<128xf32, #tpu.memory_space<vmem>>
      %dma_wait3A_1607 = arith.constant 4224 : i32
      %dma_wait3A_1608 = tpu.memref_slice %arg13[%dma_wait3A_1607] : memref<17920xi32, #tpu.memory_space<vmem>> -> memref<128xi32, #tpu.memory_space<vmem>>
      %dma_wait3A_1609 = arith.constant 0 : i32
      %dma_wait3A_1610 = tpu.memref_slice %arg10[%dma_wait3A_1609] : memref<1000000xf32, #tpu.memory_space<vmem_shared>> -> memref<1000000xf32, #tpu.memory_space<vmem_shared>>
      tpu.wait_indirect_dma semaphore(%arg18 : memref<!tpu.dma_semaphore, #tpu.memory_space<semaphore_mem>>) src(%dma_wait3A_1610 : memref<1000000xf32, #tpu.memory_space<vmem_shared>>) dst(%dma_wait3A_1606 : memref<128xf32, #tpu.memory_space<vmem>>)
      %dma_wait3A_1611 = arith.constant 4352 : i32
      %dma_wait3A_1612 = tpu.memref_slice %arg14[%dma_wait3A_1611] : memref<17920xf32, #tpu.memory_space<vmem>> -> memref<128xf32, #tpu.memory_space<vmem>>
      %dma_wait3A_1613 = arith.constant 4352 : i32
      %dma_wait3A_1614 = tpu.memref_slice %arg13[%dma_wait3A_1613] : memref<17920xi32, #tpu.memory_space<vmem>> -> memref<128xi32, #tpu.memory_space<vmem>>
      %dma_wait3A_1615 = arith.constant 0 : i32
      %dma_wait3A_1616 = tpu.memref_slice %arg10[%dma_wait3A_1615] : memref<1000000xf32, #tpu.memory_space<vmem_shared>> -> memref<1000000xf32, #tpu.memory_space<vmem_shared>>
      tpu.wait_indirect_dma semaphore(%arg18 : memref<!tpu.dma_semaphore, #tpu.memory_space<semaphore_mem>>) src(%dma_wait3A_1616 : memref<1000000xf32, #tpu.memory_space<vmem_shared>>) dst(%dma_wait3A_1612 : memref<128xf32, #tpu.memory_space<vmem>>)
      %dma_wait3A_1617 = arith.constant 4480 : i32
      %dma_wait3A_1618 = tpu.memref_slice %arg14[%dma_wait3A_1617] : memref<17920xf32, #tpu.memory_space<vmem>> -> memref<128xf32, #tpu.memory_space<vmem>>
      %dma_wait3A_1619 = arith.constant 4480 : i32
      %dma_wait3A_1620 = tpu.memref_slice %arg13[%dma_wait3A_1619] : memref<17920xi32, #tpu.memory_space<vmem>> -> memref<128xi32, #tpu.memory_space<vmem>>
      %dma_wait3A_1621 = arith.constant 0 : i32
      %dma_wait3A_1622 = tpu.memref_slice %arg10[%dma_wait3A_1621] : memref<1000000xf32, #tpu.memory_space<vmem_shared>> -> memref<1000000xf32, #tpu.memory_space<vmem_shared>>
      tpu.wait_indirect_dma semaphore(%arg18 : memref<!tpu.dma_semaphore, #tpu.memory_space<semaphore_mem>>) src(%dma_wait3A_1622 : memref<1000000xf32, #tpu.memory_space<vmem_shared>>) dst(%dma_wait3A_1618 : memref<128xf32, #tpu.memory_space<vmem>>)
      %dma_wait3A_1623 = arith.constant 4608 : i32
      %dma_wait3A_1624 = tpu.memref_slice %arg14[%dma_wait3A_1623] : memref<17920xf32, #tpu.memory_space<vmem>> -> memref<128xf32, #tpu.memory_space<vmem>>
      %dma_wait3A_1625 = arith.constant 4608 : i32
      %dma_wait3A_1626 = tpu.memref_slice %arg13[%dma_wait3A_1625] : memref<17920xi32, #tpu.memory_space<vmem>> -> memref<128xi32, #tpu.memory_space<vmem>>
      %dma_wait3A_1627 = arith.constant 0 : i32
      %dma_wait3A_1628 = tpu.memref_slice %arg10[%dma_wait3A_1627] : memref<1000000xf32, #tpu.memory_space<vmem_shared>> -> memref<1000000xf32, #tpu.memory_space<vmem_shared>>
      tpu.wait_indirect_dma semaphore(%arg18 : memref<!tpu.dma_semaphore, #tpu.memory_space<semaphore_mem>>) src(%dma_wait3A_1628 : memref<1000000xf32, #tpu.memory_space<vmem_shared>>) dst(%dma_wait3A_1624 : memref<128xf32, #tpu.memory_space<vmem>>)
      %dma_wait3A_1629 = arith.constant 4736 : i32
      %dma_wait3A_1630 = tpu.memref_slice %arg14[%dma_wait3A_1629] : memref<17920xf32, #tpu.memory_space<vmem>> -> memref<128xf32, #tpu.memory_space<vmem>>
      %dma_wait3A_1631 = arith.constant 4736 : i32
      %dma_wait3A_1632 = tpu.memref_slice %arg13[%dma_wait3A_1631] : memref<17920xi32, #tpu.memory_space<vmem>> -> memref<128xi32, #tpu.memory_space<vmem>>
      %dma_wait3A_1633 = arith.constant 0 : i32
      %dma_wait3A_1634 = tpu.memref_slice %arg10[%dma_wait3A_1633] : memref<1000000xf32, #tpu.memory_space<vmem_shared>> -> memref<1000000xf32, #tpu.memory_space<vmem_shared>>
      tpu.wait_indirect_dma semaphore(%arg18 : memref<!tpu.dma_semaphore, #tpu.memory_space<semaphore_mem>>) src(%dma_wait3A_1634 : memref<1000000xf32, #tpu.memory_space<vmem_shared>>) dst(%dma_wait3A_1630 : memref<128xf32, #tpu.memory_space<vmem>>)
      %dma_wait3A_1635 = arith.constant 4864 : i32
      %dma_wait3A_1636 = tpu.memref_slice %arg14[%dma_wait3A_1635] : memref<17920xf32, #tpu.memory_space<vmem>> -> memref<128xf32, #tpu.memory_space<vmem>>
      %dma_wait3A_1637 = arith.constant 4864 : i32
      %dma_wait3A_1638 = tpu.memref_slice %arg13[%dma_wait3A_1637] : memref<17920xi32, #tpu.memory_space<vmem>> -> memref<128xi32, #tpu.memory_space<vmem>>
      %dma_wait3A_1639 = arith.constant 0 : i32
      %dma_wait3A_1640 = tpu.memref_slice %arg10[%dma_wait3A_1639] : memref<1000000xf32, #tpu.memory_space<vmem_shared>> -> memref<1000000xf32, #tpu.memory_space<vmem_shared>>
      tpu.wait_indirect_dma semaphore(%arg18 : memref<!tpu.dma_semaphore, #tpu.memory_space<semaphore_mem>>) src(%dma_wait3A_1640 : memref<1000000xf32, #tpu.memory_space<vmem_shared>>) dst(%dma_wait3A_1636 : memref<128xf32, #tpu.memory_space<vmem>>)
      %dma_wait3A_1641 = arith.constant 4992 : i32
      %dma_wait3A_1642 = tpu.memref_slice %arg14[%dma_wait3A_1641] : memref<17920xf32, #tpu.memory_space<vmem>> -> memref<128xf32, #tpu.memory_space<vmem>>
      %dma_wait3A_1643 = arith.constant 4992 : i32
      %dma_wait3A_1644 = tpu.memref_slice %arg13[%dma_wait3A_1643] : memref<17920xi32, #tpu.memory_space<vmem>> -> memref<128xi32, #tpu.memory_space<vmem>>
      %dma_wait3A_1645 = arith.constant 0 : i32
      %dma_wait3A_1646 = tpu.memref_slice %arg10[%dma_wait3A_1645] : memref<1000000xf32, #tpu.memory_space<vmem_shared>> -> memref<1000000xf32, #tpu.memory_space<vmem_shared>>
      tpu.wait_indirect_dma semaphore(%arg18 : memref<!tpu.dma_semaphore, #tpu.memory_space<semaphore_mem>>) src(%dma_wait3A_1646 : memref<1000000xf32, #tpu.memory_space<vmem_shared>>) dst(%dma_wait3A_1642 : memref<128xf32, #tpu.memory_space<vmem>>)
      %dma_wait3A_1647 = arith.constant 5120 : i32
      %dma_wait3A_1648 = tpu.memref_slice %arg14[%dma_wait3A_1647] : memref<17920xf32, #tpu.memory_space<vmem>> -> memref<128xf32, #tpu.memory_space<vmem>>
      %dma_wait3A_1649 = arith.constant 5120 : i32
      %dma_wait3A_1650 = tpu.memref_slice %arg13[%dma_wait3A_1649] : memref<17920xi32, #tpu.memory_space<vmem>> -> memref<128xi32, #tpu.memory_space<vmem>>
      %dma_wait3A_1651 = arith.constant 0 : i32
      %dma_wait3A_1652 = tpu.memref_slice %arg10[%dma_wait3A_1651] : memref<1000000xf32, #tpu.memory_space<vmem_shared>> -> memref<1000000xf32, #tpu.memory_space<vmem_shared>>
      tpu.wait_indirect_dma semaphore(%arg18 : memref<!tpu.dma_semaphore, #tpu.memory_space<semaphore_mem>>) src(%dma_wait3A_1652 : memref<1000000xf32, #tpu.memory_space<vmem_shared>>) dst(%dma_wait3A_1648 : memref<128xf32, #tpu.memory_space<vmem>>)
      %dma_wait3A_1653 = arith.constant 5248 : i32
      %dma_wait3A_1654 = tpu.memref_slice %arg14[%dma_wait3A_1653] : memref<17920xf32, #tpu.memory_space<vmem>> -> memref<128xf32, #tpu.memory_space<vmem>>
      %dma_wait3A_1655 = arith.constant 5248 : i32
      %dma_wait3A_1656 = tpu.memref_slice %arg13[%dma_wait3A_1655] : memref<17920xi32, #tpu.memory_space<vmem>> -> memref<128xi32, #tpu.memory_space<vmem>>
      %dma_wait3A_1657 = arith.constant 0 : i32
      %dma_wait3A_1658 = tpu.memref_slice %arg10[%dma_wait3A_1657] : memref<1000000xf32, #tpu.memory_space<vmem_shared>> -> memref<1000000xf32, #tpu.memory_space<vmem_shared>>
      tpu.wait_indirect_dma semaphore(%arg18 : memref<!tpu.dma_semaphore, #tpu.memory_space<semaphore_mem>>) src(%dma_wait3A_1658 : memref<1000000xf32, #tpu.memory_space<vmem_shared>>) dst(%dma_wait3A_1654 : memref<128xf32, #tpu.memory_space<vmem>>)
      %dma_wait3A_1659 = arith.constant 5376 : i32
      %dma_wait3A_1660 = tpu.memref_slice %arg14[%dma_wait3A_1659] : memref<17920xf32, #tpu.memory_space<vmem>> -> memref<128xf32, #tpu.memory_space<vmem>>
      %dma_wait3A_1661 = arith.constant 5376 : i32
      %dma_wait3A_1662 = tpu.memref_slice %arg13[%dma_wait3A_1661] : memref<17920xi32, #tpu.memory_space<vmem>> -> memref<128xi32, #tpu.memory_space<vmem>>
      %dma_wait3A_1663 = arith.constant 0 : i32
      %dma_wait3A_1664 = tpu.memref_slice %arg10[%dma_wait3A_1663] : memref<1000000xf32, #tpu.memory_space<vmem_shared>> -> memref<1000000xf32, #tpu.memory_space<vmem_shared>>
      tpu.wait_indirect_dma semaphore(%arg18 : memref<!tpu.dma_semaphore, #tpu.memory_space<semaphore_mem>>) src(%dma_wait3A_1664 : memref<1000000xf32, #tpu.memory_space<vmem_shared>>) dst(%dma_wait3A_1660 : memref<128xf32, #tpu.memory_space<vmem>>)
      %dma_wait3A_1665 = arith.constant 5504 : i32
      %dma_wait3A_1666 = tpu.memref_slice %arg14[%dma_wait3A_1665] : memref<17920xf32, #tpu.memory_space<vmem>> -> memref<128xf32, #tpu.memory_space<vmem>>
      %dma_wait3A_1667 = arith.constant 5504 : i32
      %dma_wait3A_1668 = tpu.memref_slice %arg13[%dma_wait3A_1667] : memref<17920xi32, #tpu.memory_space<vmem>> -> memref<128xi32, #tpu.memory_space<vmem>>
      %dma_wait3A_1669 = arith.constant 0 : i32
      %dma_wait3A_1670 = tpu.memref_slice %arg10[%dma_wait3A_1669] : memref<1000000xf32, #tpu.memory_space<vmem_shared>> -> memref<1000000xf32, #tpu.memory_space<vmem_shared>>
      tpu.wait_indirect_dma semaphore(%arg18 : memref<!tpu.dma_semaphore, #tpu.memory_space<semaphore_mem>>) src(%dma_wait3A_1670 : memref<1000000xf32, #tpu.memory_space<vmem_shared>>) dst(%dma_wait3A_1666 : memref<128xf32, #tpu.memory_space<vmem>>)
      %dma_wait3A_1671 = arith.constant 5632 : i32
      %dma_wait3A_1672 = tpu.memref_slice %arg14[%dma_wait3A_1671] : memref<17920xf32, #tpu.memory_space<vmem>> -> memref<128xf32, #tpu.memory_space<vmem>>
      %dma_wait3A_1673 = arith.constant 5632 : i32
      %dma_wait3A_1674 = tpu.memref_slice %arg13[%dma_wait3A_1673] : memref<17920xi32, #tpu.memory_space<vmem>> -> memref<128xi32, #tpu.memory_space<vmem>>
      %dma_wait3A_1675 = arith.constant 0 : i32
      %dma_wait3A_1676 = tpu.memref_slice %arg10[%dma_wait3A_1675] : memref<1000000xf32, #tpu.memory_space<vmem_shared>> -> memref<1000000xf32, #tpu.memory_space<vmem_shared>>
      tpu.wait_indirect_dma semaphore(%arg18 : memref<!tpu.dma_semaphore, #tpu.memory_space<semaphore_mem>>) src(%dma_wait3A_1676 : memref<1000000xf32, #tpu.memory_space<vmem_shared>>) dst(%dma_wait3A_1672 : memref<128xf32, #tpu.memory_space<vmem>>)
      %dma_wait3A_1677 = arith.constant 5760 : i32
      %dma_wait3A_1678 = tpu.memref_slice %arg14[%dma_wait3A_1677] : memref<17920xf32, #tpu.memory_space<vmem>> -> memref<128xf32, #tpu.memory_space<vmem>>
      %dma_wait3A_1679 = arith.constant 5760 : i32
      %dma_wait3A_1680 = tpu.memref_slice %arg13[%dma_wait3A_1679] : memref<17920xi32, #tpu.memory_space<vmem>> -> memref<128xi32, #tpu.memory_space<vmem>>
      %dma_wait3A_1681 = arith.constant 0 : i32
      %dma_wait3A_1682 = tpu.memref_slice %arg10[%dma_wait3A_1681] : memref<1000000xf32, #tpu.memory_space<vmem_shared>> -> memref<1000000xf32, #tpu.memory_space<vmem_shared>>
      tpu.wait_indirect_dma semaphore(%arg18 : memref<!tpu.dma_semaphore, #tpu.memory_space<semaphore_mem>>) src(%dma_wait3A_1682 : memref<1000000xf32, #tpu.memory_space<vmem_shared>>) dst(%dma_wait3A_1678 : memref<128xf32, #tpu.memory_space<vmem>>)
      %dma_wait3A_1683 = arith.constant 5888 : i32
      %dma_wait3A_1684 = tpu.memref_slice %arg14[%dma_wait3A_1683] : memref<17920xf32, #tpu.memory_space<vmem>> -> memref<128xf32, #tpu.memory_space<vmem>>
      %dma_wait3A_1685 = arith.constant 5888 : i32
      %dma_wait3A_1686 = tpu.memref_slice %arg13[%dma_wait3A_1685] : memref<17920xi32, #tpu.memory_space<vmem>> -> memref<128xi32, #tpu.memory_space<vmem>>
      %dma_wait3A_1687 = arith.constant 0 : i32
      %dma_wait3A_1688 = tpu.memref_slice %arg10[%dma_wait3A_1687] : memref<1000000xf32, #tpu.memory_space<vmem_shared>> -> memref<1000000xf32, #tpu.memory_space<vmem_shared>>
      tpu.wait_indirect_dma semaphore(%arg18 : memref<!tpu.dma_semaphore, #tpu.memory_space<semaphore_mem>>) src(%dma_wait3A_1688 : memref<1000000xf32, #tpu.memory_space<vmem_shared>>) dst(%dma_wait3A_1684 : memref<128xf32, #tpu.memory_space<vmem>>)
      %dma_wait3A_1689 = arith.constant 6016 : i32
      %dma_wait3A_1690 = tpu.memref_slice %arg14[%dma_wait3A_1689] : memref<17920xf32, #tpu.memory_space<vmem>> -> memref<128xf32, #tpu.memory_space<vmem>>
      %dma_wait3A_1691 = arith.constant 6016 : i32
      %dma_wait3A_1692 = tpu.memref_slice %arg13[%dma_wait3A_1691] : memref<17920xi32, #tpu.memory_space<vmem>> -> memref<128xi32, #tpu.memory_space<vmem>>
      %dma_wait3A_1693 = arith.constant 0 : i32
      %dma_wait3A_1694 = tpu.memref_slice %arg10[%dma_wait3A_1693] : memref<1000000xf32, #tpu.memory_space<vmem_shared>> -> memref<1000000xf32, #tpu.memory_space<vmem_shared>>
      tpu.wait_indirect_dma semaphore(%arg18 : memref<!tpu.dma_semaphore, #tpu.memory_space<semaphore_mem>>) src(%dma_wait3A_1694 : memref<1000000xf32, #tpu.memory_space<vmem_shared>>) dst(%dma_wait3A_1690 : memref<128xf32, #tpu.memory_space<vmem>>)
      %dma_wait3A_1695 = arith.constant 6144 : i32
      %dma_wait3A_1696 = tpu.memref_slice %arg14[%dma_wait3A_1695] : memref<17920xf32, #tpu.memory_space<vmem>> -> memref<128xf32, #tpu.memory_space<vmem>>
      %dma_wait3A_1697 = arith.constant 6144 : i32
      %dma_wait3A_1698 = tpu.memref_slice %arg13[%dma_wait3A_1697] : memref<17920xi32, #tpu.memory_space<vmem>> -> memref<128xi32, #tpu.memory_space<vmem>>
      %dma_wait3A_1699 = arith.constant 0 : i32
      %dma_wait3A_1700 = tpu.memref_slice %arg10[%dma_wait3A_1699] : memref<1000000xf32, #tpu.memory_space<vmem_shared>> -> memref<1000000xf32, #tpu.memory_space<vmem_shared>>
      tpu.wait_indirect_dma semaphore(%arg18 : memref<!tpu.dma_semaphore, #tpu.memory_space<semaphore_mem>>) src(%dma_wait3A_1700 : memref<1000000xf32, #tpu.memory_space<vmem_shared>>) dst(%dma_wait3A_1696 : memref<128xf32, #tpu.memory_space<vmem>>)
      %dma_wait3A_1701 = arith.constant 6272 : i32
      %dma_wait3A_1702 = tpu.memref_slice %arg14[%dma_wait3A_1701] : memref<17920xf32, #tpu.memory_space<vmem>> -> memref<128xf32, #tpu.memory_space<vmem>>
      %dma_wait3A_1703 = arith.constant 6272 : i32
      %dma_wait3A_1704 = tpu.memref_slice %arg13[%dma_wait3A_1703] : memref<17920xi32, #tpu.memory_space<vmem>> -> memref<128xi32, #tpu.memory_space<vmem>>
      %dma_wait3A_1705 = arith.constant 0 : i32
      %dma_wait3A_1706 = tpu.memref_slice %arg10[%dma_wait3A_1705] : memref<1000000xf32, #tpu.memory_space<vmem_shared>> -> memref<1000000xf32, #tpu.memory_space<vmem_shared>>
      tpu.wait_indirect_dma semaphore(%arg18 : memref<!tpu.dma_semaphore, #tpu.memory_space<semaphore_mem>>) src(%dma_wait3A_1706 : memref<1000000xf32, #tpu.memory_space<vmem_shared>>) dst(%dma_wait3A_1702 : memref<128xf32, #tpu.memory_space<vmem>>)
      %dma_wait3A_1707 = arith.constant 6400 : i32
      %dma_wait3A_1708 = tpu.memref_slice %arg14[%dma_wait3A_1707] : memref<17920xf32, #tpu.memory_space<vmem>> -> memref<128xf32, #tpu.memory_space<vmem>>
      %dma_wait3A_1709 = arith.constant 6400 : i32
      %dma_wait3A_1710 = tpu.memref_slice %arg13[%dma_wait3A_1709] : memref<17920xi32, #tpu.memory_space<vmem>> -> memref<128xi32, #tpu.memory_space<vmem>>
      %dma_wait3A_1711 = arith.constant 0 : i32
      %dma_wait3A_1712 = tpu.memref_slice %arg10[%dma_wait3A_1711] : memref<1000000xf32, #tpu.memory_space<vmem_shared>> -> memref<1000000xf32, #tpu.memory_space<vmem_shared>>
      tpu.wait_indirect_dma semaphore(%arg18 : memref<!tpu.dma_semaphore, #tpu.memory_space<semaphore_mem>>) src(%dma_wait3A_1712 : memref<1000000xf32, #tpu.memory_space<vmem_shared>>) dst(%dma_wait3A_1708 : memref<128xf32, #tpu.memory_space<vmem>>)
      %dma_wait3A_1713 = arith.constant 6528 : i32
      %dma_wait3A_1714 = tpu.memref_slice %arg14[%dma_wait3A_1713] : memref<17920xf32, #tpu.memory_space<vmem>> -> memref<128xf32, #tpu.memory_space<vmem>>
      %dma_wait3A_1715 = arith.constant 6528 : i32
      %dma_wait3A_1716 = tpu.memref_slice %arg13[%dma_wait3A_1715] : memref<17920xi32, #tpu.memory_space<vmem>> -> memref<128xi32, #tpu.memory_space<vmem>>
      %dma_wait3A_1717 = arith.constant 0 : i32
      %dma_wait3A_1718 = tpu.memref_slice %arg10[%dma_wait3A_1717] : memref<1000000xf32, #tpu.memory_space<vmem_shared>> -> memref<1000000xf32, #tpu.memory_space<vmem_shared>>
      tpu.wait_indirect_dma semaphore(%arg18 : memref<!tpu.dma_semaphore, #tpu.memory_space<semaphore_mem>>) src(%dma_wait3A_1718 : memref<1000000xf32, #tpu.memory_space<vmem_shared>>) dst(%dma_wait3A_1714 : memref<128xf32, #tpu.memory_space<vmem>>)
      %dma_wait3A_1719 = arith.constant 6656 : i32
      %dma_wait3A_1720 = tpu.memref_slice %arg14[%dma_wait3A_1719] : memref<17920xf32, #tpu.memory_space<vmem>> -> memref<128xf32, #tpu.memory_space<vmem>>
      %dma_wait3A_1721 = arith.constant 6656 : i32
      %dma_wait3A_1722 = tpu.memref_slice %arg13[%dma_wait3A_1721] : memref<17920xi32, #tpu.memory_space<vmem>> -> memref<128xi32, #tpu.memory_space<vmem>>
      %dma_wait3A_1723 = arith.constant 0 : i32
      %dma_wait3A_1724 = tpu.memref_slice %arg10[%dma_wait3A_1723] : memref<1000000xf32, #tpu.memory_space<vmem_shared>> -> memref<1000000xf32, #tpu.memory_space<vmem_shared>>
      tpu.wait_indirect_dma semaphore(%arg18 : memref<!tpu.dma_semaphore, #tpu.memory_space<semaphore_mem>>) src(%dma_wait3A_1724 : memref<1000000xf32, #tpu.memory_space<vmem_shared>>) dst(%dma_wait3A_1720 : memref<128xf32, #tpu.memory_space<vmem>>)
      %dma_wait3A_1725 = arith.constant 6784 : i32
      %dma_wait3A_1726 = tpu.memref_slice %arg14[%dma_wait3A_1725] : memref<17920xf32, #tpu.memory_space<vmem>> -> memref<128xf32, #tpu.memory_space<vmem>>
      %dma_wait3A_1727 = arith.constant 6784 : i32
      %dma_wait3A_1728 = tpu.memref_slice %arg13[%dma_wait3A_1727] : memref<17920xi32, #tpu.memory_space<vmem>> -> memref<128xi32, #tpu.memory_space<vmem>>
      %dma_wait3A_1729 = arith.constant 0 : i32
      %dma_wait3A_1730 = tpu.memref_slice %arg10[%dma_wait3A_1729] : memref<1000000xf32, #tpu.memory_space<vmem_shared>> -> memref<1000000xf32, #tpu.memory_space<vmem_shared>>
      tpu.wait_indirect_dma semaphore(%arg18 : memref<!tpu.dma_semaphore, #tpu.memory_space<semaphore_mem>>) src(%dma_wait3A_1730 : memref<1000000xf32, #tpu.memory_space<vmem_shared>>) dst(%dma_wait3A_1726 : memref<128xf32, #tpu.memory_space<vmem>>)
      %dma_wait3A_1731 = arith.constant 6912 : i32
      %dma_wait3A_1732 = tpu.memref_slice %arg14[%dma_wait3A_1731] : memref<17920xf32, #tpu.memory_space<vmem>> -> memref<128xf32, #tpu.memory_space<vmem>>
      %dma_wait3A_1733 = arith.constant 6912 : i32
      %dma_wait3A_1734 = tpu.memref_slice %arg13[%dma_wait3A_1733] : memref<17920xi32, #tpu.memory_space<vmem>> -> memref<128xi32, #tpu.memory_space<vmem>>
      %dma_wait3A_1735 = arith.constant 0 : i32
      %dma_wait3A_1736 = tpu.memref_slice %arg10[%dma_wait3A_1735] : memref<1000000xf32, #tpu.memory_space<vmem_shared>> -> memref<1000000xf32, #tpu.memory_space<vmem_shared>>
      tpu.wait_indirect_dma semaphore(%arg18 : memref<!tpu.dma_semaphore, #tpu.memory_space<semaphore_mem>>) src(%dma_wait3A_1736 : memref<1000000xf32, #tpu.memory_space<vmem_shared>>) dst(%dma_wait3A_1732 : memref<128xf32, #tpu.memory_space<vmem>>)
      %dma_wait3A_1737 = arith.constant 7040 : i32
      %dma_wait3A_1738 = tpu.memref_slice %arg14[%dma_wait3A_1737] : memref<17920xf32, #tpu.memory_space<vmem>> -> memref<128xf32, #tpu.memory_space<vmem>>
      %dma_wait3A_1739 = arith.constant 7040 : i32
      %dma_wait3A_1740 = tpu.memref_slice %arg13[%dma_wait3A_1739] : memref<17920xi32, #tpu.memory_space<vmem>> -> memref<128xi32, #tpu.memory_space<vmem>>
      %dma_wait3A_1741 = arith.constant 0 : i32
      %dma_wait3A_1742 = tpu.memref_slice %arg10[%dma_wait3A_1741] : memref<1000000xf32, #tpu.memory_space<vmem_shared>> -> memref<1000000xf32, #tpu.memory_space<vmem_shared>>
      tpu.wait_indirect_dma semaphore(%arg18 : memref<!tpu.dma_semaphore, #tpu.memory_space<semaphore_mem>>) src(%dma_wait3A_1742 : memref<1000000xf32, #tpu.memory_space<vmem_shared>>) dst(%dma_wait3A_1738 : memref<128xf32, #tpu.memory_space<vmem>>)
      %dma_wait3A_1743 = arith.constant 7168 : i32
      %dma_wait3A_1744 = tpu.memref_slice %arg14[%dma_wait3A_1743] : memref<17920xf32, #tpu.memory_space<vmem>> -> memref<128xf32, #tpu.memory_space<vmem>>
      %dma_wait3A_1745 = arith.constant 7168 : i32
      %dma_wait3A_1746 = tpu.memref_slice %arg13[%dma_wait3A_1745] : memref<17920xi32, #tpu.memory_space<vmem>> -> memref<128xi32, #tpu.memory_space<vmem>>
      %dma_wait3A_1747 = arith.constant 0 : i32
      %dma_wait3A_1748 = tpu.memref_slice %arg10[%dma_wait3A_1747] : memref<1000000xf32, #tpu.memory_space<vmem_shared>> -> memref<1000000xf32, #tpu.memory_space<vmem_shared>>
      tpu.wait_indirect_dma semaphore(%arg18 : memref<!tpu.dma_semaphore, #tpu.memory_space<semaphore_mem>>) src(%dma_wait3A_1748 : memref<1000000xf32, #tpu.memory_space<vmem_shared>>) dst(%dma_wait3A_1744 : memref<128xf32, #tpu.memory_space<vmem>>)
      %dma_wait3A_1749 = arith.constant 7296 : i32
      %dma_wait3A_1750 = tpu.memref_slice %arg14[%dma_wait3A_1749] : memref<17920xf32, #tpu.memory_space<vmem>> -> memref<128xf32, #tpu.memory_space<vmem>>
      %dma_wait3A_1751 = arith.constant 7296 : i32
      %dma_wait3A_1752 = tpu.memref_slice %arg13[%dma_wait3A_1751] : memref<17920xi32, #tpu.memory_space<vmem>> -> memref<128xi32, #tpu.memory_space<vmem>>
      %dma_wait3A_1753 = arith.constant 0 : i32
      %dma_wait3A_1754 = tpu.memref_slice %arg10[%dma_wait3A_1753] : memref<1000000xf32, #tpu.memory_space<vmem_shared>> -> memref<1000000xf32, #tpu.memory_space<vmem_shared>>
      tpu.wait_indirect_dma semaphore(%arg18 : memref<!tpu.dma_semaphore, #tpu.memory_space<semaphore_mem>>) src(%dma_wait3A_1754 : memref<1000000xf32, #tpu.memory_space<vmem_shared>>) dst(%dma_wait3A_1750 : memref<128xf32, #tpu.memory_space<vmem>>)
      %dma_wait3A_1755 = arith.constant 7424 : i32
      %dma_wait3A_1756 = tpu.memref_slice %arg14[%dma_wait3A_1755] : memref<17920xf32, #tpu.memory_space<vmem>> -> memref<128xf32, #tpu.memory_space<vmem>>
      %dma_wait3A_1757 = arith.constant 7424 : i32
      %dma_wait3A_1758 = tpu.memref_slice %arg13[%dma_wait3A_1757] : memref<17920xi32, #tpu.memory_space<vmem>> -> memref<128xi32, #tpu.memory_space<vmem>>
      %dma_wait3A_1759 = arith.constant 0 : i32
      %dma_wait3A_1760 = tpu.memref_slice %arg10[%dma_wait3A_1759] : memref<1000000xf32, #tpu.memory_space<vmem_shared>> -> memref<1000000xf32, #tpu.memory_space<vmem_shared>>
      tpu.wait_indirect_dma semaphore(%arg18 : memref<!tpu.dma_semaphore, #tpu.memory_space<semaphore_mem>>) src(%dma_wait3A_1760 : memref<1000000xf32, #tpu.memory_space<vmem_shared>>) dst(%dma_wait3A_1756 : memref<128xf32, #tpu.memory_space<vmem>>)
      %dma_wait3A_1761 = arith.constant 7552 : i32
      %dma_wait3A_1762 = tpu.memref_slice %arg14[%dma_wait3A_1761] : memref<17920xf32, #tpu.memory_space<vmem>> -> memref<128xf32, #tpu.memory_space<vmem>>
      %dma_wait3A_1763 = arith.constant 7552 : i32
      %dma_wait3A_1764 = tpu.memref_slice %arg13[%dma_wait3A_1763] : memref<17920xi32, #tpu.memory_space<vmem>> -> memref<128xi32, #tpu.memory_space<vmem>>
      %dma_wait3A_1765 = arith.constant 0 : i32
      %dma_wait3A_1766 = tpu.memref_slice %arg10[%dma_wait3A_1765] : memref<1000000xf32, #tpu.memory_space<vmem_shared>> -> memref<1000000xf32, #tpu.memory_space<vmem_shared>>
      tpu.wait_indirect_dma semaphore(%arg18 : memref<!tpu.dma_semaphore, #tpu.memory_space<semaphore_mem>>) src(%dma_wait3A_1766 : memref<1000000xf32, #tpu.memory_space<vmem_shared>>) dst(%dma_wait3A_1762 : memref<128xf32, #tpu.memory_space<vmem>>)
      %dma_wait3A_1767 = arith.constant 7680 : i32
      %dma_wait3A_1768 = tpu.memref_slice %arg14[%dma_wait3A_1767] : memref<17920xf32, #tpu.memory_space<vmem>> -> memref<128xf32, #tpu.memory_space<vmem>>
      %dma_wait3A_1769 = arith.constant 7680 : i32
      %dma_wait3A_1770 = tpu.memref_slice %arg13[%dma_wait3A_1769] : memref<17920xi32, #tpu.memory_space<vmem>> -> memref<128xi32, #tpu.memory_space<vmem>>
      %dma_wait3A_1771 = arith.constant 0 : i32
      %dma_wait3A_1772 = tpu.memref_slice %arg10[%dma_wait3A_1771] : memref<1000000xf32, #tpu.memory_space<vmem_shared>> -> memref<1000000xf32, #tpu.memory_space<vmem_shared>>
      tpu.wait_indirect_dma semaphore(%arg18 : memref<!tpu.dma_semaphore, #tpu.memory_space<semaphore_mem>>) src(%dma_wait3A_1772 : memref<1000000xf32, #tpu.memory_space<vmem_shared>>) dst(%dma_wait3A_1768 : memref<128xf32, #tpu.memory_space<vmem>>)
      %dma_wait3A_1773 = arith.constant 7808 : i32
      %dma_wait3A_1774 = tpu.memref_slice %arg14[%dma_wait3A_1773] : memref<17920xf32, #tpu.memory_space<vmem>> -> memref<128xf32, #tpu.memory_space<vmem>>
      %dma_wait3A_1775 = arith.constant 7808 : i32
      %dma_wait3A_1776 = tpu.memref_slice %arg13[%dma_wait3A_1775] : memref<17920xi32, #tpu.memory_space<vmem>> -> memref<128xi32, #tpu.memory_space<vmem>>
      %dma_wait3A_1777 = arith.constant 0 : i32
      %dma_wait3A_1778 = tpu.memref_slice %arg10[%dma_wait3A_1777] : memref<1000000xf32, #tpu.memory_space<vmem_shared>> -> memref<1000000xf32, #tpu.memory_space<vmem_shared>>
      tpu.wait_indirect_dma semaphore(%arg18 : memref<!tpu.dma_semaphore, #tpu.memory_space<semaphore_mem>>) src(%dma_wait3A_1778 : memref<1000000xf32, #tpu.memory_space<vmem_shared>>) dst(%dma_wait3A_1774 : memref<128xf32, #tpu.memory_space<vmem>>)
      %dma_wait3A_1779 = arith.constant 7936 : i32
      %dma_wait3A_1780 = tpu.memref_slice %arg14[%dma_wait3A_1779] : memref<17920xf32, #tpu.memory_space<vmem>> -> memref<128xf32, #tpu.memory_space<vmem>>
      %dma_wait3A_1781 = arith.constant 7936 : i32
      %dma_wait3A_1782 = tpu.memref_slice %arg13[%dma_wait3A_1781] : memref<17920xi32, #tpu.memory_space<vmem>> -> memref<128xi32, #tpu.memory_space<vmem>>
      %dma_wait3A_1783 = arith.constant 0 : i32
      %dma_wait3A_1784 = tpu.memref_slice %arg10[%dma_wait3A_1783] : memref<1000000xf32, #tpu.memory_space<vmem_shared>> -> memref<1000000xf32, #tpu.memory_space<vmem_shared>>
      tpu.wait_indirect_dma semaphore(%arg18 : memref<!tpu.dma_semaphore, #tpu.memory_space<semaphore_mem>>) src(%dma_wait3A_1784 : memref<1000000xf32, #tpu.memory_space<vmem_shared>>) dst(%dma_wait3A_1780 : memref<128xf32, #tpu.memory_space<vmem>>)
      %dma_wait3A_1785 = arith.constant 8064 : i32
      %dma_wait3A_1786 = tpu.memref_slice %arg14[%dma_wait3A_1785] : memref<17920xf32, #tpu.memory_space<vmem>> -> memref<128xf32, #tpu.memory_space<vmem>>
      %dma_wait3A_1787 = arith.constant 8064 : i32
      %dma_wait3A_1788 = tpu.memref_slice %arg13[%dma_wait3A_1787] : memref<17920xi32, #tpu.memory_space<vmem>> -> memref<128xi32, #tpu.memory_space<vmem>>
      %dma_wait3A_1789 = arith.constant 0 : i32
      %dma_wait3A_1790 = tpu.memref_slice %arg10[%dma_wait3A_1789] : memref<1000000xf32, #tpu.memory_space<vmem_shared>> -> memref<1000000xf32, #tpu.memory_space<vmem_shared>>
      tpu.wait_indirect_dma semaphore(%arg18 : memref<!tpu.dma_semaphore, #tpu.memory_space<semaphore_mem>>) src(%dma_wait3A_1790 : memref<1000000xf32, #tpu.memory_space<vmem_shared>>) dst(%dma_wait3A_1786 : memref<128xf32, #tpu.memory_space<vmem>>)
      %dma_wait3A_1791 = arith.constant 8192 : i32
      %dma_wait3A_1792 = tpu.memref_slice %arg14[%dma_wait3A_1791] : memref<17920xf32, #tpu.memory_space<vmem>> -> memref<128xf32, #tpu.memory_space<vmem>>
      %dma_wait3A_1793 = arith.constant 8192 : i32
      %dma_wait3A_1794 = tpu.memref_slice %arg13[%dma_wait3A_1793] : memref<17920xi32, #tpu.memory_space<vmem>> -> memref<128xi32, #tpu.memory_space<vmem>>
      %dma_wait3A_1795 = arith.constant 0 : i32
      %dma_wait3A_1796 = tpu.memref_slice %arg10[%dma_wait3A_1795] : memref<1000000xf32, #tpu.memory_space<vmem_shared>> -> memref<1000000xf32, #tpu.memory_space<vmem_shared>>
      tpu.wait_indirect_dma semaphore(%arg18 : memref<!tpu.dma_semaphore, #tpu.memory_space<semaphore_mem>>) src(%dma_wait3A_1796 : memref<1000000xf32, #tpu.memory_space<vmem_shared>>) dst(%dma_wait3A_1792 : memref<128xf32, #tpu.memory_space<vmem>>)
      %dma_wait3A_1797 = arith.constant 8320 : i32
      %dma_wait3A_1798 = tpu.memref_slice %arg14[%dma_wait3A_1797] : memref<17920xf32, #tpu.memory_space<vmem>> -> memref<128xf32, #tpu.memory_space<vmem>>
      %dma_wait3A_1799 = arith.constant 8320 : i32
      %dma_wait3A_1800 = tpu.memref_slice %arg13[%dma_wait3A_1799] : memref<17920xi32, #tpu.memory_space<vmem>> -> memref<128xi32, #tpu.memory_space<vmem>>
      %dma_wait3A_1801 = arith.constant 0 : i32
      %dma_wait3A_1802 = tpu.memref_slice %arg10[%dma_wait3A_1801] : memref<1000000xf32, #tpu.memory_space<vmem_shared>> -> memref<1000000xf32, #tpu.memory_space<vmem_shared>>
      tpu.wait_indirect_dma semaphore(%arg18 : memref<!tpu.dma_semaphore, #tpu.memory_space<semaphore_mem>>) src(%dma_wait3A_1802 : memref<1000000xf32, #tpu.memory_space<vmem_shared>>) dst(%dma_wait3A_1798 : memref<128xf32, #tpu.memory_space<vmem>>)
      %dma_wait3A_1803 = arith.constant 8448 : i32
      %dma_wait3A_1804 = tpu.memref_slice %arg14[%dma_wait3A_1803] : memref<17920xf32, #tpu.memory_space<vmem>> -> memref<128xf32, #tpu.memory_space<vmem>>
      %dma_wait3A_1805 = arith.constant 8448 : i32
      %dma_wait3A_1806 = tpu.memref_slice %arg13[%dma_wait3A_1805] : memref<17920xi32, #tpu.memory_space<vmem>> -> memref<128xi32, #tpu.memory_space<vmem>>
      %dma_wait3A_1807 = arith.constant 0 : i32
      %dma_wait3A_1808 = tpu.memref_slice %arg10[%dma_wait3A_1807] : memref<1000000xf32, #tpu.memory_space<vmem_shared>> -> memref<1000000xf32, #tpu.memory_space<vmem_shared>>
      tpu.wait_indirect_dma semaphore(%arg18 : memref<!tpu.dma_semaphore, #tpu.memory_space<semaphore_mem>>) src(%dma_wait3A_1808 : memref<1000000xf32, #tpu.memory_space<vmem_shared>>) dst(%dma_wait3A_1804 : memref<128xf32, #tpu.memory_space<vmem>>)
      %dma_wait3A_1809 = arith.constant 8576 : i32
      %dma_wait3A_1810 = tpu.memref_slice %arg14[%dma_wait3A_1809] : memref<17920xf32, #tpu.memory_space<vmem>> -> memref<128xf32, #tpu.memory_space<vmem>>
      %dma_wait3A_1811 = arith.constant 8576 : i32
      %dma_wait3A_1812 = tpu.memref_slice %arg13[%dma_wait3A_1811] : memref<17920xi32, #tpu.memory_space<vmem>> -> memref<128xi32, #tpu.memory_space<vmem>>
      %dma_wait3A_1813 = arith.constant 0 : i32
      %dma_wait3A_1814 = tpu.memref_slice %arg10[%dma_wait3A_1813] : memref<1000000xf32, #tpu.memory_space<vmem_shared>> -> memref<1000000xf32, #tpu.memory_space<vmem_shared>>
      tpu.wait_indirect_dma semaphore(%arg18 : memref<!tpu.dma_semaphore, #tpu.memory_space<semaphore_mem>>) src(%dma_wait3A_1814 : memref<1000000xf32, #tpu.memory_space<vmem_shared>>) dst(%dma_wait3A_1810 : memref<128xf32, #tpu.memory_space<vmem>>)
      %dma_wait3A_1815 = arith.constant 8704 : i32
      %dma_wait3A_1816 = tpu.memref_slice %arg14[%dma_wait3A_1815] : memref<17920xf32, #tpu.memory_space<vmem>> -> memref<128xf32, #tpu.memory_space<vmem>>
      %dma_wait3A_1817 = arith.constant 8704 : i32
      %dma_wait3A_1818 = tpu.memref_slice %arg13[%dma_wait3A_1817] : memref<17920xi32, #tpu.memory_space<vmem>> -> memref<128xi32, #tpu.memory_space<vmem>>
      %dma_wait3A_1819 = arith.constant 0 : i32
      %dma_wait3A_1820 = tpu.memref_slice %arg10[%dma_wait3A_1819] : memref<1000000xf32, #tpu.memory_space<vmem_shared>> -> memref<1000000xf32, #tpu.memory_space<vmem_shared>>
      tpu.wait_indirect_dma semaphore(%arg18 : memref<!tpu.dma_semaphore, #tpu.memory_space<semaphore_mem>>) src(%dma_wait3A_1820 : memref<1000000xf32, #tpu.memory_space<vmem_shared>>) dst(%dma_wait3A_1816 : memref<128xf32, #tpu.memory_space<vmem>>)
      %dma_wait3A_1821 = arith.constant 8832 : i32
      %dma_wait3A_1822 = tpu.memref_slice %arg14[%dma_wait3A_1821] : memref<17920xf32, #tpu.memory_space<vmem>> -> memref<128xf32, #tpu.memory_space<vmem>>
      %dma_wait3A_1823 = arith.constant 8832 : i32
      %dma_wait3A_1824 = tpu.memref_slice %arg13[%dma_wait3A_1823] : memref<17920xi32, #tpu.memory_space<vmem>> -> memref<128xi32, #tpu.memory_space<vmem>>
      %dma_wait3A_1825 = arith.constant 0 : i32
      %dma_wait3A_1826 = tpu.memref_slice %arg10[%dma_wait3A_1825] : memref<1000000xf32, #tpu.memory_space<vmem_shared>> -> memref<1000000xf32, #tpu.memory_space<vmem_shared>>
      tpu.wait_indirect_dma semaphore(%arg18 : memref<!tpu.dma_semaphore, #tpu.memory_space<semaphore_mem>>) src(%dma_wait3A_1826 : memref<1000000xf32, #tpu.memory_space<vmem_shared>>) dst(%dma_wait3A_1822 : memref<128xf32, #tpu.memory_space<vmem>>)
      %mul3A_1827 = arith.constant 70 : i32
      %mul3A_1828 = arith.muli %mul3A_522, %mul3A_1827 : i32
      %add3A_1829 = arith.addi %min3A_3, %mul3A_1828 : i32
      %mul3A_1830 = arith.constant 128 : i32
      %mul3A_1831 = arith.muli %add3A_1829, %mul3A_1830 : i32
      %multiple_of3A_1832 = tpu.assume_multiple %mul3A_1831, 128 : i32
      %dma_start3A_1833 = arith.constant 0 : i32
      %dma_start3A_1834 = tpu.memref_slice %arg14[%dma_start3A_1833] : memref<17920xf32, #tpu.memory_space<vmem>> -> memref<8960xf32, #tpu.memory_space<vmem>>
      %dma_start3A_1835 = tpu.memref_slice %arg7[%multiple_of3A_1832] : memref<4000000xf32, #tpu.memory_space<hbm>> -> memref<8960xf32, #tpu.memory_space<hbm>>
      %dma_start3A_1836 = tpu.memref_slice %arg7[%multiple_of3A_1832] : memref<4000000xf32, #tpu.memory_space<hbm>> -> memref<8960xf32, #tpu.memory_space<hbm>>
      %dma_start3A_1837 = arith.constant 0 : i32
      %dma_start3A_1838 = tpu.memref_slice %arg14[%dma_start3A_1837] : memref<17920xf32, #tpu.memory_space<vmem>> -> memref<8960xf32, #tpu.memory_space<vmem>>
      tpu.enqueue_dma source(%dma_start3A_1838 : memref<8960xf32, #tpu.memory_space<vmem>>) target(%dma_start3A_1836 : memref<8960xf32, #tpu.memory_space<hbm>>) target_semaphore(%arg20 : memref<!tpu.dma_semaphore, #tpu.memory_space<semaphore_mem>>)
      %add3A_1839 = arith.constant 1 : i32
      %add3A_1840 = arith.addi %add3A_524, %add3A_1839 : i32
      %lt3A_1841 = arith.constant 14 : i32
      %lt3A_1842 = arith.cmpi slt, %add3A_1840, %lt3A_1841 : i32
      %convert_element_type3A_1843 = arith.extui %lt3A_1842 : i1 to i32
      %cond3A_1844 = arith.constant 0 : i32
      %cond3A_1845 = arith.cmpi ne, %convert_element_type3A_1843, %cond3A_1844 : i32
      scf.if %cond3A_1845 {
        %add3A_1847 = arith.constant 1 : i32
        %add3A_1848 = arith.addi %add3A_524, %add3A_1847 : i32
        %mul3A_1849 = arith.constant 70 : i32
        %mul3A_1850 = arith.muli %add3A_1848, %mul3A_1849 : i32
        %add3A_1851 = arith.addi %min3A_3, %mul3A_1850 : i32
        %mul3A_1852 = arith.constant 128 : i32
        %mul3A_1853 = arith.muli %add3A_1851, %mul3A_1852 : i32
        %multiple_of3A_1854 = tpu.assume_multiple %mul3A_1853, 128 : i32
        %dma_start3A_1855 = arith.constant 0 : i32
        %dma_start3A_1856 = tpu.memref_slice %arg13[%dma_start3A_1855] : memref<17920xi32, #tpu.memory_space<vmem>> -> memref<8960xi32, #tpu.memory_space<vmem>>
        %dma_start3A_1857 = tpu.memref_slice %arg6[%multiple_of3A_1854] : memref<4000000xi32, #tpu.memory_space<hbm>> -> memref<8960xi32, #tpu.memory_space<hbm>>
        %dma_start3A_1858 = arith.constant 0 : i32
        %dma_start3A_1859 = tpu.memref_slice %arg13[%dma_start3A_1858] : memref<17920xi32, #tpu.memory_space<vmem>> -> memref<8960xi32, #tpu.memory_space<vmem>>
        %dma_start3A_1860 = tpu.memref_slice %arg6[%multiple_of3A_1854] : memref<4000000xi32, #tpu.memory_space<hbm>> -> memref<8960xi32, #tpu.memory_space<hbm>>
        tpu.enqueue_dma source(%dma_start3A_1860 : memref<8960xi32, #tpu.memory_space<hbm>>) target(%dma_start3A_1859 : memref<8960xi32, #tpu.memory_space<vmem>>) target_semaphore(%arg17 : memref<!tpu.dma_semaphore, #tpu.memory_space<semaphore_mem>>)
      } else {
      }
      %scan3A_1846 = arith.constant 0 : i32
      scf.yield %scan3A_1846 : i32
    }
    %scan3A_66 = arith.constant 7 : i32
    %dma_wait3A = arith.constant 8960 : i32
    %dma_wait3A_67 = tpu.memref_slice %arg14[%dma_wait3A] : memref<17920xf32, #tpu.memory_space<vmem>> -> memref<128xf32, #tpu.memory_space<vmem>>
    %dma_wait3A_68 = arith.constant 8960 : i32
    %dma_wait3A_69 = tpu.memref_slice %arg13[%dma_wait3A_68] : memref<17920xi32, #tpu.memory_space<vmem>> -> memref<128xi32, #tpu.memory_space<vmem>>
    %dma_wait3A_70 = arith.constant 0 : i32
    %dma_wait3A_71 = tpu.memref_slice %arg10[%dma_wait3A_70] : memref<1000000xf32, #tpu.memory_space<vmem_shared>> -> memref<1000000xf32, #tpu.memory_space<vmem_shared>>
    tpu.wait_indirect_dma semaphore(%arg19 : memref<!tpu.dma_semaphore, #tpu.memory_space<semaphore_mem>>) src(%dma_wait3A_71 : memref<1000000xf32, #tpu.memory_space<vmem_shared>>) dst(%dma_wait3A_67 : memref<128xf32, #tpu.memory_space<vmem>>)
    %dma_wait3A_72 = arith.constant 9088 : i32
    %dma_wait3A_73 = tpu.memref_slice %arg14[%dma_wait3A_72] : memref<17920xf32, #tpu.memory_space<vmem>> -> memref<128xf32, #tpu.memory_space<vmem>>
    %dma_wait3A_74 = arith.constant 9088 : i32
    %dma_wait3A_75 = tpu.memref_slice %arg13[%dma_wait3A_74] : memref<17920xi32, #tpu.memory_space<vmem>> -> memref<128xi32, #tpu.memory_space<vmem>>
    %dma_wait3A_76 = arith.constant 0 : i32
    %dma_wait3A_77 = tpu.memref_slice %arg10[%dma_wait3A_76] : memref<1000000xf32, #tpu.memory_space<vmem_shared>> -> memref<1000000xf32, #tpu.memory_space<vmem_shared>>
    tpu.wait_indirect_dma semaphore(%arg19 : memref<!tpu.dma_semaphore, #tpu.memory_space<semaphore_mem>>) src(%dma_wait3A_77 : memref<1000000xf32, #tpu.memory_space<vmem_shared>>) dst(%dma_wait3A_73 : memref<128xf32, #tpu.memory_space<vmem>>)
    %dma_wait3A_78 = arith.constant 9216 : i32
    %dma_wait3A_79 = tpu.memref_slice %arg14[%dma_wait3A_78] : memref<17920xf32, #tpu.memory_space<vmem>> -> memref<128xf32, #tpu.memory_space<vmem>>
    %dma_wait3A_80 = arith.constant 9216 : i32
    %dma_wait3A_81 = tpu.memref_slice %arg13[%dma_wait3A_80] : memref<17920xi32, #tpu.memory_space<vmem>> -> memref<128xi32, #tpu.memory_space<vmem>>
    %dma_wait3A_82 = arith.constant 0 : i32
    %dma_wait3A_83 = tpu.memref_slice %arg10[%dma_wait3A_82] : memref<1000000xf32, #tpu.memory_space<vmem_shared>> -> memref<1000000xf32, #tpu.memory_space<vmem_shared>>
    tpu.wait_indirect_dma semaphore(%arg19 : memref<!tpu.dma_semaphore, #tpu.memory_space<semaphore_mem>>) src(%dma_wait3A_83 : memref<1000000xf32, #tpu.memory_space<vmem_shared>>) dst(%dma_wait3A_79 : memref<128xf32, #tpu.memory_space<vmem>>)
    %dma_wait3A_84 = arith.constant 9344 : i32
    %dma_wait3A_85 = tpu.memref_slice %arg14[%dma_wait3A_84] : memref<17920xf32, #tpu.memory_space<vmem>> -> memref<128xf32, #tpu.memory_space<vmem>>
    %dma_wait3A_86 = arith.constant 9344 : i32
    %dma_wait3A_87 = tpu.memref_slice %arg13[%dma_wait3A_86] : memref<17920xi32, #tpu.memory_space<vmem>> -> memref<128xi32, #tpu.memory_space<vmem>>
    %dma_wait3A_88 = arith.constant 0 : i32
    %dma_wait3A_89 = tpu.memref_slice %arg10[%dma_wait3A_88] : memref<1000000xf32, #tpu.memory_space<vmem_shared>> -> memref<1000000xf32, #tpu.memory_space<vmem_shared>>
    tpu.wait_indirect_dma semaphore(%arg19 : memref<!tpu.dma_semaphore, #tpu.memory_space<semaphore_mem>>) src(%dma_wait3A_89 : memref<1000000xf32, #tpu.memory_space<vmem_shared>>) dst(%dma_wait3A_85 : memref<128xf32, #tpu.memory_space<vmem>>)
    %dma_wait3A_90 = arith.constant 9472 : i32
    %dma_wait3A_91 = tpu.memref_slice %arg14[%dma_wait3A_90] : memref<17920xf32, #tpu.memory_space<vmem>> -> memref<128xf32, #tpu.memory_space<vmem>>
    %dma_wait3A_92 = arith.constant 9472 : i32
    %dma_wait3A_93 = tpu.memref_slice %arg13[%dma_wait3A_92] : memref<17920xi32, #tpu.memory_space<vmem>> -> memref<128xi32, #tpu.memory_space<vmem>>
    %dma_wait3A_94 = arith.constant 0 : i32
    %dma_wait3A_95 = tpu.memref_slice %arg10[%dma_wait3A_94] : memref<1000000xf32, #tpu.memory_space<vmem_shared>> -> memref<1000000xf32, #tpu.memory_space<vmem_shared>>
    tpu.wait_indirect_dma semaphore(%arg19 : memref<!tpu.dma_semaphore, #tpu.memory_space<semaphore_mem>>) src(%dma_wait3A_95 : memref<1000000xf32, #tpu.memory_space<vmem_shared>>) dst(%dma_wait3A_91 : memref<128xf32, #tpu.memory_space<vmem>>)
    %dma_wait3A_96 = arith.constant 9600 : i32
    %dma_wait3A_97 = tpu.memref_slice %arg14[%dma_wait3A_96] : memref<17920xf32, #tpu.memory_space<vmem>> -> memref<128xf32, #tpu.memory_space<vmem>>
    %dma_wait3A_98 = arith.constant 9600 : i32
    %dma_wait3A_99 = tpu.memref_slice %arg13[%dma_wait3A_98] : memref<17920xi32, #tpu.memory_space<vmem>> -> memref<128xi32, #tpu.memory_space<vmem>>
    %dma_wait3A_100 = arith.constant 0 : i32
    %dma_wait3A_101 = tpu.memref_slice %arg10[%dma_wait3A_100] : memref<1000000xf32, #tpu.memory_space<vmem_shared>> -> memref<1000000xf32, #tpu.memory_space<vmem_shared>>
    tpu.wait_indirect_dma semaphore(%arg19 : memref<!tpu.dma_semaphore, #tpu.memory_space<semaphore_mem>>) src(%dma_wait3A_101 : memref<1000000xf32, #tpu.memory_space<vmem_shared>>) dst(%dma_wait3A_97 : memref<128xf32, #tpu.memory_space<vmem>>)
    %dma_wait3A_102 = arith.constant 9728 : i32
    %dma_wait3A_103 = tpu.memref_slice %arg14[%dma_wait3A_102] : memref<17920xf32, #tpu.memory_space<vmem>> -> memref<128xf32, #tpu.memory_space<vmem>>
    %dma_wait3A_104 = arith.constant 9728 : i32
    %dma_wait3A_105 = tpu.memref_slice %arg13[%dma_wait3A_104] : memref<17920xi32, #tpu.memory_space<vmem>> -> memref<128xi32, #tpu.memory_space<vmem>>
    %dma_wait3A_106 = arith.constant 0 : i32
    %dma_wait3A_107 = tpu.memref_slice %arg10[%dma_wait3A_106] : memref<1000000xf32, #tpu.memory_space<vmem_shared>> -> memref<1000000xf32, #tpu.memory_space<vmem_shared>>
    tpu.wait_indirect_dma semaphore(%arg19 : memref<!tpu.dma_semaphore, #tpu.memory_space<semaphore_mem>>) src(%dma_wait3A_107 : memref<1000000xf32, #tpu.memory_space<vmem_shared>>) dst(%dma_wait3A_103 : memref<128xf32, #tpu.memory_space<vmem>>)
    %dma_wait3A_108 = arith.constant 9856 : i32
    %dma_wait3A_109 = tpu.memref_slice %arg14[%dma_wait3A_108] : memref<17920xf32, #tpu.memory_space<vmem>> -> memref<128xf32, #tpu.memory_space<vmem>>
    %dma_wait3A_110 = arith.constant 9856 : i32
    %dma_wait3A_111 = tpu.memref_slice %arg13[%dma_wait3A_110] : memref<17920xi32, #tpu.memory_space<vmem>> -> memref<128xi32, #tpu.memory_space<vmem>>
    %dma_wait3A_112 = arith.constant 0 : i32
    %dma_wait3A_113 = tpu.memref_slice %arg10[%dma_wait3A_112] : memref<1000000xf32, #tpu.memory_space<vmem_shared>> -> memref<1000000xf32, #tpu.memory_space<vmem_shared>>
    tpu.wait_indirect_dma semaphore(%arg19 : memref<!tpu.dma_semaphore, #tpu.memory_space<semaphore_mem>>) src(%dma_wait3A_113 : memref<1000000xf32, #tpu.memory_space<vmem_shared>>) dst(%dma_wait3A_109 : memref<128xf32, #tpu.memory_space<vmem>>)
    %dma_wait3A_114 = arith.constant 9984 : i32
    %dma_wait3A_115 = tpu.memref_slice %arg14[%dma_wait3A_114] : memref<17920xf32, #tpu.memory_space<vmem>> -> memref<128xf32, #tpu.memory_space<vmem>>
    %dma_wait3A_116 = arith.constant 9984 : i32
    %dma_wait3A_117 = tpu.memref_slice %arg13[%dma_wait3A_116] : memref<17920xi32, #tpu.memory_space<vmem>> -> memref<128xi32, #tpu.memory_space<vmem>>
    %dma_wait3A_118 = arith.constant 0 : i32
    %dma_wait3A_119 = tpu.memref_slice %arg10[%dma_wait3A_118] : memref<1000000xf32, #tpu.memory_space<vmem_shared>> -> memref<1000000xf32, #tpu.memory_space<vmem_shared>>
    tpu.wait_indirect_dma semaphore(%arg19 : memref<!tpu.dma_semaphore, #tpu.memory_space<semaphore_mem>>) src(%dma_wait3A_119 : memref<1000000xf32, #tpu.memory_space<vmem_shared>>) dst(%dma_wait3A_115 : memref<128xf32, #tpu.memory_space<vmem>>)
    %dma_wait3A_120 = arith.constant 10112 : i32
    %dma_wait3A_121 = tpu.memref_slice %arg14[%dma_wait3A_120] : memref<17920xf32, #tpu.memory_space<vmem>> -> memref<128xf32, #tpu.memory_space<vmem>>
    %dma_wait3A_122 = arith.constant 10112 : i32
    %dma_wait3A_123 = tpu.memref_slice %arg13[%dma_wait3A_122] : memref<17920xi32, #tpu.memory_space<vmem>> -> memref<128xi32, #tpu.memory_space<vmem>>
    %dma_wait3A_124 = arith.constant 0 : i32
    %dma_wait3A_125 = tpu.memref_slice %arg10[%dma_wait3A_124] : memref<1000000xf32, #tpu.memory_space<vmem_shared>> -> memref<1000000xf32, #tpu.memory_space<vmem_shared>>
    tpu.wait_indirect_dma semaphore(%arg19 : memref<!tpu.dma_semaphore, #tpu.memory_space<semaphore_mem>>) src(%dma_wait3A_125 : memref<1000000xf32, #tpu.memory_space<vmem_shared>>) dst(%dma_wait3A_121 : memref<128xf32, #tpu.memory_space<vmem>>)
    %dma_wait3A_126 = arith.constant 10240 : i32
    %dma_wait3A_127 = tpu.memref_slice %arg14[%dma_wait3A_126] : memref<17920xf32, #tpu.memory_space<vmem>> -> memref<128xf32, #tpu.memory_space<vmem>>
    %dma_wait3A_128 = arith.constant 10240 : i32
    %dma_wait3A_129 = tpu.memref_slice %arg13[%dma_wait3A_128] : memref<17920xi32, #tpu.memory_space<vmem>> -> memref<128xi32, #tpu.memory_space<vmem>>
    %dma_wait3A_130 = arith.constant 0 : i32
    %dma_wait3A_131 = tpu.memref_slice %arg10[%dma_wait3A_130] : memref<1000000xf32, #tpu.memory_space<vmem_shared>> -> memref<1000000xf32, #tpu.memory_space<vmem_shared>>
    tpu.wait_indirect_dma semaphore(%arg19 : memref<!tpu.dma_semaphore, #tpu.memory_space<semaphore_mem>>) src(%dma_wait3A_131 : memref<1000000xf32, #tpu.memory_space<vmem_shared>>) dst(%dma_wait3A_127 : memref<128xf32, #tpu.memory_space<vmem>>)
    %dma_wait3A_132 = arith.constant 10368 : i32
    %dma_wait3A_133 = tpu.memref_slice %arg14[%dma_wait3A_132] : memref<17920xf32, #tpu.memory_space<vmem>> -> memref<128xf32, #tpu.memory_space<vmem>>
    %dma_wait3A_134 = arith.constant 10368 : i32
    %dma_wait3A_135 = tpu.memref_slice %arg13[%dma_wait3A_134] : memref<17920xi32, #tpu.memory_space<vmem>> -> memref<128xi32, #tpu.memory_space<vmem>>
    %dma_wait3A_136 = arith.constant 0 : i32
    %dma_wait3A_137 = tpu.memref_slice %arg10[%dma_wait3A_136] : memref<1000000xf32, #tpu.memory_space<vmem_shared>> -> memref<1000000xf32, #tpu.memory_space<vmem_shared>>
    tpu.wait_indirect_dma semaphore(%arg19 : memref<!tpu.dma_semaphore, #tpu.memory_space<semaphore_mem>>) src(%dma_wait3A_137 : memref<1000000xf32, #tpu.memory_space<vmem_shared>>) dst(%dma_wait3A_133 : memref<128xf32, #tpu.memory_space<vmem>>)
    %dma_wait3A_138 = arith.constant 10496 : i32
    %dma_wait3A_139 = tpu.memref_slice %arg14[%dma_wait3A_138] : memref<17920xf32, #tpu.memory_space<vmem>> -> memref<128xf32, #tpu.memory_space<vmem>>
    %dma_wait3A_140 = arith.constant 10496 : i32
    %dma_wait3A_141 = tpu.memref_slice %arg13[%dma_wait3A_140] : memref<17920xi32, #tpu.memory_space<vmem>> -> memref<128xi32, #tpu.memory_space<vmem>>
    %dma_wait3A_142 = arith.constant 0 : i32
    %dma_wait3A_143 = tpu.memref_slice %arg10[%dma_wait3A_142] : memref<1000000xf32, #tpu.memory_space<vmem_shared>> -> memref<1000000xf32, #tpu.memory_space<vmem_shared>>
    tpu.wait_indirect_dma semaphore(%arg19 : memref<!tpu.dma_semaphore, #tpu.memory_space<semaphore_mem>>) src(%dma_wait3A_143 : memref<1000000xf32, #tpu.memory_space<vmem_shared>>) dst(%dma_wait3A_139 : memref<128xf32, #tpu.memory_space<vmem>>)
    %dma_wait3A_144 = arith.constant 10624 : i32
    %dma_wait3A_145 = tpu.memref_slice %arg14[%dma_wait3A_144] : memref<17920xf32, #tpu.memory_space<vmem>> -> memref<128xf32, #tpu.memory_space<vmem>>
    %dma_wait3A_146 = arith.constant 10624 : i32
    %dma_wait3A_147 = tpu.memref_slice %arg13[%dma_wait3A_146] : memref<17920xi32, #tpu.memory_space<vmem>> -> memref<128xi32, #tpu.memory_space<vmem>>
    %dma_wait3A_148 = arith.constant 0 : i32
    %dma_wait3A_149 = tpu.memref_slice %arg10[%dma_wait3A_148] : memref<1000000xf32, #tpu.memory_space<vmem_shared>> -> memref<1000000xf32, #tpu.memory_space<vmem_shared>>
    tpu.wait_indirect_dma semaphore(%arg19 : memref<!tpu.dma_semaphore, #tpu.memory_space<semaphore_mem>>) src(%dma_wait3A_149 : memref<1000000xf32, #tpu.memory_space<vmem_shared>>) dst(%dma_wait3A_145 : memref<128xf32, #tpu.memory_space<vmem>>)
    %dma_wait3A_150 = arith.constant 10752 : i32
    %dma_wait3A_151 = tpu.memref_slice %arg14[%dma_wait3A_150] : memref<17920xf32, #tpu.memory_space<vmem>> -> memref<128xf32, #tpu.memory_space<vmem>>
    %dma_wait3A_152 = arith.constant 10752 : i32
    %dma_wait3A_153 = tpu.memref_slice %arg13[%dma_wait3A_152] : memref<17920xi32, #tpu.memory_space<vmem>> -> memref<128xi32, #tpu.memory_space<vmem>>
    %dma_wait3A_154 = arith.constant 0 : i32
    %dma_wait3A_155 = tpu.memref_slice %arg10[%dma_wait3A_154] : memref<1000000xf32, #tpu.memory_space<vmem_shared>> -> memref<1000000xf32, #tpu.memory_space<vmem_shared>>
    tpu.wait_indirect_dma semaphore(%arg19 : memref<!tpu.dma_semaphore, #tpu.memory_space<semaphore_mem>>) src(%dma_wait3A_155 : memref<1000000xf32, #tpu.memory_space<vmem_shared>>) dst(%dma_wait3A_151 : memref<128xf32, #tpu.memory_space<vmem>>)
    %dma_wait3A_156 = arith.constant 10880 : i32
    %dma_wait3A_157 = tpu.memref_slice %arg14[%dma_wait3A_156] : memref<17920xf32, #tpu.memory_space<vmem>> -> memref<128xf32, #tpu.memory_space<vmem>>
    %dma_wait3A_158 = arith.constant 10880 : i32
    %dma_wait3A_159 = tpu.memref_slice %arg13[%dma_wait3A_158] : memref<17920xi32, #tpu.memory_space<vmem>> -> memref<128xi32, #tpu.memory_space<vmem>>
    %dma_wait3A_160 = arith.constant 0 : i32
    %dma_wait3A_161 = tpu.memref_slice %arg10[%dma_wait3A_160] : memref<1000000xf32, #tpu.memory_space<vmem_shared>> -> memref<1000000xf32, #tpu.memory_space<vmem_shared>>
    tpu.wait_indirect_dma semaphore(%arg19 : memref<!tpu.dma_semaphore, #tpu.memory_space<semaphore_mem>>) src(%dma_wait3A_161 : memref<1000000xf32, #tpu.memory_space<vmem_shared>>) dst(%dma_wait3A_157 : memref<128xf32, #tpu.memory_space<vmem>>)
    %dma_wait3A_162 = arith.constant 11008 : i32
    %dma_wait3A_163 = tpu.memref_slice %arg14[%dma_wait3A_162] : memref<17920xf32, #tpu.memory_space<vmem>> -> memref<128xf32, #tpu.memory_space<vmem>>
    %dma_wait3A_164 = arith.constant 11008 : i32
    %dma_wait3A_165 = tpu.memref_slice %arg13[%dma_wait3A_164] : memref<17920xi32, #tpu.memory_space<vmem>> -> memref<128xi32, #tpu.memory_space<vmem>>
    %dma_wait3A_166 = arith.constant 0 : i32
    %dma_wait3A_167 = tpu.memref_slice %arg10[%dma_wait3A_166] : memref<1000000xf32, #tpu.memory_space<vmem_shared>> -> memref<1000000xf32, #tpu.memory_space<vmem_shared>>
    tpu.wait_indirect_dma semaphore(%arg19 : memref<!tpu.dma_semaphore, #tpu.memory_space<semaphore_mem>>) src(%dma_wait3A_167 : memref<1000000xf32, #tpu.memory_space<vmem_shared>>) dst(%dma_wait3A_163 : memref<128xf32, #tpu.memory_space<vmem>>)
    %dma_wait3A_168 = arith.constant 11136 : i32
    %dma_wait3A_169 = tpu.memref_slice %arg14[%dma_wait3A_168] : memref<17920xf32, #tpu.memory_space<vmem>> -> memref<128xf32, #tpu.memory_space<vmem>>
    %dma_wait3A_170 = arith.constant 11136 : i32
    %dma_wait3A_171 = tpu.memref_slice %arg13[%dma_wait3A_170] : memref<17920xi32, #tpu.memory_space<vmem>> -> memref<128xi32, #tpu.memory_space<vmem>>
    %dma_wait3A_172 = arith.constant 0 : i32
    %dma_wait3A_173 = tpu.memref_slice %arg10[%dma_wait3A_172] : memref<1000000xf32, #tpu.memory_space<vmem_shared>> -> memref<1000000xf32, #tpu.memory_space<vmem_shared>>
    tpu.wait_indirect_dma semaphore(%arg19 : memref<!tpu.dma_semaphore, #tpu.memory_space<semaphore_mem>>) src(%dma_wait3A_173 : memref<1000000xf32, #tpu.memory_space<vmem_shared>>) dst(%dma_wait3A_169 : memref<128xf32, #tpu.memory_space<vmem>>)
    %dma_wait3A_174 = arith.constant 11264 : i32
    %dma_wait3A_175 = tpu.memref_slice %arg14[%dma_wait3A_174] : memref<17920xf32, #tpu.memory_space<vmem>> -> memref<128xf32, #tpu.memory_space<vmem>>
    %dma_wait3A_176 = arith.constant 11264 : i32
    %dma_wait3A_177 = tpu.memref_slice %arg13[%dma_wait3A_176] : memref<17920xi32, #tpu.memory_space<vmem>> -> memref<128xi32, #tpu.memory_space<vmem>>
    %dma_wait3A_178 = arith.constant 0 : i32
    %dma_wait3A_179 = tpu.memref_slice %arg10[%dma_wait3A_178] : memref<1000000xf32, #tpu.memory_space<vmem_shared>> -> memref<1000000xf32, #tpu.memory_space<vmem_shared>>
    tpu.wait_indirect_dma semaphore(%arg19 : memref<!tpu.dma_semaphore, #tpu.memory_space<semaphore_mem>>) src(%dma_wait3A_179 : memref<1000000xf32, #tpu.memory_space<vmem_shared>>) dst(%dma_wait3A_175 : memref<128xf32, #tpu.memory_space<vmem>>)
    %dma_wait3A_180 = arith.constant 11392 : i32
    %dma_wait3A_181 = tpu.memref_slice %arg14[%dma_wait3A_180] : memref<17920xf32, #tpu.memory_space<vmem>> -> memref<128xf32, #tpu.memory_space<vmem>>
    %dma_wait3A_182 = arith.constant 11392 : i32
    %dma_wait3A_183 = tpu.memref_slice %arg13[%dma_wait3A_182] : memref<17920xi32, #tpu.memory_space<vmem>> -> memref<128xi32, #tpu.memory_space<vmem>>
    %dma_wait3A_184 = arith.constant 0 : i32
    %dma_wait3A_185 = tpu.memref_slice %arg10[%dma_wait3A_184] : memref<1000000xf32, #tpu.memory_space<vmem_shared>> -> memref<1000000xf32, #tpu.memory_space<vmem_shared>>
    tpu.wait_indirect_dma semaphore(%arg19 : memref<!tpu.dma_semaphore, #tpu.memory_space<semaphore_mem>>) src(%dma_wait3A_185 : memref<1000000xf32, #tpu.memory_space<vmem_shared>>) dst(%dma_wait3A_181 : memref<128xf32, #tpu.memory_space<vmem>>)
    %dma_wait3A_186 = arith.constant 11520 : i32
    %dma_wait3A_187 = tpu.memref_slice %arg14[%dma_wait3A_186] : memref<17920xf32, #tpu.memory_space<vmem>> -> memref<128xf32, #tpu.memory_space<vmem>>
    %dma_wait3A_188 = arith.constant 11520 : i32
    %dma_wait3A_189 = tpu.memref_slice %arg13[%dma_wait3A_188] : memref<17920xi32, #tpu.memory_space<vmem>> -> memref<128xi32, #tpu.memory_space<vmem>>
    %dma_wait3A_190 = arith.constant 0 : i32
    %dma_wait3A_191 = tpu.memref_slice %arg10[%dma_wait3A_190] : memref<1000000xf32, #tpu.memory_space<vmem_shared>> -> memref<1000000xf32, #tpu.memory_space<vmem_shared>>
    tpu.wait_indirect_dma semaphore(%arg19 : memref<!tpu.dma_semaphore, #tpu.memory_space<semaphore_mem>>) src(%dma_wait3A_191 : memref<1000000xf32, #tpu.memory_space<vmem_shared>>) dst(%dma_wait3A_187 : memref<128xf32, #tpu.memory_space<vmem>>)
    %dma_wait3A_192 = arith.constant 11648 : i32
    %dma_wait3A_193 = tpu.memref_slice %arg14[%dma_wait3A_192] : memref<17920xf32, #tpu.memory_space<vmem>> -> memref<128xf32, #tpu.memory_space<vmem>>
    %dma_wait3A_194 = arith.constant 11648 : i32
    %dma_wait3A_195 = tpu.memref_slice %arg13[%dma_wait3A_194] : memref<17920xi32, #tpu.memory_space<vmem>> -> memref<128xi32, #tpu.memory_space<vmem>>
    %dma_wait3A_196 = arith.constant 0 : i32
    %dma_wait3A_197 = tpu.memref_slice %arg10[%dma_wait3A_196] : memref<1000000xf32, #tpu.memory_space<vmem_shared>> -> memref<1000000xf32, #tpu.memory_space<vmem_shared>>
    tpu.wait_indirect_dma semaphore(%arg19 : memref<!tpu.dma_semaphore, #tpu.memory_space<semaphore_mem>>) src(%dma_wait3A_197 : memref<1000000xf32, #tpu.memory_space<vmem_shared>>) dst(%dma_wait3A_193 : memref<128xf32, #tpu.memory_space<vmem>>)
    %dma_wait3A_198 = arith.constant 11776 : i32
    %dma_wait3A_199 = tpu.memref_slice %arg14[%dma_wait3A_198] : memref<17920xf32, #tpu.memory_space<vmem>> -> memref<128xf32, #tpu.memory_space<vmem>>
    %dma_wait3A_200 = arith.constant 11776 : i32
    %dma_wait3A_201 = tpu.memref_slice %arg13[%dma_wait3A_200] : memref<17920xi32, #tpu.memory_space<vmem>> -> memref<128xi32, #tpu.memory_space<vmem>>
    %dma_wait3A_202 = arith.constant 0 : i32
    %dma_wait3A_203 = tpu.memref_slice %arg10[%dma_wait3A_202] : memref<1000000xf32, #tpu.memory_space<vmem_shared>> -> memref<1000000xf32, #tpu.memory_space<vmem_shared>>
    tpu.wait_indirect_dma semaphore(%arg19 : memref<!tpu.dma_semaphore, #tpu.memory_space<semaphore_mem>>) src(%dma_wait3A_203 : memref<1000000xf32, #tpu.memory_space<vmem_shared>>) dst(%dma_wait3A_199 : memref<128xf32, #tpu.memory_space<vmem>>)
    %dma_wait3A_204 = arith.constant 11904 : i32
    %dma_wait3A_205 = tpu.memref_slice %arg14[%dma_wait3A_204] : memref<17920xf32, #tpu.memory_space<vmem>> -> memref<128xf32, #tpu.memory_space<vmem>>
    %dma_wait3A_206 = arith.constant 11904 : i32
    %dma_wait3A_207 = tpu.memref_slice %arg13[%dma_wait3A_206] : memref<17920xi32, #tpu.memory_space<vmem>> -> memref<128xi32, #tpu.memory_space<vmem>>
    %dma_wait3A_208 = arith.constant 0 : i32
    %dma_wait3A_209 = tpu.memref_slice %arg10[%dma_wait3A_208] : memref<1000000xf32, #tpu.memory_space<vmem_shared>> -> memref<1000000xf32, #tpu.memory_space<vmem_shared>>
    tpu.wait_indirect_dma semaphore(%arg19 : memref<!tpu.dma_semaphore, #tpu.memory_space<semaphore_mem>>) src(%dma_wait3A_209 : memref<1000000xf32, #tpu.memory_space<vmem_shared>>) dst(%dma_wait3A_205 : memref<128xf32, #tpu.memory_space<vmem>>)
    %dma_wait3A_210 = arith.constant 12032 : i32
    %dma_wait3A_211 = tpu.memref_slice %arg14[%dma_wait3A_210] : memref<17920xf32, #tpu.memory_space<vmem>> -> memref<128xf32, #tpu.memory_space<vmem>>
    %dma_wait3A_212 = arith.constant 12032 : i32
    %dma_wait3A_213 = tpu.memref_slice %arg13[%dma_wait3A_212] : memref<17920xi32, #tpu.memory_space<vmem>> -> memref<128xi32, #tpu.memory_space<vmem>>
    %dma_wait3A_214 = arith.constant 0 : i32
    %dma_wait3A_215 = tpu.memref_slice %arg10[%dma_wait3A_214] : memref<1000000xf32, #tpu.memory_space<vmem_shared>> -> memref<1000000xf32, #tpu.memory_space<vmem_shared>>
    tpu.wait_indirect_dma semaphore(%arg19 : memref<!tpu.dma_semaphore, #tpu.memory_space<semaphore_mem>>) src(%dma_wait3A_215 : memref<1000000xf32, #tpu.memory_space<vmem_shared>>) dst(%dma_wait3A_211 : memref<128xf32, #tpu.memory_space<vmem>>)
    %dma_wait3A_216 = arith.constant 12160 : i32
    %dma_wait3A_217 = tpu.memref_slice %arg14[%dma_wait3A_216] : memref<17920xf32, #tpu.memory_space<vmem>> -> memref<128xf32, #tpu.memory_space<vmem>>
    %dma_wait3A_218 = arith.constant 12160 : i32
    %dma_wait3A_219 = tpu.memref_slice %arg13[%dma_wait3A_218] : memref<17920xi32, #tpu.memory_space<vmem>> -> memref<128xi32, #tpu.memory_space<vmem>>
    %dma_wait3A_220 = arith.constant 0 : i32
    %dma_wait3A_221 = tpu.memref_slice %arg10[%dma_wait3A_220] : memref<1000000xf32, #tpu.memory_space<vmem_shared>> -> memref<1000000xf32, #tpu.memory_space<vmem_shared>>
    tpu.wait_indirect_dma semaphore(%arg19 : memref<!tpu.dma_semaphore, #tpu.memory_space<semaphore_mem>>) src(%dma_wait3A_221 : memref<1000000xf32, #tpu.memory_space<vmem_shared>>) dst(%dma_wait3A_217 : memref<128xf32, #tpu.memory_space<vmem>>)
    %dma_wait3A_222 = arith.constant 12288 : i32
    %dma_wait3A_223 = tpu.memref_slice %arg14[%dma_wait3A_222] : memref<17920xf32, #tpu.memory_space<vmem>> -> memref<128xf32, #tpu.memory_space<vmem>>
    %dma_wait3A_224 = arith.constant 12288 : i32
    %dma_wait3A_225 = tpu.memref_slice %arg13[%dma_wait3A_224] : memref<17920xi32, #tpu.memory_space<vmem>> -> memref<128xi32, #tpu.memory_space<vmem>>
    %dma_wait3A_226 = arith.constant 0 : i32
    %dma_wait3A_227 = tpu.memref_slice %arg10[%dma_wait3A_226] : memref<1000000xf32, #tpu.memory_space<vmem_shared>> -> memref<1000000xf32, #tpu.memory_space<vmem_shared>>
    tpu.wait_indirect_dma semaphore(%arg19 : memref<!tpu.dma_semaphore, #tpu.memory_space<semaphore_mem>>) src(%dma_wait3A_227 : memref<1000000xf32, #tpu.memory_space<vmem_shared>>) dst(%dma_wait3A_223 : memref<128xf32, #tpu.memory_space<vmem>>)
    %dma_wait3A_228 = arith.constant 12416 : i32
    %dma_wait3A_229 = tpu.memref_slice %arg14[%dma_wait3A_228] : memref<17920xf32, #tpu.memory_space<vmem>> -> memref<128xf32, #tpu.memory_space<vmem>>
    %dma_wait3A_230 = arith.constant 12416 : i32
    %dma_wait3A_231 = tpu.memref_slice %arg13[%dma_wait3A_230] : memref<17920xi32, #tpu.memory_space<vmem>> -> memref<128xi32, #tpu.memory_space<vmem>>
    %dma_wait3A_232 = arith.constant 0 : i32
    %dma_wait3A_233 = tpu.memref_slice %arg10[%dma_wait3A_232] : memref<1000000xf32, #tpu.memory_space<vmem_shared>> -> memref<1000000xf32, #tpu.memory_space<vmem_shared>>
    tpu.wait_indirect_dma semaphore(%arg19 : memref<!tpu.dma_semaphore, #tpu.memory_space<semaphore_mem>>) src(%dma_wait3A_233 : memref<1000000xf32, #tpu.memory_space<vmem_shared>>) dst(%dma_wait3A_229 : memref<128xf32, #tpu.memory_space<vmem>>)
    %dma_wait3A_234 = arith.constant 12544 : i32
    %dma_wait3A_235 = tpu.memref_slice %arg14[%dma_wait3A_234] : memref<17920xf32, #tpu.memory_space<vmem>> -> memref<128xf32, #tpu.memory_space<vmem>>
    %dma_wait3A_236 = arith.constant 12544 : i32
    %dma_wait3A_237 = tpu.memref_slice %arg13[%dma_wait3A_236] : memref<17920xi32, #tpu.memory_space<vmem>> -> memref<128xi32, #tpu.memory_space<vmem>>
    %dma_wait3A_238 = arith.constant 0 : i32
    %dma_wait3A_239 = tpu.memref_slice %arg10[%dma_wait3A_238] : memref<1000000xf32, #tpu.memory_space<vmem_shared>> -> memref<1000000xf32, #tpu.memory_space<vmem_shared>>
    tpu.wait_indirect_dma semaphore(%arg19 : memref<!tpu.dma_semaphore, #tpu.memory_space<semaphore_mem>>) src(%dma_wait3A_239 : memref<1000000xf32, #tpu.memory_space<vmem_shared>>) dst(%dma_wait3A_235 : memref<128xf32, #tpu.memory_space<vmem>>)
    %dma_wait3A_240 = arith.constant 12672 : i32
    %dma_wait3A_241 = tpu.memref_slice %arg14[%dma_wait3A_240] : memref<17920xf32, #tpu.memory_space<vmem>> -> memref<128xf32, #tpu.memory_space<vmem>>
    %dma_wait3A_242 = arith.constant 12672 : i32
    %dma_wait3A_243 = tpu.memref_slice %arg13[%dma_wait3A_242] : memref<17920xi32, #tpu.memory_space<vmem>> -> memref<128xi32, #tpu.memory_space<vmem>>
    %dma_wait3A_244 = arith.constant 0 : i32
    %dma_wait3A_245 = tpu.memref_slice %arg10[%dma_wait3A_244] : memref<1000000xf32, #tpu.memory_space<vmem_shared>> -> memref<1000000xf32, #tpu.memory_space<vmem_shared>>
    tpu.wait_indirect_dma semaphore(%arg19 : memref<!tpu.dma_semaphore, #tpu.memory_space<semaphore_mem>>) src(%dma_wait3A_245 : memref<1000000xf32, #tpu.memory_space<vmem_shared>>) dst(%dma_wait3A_241 : memref<128xf32, #tpu.memory_space<vmem>>)
    %dma_wait3A_246 = arith.constant 12800 : i32
    %dma_wait3A_247 = tpu.memref_slice %arg14[%dma_wait3A_246] : memref<17920xf32, #tpu.memory_space<vmem>> -> memref<128xf32, #tpu.memory_space<vmem>>
    %dma_wait3A_248 = arith.constant 12800 : i32
    %dma_wait3A_249 = tpu.memref_slice %arg13[%dma_wait3A_248] : memref<17920xi32, #tpu.memory_space<vmem>> -> memref<128xi32, #tpu.memory_space<vmem>>
    %dma_wait3A_250 = arith.constant 0 : i32
    %dma_wait3A_251 = tpu.memref_slice %arg10[%dma_wait3A_250] : memref<1000000xf32, #tpu.memory_space<vmem_shared>> -> memref<1000000xf32, #tpu.memory_space<vmem_shared>>
    tpu.wait_indirect_dma semaphore(%arg19 : memref<!tpu.dma_semaphore, #tpu.memory_space<semaphore_mem>>) src(%dma_wait3A_251 : memref<1000000xf32, #tpu.memory_space<vmem_shared>>) dst(%dma_wait3A_247 : memref<128xf32, #tpu.memory_space<vmem>>)
    %dma_wait3A_252 = arith.constant 12928 : i32
    %dma_wait3A_253 = tpu.memref_slice %arg14[%dma_wait3A_252] : memref<17920xf32, #tpu.memory_space<vmem>> -> memref<128xf32, #tpu.memory_space<vmem>>
    %dma_wait3A_254 = arith.constant 12928 : i32
    %dma_wait3A_255 = tpu.memref_slice %arg13[%dma_wait3A_254] : memref<17920xi32, #tpu.memory_space<vmem>> -> memref<128xi32, #tpu.memory_space<vmem>>
    %dma_wait3A_256 = arith.constant 0 : i32
    %dma_wait3A_257 = tpu.memref_slice %arg10[%dma_wait3A_256] : memref<1000000xf32, #tpu.memory_space<vmem_shared>> -> memref<1000000xf32, #tpu.memory_space<vmem_shared>>
    tpu.wait_indirect_dma semaphore(%arg19 : memref<!tpu.dma_semaphore, #tpu.memory_space<semaphore_mem>>) src(%dma_wait3A_257 : memref<1000000xf32, #tpu.memory_space<vmem_shared>>) dst(%dma_wait3A_253 : memref<128xf32, #tpu.memory_space<vmem>>)
    %dma_wait3A_258 = arith.constant 13056 : i32
    %dma_wait3A_259 = tpu.memref_slice %arg14[%dma_wait3A_258] : memref<17920xf32, #tpu.memory_space<vmem>> -> memref<128xf32, #tpu.memory_space<vmem>>
    %dma_wait3A_260 = arith.constant 13056 : i32
    %dma_wait3A_261 = tpu.memref_slice %arg13[%dma_wait3A_260] : memref<17920xi32, #tpu.memory_space<vmem>> -> memref<128xi32, #tpu.memory_space<vmem>>
    %dma_wait3A_262 = arith.constant 0 : i32
    %dma_wait3A_263 = tpu.memref_slice %arg10[%dma_wait3A_262] : memref<1000000xf32, #tpu.memory_space<vmem_shared>> -> memref<1000000xf32, #tpu.memory_space<vmem_shared>>
    tpu.wait_indirect_dma semaphore(%arg19 : memref<!tpu.dma_semaphore, #tpu.memory_space<semaphore_mem>>) src(%dma_wait3A_263 : memref<1000000xf32, #tpu.memory_space<vmem_shared>>) dst(%dma_wait3A_259 : memref<128xf32, #tpu.memory_space<vmem>>)
    %dma_wait3A_264 = arith.constant 13184 : i32
    %dma_wait3A_265 = tpu.memref_slice %arg14[%dma_wait3A_264] : memref<17920xf32, #tpu.memory_space<vmem>> -> memref<128xf32, #tpu.memory_space<vmem>>
    %dma_wait3A_266 = arith.constant 13184 : i32
    %dma_wait3A_267 = tpu.memref_slice %arg13[%dma_wait3A_266] : memref<17920xi32, #tpu.memory_space<vmem>> -> memref<128xi32, #tpu.memory_space<vmem>>
    %dma_wait3A_268 = arith.constant 0 : i32
    %dma_wait3A_269 = tpu.memref_slice %arg10[%dma_wait3A_268] : memref<1000000xf32, #tpu.memory_space<vmem_shared>> -> memref<1000000xf32, #tpu.memory_space<vmem_shared>>
    tpu.wait_indirect_dma semaphore(%arg19 : memref<!tpu.dma_semaphore, #tpu.memory_space<semaphore_mem>>) src(%dma_wait3A_269 : memref<1000000xf32, #tpu.memory_space<vmem_shared>>) dst(%dma_wait3A_265 : memref<128xf32, #tpu.memory_space<vmem>>)
    %dma_wait3A_270 = arith.constant 13312 : i32
    %dma_wait3A_271 = tpu.memref_slice %arg14[%dma_wait3A_270] : memref<17920xf32, #tpu.memory_space<vmem>> -> memref<128xf32, #tpu.memory_space<vmem>>
    %dma_wait3A_272 = arith.constant 13312 : i32
    %dma_wait3A_273 = tpu.memref_slice %arg13[%dma_wait3A_272] : memref<17920xi32, #tpu.memory_space<vmem>> -> memref<128xi32, #tpu.memory_space<vmem>>
    %dma_wait3A_274 = arith.constant 0 : i32
    %dma_wait3A_275 = tpu.memref_slice %arg10[%dma_wait3A_274] : memref<1000000xf32, #tpu.memory_space<vmem_shared>> -> memref<1000000xf32, #tpu.memory_space<vmem_shared>>
    tpu.wait_indirect_dma semaphore(%arg19 : memref<!tpu.dma_semaphore, #tpu.memory_space<semaphore_mem>>) src(%dma_wait3A_275 : memref<1000000xf32, #tpu.memory_space<vmem_shared>>) dst(%dma_wait3A_271 : memref<128xf32, #tpu.memory_space<vmem>>)
    %dma_wait3A_276 = arith.constant 13440 : i32
    %dma_wait3A_277 = tpu.memref_slice %arg14[%dma_wait3A_276] : memref<17920xf32, #tpu.memory_space<vmem>> -> memref<128xf32, #tpu.memory_space<vmem>>
    %dma_wait3A_278 = arith.constant 13440 : i32
    %dma_wait3A_279 = tpu.memref_slice %arg13[%dma_wait3A_278] : memref<17920xi32, #tpu.memory_space<vmem>> -> memref<128xi32, #tpu.memory_space<vmem>>
    %dma_wait3A_280 = arith.constant 0 : i32
    %dma_wait3A_281 = tpu.memref_slice %arg10[%dma_wait3A_280] : memref<1000000xf32, #tpu.memory_space<vmem_shared>> -> memref<1000000xf32, #tpu.memory_space<vmem_shared>>
    tpu.wait_indirect_dma semaphore(%arg19 : memref<!tpu.dma_semaphore, #tpu.memory_space<semaphore_mem>>) src(%dma_wait3A_281 : memref<1000000xf32, #tpu.memory_space<vmem_shared>>) dst(%dma_wait3A_277 : memref<128xf32, #tpu.memory_space<vmem>>)
    %dma_wait3A_282 = arith.constant 13568 : i32
    %dma_wait3A_283 = tpu.memref_slice %arg14[%dma_wait3A_282] : memref<17920xf32, #tpu.memory_space<vmem>> -> memref<128xf32, #tpu.memory_space<vmem>>
    %dma_wait3A_284 = arith.constant 13568 : i32
    %dma_wait3A_285 = tpu.memref_slice %arg13[%dma_wait3A_284] : memref<17920xi32, #tpu.memory_space<vmem>> -> memref<128xi32, #tpu.memory_space<vmem>>
    %dma_wait3A_286 = arith.constant 0 : i32
    %dma_wait3A_287 = tpu.memref_slice %arg10[%dma_wait3A_286] : memref<1000000xf32, #tpu.memory_space<vmem_shared>> -> memref<1000000xf32, #tpu.memory_space<vmem_shared>>
    tpu.wait_indirect_dma semaphore(%arg19 : memref<!tpu.dma_semaphore, #tpu.memory_space<semaphore_mem>>) src(%dma_wait3A_287 : memref<1000000xf32, #tpu.memory_space<vmem_shared>>) dst(%dma_wait3A_283 : memref<128xf32, #tpu.memory_space<vmem>>)
    %dma_wait3A_288 = arith.constant 13696 : i32
    %dma_wait3A_289 = tpu.memref_slice %arg14[%dma_wait3A_288] : memref<17920xf32, #tpu.memory_space<vmem>> -> memref<128xf32, #tpu.memory_space<vmem>>
    %dma_wait3A_290 = arith.constant 13696 : i32
    %dma_wait3A_291 = tpu.memref_slice %arg13[%dma_wait3A_290] : memref<17920xi32, #tpu.memory_space<vmem>> -> memref<128xi32, #tpu.memory_space<vmem>>
    %dma_wait3A_292 = arith.constant 0 : i32
    %dma_wait3A_293 = tpu.memref_slice %arg10[%dma_wait3A_292] : memref<1000000xf32, #tpu.memory_space<vmem_shared>> -> memref<1000000xf32, #tpu.memory_space<vmem_shared>>
    tpu.wait_indirect_dma semaphore(%arg19 : memref<!tpu.dma_semaphore, #tpu.memory_space<semaphore_mem>>) src(%dma_wait3A_293 : memref<1000000xf32, #tpu.memory_space<vmem_shared>>) dst(%dma_wait3A_289 : memref<128xf32, #tpu.memory_space<vmem>>)
    %dma_wait3A_294 = arith.constant 13824 : i32
    %dma_wait3A_295 = tpu.memref_slice %arg14[%dma_wait3A_294] : memref<17920xf32, #tpu.memory_space<vmem>> -> memref<128xf32, #tpu.memory_space<vmem>>
    %dma_wait3A_296 = arith.constant 13824 : i32
    %dma_wait3A_297 = tpu.memref_slice %arg13[%dma_wait3A_296] : memref<17920xi32, #tpu.memory_space<vmem>> -> memref<128xi32, #tpu.memory_space<vmem>>
    %dma_wait3A_298 = arith.constant 0 : i32
    %dma_wait3A_299 = tpu.memref_slice %arg10[%dma_wait3A_298] : memref<1000000xf32, #tpu.memory_space<vmem_shared>> -> memref<1000000xf32, #tpu.memory_space<vmem_shared>>
    tpu.wait_indirect_dma semaphore(%arg19 : memref<!tpu.dma_semaphore, #tpu.memory_space<semaphore_mem>>) src(%dma_wait3A_299 : memref<1000000xf32, #tpu.memory_space<vmem_shared>>) dst(%dma_wait3A_295 : memref<128xf32, #tpu.memory_space<vmem>>)
    %dma_wait3A_300 = arith.constant 13952 : i32
    %dma_wait3A_301 = tpu.memref_slice %arg14[%dma_wait3A_300] : memref<17920xf32, #tpu.memory_space<vmem>> -> memref<128xf32, #tpu.memory_space<vmem>>
    %dma_wait3A_302 = arith.constant 13952 : i32
    %dma_wait3A_303 = tpu.memref_slice %arg13[%dma_wait3A_302] : memref<17920xi32, #tpu.memory_space<vmem>> -> memref<128xi32, #tpu.memory_space<vmem>>
    %dma_wait3A_304 = arith.constant 0 : i32
    %dma_wait3A_305 = tpu.memref_slice %arg10[%dma_wait3A_304] : memref<1000000xf32, #tpu.memory_space<vmem_shared>> -> memref<1000000xf32, #tpu.memory_space<vmem_shared>>
    tpu.wait_indirect_dma semaphore(%arg19 : memref<!tpu.dma_semaphore, #tpu.memory_space<semaphore_mem>>) src(%dma_wait3A_305 : memref<1000000xf32, #tpu.memory_space<vmem_shared>>) dst(%dma_wait3A_301 : memref<128xf32, #tpu.memory_space<vmem>>)
    %dma_wait3A_306 = arith.constant 14080 : i32
    %dma_wait3A_307 = tpu.memref_slice %arg14[%dma_wait3A_306] : memref<17920xf32, #tpu.memory_space<vmem>> -> memref<128xf32, #tpu.memory_space<vmem>>
    %dma_wait3A_308 = arith.constant 14080 : i32
    %dma_wait3A_309 = tpu.memref_slice %arg13[%dma_wait3A_308] : memref<17920xi32, #tpu.memory_space<vmem>> -> memref<128xi32, #tpu.memory_space<vmem>>
    %dma_wait3A_310 = arith.constant 0 : i32
    %dma_wait3A_311 = tpu.memref_slice %arg10[%dma_wait3A_310] : memref<1000000xf32, #tpu.memory_space<vmem_shared>> -> memref<1000000xf32, #tpu.memory_space<vmem_shared>>
    tpu.wait_indirect_dma semaphore(%arg19 : memref<!tpu.dma_semaphore, #tpu.memory_space<semaphore_mem>>) src(%dma_wait3A_311 : memref<1000000xf32, #tpu.memory_space<vmem_shared>>) dst(%dma_wait3A_307 : memref<128xf32, #tpu.memory_space<vmem>>)
    %dma_wait3A_312 = arith.constant 14208 : i32
    %dma_wait3A_313 = tpu.memref_slice %arg14[%dma_wait3A_312] : memref<17920xf32, #tpu.memory_space<vmem>> -> memref<128xf32, #tpu.memory_space<vmem>>
    %dma_wait3A_314 = arith.constant 14208 : i32
    %dma_wait3A_315 = tpu.memref_slice %arg13[%dma_wait3A_314] : memref<17920xi32, #tpu.memory_space<vmem>> -> memref<128xi32, #tpu.memory_space<vmem>>
    %dma_wait3A_316 = arith.constant 0 : i32
    %dma_wait3A_317 = tpu.memref_slice %arg10[%dma_wait3A_316] : memref<1000000xf32, #tpu.memory_space<vmem_shared>> -> memref<1000000xf32, #tpu.memory_space<vmem_shared>>
    tpu.wait_indirect_dma semaphore(%arg19 : memref<!tpu.dma_semaphore, #tpu.memory_space<semaphore_mem>>) src(%dma_wait3A_317 : memref<1000000xf32, #tpu.memory_space<vmem_shared>>) dst(%dma_wait3A_313 : memref<128xf32, #tpu.memory_space<vmem>>)
    %dma_wait3A_318 = arith.constant 14336 : i32
    %dma_wait3A_319 = tpu.memref_slice %arg14[%dma_wait3A_318] : memref<17920xf32, #tpu.memory_space<vmem>> -> memref<128xf32, #tpu.memory_space<vmem>>
    %dma_wait3A_320 = arith.constant 14336 : i32
    %dma_wait3A_321 = tpu.memref_slice %arg13[%dma_wait3A_320] : memref<17920xi32, #tpu.memory_space<vmem>> -> memref<128xi32, #tpu.memory_space<vmem>>
    %dma_wait3A_322 = arith.constant 0 : i32
    %dma_wait3A_323 = tpu.memref_slice %arg10[%dma_wait3A_322] : memref<1000000xf32, #tpu.memory_space<vmem_shared>> -> memref<1000000xf32, #tpu.memory_space<vmem_shared>>
    tpu.wait_indirect_dma semaphore(%arg19 : memref<!tpu.dma_semaphore, #tpu.memory_space<semaphore_mem>>) src(%dma_wait3A_323 : memref<1000000xf32, #tpu.memory_space<vmem_shared>>) dst(%dma_wait3A_319 : memref<128xf32, #tpu.memory_space<vmem>>)
    %dma_wait3A_324 = arith.constant 14464 : i32
    %dma_wait3A_325 = tpu.memref_slice %arg14[%dma_wait3A_324] : memref<17920xf32, #tpu.memory_space<vmem>> -> memref<128xf32, #tpu.memory_space<vmem>>
    %dma_wait3A_326 = arith.constant 14464 : i32
    %dma_wait3A_327 = tpu.memref_slice %arg13[%dma_wait3A_326] : memref<17920xi32, #tpu.memory_space<vmem>> -> memref<128xi32, #tpu.memory_space<vmem>>
    %dma_wait3A_328 = arith.constant 0 : i32
    %dma_wait3A_329 = tpu.memref_slice %arg10[%dma_wait3A_328] : memref<1000000xf32, #tpu.memory_space<vmem_shared>> -> memref<1000000xf32, #tpu.memory_space<vmem_shared>>
    tpu.wait_indirect_dma semaphore(%arg19 : memref<!tpu.dma_semaphore, #tpu.memory_space<semaphore_mem>>) src(%dma_wait3A_329 : memref<1000000xf32, #tpu.memory_space<vmem_shared>>) dst(%dma_wait3A_325 : memref<128xf32, #tpu.memory_space<vmem>>)
    %dma_wait3A_330 = arith.constant 14592 : i32
    %dma_wait3A_331 = tpu.memref_slice %arg14[%dma_wait3A_330] : memref<17920xf32, #tpu.memory_space<vmem>> -> memref<128xf32, #tpu.memory_space<vmem>>
    %dma_wait3A_332 = arith.constant 14592 : i32
    %dma_wait3A_333 = tpu.memref_slice %arg13[%dma_wait3A_332] : memref<17920xi32, #tpu.memory_space<vmem>> -> memref<128xi32, #tpu.memory_space<vmem>>
    %dma_wait3A_334 = arith.constant 0 : i32
    %dma_wait3A_335 = tpu.memref_slice %arg10[%dma_wait3A_334] : memref<1000000xf32, #tpu.memory_space<vmem_shared>> -> memref<1000000xf32, #tpu.memory_space<vmem_shared>>
    tpu.wait_indirect_dma semaphore(%arg19 : memref<!tpu.dma_semaphore, #tpu.memory_space<semaphore_mem>>) src(%dma_wait3A_335 : memref<1000000xf32, #tpu.memory_space<vmem_shared>>) dst(%dma_wait3A_331 : memref<128xf32, #tpu.memory_space<vmem>>)
    %dma_wait3A_336 = arith.constant 14720 : i32
    %dma_wait3A_337 = tpu.memref_slice %arg14[%dma_wait3A_336] : memref<17920xf32, #tpu.memory_space<vmem>> -> memref<128xf32, #tpu.memory_space<vmem>>
    %dma_wait3A_338 = arith.constant 14720 : i32
    %dma_wait3A_339 = tpu.memref_slice %arg13[%dma_wait3A_338] : memref<17920xi32, #tpu.memory_space<vmem>> -> memref<128xi32, #tpu.memory_space<vmem>>
    %dma_wait3A_340 = arith.constant 0 : i32
    %dma_wait3A_341 = tpu.memref_slice %arg10[%dma_wait3A_340] : memref<1000000xf32, #tpu.memory_space<vmem_shared>> -> memref<1000000xf32, #tpu.memory_space<vmem_shared>>
    tpu.wait_indirect_dma semaphore(%arg19 : memref<!tpu.dma_semaphore, #tpu.memory_space<semaphore_mem>>) src(%dma_wait3A_341 : memref<1000000xf32, #tpu.memory_space<vmem_shared>>) dst(%dma_wait3A_337 : memref<128xf32, #tpu.memory_space<vmem>>)
    %dma_wait3A_342 = arith.constant 14848 : i32
    %dma_wait3A_343 = tpu.memref_slice %arg14[%dma_wait3A_342] : memref<17920xf32, #tpu.memory_space<vmem>> -> memref<128xf32, #tpu.memory_space<vmem>>
    %dma_wait3A_344 = arith.constant 14848 : i32
    %dma_wait3A_345 = tpu.memref_slice %arg13[%dma_wait3A_344] : memref<17920xi32, #tpu.memory_space<vmem>> -> memref<128xi32, #tpu.memory_space<vmem>>
    %dma_wait3A_346 = arith.constant 0 : i32
    %dma_wait3A_347 = tpu.memref_slice %arg10[%dma_wait3A_346] : memref<1000000xf32, #tpu.memory_space<vmem_shared>> -> memref<1000000xf32, #tpu.memory_space<vmem_shared>>
    tpu.wait_indirect_dma semaphore(%arg19 : memref<!tpu.dma_semaphore, #tpu.memory_space<semaphore_mem>>) src(%dma_wait3A_347 : memref<1000000xf32, #tpu.memory_space<vmem_shared>>) dst(%dma_wait3A_343 : memref<128xf32, #tpu.memory_space<vmem>>)
    %dma_wait3A_348 = arith.constant 14976 : i32
    %dma_wait3A_349 = tpu.memref_slice %arg14[%dma_wait3A_348] : memref<17920xf32, #tpu.memory_space<vmem>> -> memref<128xf32, #tpu.memory_space<vmem>>
    %dma_wait3A_350 = arith.constant 14976 : i32
    %dma_wait3A_351 = tpu.memref_slice %arg13[%dma_wait3A_350] : memref<17920xi32, #tpu.memory_space<vmem>> -> memref<128xi32, #tpu.memory_space<vmem>>
    %dma_wait3A_352 = arith.constant 0 : i32
    %dma_wait3A_353 = tpu.memref_slice %arg10[%dma_wait3A_352] : memref<1000000xf32, #tpu.memory_space<vmem_shared>> -> memref<1000000xf32, #tpu.memory_space<vmem_shared>>
    tpu.wait_indirect_dma semaphore(%arg19 : memref<!tpu.dma_semaphore, #tpu.memory_space<semaphore_mem>>) src(%dma_wait3A_353 : memref<1000000xf32, #tpu.memory_space<vmem_shared>>) dst(%dma_wait3A_349 : memref<128xf32, #tpu.memory_space<vmem>>)
    %dma_wait3A_354 = arith.constant 15104 : i32
    %dma_wait3A_355 = tpu.memref_slice %arg14[%dma_wait3A_354] : memref<17920xf32, #tpu.memory_space<vmem>> -> memref<128xf32, #tpu.memory_space<vmem>>
    %dma_wait3A_356 = arith.constant 15104 : i32
    %dma_wait3A_357 = tpu.memref_slice %arg13[%dma_wait3A_356] : memref<17920xi32, #tpu.memory_space<vmem>> -> memref<128xi32, #tpu.memory_space<vmem>>
    %dma_wait3A_358 = arith.constant 0 : i32
    %dma_wait3A_359 = tpu.memref_slice %arg10[%dma_wait3A_358] : memref<1000000xf32, #tpu.memory_space<vmem_shared>> -> memref<1000000xf32, #tpu.memory_space<vmem_shared>>
    tpu.wait_indirect_dma semaphore(%arg19 : memref<!tpu.dma_semaphore, #tpu.memory_space<semaphore_mem>>) src(%dma_wait3A_359 : memref<1000000xf32, #tpu.memory_space<vmem_shared>>) dst(%dma_wait3A_355 : memref<128xf32, #tpu.memory_space<vmem>>)
    %dma_wait3A_360 = arith.constant 15232 : i32
    %dma_wait3A_361 = tpu.memref_slice %arg14[%dma_wait3A_360] : memref<17920xf32, #tpu.memory_space<vmem>> -> memref<128xf32, #tpu.memory_space<vmem>>
    %dma_wait3A_362 = arith.constant 15232 : i32
    %dma_wait3A_363 = tpu.memref_slice %arg13[%dma_wait3A_362] : memref<17920xi32, #tpu.memory_space<vmem>> -> memref<128xi32, #tpu.memory_space<vmem>>
    %dma_wait3A_364 = arith.constant 0 : i32
    %dma_wait3A_365 = tpu.memref_slice %arg10[%dma_wait3A_364] : memref<1000000xf32, #tpu.memory_space<vmem_shared>> -> memref<1000000xf32, #tpu.memory_space<vmem_shared>>
    tpu.wait_indirect_dma semaphore(%arg19 : memref<!tpu.dma_semaphore, #tpu.memory_space<semaphore_mem>>) src(%dma_wait3A_365 : memref<1000000xf32, #tpu.memory_space<vmem_shared>>) dst(%dma_wait3A_361 : memref<128xf32, #tpu.memory_space<vmem>>)
    %dma_wait3A_366 = arith.constant 15360 : i32
    %dma_wait3A_367 = tpu.memref_slice %arg14[%dma_wait3A_366] : memref<17920xf32, #tpu.memory_space<vmem>> -> memref<128xf32, #tpu.memory_space<vmem>>
    %dma_wait3A_368 = arith.constant 15360 : i32
    %dma_wait3A_369 = tpu.memref_slice %arg13[%dma_wait3A_368] : memref<17920xi32, #tpu.memory_space<vmem>> -> memref<128xi32, #tpu.memory_space<vmem>>
    %dma_wait3A_370 = arith.constant 0 : i32
    %dma_wait3A_371 = tpu.memref_slice %arg10[%dma_wait3A_370] : memref<1000000xf32, #tpu.memory_space<vmem_shared>> -> memref<1000000xf32, #tpu.memory_space<vmem_shared>>
    tpu.wait_indirect_dma semaphore(%arg19 : memref<!tpu.dma_semaphore, #tpu.memory_space<semaphore_mem>>) src(%dma_wait3A_371 : memref<1000000xf32, #tpu.memory_space<vmem_shared>>) dst(%dma_wait3A_367 : memref<128xf32, #tpu.memory_space<vmem>>)
    %dma_wait3A_372 = arith.constant 15488 : i32
    %dma_wait3A_373 = tpu.memref_slice %arg14[%dma_wait3A_372] : memref<17920xf32, #tpu.memory_space<vmem>> -> memref<128xf32, #tpu.memory_space<vmem>>
    %dma_wait3A_374 = arith.constant 15488 : i32
    %dma_wait3A_375 = tpu.memref_slice %arg13[%dma_wait3A_374] : memref<17920xi32, #tpu.memory_space<vmem>> -> memref<128xi32, #tpu.memory_space<vmem>>
    %dma_wait3A_376 = arith.constant 0 : i32
    %dma_wait3A_377 = tpu.memref_slice %arg10[%dma_wait3A_376] : memref<1000000xf32, #tpu.memory_space<vmem_shared>> -> memref<1000000xf32, #tpu.memory_space<vmem_shared>>
    tpu.wait_indirect_dma semaphore(%arg19 : memref<!tpu.dma_semaphore, #tpu.memory_space<semaphore_mem>>) src(%dma_wait3A_377 : memref<1000000xf32, #tpu.memory_space<vmem_shared>>) dst(%dma_wait3A_373 : memref<128xf32, #tpu.memory_space<vmem>>)
    %dma_wait3A_378 = arith.constant 15616 : i32
    %dma_wait3A_379 = tpu.memref_slice %arg14[%dma_wait3A_378] : memref<17920xf32, #tpu.memory_space<vmem>> -> memref<128xf32, #tpu.memory_space<vmem>>
    %dma_wait3A_380 = arith.constant 15616 : i32
    %dma_wait3A_381 = tpu.memref_slice %arg13[%dma_wait3A_380] : memref<17920xi32, #tpu.memory_space<vmem>> -> memref<128xi32, #tpu.memory_space<vmem>>
    %dma_wait3A_382 = arith.constant 0 : i32
    %dma_wait3A_383 = tpu.memref_slice %arg10[%dma_wait3A_382] : memref<1000000xf32, #tpu.memory_space<vmem_shared>> -> memref<1000000xf32, #tpu.memory_space<vmem_shared>>
    tpu.wait_indirect_dma semaphore(%arg19 : memref<!tpu.dma_semaphore, #tpu.memory_space<semaphore_mem>>) src(%dma_wait3A_383 : memref<1000000xf32, #tpu.memory_space<vmem_shared>>) dst(%dma_wait3A_379 : memref<128xf32, #tpu.memory_space<vmem>>)
    %dma_wait3A_384 = arith.constant 15744 : i32
    %dma_wait3A_385 = tpu.memref_slice %arg14[%dma_wait3A_384] : memref<17920xf32, #tpu.memory_space<vmem>> -> memref<128xf32, #tpu.memory_space<vmem>>
    %dma_wait3A_386 = arith.constant 15744 : i32
    %dma_wait3A_387 = tpu.memref_slice %arg13[%dma_wait3A_386] : memref<17920xi32, #tpu.memory_space<vmem>> -> memref<128xi32, #tpu.memory_space<vmem>>
    %dma_wait3A_388 = arith.constant 0 : i32
    %dma_wait3A_389 = tpu.memref_slice %arg10[%dma_wait3A_388] : memref<1000000xf32, #tpu.memory_space<vmem_shared>> -> memref<1000000xf32, #tpu.memory_space<vmem_shared>>
    tpu.wait_indirect_dma semaphore(%arg19 : memref<!tpu.dma_semaphore, #tpu.memory_space<semaphore_mem>>) src(%dma_wait3A_389 : memref<1000000xf32, #tpu.memory_space<vmem_shared>>) dst(%dma_wait3A_385 : memref<128xf32, #tpu.memory_space<vmem>>)
    %dma_wait3A_390 = arith.constant 15872 : i32
    %dma_wait3A_391 = tpu.memref_slice %arg14[%dma_wait3A_390] : memref<17920xf32, #tpu.memory_space<vmem>> -> memref<128xf32, #tpu.memory_space<vmem>>
    %dma_wait3A_392 = arith.constant 15872 : i32
    %dma_wait3A_393 = tpu.memref_slice %arg13[%dma_wait3A_392] : memref<17920xi32, #tpu.memory_space<vmem>> -> memref<128xi32, #tpu.memory_space<vmem>>
    %dma_wait3A_394 = arith.constant 0 : i32
    %dma_wait3A_395 = tpu.memref_slice %arg10[%dma_wait3A_394] : memref<1000000xf32, #tpu.memory_space<vmem_shared>> -> memref<1000000xf32, #tpu.memory_space<vmem_shared>>
    tpu.wait_indirect_dma semaphore(%arg19 : memref<!tpu.dma_semaphore, #tpu.memory_space<semaphore_mem>>) src(%dma_wait3A_395 : memref<1000000xf32, #tpu.memory_space<vmem_shared>>) dst(%dma_wait3A_391 : memref<128xf32, #tpu.memory_space<vmem>>)
    %dma_wait3A_396 = arith.constant 16000 : i32
    %dma_wait3A_397 = tpu.memref_slice %arg14[%dma_wait3A_396] : memref<17920xf32, #tpu.memory_space<vmem>> -> memref<128xf32, #tpu.memory_space<vmem>>
    %dma_wait3A_398 = arith.constant 16000 : i32
    %dma_wait3A_399 = tpu.memref_slice %arg13[%dma_wait3A_398] : memref<17920xi32, #tpu.memory_space<vmem>> -> memref<128xi32, #tpu.memory_space<vmem>>
    %dma_wait3A_400 = arith.constant 0 : i32
    %dma_wait3A_401 = tpu.memref_slice %arg10[%dma_wait3A_400] : memref<1000000xf32, #tpu.memory_space<vmem_shared>> -> memref<1000000xf32, #tpu.memory_space<vmem_shared>>
    tpu.wait_indirect_dma semaphore(%arg19 : memref<!tpu.dma_semaphore, #tpu.memory_space<semaphore_mem>>) src(%dma_wait3A_401 : memref<1000000xf32, #tpu.memory_space<vmem_shared>>) dst(%dma_wait3A_397 : memref<128xf32, #tpu.memory_space<vmem>>)
    %dma_wait3A_402 = arith.constant 16128 : i32
    %dma_wait3A_403 = tpu.memref_slice %arg14[%dma_wait3A_402] : memref<17920xf32, #tpu.memory_space<vmem>> -> memref<128xf32, #tpu.memory_space<vmem>>
    %dma_wait3A_404 = arith.constant 16128 : i32
    %dma_wait3A_405 = tpu.memref_slice %arg13[%dma_wait3A_404] : memref<17920xi32, #tpu.memory_space<vmem>> -> memref<128xi32, #tpu.memory_space<vmem>>
    %dma_wait3A_406 = arith.constant 0 : i32
    %dma_wait3A_407 = tpu.memref_slice %arg10[%dma_wait3A_406] : memref<1000000xf32, #tpu.memory_space<vmem_shared>> -> memref<1000000xf32, #tpu.memory_space<vmem_shared>>
    tpu.wait_indirect_dma semaphore(%arg19 : memref<!tpu.dma_semaphore, #tpu.memory_space<semaphore_mem>>) src(%dma_wait3A_407 : memref<1000000xf32, #tpu.memory_space<vmem_shared>>) dst(%dma_wait3A_403 : memref<128xf32, #tpu.memory_space<vmem>>)
    %dma_wait3A_408 = arith.constant 16256 : i32
    %dma_wait3A_409 = tpu.memref_slice %arg14[%dma_wait3A_408] : memref<17920xf32, #tpu.memory_space<vmem>> -> memref<128xf32, #tpu.memory_space<vmem>>
    %dma_wait3A_410 = arith.constant 16256 : i32
    %dma_wait3A_411 = tpu.memref_slice %arg13[%dma_wait3A_410] : memref<17920xi32, #tpu.memory_space<vmem>> -> memref<128xi32, #tpu.memory_space<vmem>>
    %dma_wait3A_412 = arith.constant 0 : i32
    %dma_wait3A_413 = tpu.memref_slice %arg10[%dma_wait3A_412] : memref<1000000xf32, #tpu.memory_space<vmem_shared>> -> memref<1000000xf32, #tpu.memory_space<vmem_shared>>
    tpu.wait_indirect_dma semaphore(%arg19 : memref<!tpu.dma_semaphore, #tpu.memory_space<semaphore_mem>>) src(%dma_wait3A_413 : memref<1000000xf32, #tpu.memory_space<vmem_shared>>) dst(%dma_wait3A_409 : memref<128xf32, #tpu.memory_space<vmem>>)
    %dma_wait3A_414 = arith.constant 16384 : i32
    %dma_wait3A_415 = tpu.memref_slice %arg14[%dma_wait3A_414] : memref<17920xf32, #tpu.memory_space<vmem>> -> memref<128xf32, #tpu.memory_space<vmem>>
    %dma_wait3A_416 = arith.constant 16384 : i32
    %dma_wait3A_417 = tpu.memref_slice %arg13[%dma_wait3A_416] : memref<17920xi32, #tpu.memory_space<vmem>> -> memref<128xi32, #tpu.memory_space<vmem>>
    %dma_wait3A_418 = arith.constant 0 : i32
    %dma_wait3A_419 = tpu.memref_slice %arg10[%dma_wait3A_418] : memref<1000000xf32, #tpu.memory_space<vmem_shared>> -> memref<1000000xf32, #tpu.memory_space<vmem_shared>>
    tpu.wait_indirect_dma semaphore(%arg19 : memref<!tpu.dma_semaphore, #tpu.memory_space<semaphore_mem>>) src(%dma_wait3A_419 : memref<1000000xf32, #tpu.memory_space<vmem_shared>>) dst(%dma_wait3A_415 : memref<128xf32, #tpu.memory_space<vmem>>)
    %dma_wait3A_420 = arith.constant 16512 : i32
    %dma_wait3A_421 = tpu.memref_slice %arg14[%dma_wait3A_420] : memref<17920xf32, #tpu.memory_space<vmem>> -> memref<128xf32, #tpu.memory_space<vmem>>
    %dma_wait3A_422 = arith.constant 16512 : i32
    %dma_wait3A_423 = tpu.memref_slice %arg13[%dma_wait3A_422] : memref<17920xi32, #tpu.memory_space<vmem>> -> memref<128xi32, #tpu.memory_space<vmem>>
    %dma_wait3A_424 = arith.constant 0 : i32
    %dma_wait3A_425 = tpu.memref_slice %arg10[%dma_wait3A_424] : memref<1000000xf32, #tpu.memory_space<vmem_shared>> -> memref<1000000xf32, #tpu.memory_space<vmem_shared>>
    tpu.wait_indirect_dma semaphore(%arg19 : memref<!tpu.dma_semaphore, #tpu.memory_space<semaphore_mem>>) src(%dma_wait3A_425 : memref<1000000xf32, #tpu.memory_space<vmem_shared>>) dst(%dma_wait3A_421 : memref<128xf32, #tpu.memory_space<vmem>>)
    %dma_wait3A_426 = arith.constant 16640 : i32
    %dma_wait3A_427 = tpu.memref_slice %arg14[%dma_wait3A_426] : memref<17920xf32, #tpu.memory_space<vmem>> -> memref<128xf32, #tpu.memory_space<vmem>>
    %dma_wait3A_428 = arith.constant 16640 : i32
    %dma_wait3A_429 = tpu.memref_slice %arg13[%dma_wait3A_428] : memref<17920xi32, #tpu.memory_space<vmem>> -> memref<128xi32, #tpu.memory_space<vmem>>
    %dma_wait3A_430 = arith.constant 0 : i32
    %dma_wait3A_431 = tpu.memref_slice %arg10[%dma_wait3A_430] : memref<1000000xf32, #tpu.memory_space<vmem_shared>> -> memref<1000000xf32, #tpu.memory_space<vmem_shared>>
    tpu.wait_indirect_dma semaphore(%arg19 : memref<!tpu.dma_semaphore, #tpu.memory_space<semaphore_mem>>) src(%dma_wait3A_431 : memref<1000000xf32, #tpu.memory_space<vmem_shared>>) dst(%dma_wait3A_427 : memref<128xf32, #tpu.memory_space<vmem>>)
    %dma_wait3A_432 = arith.constant 16768 : i32
    %dma_wait3A_433 = tpu.memref_slice %arg14[%dma_wait3A_432] : memref<17920xf32, #tpu.memory_space<vmem>> -> memref<128xf32, #tpu.memory_space<vmem>>
    %dma_wait3A_434 = arith.constant 16768 : i32
    %dma_wait3A_435 = tpu.memref_slice %arg13[%dma_wait3A_434] : memref<17920xi32, #tpu.memory_space<vmem>> -> memref<128xi32, #tpu.memory_space<vmem>>
    %dma_wait3A_436 = arith.constant 0 : i32
    %dma_wait3A_437 = tpu.memref_slice %arg10[%dma_wait3A_436] : memref<1000000xf32, #tpu.memory_space<vmem_shared>> -> memref<1000000xf32, #tpu.memory_space<vmem_shared>>
    tpu.wait_indirect_dma semaphore(%arg19 : memref<!tpu.dma_semaphore, #tpu.memory_space<semaphore_mem>>) src(%dma_wait3A_437 : memref<1000000xf32, #tpu.memory_space<vmem_shared>>) dst(%dma_wait3A_433 : memref<128xf32, #tpu.memory_space<vmem>>)
    %dma_wait3A_438 = arith.constant 16896 : i32
    %dma_wait3A_439 = tpu.memref_slice %arg14[%dma_wait3A_438] : memref<17920xf32, #tpu.memory_space<vmem>> -> memref<128xf32, #tpu.memory_space<vmem>>
    %dma_wait3A_440 = arith.constant 16896 : i32
    %dma_wait3A_441 = tpu.memref_slice %arg13[%dma_wait3A_440] : memref<17920xi32, #tpu.memory_space<vmem>> -> memref<128xi32, #tpu.memory_space<vmem>>
    %dma_wait3A_442 = arith.constant 0 : i32
    %dma_wait3A_443 = tpu.memref_slice %arg10[%dma_wait3A_442] : memref<1000000xf32, #tpu.memory_space<vmem_shared>> -> memref<1000000xf32, #tpu.memory_space<vmem_shared>>
    tpu.wait_indirect_dma semaphore(%arg19 : memref<!tpu.dma_semaphore, #tpu.memory_space<semaphore_mem>>) src(%dma_wait3A_443 : memref<1000000xf32, #tpu.memory_space<vmem_shared>>) dst(%dma_wait3A_439 : memref<128xf32, #tpu.memory_space<vmem>>)
    %dma_wait3A_444 = arith.constant 17024 : i32
    %dma_wait3A_445 = tpu.memref_slice %arg14[%dma_wait3A_444] : memref<17920xf32, #tpu.memory_space<vmem>> -> memref<128xf32, #tpu.memory_space<vmem>>
    %dma_wait3A_446 = arith.constant 17024 : i32
    %dma_wait3A_447 = tpu.memref_slice %arg13[%dma_wait3A_446] : memref<17920xi32, #tpu.memory_space<vmem>> -> memref<128xi32, #tpu.memory_space<vmem>>
    %dma_wait3A_448 = arith.constant 0 : i32
    %dma_wait3A_449 = tpu.memref_slice %arg10[%dma_wait3A_448] : memref<1000000xf32, #tpu.memory_space<vmem_shared>> -> memref<1000000xf32, #tpu.memory_space<vmem_shared>>
    tpu.wait_indirect_dma semaphore(%arg19 : memref<!tpu.dma_semaphore, #tpu.memory_space<semaphore_mem>>) src(%dma_wait3A_449 : memref<1000000xf32, #tpu.memory_space<vmem_shared>>) dst(%dma_wait3A_445 : memref<128xf32, #tpu.memory_space<vmem>>)
    %dma_wait3A_450 = arith.constant 17152 : i32
    %dma_wait3A_451 = tpu.memref_slice %arg14[%dma_wait3A_450] : memref<17920xf32, #tpu.memory_space<vmem>> -> memref<128xf32, #tpu.memory_space<vmem>>
    %dma_wait3A_452 = arith.constant 17152 : i32
    %dma_wait3A_453 = tpu.memref_slice %arg13[%dma_wait3A_452] : memref<17920xi32, #tpu.memory_space<vmem>> -> memref<128xi32, #tpu.memory_space<vmem>>
    %dma_wait3A_454 = arith.constant 0 : i32
    %dma_wait3A_455 = tpu.memref_slice %arg10[%dma_wait3A_454] : memref<1000000xf32, #tpu.memory_space<vmem_shared>> -> memref<1000000xf32, #tpu.memory_space<vmem_shared>>
    tpu.wait_indirect_dma semaphore(%arg19 : memref<!tpu.dma_semaphore, #tpu.memory_space<semaphore_mem>>) src(%dma_wait3A_455 : memref<1000000xf32, #tpu.memory_space<vmem_shared>>) dst(%dma_wait3A_451 : memref<128xf32, #tpu.memory_space<vmem>>)
    %dma_wait3A_456 = arith.constant 17280 : i32
    %dma_wait3A_457 = tpu.memref_slice %arg14[%dma_wait3A_456] : memref<17920xf32, #tpu.memory_space<vmem>> -> memref<128xf32, #tpu.memory_space<vmem>>
    %dma_wait3A_458 = arith.constant 17280 : i32
    %dma_wait3A_459 = tpu.memref_slice %arg13[%dma_wait3A_458] : memref<17920xi32, #tpu.memory_space<vmem>> -> memref<128xi32, #tpu.memory_space<vmem>>
    %dma_wait3A_460 = arith.constant 0 : i32
    %dma_wait3A_461 = tpu.memref_slice %arg10[%dma_wait3A_460] : memref<1000000xf32, #tpu.memory_space<vmem_shared>> -> memref<1000000xf32, #tpu.memory_space<vmem_shared>>
    tpu.wait_indirect_dma semaphore(%arg19 : memref<!tpu.dma_semaphore, #tpu.memory_space<semaphore_mem>>) src(%dma_wait3A_461 : memref<1000000xf32, #tpu.memory_space<vmem_shared>>) dst(%dma_wait3A_457 : memref<128xf32, #tpu.memory_space<vmem>>)
    %dma_wait3A_462 = arith.constant 17408 : i32
    %dma_wait3A_463 = tpu.memref_slice %arg14[%dma_wait3A_462] : memref<17920xf32, #tpu.memory_space<vmem>> -> memref<128xf32, #tpu.memory_space<vmem>>
    %dma_wait3A_464 = arith.constant 17408 : i32
    %dma_wait3A_465 = tpu.memref_slice %arg13[%dma_wait3A_464] : memref<17920xi32, #tpu.memory_space<vmem>> -> memref<128xi32, #tpu.memory_space<vmem>>
    %dma_wait3A_466 = arith.constant 0 : i32
    %dma_wait3A_467 = tpu.memref_slice %arg10[%dma_wait3A_466] : memref<1000000xf32, #tpu.memory_space<vmem_shared>> -> memref<1000000xf32, #tpu.memory_space<vmem_shared>>
    tpu.wait_indirect_dma semaphore(%arg19 : memref<!tpu.dma_semaphore, #tpu.memory_space<semaphore_mem>>) src(%dma_wait3A_467 : memref<1000000xf32, #tpu.memory_space<vmem_shared>>) dst(%dma_wait3A_463 : memref<128xf32, #tpu.memory_space<vmem>>)
    %dma_wait3A_468 = arith.constant 17536 : i32
    %dma_wait3A_469 = tpu.memref_slice %arg14[%dma_wait3A_468] : memref<17920xf32, #tpu.memory_space<vmem>> -> memref<128xf32, #tpu.memory_space<vmem>>
    %dma_wait3A_470 = arith.constant 17536 : i32
    %dma_wait3A_471 = tpu.memref_slice %arg13[%dma_wait3A_470] : memref<17920xi32, #tpu.memory_space<vmem>> -> memref<128xi32, #tpu.memory_space<vmem>>
    %dma_wait3A_472 = arith.constant 0 : i32
    %dma_wait3A_473 = tpu.memref_slice %arg10[%dma_wait3A_472] : memref<1000000xf32, #tpu.memory_space<vmem_shared>> -> memref<1000000xf32, #tpu.memory_space<vmem_shared>>
    tpu.wait_indirect_dma semaphore(%arg19 : memref<!tpu.dma_semaphore, #tpu.memory_space<semaphore_mem>>) src(%dma_wait3A_473 : memref<1000000xf32, #tpu.memory_space<vmem_shared>>) dst(%dma_wait3A_469 : memref<128xf32, #tpu.memory_space<vmem>>)
    %dma_wait3A_474 = arith.constant 17664 : i32
    %dma_wait3A_475 = tpu.memref_slice %arg14[%dma_wait3A_474] : memref<17920xf32, #tpu.memory_space<vmem>> -> memref<128xf32, #tpu.memory_space<vmem>>
    %dma_wait3A_476 = arith.constant 17664 : i32
    %dma_wait3A_477 = tpu.memref_slice %arg13[%dma_wait3A_476] : memref<17920xi32, #tpu.memory_space<vmem>> -> memref<128xi32, #tpu.memory_space<vmem>>
    %dma_wait3A_478 = arith.constant 0 : i32
    %dma_wait3A_479 = tpu.memref_slice %arg10[%dma_wait3A_478] : memref<1000000xf32, #tpu.memory_space<vmem_shared>> -> memref<1000000xf32, #tpu.memory_space<vmem_shared>>
    tpu.wait_indirect_dma semaphore(%arg19 : memref<!tpu.dma_semaphore, #tpu.memory_space<semaphore_mem>>) src(%dma_wait3A_479 : memref<1000000xf32, #tpu.memory_space<vmem_shared>>) dst(%dma_wait3A_475 : memref<128xf32, #tpu.memory_space<vmem>>)
    %dma_wait3A_480 = arith.constant 17792 : i32
    %dma_wait3A_481 = tpu.memref_slice %arg14[%dma_wait3A_480] : memref<17920xf32, #tpu.memory_space<vmem>> -> memref<128xf32, #tpu.memory_space<vmem>>
    %dma_wait3A_482 = arith.constant 17792 : i32
    %dma_wait3A_483 = tpu.memref_slice %arg13[%dma_wait3A_482] : memref<17920xi32, #tpu.memory_space<vmem>> -> memref<128xi32, #tpu.memory_space<vmem>>
    %dma_wait3A_484 = arith.constant 0 : i32
    %dma_wait3A_485 = tpu.memref_slice %arg10[%dma_wait3A_484] : memref<1000000xf32, #tpu.memory_space<vmem_shared>> -> memref<1000000xf32, #tpu.memory_space<vmem_shared>>
    tpu.wait_indirect_dma semaphore(%arg19 : memref<!tpu.dma_semaphore, #tpu.memory_space<semaphore_mem>>) src(%dma_wait3A_485 : memref<1000000xf32, #tpu.memory_space<vmem_shared>>) dst(%dma_wait3A_481 : memref<128xf32, #tpu.memory_space<vmem>>)
    %add3A_486 = arith.constant 840 : i32
    %add3A_487 = arith.addi %min3A_3, %add3A_486 : i32
    %mul3A_488 = arith.constant 128 : i32
    %mul3A_489 = arith.muli %add3A_487, %mul3A_488 : i32
    %multiple_of3A_490 = tpu.assume_multiple %mul3A_489, 128 : i32
    %dma_wait3A_491 = arith.constant 0 : i32
    %dma_wait3A_492 = tpu.memref_slice %arg14[%dma_wait3A_491] : memref<17920xf32, #tpu.memory_space<vmem>> -> memref<8960xf32, #tpu.memory_space<vmem>>
    %dma_wait3A_493 = tpu.memref_slice %arg7[%multiple_of3A_490] : memref<4000000xf32, #tpu.memory_space<hbm>> -> memref<8960xf32, #tpu.memory_space<hbm>>
    %dma_wait3A_494 = tpu.memref_slice %arg7[%multiple_of3A_490] : memref<4000000xf32, #tpu.memory_space<hbm>> -> memref<8960xf32, #tpu.memory_space<hbm>>
    %dma_wait3A_495 = arith.constant 0 : i32
    %dma_wait3A_496 = tpu.memref_slice %arg14[%dma_wait3A_495] : memref<17920xf32, #tpu.memory_space<vmem>> -> memref<8960xf32, #tpu.memory_space<vmem>>
    tpu.wait_dma2 semaphore(%arg20 : memref<!tpu.dma_semaphore, #tpu.memory_space<semaphore_mem>>) src(%dma_wait3A_496 : memref<8960xf32, #tpu.memory_space<vmem>>) dst(%dma_wait3A_494 : memref<8960xf32, #tpu.memory_space<hbm>>)
    %add3A_497 = arith.constant 910 : i32
    %add3A_498 = arith.addi %min3A_3, %add3A_497 : i32
    %mul3A_499 = arith.constant 128 : i32
    %mul3A_500 = arith.muli %add3A_498, %mul3A_499 : i32
    %multiple_of3A_501 = tpu.assume_multiple %mul3A_500, 128 : i32
    %dma_start3A_502 = arith.constant 8960 : i32
    %dma_start3A_503 = tpu.memref_slice %arg14[%dma_start3A_502] : memref<17920xf32, #tpu.memory_space<vmem>> -> memref<8960xf32, #tpu.memory_space<vmem>>
    %dma_start3A_504 = tpu.memref_slice %arg7[%multiple_of3A_501] : memref<4000000xf32, #tpu.memory_space<hbm>> -> memref<8960xf32, #tpu.memory_space<hbm>>
    %dma_start3A_505 = tpu.memref_slice %arg7[%multiple_of3A_501] : memref<4000000xf32, #tpu.memory_space<hbm>> -> memref<8960xf32, #tpu.memory_space<hbm>>
    %dma_start3A_506 = arith.constant 8960 : i32
    %dma_start3A_507 = tpu.memref_slice %arg14[%dma_start3A_506] : memref<17920xf32, #tpu.memory_space<vmem>> -> memref<8960xf32, #tpu.memory_space<vmem>>
    tpu.enqueue_dma source(%dma_start3A_507 : memref<8960xf32, #tpu.memory_space<vmem>>) target(%dma_start3A_505 : memref<8960xf32, #tpu.memory_space<hbm>>) target_semaphore(%arg20 : memref<!tpu.dma_semaphore, #tpu.memory_space<semaphore_mem>>)
    %add3A_508 = arith.constant 910 : i32
    %add3A_509 = arith.addi %min3A_3, %add3A_508 : i32
    %mul3A_510 = arith.constant 128 : i32
    %mul3A_511 = arith.muli %add3A_509, %mul3A_510 : i32
    %multiple_of3A_512 = tpu.assume_multiple %mul3A_511, 128 : i32
    %dma_wait3A_513 = arith.constant 8960 : i32
    %dma_wait3A_514 = tpu.memref_slice %arg14[%dma_wait3A_513] : memref<17920xf32, #tpu.memory_space<vmem>> -> memref<8960xf32, #tpu.memory_space<vmem>>
    %dma_wait3A_515 = tpu.memref_slice %arg7[%multiple_of3A_512] : memref<4000000xf32, #tpu.memory_space<hbm>> -> memref<8960xf32, #tpu.memory_space<hbm>>
    %dma_wait3A_516 = tpu.memref_slice %arg7[%multiple_of3A_512] : memref<4000000xf32, #tpu.memory_space<hbm>> -> memref<8960xf32, #tpu.memory_space<hbm>>
    %dma_wait3A_517 = arith.constant 8960 : i32
    %dma_wait3A_518 = tpu.memref_slice %arg14[%dma_wait3A_517] : memref<17920xf32, #tpu.memory_space<vmem>> -> memref<8960xf32, #tpu.memory_space<vmem>>
    tpu.wait_dma2 semaphore(%arg20 : memref<!tpu.dma_semaphore, #tpu.memory_space<semaphore_mem>>) src(%dma_wait3A_518 : memref<8960xf32, #tpu.memory_space<vmem>>) dst(%dma_wait3A_516 : memref<8960xf32, #tpu.memory_space<hbm>>)
    return
  }
}

</mosaic_0001>

<sc_bundles>
// kernel: kernel.3.cloned.1.call-start
scs
__scs_entry_jumppad:
0x0: {  	(pc) =	sbr.rel $0x88, $3  }
0x1: {  	(tag) =	ssettag $0x0;
	lr =	simm.s32 $0x1  }
0x2: {  	[smem:$0x3F9C] =	sst lr;
	_ =	strace $0xD0000000  }
0x3: {  	_ = 	snop  }
0x4: {  	_ = 	snop  }
0x5: {  	_ = 	snop  }
0x6: {  	_ = 	snop  }
0x7: {  	_ = 	snop  }
__scs_overlays_trampoline_lowered:
0x8: {  	[smem:$0x3FAB] =	sst s0  }
0x9: {  	[smem:$0x3FAC] =	sst s1  }
0xa: {  	[smem:$0x3FAD] =	sst s2  }
0xb: {  	[smem:$0x3FAE] =	sst s3  }
0xc: {  	[smem:$0x3FAF] =	sst s4  }
0xd: {  	[smem:$0x3FB0] =	sst s5  }
0xe: {  	[smem:$0x3FB1] =	sst s6  }
0xf: {  	[smem:$0x3FB2] =	sst s7  }
0x10: {  	[smem:$0x3FB3] =	sst s8  }
0x11: {  	[smem:$0x3FB4] =	sst s9;
	s0 =	simm.s32 @!p0 $0x0  }
0x12: {  	s1 =	sld [smem:$0x3F9A];
	s0 =	simm.s32 @p0 $0x1  }
0x13: {  	[smem:$0x3FB5] =	sst s0;
	s0 =	simm.s32 @!p1 $0x0  }
0x14: {  	s2 =	sld [smem:$0x3F99];
	s0 =	simm.s32 @p1 $0x1  }
0x15: {  	[smem:$0x3FB6] =	sst s0;
	s0 =	simm.s32 @!p2 $0x0  }
0x16: {  	s3 =	sld [smem:$0x3FDB];
	s0 =	simm.s32 @p2 $0x1  }
0x17: {  	s4 =	simm.s32 $0x1BF5;
	[smem:$0x3FB8] =	sst s0  }
0x18: {  	s0 =	sld [smem:$0x3F9B];
	_ =	swait.ge [sflag:s4], $0x0  }
0x19: {  	s7 =	sld [smem:$0x3F9C]  }
0x1a: {  	s8 =	sadd.s32 $0xFFFFE003, lr  }
0x1b: {  	s9 =	sadd.s32 $0xFFFFFEF7, lr;
	s5 =	simm.s32 $0xFFFFFFFF;
	p2 =	slt.u32 s8, $0xFFFFF086  }
0x1c: {  	p1 =	slt.u32 s9, $0xF7A;
	s5 =	simm.s32 @!p2 $0x0  }
0x1d: {  	s5 =	simm.s32 @p1 $0x1;
	p0 =	seq.s32 s7, s2  }
0x1e: {  	s7 =	smul.u32 @!p0 $0xF7A, s2;
	p2 =	seq.s32 @!p0 s5, $0x0  }
0x1f: {  	s9 =	smul.u32 $0xF7A, s1;
	s8 =	simm.s32 @!p0 $0x1BF5;
	p2 =	por !p2, p0  }
0x20: {  	[sflag:s8] =	ssyncset.s32 @!p0 $0xFFFFF086;
	s6 =	sadd.s32 @!p0 s3, s7;
	s7 =	simm.s32 @!p0 $0x108  }
0x21: {  	s3 =	sadd.s32 s3, s9;
	s6 =	sadd.s32 @!p0 $0x88, s6;
	s7 =	simm.s32 @p2 $0x1082  }
0x22: {  	[simem:s7], [sflag:s8] =	dma.local @!p0 [hbm:s6], $0xF7A  }
0x23: {  	s9 =	sor.u32 $0xD0000000, s2;
	s6 =	simm.s32 $0x108;
	_ =	swait.ge @!p0 [sflag:s8], $0x0  }
0x24: {  	s3 =	sadd.s32 $0x88, s3;
	s6 =	simm.s32 @!p1 $0x1082;
	[sflag:s4] =	ssyncset.s32 $0xFFFFF086  }
0x25: {  	[simem:s6], [sflag:s4] =	dma.local [hbm:s3], $0xF7A  }
0x26: {  	[smem:$0x3F9C] =	sst s1;
	(tag) =	ssettag s2;
	_ =	strace s9  }
0x27: {  	s1 =	sld [smem:$0x3FAC]  }
0x28: {  	s2 =	sld [smem:$0x3FAD]  }
0x29: {  	s4 =	sld [smem:$0x3FAF]  }
0x2a: {  	p0 =	seq.s32 s5, $0x0;
	s5 =	sld [smem:$0x3FB0]  }
0x2b: {  	s6 =	sld [smem:$0x3FB1]  }
0x2c: {  	s7 =	sld [smem:$0x3FB2]  }
0x2d: {  	s3 =	simm.s32 $0x108;
	s8 =	sld [smem:$0x3FB3]  }
0x2e: {  	s3 =	simm.s32 @!p0 $0x1082;
	s9 =	sld [smem:$0x3FB4]  }
0x2f: {  	lr =	sadd.s32 s0, s3;
	s0 =	sld [smem:$0x3FAB]  }
0x30: {  	s3 =	sld [smem:$0x3FAE]  }
0x31: {  	[smem:$0x3FB7] =	sst s10  }
0x32: {  	s10 =	sld [smem:$0x3FB5];
	_ =	sdelay $0x3  }
0x33: {  	p0 =	seq.s32 s10, $0x1;
	s10 =	sld [smem:$0x3FB7];
	_ =	sdelay $0x3  }
0x34: {  	[smem:$0x3FB7] =	sst s10  }
0x35: {  	s10 =	sld [smem:$0x3FB6];
	_ =	sdelay $0x3  }
0x36: {  	p1 =	seq.s32 s10, $0x1;
	s10 =	sld [smem:$0x3FB7];
	_ =	sdelay $0x3  }
0x37: {  	[smem:$0x3FB7] =	sst s10  }
0x38: {  	s10 =	sld [smem:$0x3FB8]  }
0x39: {  	_ = 	snop;
	(pc) =	sbr.ind lr, $3  }
0x3a: {  	_ = 	snop  }
0x3b: {  	_ = 	snop  }
0x3c: {  	p2 =	seq.s32 s10, $0x1;
	s10 =	sld [smem:$0x3FB7]  }
0x3d: {  	_ =	shalt  }
0x3e: {  	_ =	shalt  }
0x3f: {  	_ =	shalt  }
0x40: {  	_ =	shalt  }
0x41: {  	_ =	shalt  }
0x42: {  	_ =	shalt  }
0x43: {  	_ =	shalt  }
0x44: {  	_ =	shalt  }
0x45: {  	_ =	shalt  }
0x46: {  	_ =	shalt  }
0x47: {  	_ =	shalt  }
0x48: {  	_ =	shalt  }
0x49: {  	_ =	shalt  }
0x4a: {  	_ =	shalt  }
0x4b: {  	_ =	shalt  }
0x4c: {  	_ =	shalt  }
0x4d: {  	_ =	shalt  }
0x4e: {  	_ =	shalt  }
0x4f: {  	_ =	shalt  }
0x50: {  	_ =	shalt  }
0x51: {  	_ =	shalt  }
0x52: {  	_ =	shalt  }
0x53: {  	_ =	shalt  }
0x54: {  	_ =	shalt  }
0x55: {  	_ =	shalt  }
0x56: {  	_ =	shalt  }
0x57: {  	_ =	shalt  }
0x58: {  	_ =	shalt  }
0x59: {  	_ =	shalt  }
0x5a: {  	_ =	shalt  }
0x5b: {  	_ =	shalt  }
0x5c: {  	_ =	shalt  }
0x5d: {  	_ =	shalt  }
0x5e: {  	_ =	shalt  }
0x5f: {  	_ =	shalt  }
0x60: {  	_ =	shalt  }
0x61: {  	_ =	shalt  }
0x62: {  	_ =	shalt  }
0x63: {  	_ =	shalt  }
0x64: {  	_ =	shalt  }
0x65: {  	_ =	shalt  }
0x66: {  	_ =	shalt  }
0x67: {  	_ =	shalt  }
0x68: {  	_ =	shalt  }
0x69: {  	_ =	shalt  }
0x6a: {  	_ =	shalt  }
0x6b: {  	_ =	shalt  }
0x6c: {  	_ =	shalt  }
0x6d: {  	_ =	shalt  }
0x6e: {  	_ =	shalt  }
0x6f: {  	_ =	shalt  }
0x70: {  	_ =	shalt  }
0x71: {  	_ =	shalt  }
0x72: {  	_ =	shalt  }
0x73: {  	_ =	shalt  }
0x74: {  	_ =	shalt  }
0x75: {  	_ =	shalt  }
0x76: {  	_ =	shalt  }
0x77: {  	_ =	shalt  }
0x78: {  	_ =	shalt  }
0x79: {  	_ =	shalt  }
0x7a: {  	_ =	shalt  }
0x7b: {  	_ =	shalt  }
0x7c: {  	_ =	shalt  }
0x7d: {  	_ =	shalt  }
0x7e: {  	_ =	shalt  }
0x7f: {  	_ =	shalt  }
0x80: {  	_ =	shalt  }
0x81: {  	_ =	shalt  }
0x82: {  	_ =	shalt  }
0x83: {  	_ =	shalt  }
0x84: {  	_ =	shalt  }
0x85: {  	_ =	shalt  }
0x86: {  	_ =	shalt  }
0x87: {  	_ =	shalt  }
.Lfunc_end0:
.L_simem_size_0:
called_computation_lowered:
.L_overlay_start_0:
0x88: {  	s2 =	sld [smem:$0x3FD9]  }
0x89: {  	s3 =	sld [smem:$0x3FFE];
	_ =	sdelay $0x1  }
0x8a: {  	s1 =	srdreg.scid  }
0x8b: {  	s0 =	sand.u32 $0x1, s1  }
0x8c: {  	s17 =	sshll.u32 s0, $0xA;
	s2 =	sadd.s32 s3, s2  }
0x8d: {  	s2 =	sadd.s32 s2, s17  }
0x8e: {  	[smem:$0x3FC3] =	sst s2  }
0x8f: {  	_ = 	snop  }
0x90: {  	s2 =	sld [smem:$0x3FC9]  }
0x91: {  	s18 =	sld [smem:$0x3FC8]  }
0x92: {  	s4 =	sld [smem:$0x3FC7]  }
0x93: {  	s5 =	sld [smem:$0x3FC6]  }
0x94: {  	s6 =	sld [smem:$0x3FC5]  }
0x95: {  	s7 =	sld [smem:$0x3FD0];
	(tm) =	ssettm $0x1  }
0x96: {  	s8 =	sld [smem:$0x3FFB];
	_ =	sdelay $0x3  }
0x97: {  	_ =	strace s8  }
0x98: {  	s8 =	sld [smem:$0x3FFC];
	_ =	sdelay $0x3  }
0x99: {  	_ =	strace s8  }
0x9a: {  	s8 =	sld [smem:$0x3FFD];
	_ =	sdelay $0x3  }
0x9b: {  	_ =	strace s8  }
0x9c: {  	_ =	strace $0x8FFFFFFF  }
0x9d: {  	s19 =	sld [smem:$0x3FDB];
	_ =	sdelay $0x1  }
0x9e: {  	s9 =	simm.s32 $_scs_section_size  }
0x9f: {  	s10 =	simm.s32 $_size__tile_overlayer_lowered;
	s11 =	simm.s32 $_tile_overlayer_lowered  }
0xa0: {  	s22 =	simm.s32 $0x1BFF;
	s21 =	sshll.u32 s11, $0x1;
	s8 =	sadd.s32 s9, s19  }
0xa1: {  	s12 =	simm.s32 $0x0;
	s20 =	sshll.u32 s10, $0x1;
	s10 =	sadd.s32 s21, s8  }
0xa2: {  	[timem:s12], [sflag:s22] =	dma.local [hbm:s10], s20  }
0xa3: {  	_ =	swait.ge [sflag:s22], s20  }
0xa4: {  	s9 =	ssub.s32 $0x0, s20;
	[sflag:s22] =	ssyncset.done $0x0  }
0xa5: {  	[sflag:s22] =	ssyncadd.s32 s9;
	_ =	sdelay $0x1  }
0xa6: {  	s23 =	simm.s32 $0x1B8B  }
0xa7: {  	_ =	swait.ge [sflag:s23], $0x1  }
0xa8: {  	[sflag:s23] =	ssyncset.done $0x0  }
0xa9: {  	s25 =	simm.s32 $0x1B8E;
	s24 =	sld [smem:$0x3FFE];
	[sflag:s23] =	ssyncadd.s32 $0xFFFFFFFF  }
0xaa: {  	s26 =	simm.s32 $execute0_lowered;
	[smem:$0x3FD2] =	sst s25  }
0xab: {  	s10 =	sshll.u32 s26, $0x1;
	_ =	strace $0x80000046;
	[dreg:$0x1] =	wrdreg $0xFFFFFFFF  }
0xac: {  	s28 =	simm.s32 $_size_execute0_lowered;
	s8 =	sadd.s32 s8, s10;
	[dreg:$0x0] =	wrdreg $0x0  }
0xad: {  	s10 =	sshll.u32 s28, $0x1;
	[dreg:$0x2] =	wrdreg s8  }
0xae: {  	[dreg:$0x3] =	wrdreg s10  }
0xaf: {  	[dreg:$0x4] =	wrdreg $0xC0  }
0xb0: {  	_ =	task [dreg:s12], $0x5FFFF  }
0xb1: {  	[dreg:$0x1] =	wrdreg $0xFFFFFFFF  }
0xb2: {  	[dreg:$0x0] =	wrdreg $0x60  }
0xb3: {  	[dreg:$0x2] =	wrdreg s18  }
0xb4: {  	[dreg:$0x3] =	wrdreg s2  }
0xb5: {  	[dreg:$0x4] =	wrdreg s5  }
0xb6: {  	[dreg:$0x5] =	wrdreg s4  }
0xb7: {  	[dreg:$0x6] =	wrdreg s6  }
0xb8: {  	[dreg:$0x7] =	wrdreg s7  }
0xb9: {  	[dreg:$0x8] =	wrdreg s24  }
0xba: {  	[dreg:$0x9] =	wrdreg $0x0  }
0xbb: {  	[dreg:$0xa] =	wrdreg $0x9  }
0xbc: {  	_ =	task.clear_ibuf [dreg:s12], $0xBFFFF;
	_ =	strace $0x90000046  }
0xbd: {  	s29 =	simm.s32 $0x9;
	_ =	strace $0x80000048  }
0xbe: {  	_ =	swait.ge [sflag:s29], $0x1  }
0xbf: {  	[sflag:s29] =	ssyncadd.s32 $0xFFFFFFFF  }
0xc0: {  	_ =	strace $0x90000048  }
0xc1: {  	_ =	sfence  }
0xc2: {  	s30 =	sld [smem:$0x0];
	_ =	sdelay $0x2  }
0xc3: {  	s31 =	sshll.u32 s1, $0xD;
	s1 =	sshrl.u32 s1, $0x2  }
0xc4: {  	s3 =	sand.u32 $0x4000, s31;
	s1 =	sadd.s32 s1, s30  }
0xc5: {  	s0 =	sor.u32 s3, s0;
	s1 =	sshll.u32 s1, $0x11  }
0xc6: {  	s0 =	sor.u32 s1, s0  }
0xc7: {  	s0 =	sadd.s32 $0x8F2B, s0  }
0xc8: {  	[sflag:s0] =	ssyncadd.remote.s32 $0x1  }
0xc9: {  	_ =	sfence.sel $0xFFFF  }
0xca: {  	[dreg:$0x0] =	wrdreg $0xFFFFFFFF;
	(pc) =	sbr.abs _section_cstart, $3  }
0xcb: {  	[dreg:$0x1] =	wrdreg $0xFFFFFFFF  }
0xcc: {  	_ =	task.clear_ibuf [dreg:s12], $0x2FFFF;
	_ =	strace $0x9FFFFFFF  }
0xcd: {  	(tm) =	ssettm $0x7FFFFFFF  }
tec
execute0_lowered:
.L_overlay_start_1:
0x0: {  	(tag) =	ssettag $0x1  }
0x1: {  	s20 =	rddreg [dreg:$0x2]  }
0x2: {  	s1 =	rddreg [dreg:$0x3]  }
0x3: {  	s0 =	rddreg [dreg:$0x4]  }
0x4: {  	s21 =	rddreg [dreg:$0x5]  }
0x5: {  	s2 =	rddreg [dreg:$0x6]  }
0x6: {  	s5 =	rddreg [dreg:$0x7]  }
0x7: {  	s3 =	srdreg.scid;
	s4 =	stileid.u32;
	s6 =	simm.s32 $0x0  }
0x8: {  	s28 =	simm.s32 $0x1B4A8;
	s29 =	simm.s32 $0x1B228;
	s3 =	sand.u32 $0x1, s3  }
0x9: {  	s7 =	sshll.u32 s4, $0x1;
	[smem:$0x7FF] =	sst s6;
	s12 =	smul.u32 $0x7A00, s4  }
0xa: {  	s8 =	sadd.s32 $0x800, s2;
	s9 =	sadd.s32 $0x1F200, s2;
	s16 =	smul.u32 $0x7A2, s4  }
0xb: {  	p1 =	sne.s32 s4, $0x0;
	s7 =	sor.u32 s3, s7;
	_ =	strace $0x80000047  }
0xc: {  	s10 =	ssub.s32 $0x2, s3;
	p0 =	seq.s32 s3, $0x1;
	s18 =	sxor.u32 $0x1, s3  }
0xd: {  	s19 =	smul.u32 $0x3D1, s3;
	s3 =	sadd.s32 s9, s3;
	s11 =	sshrl.u32 s10, $0x1  }
0xe: {  	s13 =	sadd.s32 s12, s5;
	s14 =	sadd.s32 $0x3D00, s12;
	s17 =	sadd.s32 $0x7DE20, s12  }
0xf: {  	[dreg:$0xa] =	wrdreg s3;
	s9 =	sadd.s32 s9, s18;
	s22 =	smul.u32 $0x7A120, s18  }
0x10: {  	s18 =	sadd.s32 $0x1F024, s2;
	s10 =	ssub.s32 s10, s11;
	s11 =	sshrl.u32 s12, $0x3  }
0x11: {  	[dreg:$0x9] =	wrdreg s13;
	s13 =	sadd.s32 $0x7A120, s12;
	s23 =	sshrl.u32 s17, $0x3  }
0x12: {  	[dreg:$0x1b] =	wrdreg s18;
	s15 =	sshrl.u32 s13, $0x3;
	s12 =	sadd.s32 s12, s22  }
0x13: {  	s3 =	sadd.s32 $0x7A000, s22;
	s15 =	sadd.s32 s8, s15;
	s24 =	sshrl.u32 s12, $0x3  }
0x14: {  	[dreg:$0xb] =	wrdreg s15;
	s15 =	sadd.s32 s19, s16;
	s16 =	sadd.s32 s8, s23  }
0x15: {  	s26 =	sshrl.u32 s3, $0x3;
	s4 =	sadd.s32 s8, s24;
	[dreg:$0xc] =	wrdreg s16  }
0x16: {  	s30 =	simm.s32 $0x1F828;
	s19 =	sadd.s32 s8, s26;
	[dreg:$0xd] =	wrdreg s4  }
0x17: {  	s31 =	simm.s32 $0x1F928;
	s23 =	sadd.s32 s8, s11;
	[dreg:$0xf] =	wrdreg s19  }
0x18: {  	s7 =	smul.u32 $0x3D1, s7;
	s24 =	sadd.s32 s14, s5;
	[dreg:$0x10] =	wrdreg s23  }
0x19: {  	s18 =	simm.s32 $0x80;
	s26 =	sadd.s32 s1, s11;
	[dreg:$0x12] =	wrdreg s24  }
0x1a: {  	s22 =	sshrl.u32 s14, $0x3;
	s14 =	sadd.s32 s17, s5;
	[dreg:$0x14] =	wrdreg s26  }
0x1b: {  	s7 =	smin.u32 s7, $0x763E;
	s17 =	sadd.s32 $0xFC00, s2;
	[dreg:$0x18] =	wrdreg s14  }
0x1c: {  	s7 =	sshll.u32 s7, $0x4;
	[dreg:$0x1a] =	wrdreg s17;
	s19 =	sadd.s32 s12, s5  }
0x1d: {  	s16 =	sadd.s32 $0x3D00, s12;
	s23 =	sadd.s32 s3, s5;
	[dreg:$0x1c] =	wrdreg s19  }
0x1e: {  	s24 =	sadd.s32 s0, s7;
	s12 =	sadd.s32 $0xF4120, s5;
	[dreg:$0x1e] =	wrdreg s23  }
0x1f: {  	s14 =	simm.s32 $0x7;
	s25 =	sshrl.u32 s16, $0x3;
	[smem:$0x7FC] =	sst s12  }
0x20: {  	s3 =	simm.s32 $0x1B2A8;
	[dreg:$0x1f] =	wrdreg s24;
	s4 =	sadd.s32 s8, s25  }
0x21: {  	s17 =	simm.s32 $0x1B3A8;
	s8 =	sadd.s32 s8, s22;
	[dreg:$0xe] =	wrdreg s4  }
0x22: {  	s19 =	simm.s32 $0x1;
	s25 =	sadd.s32 s20, s11;
	[dreg:$0x11] =	wrdreg s8  }
0x23: {  	s23 =	simm.s32 $0x1B428;
	s11 =	sadd.s32 s13, s5;
	[dreg:$0x13] =	wrdreg s25  }
0x24: {  	s12 =	simm.s32 $0x1D728;
	s13 =	sadd.s32 s20, s22;
	[dreg:$0x15] =	wrdreg s11  }
0x25: {  	[dreg:$0x16] =	wrdreg s13;
	s4 =	sadd.s32 s1, s22;
	s1 =	sadd.s32 $0xF400, s1  }
0x26: {  	s22 =	sadd.s32 s16, s5;
	s8 =	smax.u32 s10, $0x1;
	[dreg:$0x17] =	wrdreg s4  }
0x27: {  	s10 =	sadd.s32 $0xF400, s20;
	s11 =	sadd.s32 $0x7A000, s5;
	[dreg:$0x19] =	wrdreg s1  }
0x28: {  	s13 =	sadd.s32 $0x460, s24;
	s16 =	simm.s32 $0x1F8A8;
	[dreg:$0x1d] =	wrdreg s22  }
0x29: {  	s24 =	simm.s32 $0x1B328;
	s20 =	simm.s32 $0x3;
	[smem:$0x7F9] =	sst s8  }
0x2a: {  	s4 =	sadd.s32 s7, s21;
	s7 =	smin.u32 s15, $0x763E;
	[smem:$0x7FA] =	sst s10  }
.Ltmp0:
0x2b: {  	[smem:$0x7FB] =	sst s11;
	s11 =	simm.s32 $0x16E28;
	(pc) =	sbr.rel .LBB2_1-.Ltmp0, $4  }
0x2c: {  	s22 =	simm.s32 $0x2;
	s15 =	simm.s32 $0x16EA8;
	s8 =	simm.s32 $0x19128  }
0x2d: {  	[smem:$0x7FD] =	sst s13;
	s1 =	sadd.s32 $0x38E0, s4;
	s25 =	sshll.u32 s7, $0x4  }
0x2e: {  	s4 =	simm.s32 $0x4;
	s7 =	simm.s32 $0x0;
	[smem:$0x7F8] =	sst s1  }
0x2f: {  	s26 =	sadd.s32 s25, s0;
	s10 =	sadd.s32 s25, s21;
	s21 =	simm.s32 $0x1F9A8  }
.LBB2_31:
0x30: {  	_ =	swait.ge [sflag:s4], $0x80  }
0x31: {  	[sflag:s4] =	ssyncset.done $0x0  }
0x32: {  	[sflag:s4] =	ssyncadd.s32 $0xFFFFFF80  }
0x33: {  	_ =	swait.ge [sflag:s4], $0x80  }
0x34: {  	[sflag:s4] =	ssyncset.done $0x0  }
0x35: {  	[sflag:s4] =	ssyncadd.s32 $0xFFFFFF80  }
0x36: {  	_ =	swait.ge [sflag:s4], $0x80  }
0x37: {  	[sflag:s4] =	ssyncset.done $0x0  }
0x38: {  	[sflag:s4] =	ssyncadd.s32 $0xFFFFFF80  }
0x39: {  	_ =	swait.ge [sflag:s4], $0x80  }
0x3a: {  	[sflag:s4] =	ssyncset.done $0x0  }
0x3b: {  	[sflag:s4] =	ssyncadd.s32 $0xFFFFFF80  }
0x3c: {  	_ =	swait.ge [sflag:s4], $0x80  }
0x3d: {  	[sflag:s4] =	ssyncset.done $0x0  }
0x3e: {  	[sflag:s4] =	ssyncadd.s32 $0xFFFFFF80  }
0x3f: {  	_ =	swait.ge [sflag:s4], $0x80  }
0x40: {  	[sflag:s4] =	ssyncset.done $0x0  }
0x41: {  	[sflag:s4] =	ssyncadd.s32 $0xFFFFFF80  }
0x42: {  	_ =	swait.ge [sflag:s4], $0x80  }
0x43: {  	[sflag:s4] =	ssyncset.done $0x0  }
0x44: {  	[sflag:s4] =	ssyncadd.s32 $0xFFFFFF80  }
0x45: {  	_ =	swait.ge [sflag:s4], $0x80  }
0x46: {  	[sflag:s4] =	ssyncset.done $0x0  }
0x47: {  	[sflag:s4] =	ssyncadd.s32 $0xFFFFFF80  }
0x48: {  	_ =	swait.ge [sflag:s4], $0x80  }
0x49: {  	[sflag:s4] =	ssyncset.done $0x0  }
0x4a: {  	[sflag:s4] =	ssyncadd.s32 $0xFFFFFF80  }
0x4b: {  	_ =	swait.ge [sflag:s4], $0x80  }
0x4c: {  	[sflag:s4] =	ssyncset.done $0x0  }
0x4d: {  	[sflag:s4] =	ssyncadd.s32 $0xFFFFFF80  }
0x4e: {  	_ =	swait.ge [sflag:s4], $0x80  }
0x4f: {  	[sflag:s4] =	ssyncset.done $0x0  }
0x50: {  	[sflag:s4] =	ssyncadd.s32 $0xFFFFFF80  }
0x51: {  	_ =	swait.ge [sflag:s4], $0x80  }
0x52: {  	[sflag:s4] =	ssyncset.done $0x0  }
0x53: {  	[sflag:s4] =	ssyncadd.s32 $0xFFFFFF80  }
0x54: {  	_ =	swait.ge [sflag:s4], $0x80  }
0x55: {  	[sflag:s4] =	ssyncset.done $0x0  }
0x56: {  	[sflag:s4] =	ssyncadd.s32 $0xFFFFFF80  }
0x57: {  	_ =	swait.ge [sflag:s4], $0x80  }
0x58: {  	[sflag:s4] =	ssyncset.done $0x0  }
0x59: {  	[sflag:s4] =	ssyncadd.s32 $0xFFFFFF80  }
0x5a: {  	_ =	swait.ge [sflag:s4], $0x80  }
0x5b: {  	[sflag:s4] =	ssyncset.done $0x0  }
0x5c: {  	[sflag:s4] =	ssyncadd.s32 $0xFFFFFF80  }
0x5d: {  	_ =	swait.ge [sflag:s4], $0x80  }
0x5e: {  	[sflag:s4] =	ssyncset.done $0x0  }
0x5f: {  	[sflag:s4] =	ssyncadd.s32 $0xFFFFFF80  }
0x60: {  	_ =	swait.ge [sflag:s4], $0x80  }
0x61: {  	[sflag:s4] =	ssyncset.done $0x0  }
0x62: {  	[sflag:s4] =	ssyncadd.s32 $0xFFFFFF80  }
0x63: {  	_ =	swait.ge [sflag:s4], $0x80  }
0x64: {  	[sflag:s4] =	ssyncset.done $0x0  }
0x65: {  	[sflag:s4] =	ssyncadd.s32 $0xFFFFFF80  }
0x66: {  	_ =	swait.ge [sflag:s4], $0x80  }
0x67: {  	[sflag:s4] =	ssyncset.done $0x0  }
0x68: {  	[sflag:s4] =	ssyncadd.s32 $0xFFFFFF80  }
0x69: {  	_ =	swait.ge [sflag:s4], $0x80  }
0x6a: {  	[sflag:s4] =	ssyncset.done $0x0  }
0x6b: {  	[sflag:s4] =	ssyncadd.s32 $0xFFFFFF80  }
0x6c: {  	_ =	swait.ge [sflag:s4], $0x80  }
0x6d: {  	[sflag:s4] =	ssyncset.done $0x0  }
0x6e: {  	[sflag:s4] =	ssyncadd.s32 $0xFFFFFF80  }
0x6f: {  	_ =	swait.ge [sflag:s4], $0x80  }
0x70: {  	[sflag:s4] =	ssyncset.done $0x0  }
0x71: {  	[sflag:s4] =	ssyncadd.s32 $0xFFFFFF80  }
0x72: {  	_ =	swait.ge [sflag:s4], $0x80  }
0x73: {  	[sflag:s4] =	ssyncset.done $0x0  }
0x74: {  	[sflag:s4] =	ssyncadd.s32 $0xFFFFFF80  }
0x75: {  	_ =	swait.ge [sflag:s4], $0x80  }
0x76: {  	[sflag:s4] =	ssyncset.done $0x0  }
0x77: {  	[sflag:s4] =	ssyncadd.s32 $0xFFFFFF80  }
0x78: {  	_ =	swait.ge [sflag:s4], $0x80  }
0x79: {  	[sflag:s4] =	ssyncset.done $0x0  }
0x7a: {  	[sflag:s4] =	ssyncadd.s32 $0xFFFFFF80  }
0x7b: {  	_ =	swait.ge [sflag:s4], $0x80  }
0x7c: {  	[sflag:s4] =	ssyncset.done $0x0  }
0x7d: {  	[sflag:s4] =	ssyncadd.s32 $0xFFFFFF80  }
0x7e: {  	_ =	swait.ge [sflag:s4], $0x80  }
0x7f: {  	[sflag:s4] =	ssyncset.done $0x0  }
0x80: {  	[sflag:s4] =	ssyncadd.s32 $0xFFFFFF80  }
0x81: {  	_ =	swait.ge [sflag:s4], $0x80  }
0x82: {  	[sflag:s4] =	ssyncset.done $0x0  }
0x83: {  	[sflag:s4] =	ssyncadd.s32 $0xFFFFFF80  }
0x84: {  	_ =	swait.ge [sflag:s4], $0x80  }
0x85: {  	[sflag:s4] =	ssyncset.done $0x0  }
0x86: {  	[sflag:s4] =	ssyncadd.s32 $0xFFFFFF80  }
0x87: {  	_ =	swait.ge [sflag:s4], $0x80  }
0x88: {  	[sflag:s4] =	ssyncset.done $0x0  }
0x89: {  	[sflag:s4] =	ssyncadd.s32 $0xFFFFFF80  }
0x8a: {  	_ =	swait.ge [sflag:s4], $0x80  }
0x8b: {  	[sflag:s4] =	ssyncset.done $0x0  }
0x8c: {  	[sflag:s4] =	ssyncadd.s32 $0xFFFFFF80  }
0x8d: {  	_ =	swait.ge [sflag:s4], $0x80  }
0x8e: {  	[sflag:s4] =	ssyncset.done $0x0  }
0x8f: {  	[sflag:s4] =	ssyncadd.s32 $0xFFFFFF80  }
0x90: {  	_ =	swait.ge [sflag:s4], $0x80  }
0x91: {  	[sflag:s4] =	ssyncset.done $0x0  }
0x92: {  	[sflag:s4] =	ssyncadd.s32 $0xFFFFFF80  }
0x93: {  	_ =	swait.ge [sflag:s4], $0x80  }
0x94: {  	[sflag:s4] =	ssyncset.done $0x0  }
0x95: {  	[sflag:s4] =	ssyncadd.s32 $0xFFFFFF80  }
0x96: {  	_ =	swait.ge [sflag:s4], $0x80  }
0x97: {  	[sflag:s4] =	ssyncset.done $0x0  }
0x98: {  	[sflag:s4] =	ssyncadd.s32 $0xFFFFFF80  }
0x99: {  	_ =	swait.ge [sflag:s4], $0x80  }
0x9a: {  	[sflag:s4] =	ssyncset.done $0x0  }
0x9b: {  	[sflag:s4] =	ssyncadd.s32 $0xFFFFFF80  }
0x9c: {  	_ =	swait.ge [sflag:s4], $0x80  }
0x9d: {  	[sflag:s4] =	ssyncset.done $0x0  }
0x9e: {  	[sflag:s4] =	ssyncadd.s32 $0xFFFFFF80  }
0x9f: {  	_ =	swait.ge [sflag:s4], $0x80  }
0xa0: {  	[sflag:s4] =	ssyncset.done $0x0  }
0xa1: {  	[sflag:s4] =	ssyncadd.s32 $0xFFFFFF80  }
0xa2: {  	_ =	swait.ge [sflag:s4], $0x80  }
0xa3: {  	[sflag:s4] =	ssyncset.done $0x0  }
0xa4: {  	[sflag:s4] =	ssyncadd.s32 $0xFFFFFF80  }
0xa5: {  	_ =	swait.ge [sflag:s4], $0x80  }
0xa6: {  	[sflag:s4] =	ssyncset.done $0x0  }
0xa7: {  	[sflag:s4] =	ssyncadd.s32 $0xFFFFFF80  }
0xa8: {  	_ =	swait.ge [sflag:s4], $0x80  }
0xa9: {  	[sflag:s4] =	ssyncset.done $0x0  }
0xaa: {  	[sflag:s4] =	ssyncadd.s32 $0xFFFFFF80  }
0xab: {  	_ =	swait.ge [sflag:s4], $0x80  }
0xac: {  	[sflag:s4] =	ssyncset.done $0x0  }
0xad: {  	[sflag:s4] =	ssyncadd.s32 $0xFFFFFF80  }
0xae: {  	_ =	swait.ge [sflag:s4], $0x80  }
0xaf: {  	[sflag:s4] =	ssyncset.done $0x0  }
0xb0: {  	[sflag:s4] =	ssyncadd.s32 $0xFFFFFF80  }
0xb1: {  	_ =	swait.ge [sflag:s4], $0x80  }
0xb2: {  	[sflag:s4] =	ssyncset.done $0x0  }
0xb3: {  	[sflag:s4] =	ssyncadd.s32 $0xFFFFFF80  }
0xb4: {  	_ =	swait.ge [sflag:s4], $0x80  }
0xb5: {  	[sflag:s4] =	ssyncset.done $0x0  }
0xb6: {  	[sflag:s4] =	ssyncadd.s32 $0xFFFFFF80  }
0xb7: {  	_ =	swait.ge [sflag:s4], $0x80  }
0xb8: {  	[sflag:s4] =	ssyncset.done $0x0  }
0xb9: {  	[sflag:s4] =	ssyncadd.s32 $0xFFFFFF80  }
0xba: {  	_ =	swait.ge [sflag:s4], $0x80  }
0xbb: {  	[sflag:s4] =	ssyncset.done $0x0  }
0xbc: {  	[sflag:s4] =	ssyncadd.s32 $0xFFFFFF80  }
0xbd: {  	_ =	swait.ge [sflag:s4], $0x80  }
0xbe: {  	[sflag:s4] =	ssyncset.done $0x0  }
0xbf: {  	[sflag:s4] =	ssyncadd.s32 $0xFFFFFF80  }
0xc0: {  	_ =	swait.ge [sflag:s4], $0x80  }
0xc1: {  	[sflag:s4] =	ssyncset.done $0x0  }
0xc2: {  	[sflag:s4] =	ssyncadd.s32 $0xFFFFFF80  }
0xc3: {  	_ =	swait.ge [sflag:s4], $0x80  }
0xc4: {  	[sflag:s4] =	ssyncset.done $0x0  }
0xc5: {  	[sflag:s4] =	ssyncadd.s32 $0xFFFFFF80  }
0xc6: {  	_ =	swait.ge [sflag:s4], $0x80  }
0xc7: {  	[sflag:s4] =	ssyncset.done $0x0  }
0xc8: {  	[sflag:s4] =	ssyncadd.s32 $0xFFFFFF80  }
0xc9: {  	_ =	swait.ge [sflag:s4], $0x80  }
0xca: {  	[sflag:s4] =	ssyncset.done $0x0  }
0xcb: {  	[sflag:s4] =	ssyncadd.s32 $0xFFFFFF80  }
0xcc: {  	_ =	swait.ge [sflag:s4], $0x80  }
0xcd: {  	[sflag:s4] =	ssyncset.done $0x0  }
0xce: {  	[sflag:s4] =	ssyncadd.s32 $0xFFFFFF80  }
0xcf: {  	_ =	swait.ge [sflag:s4], $0x80  }
0xd0: {  	[sflag:s4] =	ssyncset.done $0x0  }
0xd1: {  	[sflag:s4] =	ssyncadd.s32 $0xFFFFFF80  }
0xd2: {  	_ =	swait.ge [sflag:s4], $0x80  }
0xd3: {  	[sflag:s4] =	ssyncset.done $0x0  }
0xd4: {  	[sflag:s4] =	ssyncadd.s32 $0xFFFFFF80  }
0xd5: {  	_ =	swait.ge [sflag:s4], $0x80  }
0xd6: {  	[sflag:s4] =	ssyncset.done $0x0  }
0xd7: {  	[sflag:s4] =	ssyncadd.s32 $0xFFFFFF80  }
0xd8: {  	_ =	swait.ge [sflag:s4], $0x80  }
0xd9: {  	[sflag:s4] =	ssyncset.done $0x0  }
0xda: {  	[sflag:s4] =	ssyncadd.s32 $0xFFFFFF80  }
0xdb: {  	_ =	swait.ge [sflag:s4], $0x80  }
0xdc: {  	[sflag:s4] =	ssyncset.done $0x0  }
0xdd: {  	[sflag:s4] =	ssyncadd.s32 $0xFFFFFF80  }
0xde: {  	_ =	swait.ge [sflag:s4], $0x80  }
0xdf: {  	[sflag:s4] =	ssyncset.done $0x0  }
0xe0: {  	[sflag:s4] =	ssyncadd.s32 $0xFFFFFF80  }
0xe1: {  	_ =	swait.ge [sflag:s4], $0x80  }
0xe2: {  	[sflag:s4] =	ssyncset.done $0x0  }
0xe3: {  	[sflag:s4] =	ssyncadd.s32 $0xFFFFFF80  }
0xe4: {  	_ =	swait.ge [sflag:s4], $0x80  }
0xe5: {  	[sflag:s4] =	ssyncset.done $0x0  }
0xe6: {  	[sflag:s4] =	ssyncadd.s32 $0xFFFFFF80  }
0xe7: {  	_ =	swait.ge [sflag:s4], $0x80  }
0xe8: {  	[sflag:s4] =	ssyncset.done $0x0  }
0xe9: {  	[sflag:s4] =	ssyncadd.s32 $0xFFFFFF80  }
0xea: {  	_ =	swait.ge [sflag:s4], $0x80  }
0xeb: {  	[sflag:s4] =	ssyncset.done $0x0  }
0xec: {  	[sflag:s4] =	ssyncadd.s32 $0xFFFFFF80  }
0xed: {  	_ =	swait.ge [sflag:s4], $0x80  }
0xee: {  	[sflag:s4] =	ssyncset.done $0x0  }
0xef: {  	[sflag:s4] =	ssyncadd.s32 $0xFFFFFF80  }
0xf0: {  	_ =	swait.ge [sflag:s4], $0x80  }
0xf1: {  	[sflag:s4] =	ssyncset.done $0x0  }
0xf2: {  	[sflag:s4] =	ssyncadd.s32 $0xFFFFFF80  }
0xf3: {  	_ =	swait.ge [sflag:s4], $0x80  }
0xf4: {  	[sflag:s4] =	ssyncset.done $0x0  }
0xf5: {  	[sflag:s4] =	ssyncadd.s32 $0xFFFFFF80  }
0xf6: {  	_ =	swait.ge [sflag:s4], $0x80  }
0xf7: {  	[sflag:s4] =	ssyncset.done $0x0  }
0xf8: {  	[sflag:s4] =	ssyncadd.s32 $0xFFFFFF80  }
0xf9: {  	_ =	swait.ge [sflag:s4], $0x80  }
0xfa: {  	[sflag:s4] =	ssyncset.done $0x0  }
0xfb: {  	[sflag:s4] =	ssyncadd.s32 $0xFFFFFF80  }
0xfc: {  	_ =	swait.ge [sflag:s4], $0x80  }
0xfd: {  	[sflag:s4] =	ssyncset.done $0x0  }
0xfe: {  	[sflag:s4] =	ssyncadd.s32 $0xFFFFFF80  }
0xff: {  	_ =	swait.ge [sflag:s4], $0x80  }
0x100: {  	[sflag:s4] =	ssyncset.done $0x0  }
0x101: {  	s1 =	simm.s32 $0x5;
	[sflag:s4] =	ssyncadd.s32 $0xFFFFFF80  }
0x102: {  	_ =	swait.ge [sflag:s1], $0x2300  }
0x103: {  	s0 =	sld [smem:$0x7F8]  }
0x104: {  	[sflag:s1] =	ssyncset.done $0x0  }
0x105: {  	[sflag:s1] =	ssyncadd.s32 $0xFFFFDD00  }
0x106: {  	[hbm4b:s0+s6] =	stream.linear.scatter [tilespmem:s12], [sflag:$0x5], $0x2300, $0x38;
	[tilespmem:$0x1FAA8] =	vst v63  }
0x107: {  	_ =	swait.ge [sflag:s1], $0x2300  }
0x108: {  	s7 =	sld [smem:$0x7F7]  }
0x109: {  	s13 =	sld [smem:$0x7F9];
	_ =	sdelay $0x1  }
0x10a: {  	s7 =	sadd.s32 $0x1, s7  }
0x10b: {  	p2 =	sne.s32 s7, s13  }
.Ltmp1:
0x10c: {  	_ = 	snop;
	(pc) =	sbr.rel @!p2 .LBB2_32-.Ltmp1, $3  }
0x10d: {  	_ =	sdelay $0x1  }
0x10e: {  	[sflag:s1] =	ssyncset.done $0x0  }
0x10f: {  	[sflag:s1] =	ssyncadd.s32 $0xFFFFDD00  }
.LBB2_1:
0x110: {  	[smem:$0x7F7] =	sst s7  }
0x111: {  	s0 =	rddreg [dreg:$0x1f]  }
0x112: {  	[tilespmem:s11], [sflag:$0x2] =	stream.linear.gather [hbm4b:s0+s6], $0x2300, $0x38;
	[tilespmem:$0x1FAA8] =	vst v63  }
0x113: {  	s13 =	rddreg [dreg:$0x2];
	s1 =	simm.s32 $0x1FA28  }
0x114: {  	[tilespmem:s1], [sflag:$0x7] =	stream.linear.gather [hbm4b:s13+s6], $0x8, $0x38;
	[tilespmem:$0x1FAA8] =	vst v63  }
0x115: {  	_ =	swait.ge [sflag:s14], $0x8  }
0x116: {  	[sflag:s14] =	ssyncset.done $0x0  }
0x117: {  	[sflag:s14] =	ssyncadd.s32 $0xFFFFFFF8  }
0x118: {  	v0 =	vld [tilespmem:$0x1FA28];
	_ =	sdelay $0x4  }
0x119: {  	(v2sf) =	vpush v0, $0x0;
	_ =	sdelay $0xa  }
.Ltmp2:
0x11a: {  	_ = 	snop;
	(pc) =	sbr.rel @!p0 .LBB2_2-.Ltmp2, $2  }
0x11b: {  	_ =	sdelay $0x2  }
0x11c: {  	s0 =	simm.s32 $0x0;
	s13 =	spop (v2sf)  }
0x11d: {  	s1 =	rddreg [dreg:$0x14];
	s2 =	simm.s32 $0xF428  }
0x11e: {  	[tilespmem:s2], [sflag:$0x7] =	stream.linear.gather [hbm4b:s1+s0], $0x3D00, $0x38;
	[tilespmem:$0x1FAA8] =	vst v63  }
0x11f: {  	_ =	swait.ge [sflag:s14], $0x3D00  }
0x120: {  	[sflag:s14] =	ssyncset.done $0x0  }
0x121: {  	[sflag:s14] =	ssyncadd.s32 $0xFFFFC300  }
0x122: {  	s2 =	rddreg [dreg:$0x1]  }
.LBB2_13:
0x123: {  	p2 =	sne.s32 s0, $0xF200  }
.Ltmp3:
0x124: {  	_ = 	snop;
	(pc) =	sbr.rel @p2 .LBB2_13-.Ltmp3, $4  }
0x125: {  	_ = 	snop  }
0x126: {  	s1 =	sshra.s32 s0, $0x2  }
0x127: {  	s0 =	sadd.s32 $0x200, s0;
	s7 =	sadd.s32 $0x13128, s1;
	s1 =	sadd.s32 $0xF428, s1  }
0x128: {  	[tilespmem:s7], [sflag:$0x1] =	stream.indirect.gather [hbm4b:s2+s18], $0x1, s1, s18, $0xb8;
	[tilespmem:$0x1FAA8] =	vst v63  }
0x129: {  	_ =	swait.ge [sflag:s19], $0x80  }
0x12a: {  	s0 =	simm.s32 $0x79;
	[sflag:s19] =	ssyncset.done $0x0  }
.LBB2_15:
0x12b: {  	p2 =	sne.s32 s0, $0x1;
	s0 =	sadd.s32 $0xFFFFFFFF, s0;
	[sflag:s19] =	ssyncadd.s32 $0xFFFFFF80  }
.Ltmp4:
0x12c: {  	(pc) =	sbr.rel @p2 .LBB2_15-.Ltmp4, $3  }
0x12d: {  	_ =	sdelay $0x1  }
0x12e: {  	_ =	swait.ge [sflag:s19], $0x80  }
0x12f: {  	[sflag:s19] =	ssyncset.done $0x0  }
0x130: {  	[sflag:s19] =	ssyncadd.s32 $0xFFFFFF80  }
0x131: {  	s0 =	simm.s32 $0x0;
	s1 =	rddreg [dreg:$0xb];
	s7 =	simm.s32 $0x13128  }
0x132: {  	[hbm4b:s1+s0] =	stream.linear.scatter [tilespmem:s7], [sflag:$0x6], $0x3D00, $0x38;
	[tilespmem:$0x1FAA8] =	vst v63  }
0x133: {  	s1 =	rddreg [dreg:$0x15]  }
0x134: {  	[spmem:s1] =	stream.linear.scatter [tilespmem:s7], [sflag:$0x7], $0x3D00, $0x38;
	[tilespmem:$0x1FAA8] =	vst v63  }
0x135: {  	_ =	swait.ge [sflag:s14], $0x3D00  }
0x136: {  	[sflag:s14] =	ssyncset.done $0x0  }
0x137: {  	s7 =	simm.s32 $0xF428;
	s1 =	rddreg [dreg:$0x17];
	[sflag:s14] =	ssyncadd.s32 $0xFFFFC300  }
0x138: {  	[tilespmem:s7], [sflag:$0x7] =	stream.linear.gather [hbm4b:s1+s0], $0x3D00, $0x38;
	[tilespmem:$0x1FAA8] =	vst v63  }
0x139: {  	_ =	swait.ge [sflag:s14], $0x3D00  }
0x13a: {  	[sflag:s14] =	ssyncset.done $0x0  }
0x13b: {  	[sflag:s14] =	ssyncadd.s32 $0xFFFFC300  }
.LBB2_17:
0x13c: {  	p2 =	sne.s32 s0, $0xF200  }
.Ltmp5:
0x13d: {  	_ = 	snop;
	(pc) =	sbr.rel @p2 .LBB2_17-.Ltmp5, $4  }
0x13e: {  	_ = 	snop  }
0x13f: {  	s1 =	sshra.s32 s0, $0x2  }
0x140: {  	s0 =	sadd.s32 $0x200, s0;
	s7 =	sadd.s32 $0x13128, s1;
	s1 =	sadd.s32 $0xF428, s1  }
0x141: {  	[tilespmem:s7], [sflag:$0x1] =	stream.indirect.gather [hbm4b:s2+s18], $0x1, s1, s18, $0xb8;
	[tilespmem:$0x1FAA8] =	vst v63  }
0x142: {  	_ =	swait.ge [sflag:s19], $0x80  }
0x143: {  	s0 =	simm.s32 $0x79;
	[sflag:s19] =	ssyncset.done $0x0  }
.LBB2_19:
0x144: {  	p2 =	sne.s32 s0, $0x1;
	s0 =	sadd.s32 $0xFFFFFFFF, s0;
	[sflag:s19] =	ssyncadd.s32 $0xFFFFFF80  }
.Ltmp6:
0x145: {  	(pc) =	sbr.rel @p2 .LBB2_19-.Ltmp6, $3  }
0x146: {  	_ =	sdelay $0x1  }
0x147: {  	_ =	swait.ge [sflag:s19], $0x80  }
0x148: {  	[sflag:s19] =	ssyncset.done $0x0  }
0x149: {  	[sflag:s19] =	ssyncadd.s32 $0xFFFFFF80;
	s1 =	simm.s32 $0x6  }
0x14a: {  	_ =	swait.ge [sflag:s1], $0x3D00  }
0x14b: {  	[sflag:s1] =	ssyncset.done $0x0  }
0x14c: {  	s7 =	simm.s32 $0x13128;
	s0 =	rddreg [dreg:$0xc];
	[sflag:s1] =	ssyncadd.s32 $0xFFFFC300  }
0x14d: {  	[hbm4b:s0+s6] =	stream.linear.scatter [tilespmem:s7], [sflag:$0x6], $0x3D00, $0x38;
	[tilespmem:$0x1FAA8] =	vst v63  }
.Ltmp7:
0x14e: {  	s0 =	rddreg [dreg:$0x18];
	(pc) =	sbr.rel @p1 .LBB2_23-.Ltmp7, $4  }
0x14f: {  	[spmem:s0] =	stream.linear.scatter [tilespmem:s7], [sflag:$0x7], $0x3D00, $0x38;
	[tilespmem:$0x1FAA8] =	vst v63  }
0x150: {  	_ =	swait.ge [sflag:s14], $0x3D00  }
0x151: {  	[sflag:s14] =	ssyncset.done $0x0  }
0x152: {  	[sflag:s14] =	ssyncadd.s32 $0xFFFFC300  }
0x153: {  	[smem:$0x7F6] =	sst s13  }
0x154: {  	s0 =	rddreg [dreg:$0x19];
	s1 =	simm.s32 $0xF428  }
0x155: {  	[tilespmem:s1], [sflag:$0x7] =	stream.linear.gather [hbm4b:s0+s6], $0x120, $0x38;
	[tilespmem:$0x1FAA8] =	vst v63  }
0x156: {  	_ =	swait.ge [sflag:s14], $0x120  }
.Ltmp8:
0x157: {  	s15 =	simm.s32 $0xF4A8;
	[sflag:s14] =	ssyncset.done $0x0;
	(pc) =	sbr.rel .LBB2_22-.Ltmp8, $4  }
0x158: {  	s28 =	simm.s32 $0x131A8;
	s0 =	sld [smem:$0x7FC];
	[sflag:s14] =	ssyncadd.s32 $0xFFFFFEE0  }
0x159: {  	[tilespmem:s7], [sflag:$0x1] =	stream.indirect.gather [hbm4b:s2+s18], $0x1, s1, s18, $0xb8;
	[tilespmem:$0x1FAA8] =	vst v63  }
0x15a: {  	s13 =	simm.s32 $0x13128;
	s7 =	smov.u32 s2;
	s1 =	rddreg [dreg:$0x1b]  }
0x15b: {  	[tilespmem:s28], [sflag:$0x1] =	stream.indirect.gather [hbm4b:s2+s18], $0x1, s15, s18, $0xb8;
	[tilespmem:$0x1FAA8] =	vst v63  }
.LBB2_2:
0x15c: {  	s1 =	rddreg [dreg:$0x13];
	s2 =	simm.s32 $0xF428  }
0x15d: {  	[tilespmem:s2], [sflag:$0x7] =	stream.linear.gather [hbm4b:s1+s0], $0x3D00, $0x38;
	[tilespmem:$0x1FAA8] =	vst v63  }
0x15e: {  	_ =	swait.ge [sflag:s14], $0x3D00  }
0x15f: {  	[sflag:s14] =	ssyncset.done $0x0  }
0x160: {  	[sflag:s14] =	ssyncadd.s32 $0xFFFFC300  }
0x161: {  	s2 =	rddreg [dreg:$0x0]  }
.LBB2_3:
0x162: {  	p2 =	sne.s32 s0, $0xF200  }
.Ltmp9:
0x163: {  	_ = 	snop;
	(pc) =	sbr.rel @p2 .LBB2_3-.Ltmp9, $4  }
0x164: {  	_ = 	snop  }
0x165: {  	s1 =	sshra.s32 s0, $0x2  }
0x166: {  	s0 =	sadd.s32 $0x200, s0;
	s7 =	sadd.s32 $0x13128, s1;
	s1 =	sadd.s32 $0xF428, s1  }
0x167: {  	[tilespmem:s7], [sflag:$0x1] =	stream.indirect.gather [hbm4b:s2+s18], $0x1, s1, s18, $0xb8;
	[tilespmem:$0x1FAA8] =	vst v63  }
0x168: {  	_ =	swait.ge [sflag:s19], $0x80  }
0x169: {  	s0 =	simm.s32 $0x79;
	[sflag:s19] =	ssyncset.done $0x0  }
.LBB2_5:
0x16a: {  	p2 =	sne.s32 s0, $0x1;
	s0 =	sadd.s32 $0xFFFFFFFF, s0;
	[sflag:s19] =	ssyncadd.s32 $0xFFFFFF80  }
.Ltmp10:
0x16b: {  	(pc) =	sbr.rel @p2 .LBB2_5-.Ltmp10, $3  }
0x16c: {  	_ =	sdelay $0x1  }
0x16d: {  	_ =	swait.ge [sflag:s19], $0x80  }
0x16e: {  	[sflag:s19] =	ssyncset.done $0x0  }
0x16f: {  	[sflag:s19] =	ssyncadd.s32 $0xFFFFFF80  }
0x170: {  	s0 =	simm.s32 $0x0;
	s1 =	rddreg [dreg:$0x10];
	s7 =	simm.s32 $0x13128  }
0x171: {  	[hbm4b:s1+s0] =	stream.linear.scatter [tilespmem:s7], [sflag:$0x6], $0x3D00, $0x38;
	[tilespmem:$0x1FAA8] =	vst v63  }
0x172: {  	s1 =	rddreg [dreg:$0x9]  }
0x173: {  	[spmem:s1] =	stream.linear.scatter [tilespmem:s7], [sflag:$0x7], $0x3D00, $0x38;
	[tilespmem:$0x1FAA8] =	vst v63  }
0x174: {  	_ =	swait.ge [sflag:s14], $0x3D00  }
0x175: {  	[sflag:s14] =	ssyncset.done $0x0  }
0x176: {  	s7 =	simm.s32 $0xF428;
	s1 =	rddreg [dreg:$0x16];
	[sflag:s14] =	ssyncadd.s32 $0xFFFFC300  }
0x177: {  	[tilespmem:s7], [sflag:$0x7] =	stream.linear.gather [hbm4b:s1+s0], $0x3D00, $0x38;
	[tilespmem:$0x1FAA8] =	vst v63  }
0x178: {  	_ =	swait.ge [sflag:s14], $0x3D00  }
0x179: {  	[sflag:s14] =	ssyncset.done $0x0  }
0x17a: {  	[sflag:s14] =	ssyncadd.s32 $0xFFFFC300  }
.LBB2_7:
0x17b: {  	p2 =	sne.s32 s0, $0xF200  }
.Ltmp11:
0x17c: {  	_ = 	snop;
	(pc) =	sbr.rel @p2 .LBB2_7-.Ltmp11, $4  }
0x17d: {  	_ = 	snop  }
0x17e: {  	s1 =	sshra.s32 s0, $0x2  }
0x17f: {  	s0 =	sadd.s32 $0x200, s0;
	s7 =	sadd.s32 $0x13128, s1;
	s1 =	sadd.s32 $0xF428, s1  }
0x180: {  	[tilespmem:s7], [sflag:$0x1] =	stream.indirect.gather [hbm4b:s2+s18], $0x1, s1, s18, $0xb8;
	[tilespmem:$0x1FAA8] =	vst v63  }
0x181: {  	_ =	swait.ge [sflag:s19], $0x80  }
0x182: {  	s0 =	simm.s32 $0x79;
	[sflag:s19] =	ssyncset.done $0x0  }
.LBB2_9:
0x183: {  	p2 =	sne.s32 s0, $0x1;
	s0 =	sadd.s32 $0xFFFFFFFF, s0;
	[sflag:s19] =	ssyncadd.s32 $0xFFFFFF80  }
.Ltmp12:
0x184: {  	(pc) =	sbr.rel @p2 .LBB2_9-.Ltmp12, $3  }
0x185: {  	_ =	sdelay $0x1  }
0x186: {  	_ =	swait.ge [sflag:s19], $0x80  }
0x187: {  	[sflag:s19] =	ssyncset.done $0x0  }
0x188: {  	[sflag:s19] =	ssyncadd.s32 $0xFFFFFF80;
	s1 =	simm.s32 $0x6  }
0x189: {  	_ =	swait.ge [sflag:s1], $0x3D00  }
0x18a: {  	[sflag:s1] =	ssyncset.done $0x0  }
0x18b: {  	s7 =	simm.s32 $0x13128;
	s0 =	rddreg [dreg:$0x11];
	[sflag:s1] =	ssyncadd.s32 $0xFFFFC300  }
0x18c: {  	[hbm4b:s0+s6] =	stream.linear.scatter [tilespmem:s7], [sflag:$0x6], $0x3D00, $0x38;
	[tilespmem:$0x1FAA8] =	vst v63  }
.Ltmp13:
0x18d: {  	s0 =	rddreg [dreg:$0x12];
	(pc) =	sbr.rel @p1 .LBB2_23-.Ltmp13, $4  }
0x18e: {  	[spmem:s0] =	stream.linear.scatter [tilespmem:s7], [sflag:$0x7], $0x3D00, $0x38;
	[tilespmem:$0x1FAA8] =	vst v63  }
0x18f: {  	_ =	swait.ge [sflag:s14], $0x3D00  }
0x190: {  	[sflag:s14] =	ssyncset.done $0x0  }
0x191: {  	[sflag:s14] =	ssyncadd.s32 $0xFFFFC300  }
0x192: {  	s0 =	sld [smem:$0x7FA];
	_ =	sdelay $0x1  }
0x193: {  	[smem:$0x7F6] =	sst s13;
	s1 =	simm.s32 $0xF428  }
0x194: {  	[tilespmem:s1], [sflag:$0x7] =	stream.linear.gather [hbm4b:s0+s6], $0x120, $0x38;
	[tilespmem:$0x1FAA8] =	vst v63  }
0x195: {  	_ =	swait.ge [sflag:s14], $0x120  }
0x196: {  	s15 =	simm.s32 $0xF4A8;
	[sflag:s14] =	ssyncset.done $0x0  }
0x197: {  	s28 =	simm.s32 $0x131A8;
	s0 =	sld [smem:$0x7FB];
	[sflag:s14] =	ssyncadd.s32 $0xFFFFFEE0  }
0x198: {  	[tilespmem:s7], [sflag:$0x1] =	stream.indirect.gather [hbm4b:s2+s18], $0x1, s1, s18, $0xb8;
	[tilespmem:$0x1FAA8] =	vst v63  }
0x199: {  	s13 =	simm.s32 $0x13128;
	s7 =	smov.u32 s2;
	s1 =	rddreg [dreg:$0x1a]  }
0x19a: {  	[tilespmem:s28], [sflag:$0x1] =	stream.indirect.gather [hbm4b:s2+s18], $0x1, s15, s18, $0xb8;
	[tilespmem:$0x1FAA8] =	vst v63  }
.LBB2_22:
0x19b: {  	s2 =	simm.s32 $0x20;
	s15 =	simm.s32 $0xF528;
	s28 =	simm.s32 $0x13228  }
0x19c: {  	[tilespmem:s28], [sflag:$0x1] =	stream.indirect.gather [hbm4b:s7+s2], $0x1, s15, s2, $0xb8;
	[tilespmem:$0x1FAA8] =	vst v63  }
0x19d: {  	_ =	swait.ge [sflag:s19], $0x80  }
0x19e: {  	[sflag:s19] =	ssyncset.done $0x0  }
0x19f: {  	[sflag:s19] =	ssyncadd.s32 $0xFFFFFF80  }
0x1a0: {  	_ =	swait.ge [sflag:s19], $0x80  }
0x1a1: {  	[sflag:s19] =	ssyncset.done $0x0  }
0x1a2: {  	[sflag:s19] =	ssyncadd.s32 $0xFFFFFF80  }
0x1a3: {  	_ =	swait.ge [sflag:s19], $0x20  }
0x1a4: {  	[sflag:s19] =	ssyncset.done $0x0  }
0x1a5: {  	[sflag:s19] =	ssyncadd.s32 $0xFFFFFFE0  }
0x1a6: {  	[hbm4b:s1+s6] =	stream.linear.scatter [tilespmem:s13], [sflag:$0x7], $0x120, $0x38;
	[tilespmem:$0x1FAA8] =	vst v63  }
0x1a7: {  	_ =	swait.ge [sflag:s14], $0x120  }
0x1a8: {  	[sflag:s14] =	ssyncset.done $0x0  }
0x1a9: {  	[sflag:s14] =	ssyncadd.s32 $0xFFFFFEE0  }
0x1aa: {  	[spmem:s0] =	stream.linear.scatter [tilespmem:s13], [sflag:$0x7], $0x120, $0x38;
	[tilespmem:$0x1FAA8] =	vst v63  }
0x1ab: {  	_ =	swait.ge [sflag:s14], $0x120  }
0x1ac: {  	s15 =	simm.s32 $0x16EA8;
	s28 =	simm.s32 $0x1B4A8;
	[sflag:s14] =	ssyncset.done $0x0  }
0x1ad: {  	s1 =	simm.s32 $0x6;
	s13 =	sld [smem:$0x7F6];
	[sflag:s14] =	ssyncadd.s32 $0xFFFFFEE0  }
.LBB2_23:
0x1ae: {  	_ =	sdelay $0x1  }
0x1af: {  	_ =	swait.ge [sflag:s1], $0x3D00;
	s0 =	smul.u32 $0x9E3779B9, s13  }
0x1b0: {  	[sflag:s1] =	ssyncset.done $0x0  }
0x1b1: {  	[sflag:s1] =	ssyncadd.s32 $0xFFFFC300;
	s7 =	sadd.s32 $0x5AC3B1F, s0  }
0x1b2: {  	[bflag:$0x0] =	sbarrier.arrive $0xFFFF;
	v0 =	vmov s7  }
0x1b3: {  	s2 =	simm.s32 $0x1FA28;
	s0 =	simm.s32 $0x0;
	s13 =	rddreg [dreg:$0xa];
	[tilespmem:$0x1FA28] =	vst v0  }
0x1b4: {  	[hbm4b:s13+s0] =	stream.linear.scatter [tilespmem:s2], [sflag:$0x7], $0x8, $0x38;
	[tilespmem:$0x1FAA8] =	vst v63  }
0x1b5: {  	p2 =	por $0x0, $0x0;
	_ =	swait.ge [sflag:s14], $0x8  }
0x1b6: {  	s1 =	simm.s32 @!p2 $0x0;
	[sflag:s14] =	ssyncset.done $0x0  }
0x1b7: {  	s2 =	simm.s32 @!p2 $0x1FA30;
	s13 =	simm.s32 @!p2 $0x7;
	[sflag:s14] =	ssyncadd.s32 $0xFFFFFFF8  }
0x1b8: {  	[tilespmem:s2], [sflag:$0x7] =	stream.linear.gather @!p2 [hbm4b:s9+s1], $0x8, $0x38;
	[tilespmem:$0x1FAA8] =	vst v63  }
0x1b9: {  	_ =	swait.ge @!p2 [sflag:s13], $0x8  }
0x1ba: {  	[sflag:s13] =	ssyncset.done @!p2 $0x0  }
0x1bb: {  	[sflag:s13] =	ssyncadd.s32 @!p2 $0xFFFFFFF8  }
0x1bc: {  	v63 =	vld [tilespmem:$0x1FA28];
	_ =	sdelay $0x4  }
0x1bd: {  	(v2sf) =	vpush v63, $0x8;
	_ =	sdelay $0xe  }
0x1be: {  	s14 =	spop (v2sf)  }
0x1bf: {  	s1 =	simm.s32 $0x17F;
	p3 =	seq.s32 s14, s7  }
.LBB2_24:
0x1c0: {  	s1 =	sadd.s32 $0xFFFFFFFF, s1;
	s0 =	simm.s32 @p3 $0x1  }
0x1c1: {  	p3 =	sne.s32 s0, $0x0;
	p2 =	sne.s32 s1, $0x0  }
0x1c2: {  	s2 =	simm.s32 @!p3 $0x0;
	s13 =	simm.s32 @!p3 $0x1FA30;
	s14 =	simm.s32 @!p3 $0x7  }
0x1c3: {  	[tilespmem:s13], [sflag:$0x7] =	stream.linear.gather @!p3 [hbm4b:s9+s2], $0x8, $0x38;
	[tilespmem:$0x1FAA8] =	vst v63  }
0x1c4: {  	_ =	swait.ge @!p3 [sflag:s14], $0x8  }
0x1c5: {  	[sflag:s14] =	ssyncset.done @!p3 $0x0  }
0x1c6: {  	[sflag:s14] =	ssyncadd.s32 @!p3 $0xFFFFFFF8  }
0x1c7: {  	v0 =	vld [tilespmem:$0x1FA28];
	_ =	sdelay $0x4  }
0x1c8: {  	(v2sf) =	vpush v0, $0x8;
	_ =	sdelay $0xb  }
.Ltmp14:
0x1c9: {  	(pc) =	sbr.rel @p2 .LBB2_24-.Ltmp14, $3  }
0x1ca: {  	_ =	sdelay $0x1  }
0x1cb: {  	s2 =	spop (v2sf)  }
0x1cc: {  	p3 =	seq.s32 s2, s7  }
0x1cd: {  	s0 =	rddreg [dreg:$0xd];
	s1 =	simm.s32 $0x13128;
	s14 =	simm.s32 $0x7  }
0x1ce: {  	[tilespmem:s1], [sflag:$0x7] =	stream.linear.gather [hbm4b:s0+s6], $0x3D00, $0x38;
	[tilespmem:$0x1FAA8] =	vst v63  }
0x1cf: {  	_ =	swait.ge [sflag:s14], $0x3D00  }
0x1d0: {  	[sflag:s14] =	ssyncset.done $0x0  }
0x1d1: {  	s2 =	rddreg [dreg:$0x1c];
	[sflag:s14] =	ssyncadd.s32 $0xFFFFC300  }
0x1d2: {  	[spmem:s2] =	stream.linear.scatter [tilespmem:s1], [sflag:$0x7], $0x3D00, $0x38;
	[tilespmem:$0x1FAA8] =	vst v63  }
0x1d3: {  	_ =	swait.ge [sflag:s14], $0x3D00  }
0x1d4: {  	[sflag:s14] =	ssyncset.done $0x0  }
0x1d5: {  	s7 =	rddreg [dreg:$0xe];
	[sflag:s14] =	ssyncadd.s32 $0xFFFFC300  }
0x1d6: {  	[tilespmem:s1], [sflag:$0x7] =	stream.linear.gather [hbm4b:s7+s6], $0x3D00, $0x38;
	[tilespmem:$0x1FAA8] =	vst v63  }
0x1d7: {  	_ =	swait.ge [sflag:s14], $0x3D00  }
0x1d8: {  	[sflag:s14] =	ssyncset.done $0x0  }
0x1d9: {  	s13 =	rddreg [dreg:$0x1d];
	[sflag:s14] =	ssyncadd.s32 $0xFFFFC300  }
0x1da: {  	[spmem:s13] =	stream.linear.scatter [tilespmem:s1], [sflag:$0x7], $0x3D00, $0x38;
	[tilespmem:$0x1FAA8] =	vst v63  }
0x1db: {  	_ =	swait.ge [sflag:s14], $0x3D00  }
0x1dc: {  	s0 =	simm.s32 @!p1 $0x0;
	[sflag:s14] =	ssyncset.done $0x0  }
0x1dd: {  	s1 =	simm.s32 @!p1 $0x13128;
	s2 =	rddreg [dreg:$0xf];
	[sflag:s14] =	ssyncadd.s32 $0xFFFFC300  }
0x1de: {  	[tilespmem:s1], [sflag:$0x7] =	stream.linear.gather @!p1 [hbm4b:s2+s0], $0x120, $0x38;
	[tilespmem:$0x1FAA8] =	vst v63  }
0x1df: {  	s0 =	simm.s32 @!p1 $0x7  }
0x1e0: {  	_ =	swait.ge @!p1 [sflag:s0], $0x120  }
0x1e1: {  	[sflag:s0] =	ssyncset.done @!p1 $0x0  }
0x1e2: {  	s2 =	rddreg [dreg:$0x1e];
	[sflag:s0] =	ssyncadd.s32 @!p1 $0xFFFFFEE0  }
0x1e3: {  	[spmem:s2] =	stream.linear.scatter @!p1 [tilespmem:s1], [sflag:$0x7], $0x120, $0x38;
	[tilespmem:$0x1FAA8] =	vst v63  }
0x1e4: {  	_ =	swait.ge @!p1 [sflag:s0], $0x120  }
0x1e5: {  	[sflag:s0] =	ssyncset.done @!p1 $0x0  }
0x1e6: {  	[sflag:s0] =	ssyncadd.s32 @!p1 $0xFFFFFEE0  }
0x1e7: {  	[bflag:$0x0] =	sbarrier.arrive $0xFFFF  }
0x1e8: {  	s1 =	rddreg [dreg:$0x5]  }
0x1e9: {  	s7 =	simm.s32 $0x0;
	s2 =	sld [smem:$0x7FD]  }
.LBB2_26:
0x1ea: {  	_ =	swait.ge [sflag:s22], $0x2300  }
0x1eb: {  	p2 =	seq.s32 s7, $0x0;
	[sflag:s22] =	ssyncset.done $0x0  }
0x1ec: {  	s0 =	simm.s32 @!p2 $0x5;
	[sflag:s22] =	ssyncadd.s32 $0xFFFFDD00  }
0x1ed: {  	_ =	swait.ge @!p2 [sflag:s0], $0x2300  }
0x1ee: {  	[sflag:s0] =	ssyncset.done @!p2 $0x0  }
0x1ef: {  	[sflag:s0] =	ssyncadd.s32 @!p2 $0xFFFFDD00  }
0x1f0: {  	[tilespmem:s23], [sflag:$0x3] =	stream.indirect.gather [spmem:s5], $0x1, s11, s18, $0xb8;
	[tilespmem:$0x1FAA8] =	vst v63  }
0x1f1: {  	_ = 	snop  }
0x1f2: {  	[tilespmem:s28], [sflag:$0x3] =	stream.indirect.gather [spmem:s5], $0x1, s15, s18, $0xb8;
	[tilespmem:$0x1FAA8] =	vst v63  }
0x1f3: {  	s13 =	simm.s32 $0x1B528;
	s0 =	simm.s32 $0x16F28  }
0x1f4: {  	[tilespmem:s13], [sflag:$0x3] =	stream.indirect.gather [spmem:s5], $0x1, s0, s18, $0xb8;
	[tilespmem:$0x1FAA8] =	vst v63  }
0x1f5: {  	s0 =	simm.s32 $0x16FA8;
	s13 =	simm.s32 $0x1B5A8  }
0x1f6: {  	[tilespmem:s13], [sflag:$0x3] =	stream.indirect.gather [spmem:s5], $0x1, s0, s18, $0xb8;
	[tilespmem:$0x1FAA8] =	vst v63  }
0x1f7: {  	s0 =	simm.s32 $0x17028;
	s13 =	simm.s32 $0x1B628  }
0x1f8: {  	[tilespmem:s13], [sflag:$0x3] =	stream.indirect.gather [spmem:s5], $0x1, s0, s18, $0xb8;
	[tilespmem:$0x1FAA8] =	vst v63  }
0x1f9: {  	s0 =	simm.s32 $0x170A8;
	s13 =	simm.s32 $0x1B6A8  }
0x1fa: {  	[tilespmem:s13], [sflag:$0x3] =	stream.indirect.gather [spmem:s5], $0x1, s0, s18, $0xb8;
	[tilespmem:$0x1FAA8] =	vst v63  }
0x1fb: {  	s0 =	simm.s32 $0x17128;
	s13 =	simm.s32 $0x1B728  }
0x1fc: {  	[tilespmem:s13], [sflag:$0x3] =	stream.indirect.gather [spmem:s5], $0x1, s0, s18, $0xb8;
	[tilespmem:$0x1FAA8] =	vst v63  }
0x1fd: {  	s0 =	simm.s32 $0x171A8;
	s13 =	simm.s32 $0x1B7A8  }
0x1fe: {  	[tilespmem:s13], [sflag:$0x3] =	stream.indirect.gather [spmem:s5], $0x1, s0, s18, $0xb8;
	[tilespmem:$0x1FAA8] =	vst v63  }
0x1ff: {  	s0 =	simm.s32 $0x17228;
	s13 =	simm.s32 $0x1B828  }
0x200: {  	[tilespmem:s13], [sflag:$0x3] =	stream.indirect.gather [spmem:s5], $0x1, s0, s18, $0xb8;
	[tilespmem:$0x1FAA8] =	vst v63  }
0x201: {  	s0 =	simm.s32 $0x172A8;
	s13 =	simm.s32 $0x1B8A8  }
0x202: {  	[tilespmem:s13], [sflag:$0x3] =	stream.indirect.gather [spmem:s5], $0x1, s0, s18, $0xb8;
	[tilespmem:$0x1FAA8] =	vst v63  }
0x203: {  	s0 =	simm.s32 $0x17328;
	s13 =	simm.s32 $0x1B928  }
0x204: {  	[tilespmem:s13], [sflag:$0x3] =	stream.indirect.gather [spmem:s5], $0x1, s0, s18, $0xb8;
	[tilespmem:$0x1FAA8] =	vst v63  }
0x205: {  	s0 =	simm.s32 $0x173A8;
	s13 =	simm.s32 $0x1B9A8  }
0x206: {  	[tilespmem:s13], [sflag:$0x3] =	stream.indirect.gather [spmem:s5], $0x1, s0, s18, $0xb8;
	[tilespmem:$0x1FAA8] =	vst v63  }
0x207: {  	s0 =	simm.s32 $0x17428;
	s13 =	simm.s32 $0x1BA28  }
0x208: {  	[tilespmem:s13], [sflag:$0x3] =	stream.indirect.gather [spmem:s5], $0x1, s0, s18, $0xb8;
	[tilespmem:$0x1FAA8] =	vst v63  }
0x209: {  	s0 =	simm.s32 $0x174A8;
	s13 =	simm.s32 $0x1BAA8  }
0x20a: {  	[tilespmem:s13], [sflag:$0x3] =	stream.indirect.gather [spmem:s5], $0x1, s0, s18, $0xb8;
	[tilespmem:$0x1FAA8] =	vst v63  }
0x20b: {  	s0 =	simm.s32 $0x17528;
	s13 =	simm.s32 $0x1BB28  }
0x20c: {  	[tilespmem:s13], [sflag:$0x3] =	stream.indirect.gather [spmem:s5], $0x1, s0, s18, $0xb8;
	[tilespmem:$0x1FAA8] =	vst v63  }
0x20d: {  	s0 =	simm.s32 $0x175A8;
	s13 =	simm.s32 $0x1BBA8  }
0x20e: {  	[tilespmem:s13], [sflag:$0x3] =	stream.indirect.gather [spmem:s5], $0x1, s0, s18, $0xb8;
	[tilespmem:$0x1FAA8] =	vst v63  }
0x20f: {  	s0 =	simm.s32 $0x17628;
	s13 =	simm.s32 $0x1BC28  }
0x210: {  	[tilespmem:s13], [sflag:$0x3] =	stream.indirect.gather [spmem:s5], $0x1, s0, s18, $0xb8;
	[tilespmem:$0x1FAA8] =	vst v63  }
0x211: {  	s0 =	simm.s32 $0x176A8;
	s13 =	simm.s32 $0x1BCA8  }
0x212: {  	[tilespmem:s13], [sflag:$0x3] =	stream.indirect.gather [spmem:s5], $0x1, s0, s18, $0xb8;
	[tilespmem:$0x1FAA8] =	vst v63  }
0x213: {  	s0 =	simm.s32 $0x17728;
	s13 =	simm.s32 $0x1BD28  }
0x214: {  	[tilespmem:s13], [sflag:$0x3] =	stream.indirect.gather [spmem:s5], $0x1, s0, s18, $0xb8;
	[tilespmem:$0x1FAA8] =	vst v63  }
0x215: {  	s0 =	simm.s32 $0x177A8;
	s13 =	simm.s32 $0x1BDA8  }
0x216: {  	[tilespmem:s13], [sflag:$0x3] =	stream.indirect.gather [spmem:s5], $0x1, s0, s18, $0xb8;
	[tilespmem:$0x1FAA8] =	vst v63  }
0x217: {  	s0 =	simm.s32 $0x17828;
	s13 =	simm.s32 $0x1BE28  }
0x218: {  	[tilespmem:s13], [sflag:$0x3] =	stream.indirect.gather [spmem:s5], $0x1, s0, s18, $0xb8;
	[tilespmem:$0x1FAA8] =	vst v63  }
0x219: {  	s0 =	simm.s32 $0x178A8;
	s13 =	simm.s32 $0x1BEA8  }
0x21a: {  	[tilespmem:s13], [sflag:$0x3] =	stream.indirect.gather [spmem:s5], $0x1, s0, s18, $0xb8;
	[tilespmem:$0x1FAA8] =	vst v63  }
0x21b: {  	s0 =	simm.s32 $0x17928;
	s13 =	simm.s32 $0x1BF28  }
0x21c: {  	[tilespmem:s13], [sflag:$0x3] =	stream.indirect.gather [spmem:s5], $0x1, s0, s18, $0xb8;
	[tilespmem:$0x1FAA8] =	vst v63  }
0x21d: {  	s0 =	simm.s32 $0x179A8;
	s13 =	simm.s32 $0x1BFA8  }
0x21e: {  	[tilespmem:s13], [sflag:$0x3] =	stream.indirect.gather [spmem:s5], $0x1, s0, s18, $0xb8;
	[tilespmem:$0x1FAA8] =	vst v63  }
0x21f: {  	s0 =	simm.s32 $0x17A28;
	s13 =	simm.s32 $0x1C028  }
0x220: {  	[tilespmem:s13], [sflag:$0x3] =	stream.indirect.gather [spmem:s5], $0x1, s0, s18, $0xb8;
	[tilespmem:$0x1FAA8] =	vst v63  }
0x221: {  	s0 =	simm.s32 $0x17AA8;
	s13 =	simm.s32 $0x1C0A8  }
0x222: {  	[tilespmem:s13], [sflag:$0x3] =	stream.indirect.gather [spmem:s5], $0x1, s0, s18, $0xb8;
	[tilespmem:$0x1FAA8] =	vst v63  }
0x223: {  	s0 =	simm.s32 $0x17B28;
	s13 =	simm.s32 $0x1C128  }
0x224: {  	[tilespmem:s13], [sflag:$0x3] =	stream.indirect.gather [spmem:s5], $0x1, s0, s18, $0xb8;
	[tilespmem:$0x1FAA8] =	vst v63  }
0x225: {  	s0 =	simm.s32 $0x17BA8;
	s13 =	simm.s32 $0x1C1A8  }
0x226: {  	[tilespmem:s13], [sflag:$0x3] =	stream.indirect.gather [spmem:s5], $0x1, s0, s18, $0xb8;
	[tilespmem:$0x1FAA8] =	vst v63  }
0x227: {  	s0 =	simm.s32 $0x17C28;
	s13 =	simm.s32 $0x1C228  }
0x228: {  	[tilespmem:s13], [sflag:$0x3] =	stream.indirect.gather [spmem:s5], $0x1, s0, s18, $0xb8;
	[tilespmem:$0x1FAA8] =	vst v63  }
0x229: {  	s0 =	simm.s32 $0x17CA8;
	s13 =	simm.s32 $0x1C2A8  }
0x22a: {  	[tilespmem:s13], [sflag:$0x3] =	stream.indirect.gather [spmem:s5], $0x1, s0, s18, $0xb8;
	[tilespmem:$0x1FAA8] =	vst v63  }
0x22b: {  	s0 =	simm.s32 $0x17D28;
	s13 =	simm.s32 $0x1C328  }
0x22c: {  	[tilespmem:s13], [sflag:$0x3] =	stream.indirect.gather [spmem:s5], $0x1, s0, s18, $0xb8;
	[tilespmem:$0x1FAA8] =	vst v63  }
0x22d: {  	s0 =	simm.s32 $0x17DA8;
	s13 =	simm.s32 $0x1C3A8  }
0x22e: {  	[tilespmem:s13], [sflag:$0x3] =	stream.indirect.gather [spmem:s5], $0x1, s0, s18, $0xb8;
	[tilespmem:$0x1FAA8] =	vst v63  }
0x22f: {  	s0 =	simm.s32 $0x17E28;
	s13 =	simm.s32 $0x1C428  }
0x230: {  	[tilespmem:s13], [sflag:$0x3] =	stream.indirect.gather [spmem:s5], $0x1, s0, s18, $0xb8;
	[tilespmem:$0x1FAA8] =	vst v63  }
0x231: {  	s0 =	simm.s32 $0x17EA8;
	s13 =	simm.s32 $0x1C4A8  }
0x232: {  	[tilespmem:s13], [sflag:$0x3] =	stream.indirect.gather [spmem:s5], $0x1, s0, s18, $0xb8;
	[tilespmem:$0x1FAA8] =	vst v63  }
0x233: {  	s0 =	simm.s32 $0x17F28;
	s13 =	simm.s32 $0x1C528  }
0x234: {  	[tilespmem:s13], [sflag:$0x3] =	stream.indirect.gather [spmem:s5], $0x1, s0, s18, $0xb8;
	[tilespmem:$0x1FAA8] =	vst v63  }
0x235: {  	s0 =	simm.s32 $0x17FA8;
	s13 =	simm.s32 $0x1C5A8  }
0x236: {  	[tilespmem:s13], [sflag:$0x3] =	stream.indirect.gather [spmem:s5], $0x1, s0, s18, $0xb8;
	[tilespmem:$0x1FAA8] =	vst v63  }
0x237: {  	s0 =	simm.s32 $0x18028;
	s13 =	simm.s32 $0x1C628  }
0x238: {  	[tilespmem:s13], [sflag:$0x3] =	stream.indirect.gather [spmem:s5], $0x1, s0, s18, $0xb8;
	[tilespmem:$0x1FAA8] =	vst v63  }
0x239: {  	s0 =	simm.s32 $0x180A8;
	s13 =	simm.s32 $0x1C6A8  }
0x23a: {  	[tilespmem:s13], [sflag:$0x3] =	stream.indirect.gather [spmem:s5], $0x1, s0, s18, $0xb8;
	[tilespmem:$0x1FAA8] =	vst v63  }
0x23b: {  	s0 =	simm.s32 $0x18128;
	s13 =	simm.s32 $0x1C728  }
0x23c: {  	[tilespmem:s13], [sflag:$0x3] =	stream.indirect.gather [spmem:s5], $0x1, s0, s18, $0xb8;
	[tilespmem:$0x1FAA8] =	vst v63  }
0x23d: {  	s0 =	simm.s32 $0x181A8;
	s13 =	simm.s32 $0x1C7A8  }
0x23e: {  	[tilespmem:s13], [sflag:$0x3] =	stream.indirect.gather [spmem:s5], $0x1, s0, s18, $0xb8;
	[tilespmem:$0x1FAA8] =	vst v63  }
0x23f: {  	s0 =	simm.s32 $0x18228;
	s13 =	simm.s32 $0x1C828  }
0x240: {  	[tilespmem:s13], [sflag:$0x3] =	stream.indirect.gather [spmem:s5], $0x1, s0, s18, $0xb8;
	[tilespmem:$0x1FAA8] =	vst v63  }
0x241: {  	s0 =	simm.s32 $0x182A8;
	s13 =	simm.s32 $0x1C8A8  }
0x242: {  	[tilespmem:s13], [sflag:$0x3] =	stream.indirect.gather [spmem:s5], $0x1, s0, s18, $0xb8;
	[tilespmem:$0x1FAA8] =	vst v63  }
0x243: {  	s0 =	simm.s32 $0x18328;
	s13 =	simm.s32 $0x1C928  }
0x244: {  	[tilespmem:s13], [sflag:$0x3] =	stream.indirect.gather [spmem:s5], $0x1, s0, s18, $0xb8;
	[tilespmem:$0x1FAA8] =	vst v63  }
0x245: {  	s0 =	simm.s32 $0x183A8;
	s13 =	simm.s32 $0x1C9A8  }
0x246: {  	[tilespmem:s13], [sflag:$0x3] =	stream.indirect.gather [spmem:s5], $0x1, s0, s18, $0xb8;
	[tilespmem:$0x1FAA8] =	vst v63  }
0x247: {  	s0 =	simm.s32 $0x18428;
	s13 =	simm.s32 $0x1CA28  }
0x248: {  	[tilespmem:s13], [sflag:$0x3] =	stream.indirect.gather [spmem:s5], $0x1, s0, s18, $0xb8;
	[tilespmem:$0x1FAA8] =	vst v63  }
0x249: {  	s0 =	simm.s32 $0x184A8;
	s13 =	simm.s32 $0x1CAA8  }
0x24a: {  	[tilespmem:s13], [sflag:$0x3] =	stream.indirect.gather [spmem:s5], $0x1, s0, s18, $0xb8;
	[tilespmem:$0x1FAA8] =	vst v63  }
0x24b: {  	s0 =	simm.s32 $0x18528;
	s13 =	simm.s32 $0x1CB28  }
0x24c: {  	[tilespmem:s13], [sflag:$0x3] =	stream.indirect.gather [spmem:s5], $0x1, s0, s18, $0xb8;
	[tilespmem:$0x1FAA8] =	vst v63  }
0x24d: {  	s0 =	simm.s32 $0x185A8;
	s13 =	simm.s32 $0x1CBA8  }
0x24e: {  	[tilespmem:s13], [sflag:$0x3] =	stream.indirect.gather [spmem:s5], $0x1, s0, s18, $0xb8;
	[tilespmem:$0x1FAA8] =	vst v63  }
0x24f: {  	s0 =	simm.s32 $0x18628;
	s13 =	simm.s32 $0x1CC28  }
0x250: {  	[tilespmem:s13], [sflag:$0x3] =	stream.indirect.gather [spmem:s5], $0x1, s0, s18, $0xb8;
	[tilespmem:$0x1FAA8] =	vst v63  }
0x251: {  	s0 =	simm.s32 $0x186A8;
	s13 =	simm.s32 $0x1CCA8  }
0x252: {  	[tilespmem:s13], [sflag:$0x3] =	stream.indirect.gather [spmem:s5], $0x1, s0, s18, $0xb8;
	[tilespmem:$0x1FAA8] =	vst v63  }
0x253: {  	s0 =	simm.s32 $0x18728;
	s13 =	simm.s32 $0x1CD28  }
0x254: {  	[tilespmem:s13], [sflag:$0x3] =	stream.indirect.gather [spmem:s5], $0x1, s0, s18, $0xb8;
	[tilespmem:$0x1FAA8] =	vst v63  }
0x255: {  	s0 =	simm.s32 $0x187A8;
	s13 =	simm.s32 $0x1CDA8  }
0x256: {  	[tilespmem:s13], [sflag:$0x3] =	stream.indirect.gather [spmem:s5], $0x1, s0, s18, $0xb8;
	[tilespmem:$0x1FAA8] =	vst v63  }
0x257: {  	s0 =	simm.s32 $0x18828;
	s13 =	simm.s32 $0x1CE28  }
0x258: {  	[tilespmem:s13], [sflag:$0x3] =	stream.indirect.gather [spmem:s5], $0x1, s0, s18, $0xb8;
	[tilespmem:$0x1FAA8] =	vst v63  }
0x259: {  	s0 =	simm.s32 $0x188A8;
	s13 =	simm.s32 $0x1CEA8  }
0x25a: {  	[tilespmem:s13], [sflag:$0x3] =	stream.indirect.gather [spmem:s5], $0x1, s0, s18, $0xb8;
	[tilespmem:$0x1FAA8] =	vst v63  }
0x25b: {  	s0 =	simm.s32 $0x18928;
	s13 =	simm.s32 $0x1CF28  }
0x25c: {  	[tilespmem:s13], [sflag:$0x3] =	stream.indirect.gather [spmem:s5], $0x1, s0, s18, $0xb8;
	[tilespmem:$0x1FAA8] =	vst v63  }
0x25d: {  	s0 =	simm.s32 $0x189A8;
	s13 =	simm.s32 $0x1CFA8  }
0x25e: {  	[tilespmem:s13], [sflag:$0x3] =	stream.indirect.gather [spmem:s5], $0x1, s0, s18, $0xb8;
	[tilespmem:$0x1FAA8] =	vst v63  }
0x25f: {  	s0 =	simm.s32 $0x18A28;
	s13 =	simm.s32 $0x1D028  }
0x260: {  	[tilespmem:s13], [sflag:$0x3] =	stream.indirect.gather [spmem:s5], $0x1, s0, s18, $0xb8;
	[tilespmem:$0x1FAA8] =	vst v63  }
0x261: {  	s0 =	simm.s32 $0x18AA8;
	s13 =	simm.s32 $0x1D0A8  }
0x262: {  	[tilespmem:s13], [sflag:$0x3] =	stream.indirect.gather [spmem:s5], $0x1, s0, s18, $0xb8;
	[tilespmem:$0x1FAA8] =	vst v63  }
0x263: {  	s0 =	simm.s32 $0x18B28;
	s13 =	simm.s32 $0x1D128  }
0x264: {  	[tilespmem:s13], [sflag:$0x3] =	stream.indirect.gather [spmem:s5], $0x1, s0, s18, $0xb8;
	[tilespmem:$0x1FAA8] =	vst v63  }
0x265: {  	s0 =	simm.s32 $0x18BA8;
	s13 =	simm.s32 $0x1D1A8  }
0x266: {  	[tilespmem:s13], [sflag:$0x3] =	stream.indirect.gather [spmem:s5], $0x1, s0, s18, $0xb8;
	[tilespmem:$0x1FAA8] =	vst v63  }
0x267: {  	s0 =	simm.s32 $0x18C28;
	s13 =	simm.s32 $0x1D228  }
0x268: {  	[tilespmem:s13], [sflag:$0x3] =	stream.indirect.gather [spmem:s5], $0x1, s0, s18, $0xb8;
	[tilespmem:$0x1FAA8] =	vst v63  }
0x269: {  	s0 =	simm.s32 $0x18CA8;
	s13 =	simm.s32 $0x1D2A8  }
0x26a: {  	[tilespmem:s13], [sflag:$0x3] =	stream.indirect.gather [spmem:s5], $0x1, s0, s18, $0xb8;
	[tilespmem:$0x1FAA8] =	vst v63  }
0x26b: {  	s0 =	simm.s32 $0x18D28;
	s13 =	simm.s32 $0x1D328  }
0x26c: {  	[tilespmem:s13], [sflag:$0x3] =	stream.indirect.gather [spmem:s5], $0x1, s0, s18, $0xb8;
	[tilespmem:$0x1FAA8] =	vst v63  }
0x26d: {  	s0 =	simm.s32 $0x18DA8;
	s13 =	simm.s32 $0x1D3A8  }
0x26e: {  	[tilespmem:s13], [sflag:$0x3] =	stream.indirect.gather [spmem:s5], $0x1, s0, s18, $0xb8;
	[tilespmem:$0x1FAA8] =	vst v63  }
0x26f: {  	s0 =	simm.s32 $0x18E28;
	s13 =	simm.s32 $0x1D428  }
0x270: {  	[tilespmem:s13], [sflag:$0x3] =	stream.indirect.gather [spmem:s5], $0x1, s0, s18, $0xb8;
	[tilespmem:$0x1FAA8] =	vst v63  }
0x271: {  	s0 =	simm.s32 $0x18EA8;
	s13 =	simm.s32 $0x1D4A8  }
0x272: {  	[tilespmem:s13], [sflag:$0x3] =	stream.indirect.gather [spmem:s5], $0x1, s0, s18, $0xb8;
	[tilespmem:$0x1FAA8] =	vst v63  }
0x273: {  	s0 =	simm.s32 $0x18F28;
	s13 =	simm.s32 $0x1D528  }
0x274: {  	[tilespmem:s13], [sflag:$0x3] =	stream.indirect.gather [spmem:s5], $0x1, s0, s18, $0xb8;
	[tilespmem:$0x1FAA8] =	vst v63  }
0x275: {  	s0 =	simm.s32 $0x18FA8;
	s13 =	simm.s32 $0x1D5A8  }
0x276: {  	[tilespmem:s13], [sflag:$0x3] =	stream.indirect.gather [spmem:s5], $0x1, s0, s18, $0xb8;
	[tilespmem:$0x1FAA8] =	vst v63  }
.Ltmp15:
0x277: {  	_ = 	snop;
	(pc) =	sbr.rel @p2 .LBB2_28-.Ltmp15, $4  }
0x278: {  	s0 =	simm.s32 $0x19028;
	s13 =	simm.s32 $0x1D628  }
0x279: {  	[tilespmem:s13], [sflag:$0x3] =	stream.indirect.gather [spmem:s5], $0x1, s0, s18, $0xb8;
	[tilespmem:$0x1FAA8] =	vst v63  }
0x27a: {  	s0 =	simm.s32 $0x190A8;
	s13 =	simm.s32 $0x1D6A8  }
0x27b: {  	[tilespmem:s13], [sflag:$0x3] =	stream.indirect.gather [spmem:s5], $0x1, s0, s18, $0xb8;
	[tilespmem:$0x1FAA8] =	vst v63  }
0x27c: {  	_ =	swait.ge [sflag:s4], $0x80  }
0x27d: {  	[sflag:s4] =	ssyncset.done $0x0  }
0x27e: {  	[sflag:s4] =	ssyncadd.s32 $0xFFFFFF80  }
0x27f: {  	_ =	swait.ge [sflag:s4], $0x80  }
0x280: {  	[sflag:s4] =	ssyncset.done $0x0  }
0x281: {  	[sflag:s4] =	ssyncadd.s32 $0xFFFFFF80  }
0x282: {  	_ =	swait.ge [sflag:s4], $0x80  }
0x283: {  	[sflag:s4] =	ssyncset.done $0x0  }
0x284: {  	[sflag:s4] =	ssyncadd.s32 $0xFFFFFF80  }
0x285: {  	_ =	swait.ge [sflag:s4], $0x80  }
0x286: {  	[sflag:s4] =	ssyncset.done $0x0  }
0x287: {  	[sflag:s4] =	ssyncadd.s32 $0xFFFFFF80  }
0x288: {  	_ =	swait.ge [sflag:s4], $0x80  }
0x289: {  	[sflag:s4] =	ssyncset.done $0x0  }
0x28a: {  	[sflag:s4] =	ssyncadd.s32 $0xFFFFFF80  }
0x28b: {  	_ =	swait.ge [sflag:s4], $0x80  }
0x28c: {  	[sflag:s4] =	ssyncset.done $0x0  }
0x28d: {  	[sflag:s4] =	ssyncadd.s32 $0xFFFFFF80  }
0x28e: {  	_ =	swait.ge [sflag:s4], $0x80  }
0x28f: {  	[sflag:s4] =	ssyncset.done $0x0  }
0x290: {  	[sflag:s4] =	ssyncadd.s32 $0xFFFFFF80  }
0x291: {  	_ =	swait.ge [sflag:s4], $0x80  }
0x292: {  	[sflag:s4] =	ssyncset.done $0x0  }
0x293: {  	[sflag:s4] =	ssyncadd.s32 $0xFFFFFF80  }
0x294: {  	_ =	swait.ge [sflag:s4], $0x80  }
0x295: {  	[sflag:s4] =	ssyncset.done $0x0  }
0x296: {  	[sflag:s4] =	ssyncadd.s32 $0xFFFFFF80  }
0x297: {  	_ =	swait.ge [sflag:s4], $0x80  }
0x298: {  	[sflag:s4] =	ssyncset.done $0x0  }
0x299: {  	[sflag:s4] =	ssyncadd.s32 $0xFFFFFF80  }
0x29a: {  	_ =	swait.ge [sflag:s4], $0x80  }
0x29b: {  	[sflag:s4] =	ssyncset.done $0x0  }
0x29c: {  	[sflag:s4] =	ssyncadd.s32 $0xFFFFFF80  }
0x29d: {  	_ =	swait.ge [sflag:s4], $0x80  }
0x29e: {  	[sflag:s4] =	ssyncset.done $0x0  }
0x29f: {  	[sflag:s4] =	ssyncadd.s32 $0xFFFFFF80  }
0x2a0: {  	_ =	swait.ge [sflag:s4], $0x80  }
0x2a1: {  	[sflag:s4] =	ssyncset.done $0x0  }
0x2a2: {  	[sflag:s4] =	ssyncadd.s32 $0xFFFFFF80  }
0x2a3: {  	_ =	swait.ge [sflag:s4], $0x80  }
0x2a4: {  	[sflag:s4] =	ssyncset.done $0x0  }
0x2a5: {  	[sflag:s4] =	ssyncadd.s32 $0xFFFFFF80  }
0x2a6: {  	_ =	swait.ge [sflag:s4], $0x80  }
0x2a7: {  	[sflag:s4] =	ssyncset.done $0x0  }
0x2a8: {  	[sflag:s4] =	ssyncadd.s32 $0xFFFFFF80  }
0x2a9: {  	_ =	swait.ge [sflag:s4], $0x80  }
0x2aa: {  	[sflag:s4] =	ssyncset.done $0x0  }
0x2ab: {  	[sflag:s4] =	ssyncadd.s32 $0xFFFFFF80  }
0x2ac: {  	_ =	swait.ge [sflag:s4], $0x80  }
0x2ad: {  	[sflag:s4] =	ssyncset.done $0x0  }
0x2ae: {  	[sflag:s4] =	ssyncadd.s32 $0xFFFFFF80  }
0x2af: {  	_ =	swait.ge [sflag:s4], $0x80  }
0x2b0: {  	[sflag:s4] =	ssyncset.done $0x0  }
0x2b1: {  	[sflag:s4] =	ssyncadd.s32 $0xFFFFFF80  }
0x2b2: {  	_ =	swait.ge [sflag:s4], $0x80  }
0x2b3: {  	[sflag:s4] =	ssyncset.done $0x0  }
0x2b4: {  	[sflag:s4] =	ssyncadd.s32 $0xFFFFFF80  }
0x2b5: {  	_ =	swait.ge [sflag:s4], $0x80  }
0x2b6: {  	[sflag:s4] =	ssyncset.done $0x0  }
0x2b7: {  	[sflag:s4] =	ssyncadd.s32 $0xFFFFFF80  }
0x2b8: {  	_ =	swait.ge [sflag:s4], $0x80  }
0x2b9: {  	[sflag:s4] =	ssyncset.done $0x0  }
0x2ba: {  	[sflag:s4] =	ssyncadd.s32 $0xFFFFFF80  }
0x2bb: {  	_ =	swait.ge [sflag:s4], $0x80  }
0x2bc: {  	[sflag:s4] =	ssyncset.done $0x0  }
0x2bd: {  	[sflag:s4] =	ssyncadd.s32 $0xFFFFFF80  }
0x2be: {  	_ =	swait.ge [sflag:s4], $0x80  }
0x2bf: {  	[sflag:s4] =	ssyncset.done $0x0  }
0x2c0: {  	[sflag:s4] =	ssyncadd.s32 $0xFFFFFF80  }
0x2c1: {  	_ =	swait.ge [sflag:s4], $0x80  }
0x2c2: {  	[sflag:s4] =	ssyncset.done $0x0  }
0x2c3: {  	[sflag:s4] =	ssyncadd.s32 $0xFFFFFF80  }
0x2c4: {  	_ =	swait.ge [sflag:s4], $0x80  }
0x2c5: {  	[sflag:s4] =	ssyncset.done $0x0  }
0x2c6: {  	[sflag:s4] =	ssyncadd.s32 $0xFFFFFF80  }
0x2c7: {  	_ =	swait.ge [sflag:s4], $0x80  }
0x2c8: {  	[sflag:s4] =	ssyncset.done $0x0  }
0x2c9: {  	[sflag:s4] =	ssyncadd.s32 $0xFFFFFF80  }
0x2ca: {  	_ =	swait.ge [sflag:s4], $0x80  }
0x2cb: {  	[sflag:s4] =	ssyncset.done $0x0  }
0x2cc: {  	[sflag:s4] =	ssyncadd.s32 $0xFFFFFF80  }
0x2cd: {  	_ =	swait.ge [sflag:s4], $0x80  }
0x2ce: {  	[sflag:s4] =	ssyncset.done $0x0  }
0x2cf: {  	[sflag:s4] =	ssyncadd.s32 $0xFFFFFF80  }
0x2d0: {  	_ =	swait.ge [sflag:s4], $0x80  }
0x2d1: {  	[sflag:s4] =	ssyncset.done $0x0  }
0x2d2: {  	[sflag:s4] =	ssyncadd.s32 $0xFFFFFF80  }
0x2d3: {  	_ =	swait.ge [sflag:s4], $0x80  }
0x2d4: {  	[sflag:s4] =	ssyncset.done $0x0  }
0x2d5: {  	[sflag:s4] =	ssyncadd.s32 $0xFFFFFF80  }
0x2d6: {  	_ =	swait.ge [sflag:s4], $0x80  }
0x2d7: {  	[sflag:s4] =	ssyncset.done $0x0  }
0x2d8: {  	[sflag:s4] =	ssyncadd.s32 $0xFFFFFF80  }
0x2d9: {  	_ =	swait.ge [sflag:s4], $0x80  }
0x2da: {  	[sflag:s4] =	ssyncset.done $0x0  }
0x2db: {  	[sflag:s4] =	ssyncadd.s32 $0xFFFFFF80  }
0x2dc: {  	_ =	swait.ge [sflag:s4], $0x80  }
0x2dd: {  	[sflag:s4] =	ssyncset.done $0x0  }
0x2de: {  	[sflag:s4] =	ssyncadd.s32 $0xFFFFFF80  }
0x2df: {  	_ =	swait.ge [sflag:s4], $0x80  }
0x2e0: {  	[sflag:s4] =	ssyncset.done $0x0  }
0x2e1: {  	[sflag:s4] =	ssyncadd.s32 $0xFFFFFF80  }
0x2e2: {  	_ =	swait.ge [sflag:s4], $0x80  }
0x2e3: {  	[sflag:s4] =	ssyncset.done $0x0  }
0x2e4: {  	[sflag:s4] =	ssyncadd.s32 $0xFFFFFF80  }
0x2e5: {  	_ =	swait.ge [sflag:s4], $0x80  }
0x2e6: {  	[sflag:s4] =	ssyncset.done $0x0  }
0x2e7: {  	[sflag:s4] =	ssyncadd.s32 $0xFFFFFF80  }
0x2e8: {  	_ =	swait.ge [sflag:s4], $0x80  }
0x2e9: {  	[sflag:s4] =	ssyncset.done $0x0  }
0x2ea: {  	[sflag:s4] =	ssyncadd.s32 $0xFFFFFF80  }
0x2eb: {  	_ =	swait.ge [sflag:s4], $0x80  }
0x2ec: {  	[sflag:s4] =	ssyncset.done $0x0  }
0x2ed: {  	[sflag:s4] =	ssyncadd.s32 $0xFFFFFF80  }
0x2ee: {  	_ =	swait.ge [sflag:s4], $0x80  }
0x2ef: {  	[sflag:s4] =	ssyncset.done $0x0  }
0x2f0: {  	[sflag:s4] =	ssyncadd.s32 $0xFFFFFF80  }
0x2f1: {  	_ =	swait.ge [sflag:s4], $0x80  }
0x2f2: {  	[sflag:s4] =	ssyncset.done $0x0  }
0x2f3: {  	[sflag:s4] =	ssyncadd.s32 $0xFFFFFF80  }
0x2f4: {  	_ =	swait.ge [sflag:s4], $0x80  }
0x2f5: {  	[sflag:s4] =	ssyncset.done $0x0  }
0x2f6: {  	[sflag:s4] =	ssyncadd.s32 $0xFFFFFF80  }
0x2f7: {  	_ =	swait.ge [sflag:s4], $0x80  }
0x2f8: {  	[sflag:s4] =	ssyncset.done $0x0  }
0x2f9: {  	[sflag:s4] =	ssyncadd.s32 $0xFFFFFF80  }
0x2fa: {  	_ =	swait.ge [sflag:s4], $0x80  }
0x2fb: {  	[sflag:s4] =	ssyncset.done $0x0  }
0x2fc: {  	[sflag:s4] =	ssyncadd.s32 $0xFFFFFF80  }
0x2fd: {  	_ =	swait.ge [sflag:s4], $0x80  }
0x2fe: {  	[sflag:s4] =	ssyncset.done $0x0  }
0x2ff: {  	[sflag:s4] =	ssyncadd.s32 $0xFFFFFF80  }
0x300: {  	_ =	swait.ge [sflag:s4], $0x80  }
0x301: {  	[sflag:s4] =	ssyncset.done $0x0  }
0x302: {  	[sflag:s4] =	ssyncadd.s32 $0xFFFFFF80  }
0x303: {  	_ =	swait.ge [sflag:s4], $0x80  }
0x304: {  	[sflag:s4] =	ssyncset.done $0x0  }
0x305: {  	[sflag:s4] =	ssyncadd.s32 $0xFFFFFF80  }
0x306: {  	_ =	swait.ge [sflag:s4], $0x80  }
0x307: {  	[sflag:s4] =	ssyncset.done $0x0  }
0x308: {  	[sflag:s4] =	ssyncadd.s32 $0xFFFFFF80  }
0x309: {  	_ =	swait.ge [sflag:s4], $0x80  }
0x30a: {  	[sflag:s4] =	ssyncset.done $0x0  }
0x30b: {  	[sflag:s4] =	ssyncadd.s32 $0xFFFFFF80  }
0x30c: {  	_ =	swait.ge [sflag:s4], $0x80  }
0x30d: {  	[sflag:s4] =	ssyncset.done $0x0  }
0x30e: {  	[sflag:s4] =	ssyncadd.s32 $0xFFFFFF80  }
0x30f: {  	_ =	swait.ge [sflag:s4], $0x80  }
0x310: {  	[sflag:s4] =	ssyncset.done $0x0  }
0x311: {  	[sflag:s4] =	ssyncadd.s32 $0xFFFFFF80  }
0x312: {  	_ =	swait.ge [sflag:s4], $0x80  }
0x313: {  	[sflag:s4] =	ssyncset.done $0x0  }
0x314: {  	[sflag:s4] =	ssyncadd.s32 $0xFFFFFF80  }
0x315: {  	_ =	swait.ge [sflag:s4], $0x80  }
0x316: {  	[sflag:s4] =	ssyncset.done $0x0  }
0x317: {  	[sflag:s4] =	ssyncadd.s32 $0xFFFFFF80  }
0x318: {  	_ =	swait.ge [sflag:s4], $0x80  }
0x319: {  	[sflag:s4] =	ssyncset.done $0x0  }
0x31a: {  	[sflag:s4] =	ssyncadd.s32 $0xFFFFFF80  }
0x31b: {  	_ =	swait.ge [sflag:s4], $0x80  }
0x31c: {  	[sflag:s4] =	ssyncset.done $0x0  }
0x31d: {  	[sflag:s4] =	ssyncadd.s32 $0xFFFFFF80  }
0x31e: {  	_ =	swait.ge [sflag:s4], $0x80  }
0x31f: {  	[sflag:s4] =	ssyncset.done $0x0  }
0x320: {  	[sflag:s4] =	ssyncadd.s32 $0xFFFFFF80  }
0x321: {  	_ =	swait.ge [sflag:s4], $0x80  }
0x322: {  	[sflag:s4] =	ssyncset.done $0x0  }
0x323: {  	[sflag:s4] =	ssyncadd.s32 $0xFFFFFF80  }
0x324: {  	_ =	swait.ge [sflag:s4], $0x80  }
0x325: {  	[sflag:s4] =	ssyncset.done $0x0  }
0x326: {  	[sflag:s4] =	ssyncadd.s32 $0xFFFFFF80  }
0x327: {  	_ =	swait.ge [sflag:s4], $0x80  }
0x328: {  	[sflag:s4] =	ssyncset.done $0x0  }
0x329: {  	[sflag:s4] =	ssyncadd.s32 $0xFFFFFF80  }
0x32a: {  	_ =	swait.ge [sflag:s4], $0x80  }
0x32b: {  	[sflag:s4] =	ssyncset.done $0x0  }
0x32c: {  	[sflag:s4] =	ssyncadd.s32 $0xFFFFFF80  }
0x32d: {  	_ =	swait.ge [sflag:s4], $0x80  }
0x32e: {  	[sflag:s4] =	ssyncset.done $0x0  }
0x32f: {  	[sflag:s4] =	ssyncadd.s32 $0xFFFFFF80  }
0x330: {  	_ =	swait.ge [sflag:s4], $0x80  }
0x331: {  	[sflag:s4] =	ssyncset.done $0x0  }
0x332: {  	[sflag:s4] =	ssyncadd.s32 $0xFFFFFF80  }
0x333: {  	_ =	swait.ge [sflag:s4], $0x80  }
0x334: {  	[sflag:s4] =	ssyncset.done $0x0  }
0x335: {  	[sflag:s4] =	ssyncadd.s32 $0xFFFFFF80  }
0x336: {  	_ =	swait.ge [sflag:s4], $0x80  }
0x337: {  	[sflag:s4] =	ssyncset.done $0x0  }
0x338: {  	[sflag:s4] =	ssyncadd.s32 $0xFFFFFF80  }
0x339: {  	_ =	swait.ge [sflag:s4], $0x80  }
0x33a: {  	[sflag:s4] =	ssyncset.done $0x0  }
0x33b: {  	[sflag:s4] =	ssyncadd.s32 $0xFFFFFF80  }
0x33c: {  	_ =	swait.ge [sflag:s4], $0x80  }
0x33d: {  	[sflag:s4] =	ssyncset.done $0x0  }
0x33e: {  	[sflag:s4] =	ssyncadd.s32 $0xFFFFFF80  }
0x33f: {  	_ =	swait.ge [sflag:s4], $0x80  }
0x340: {  	[sflag:s4] =	ssyncset.done $0x0  }
0x341: {  	[sflag:s4] =	ssyncadd.s32 $0xFFFFFF80  }
0x342: {  	_ =	swait.ge [sflag:s4], $0x80  }
0x343: {  	[sflag:s4] =	ssyncset.done $0x0  }
0x344: {  	[sflag:s4] =	ssyncadd.s32 $0xFFFFFF80  }
0x345: {  	_ =	swait.ge [sflag:s4], $0x80  }
0x346: {  	[sflag:s4] =	ssyncset.done $0x0  }
0x347: {  	[sflag:s4] =	ssyncadd.s32 $0xFFFFFF80  }
0x348: {  	_ =	swait.ge [sflag:s4], $0x80  }
0x349: {  	[sflag:s4] =	ssyncset.done $0x0  }
0x34a: {  	s0 =	sadd.s32 s7, s25;
	[sflag:s4] =	ssyncadd.s32 $0xFFFFFF80  }
0x34b: {  	s0 =	sadd.s32 $0x1FFFFBA0, s0;
	_ =	swait.ge [sflag:s4], $0x80  }
0x34c: {  	s0 =	sand.u32 $0x1FFFFFF0, s0;
	[sflag:s4] =	ssyncset.done $0x0  }
0x34d: {  	s13 =	sadd.s32 s7, s26;
	s0 =	sadd.s32 s1, s0;
	[sflag:s4] =	ssyncadd.s32 $0xFFFFFF80  }
0x34e: {  	[hbm4b:s0+s6] =	stream.linear.scatter [tilespmem:s12], [sflag:$0x5], $0x2300, $0x38;
	[tilespmem:$0x1FAA8] =	vst v63  }
.Ltmp16:
0x34f: {  	s0 =	sadd.s32 $0x460, s13;
	(pc) =	sbr.rel .LBB2_29-.Ltmp16, $4  }
0x350: {  	[tilespmem:s8], [sflag:$0x2] =	stream.linear.gather [hbm4b:s0+s6], $0x2300, $0x38;
	[tilespmem:$0x1FAA8] =	vst v63  }
0x351: {  	_ =	swait.ge [sflag:s22], $0x2300  }
0x352: {  	[sflag:s22] =	ssyncset.done $0x0  }
0x353: {  	s0 =	simm.s32 $0x5;
	[sflag:s22] =	ssyncadd.s32 $0xFFFFDD00  }
.LBB2_28:
0x354: {  	[tilespmem:s8], [sflag:$0x2] =	stream.linear.gather [hbm4b:s2+s6], $0x2300, $0x38;
	[tilespmem:$0x1FAA8] =	vst v63  }
0x355: {  	s0 =	simm.s32 $0x2  }
.LBB2_29:
0x356: {  	_ =	swait.ge [sflag:s0], $0x2300  }
0x357: {  	[sflag:s0] =	ssyncset.done $0x0  }
0x358: {  	[sflag:s0] =	ssyncadd.s32 $0xFFFFDD00  }
0x359: {  	[tilespmem:s12], [sflag:$0x4] =	stream.indirect.gather [spmem:s5], $0x1, s8, s18, $0xb8;
	[tilespmem:$0x1FAA8] =	vst v63  }
0x35a: {  	s13 =	simm.s32 $0x1D7A8;
	s0 =	simm.s32 $0x191A8  }
0x35b: {  	[tilespmem:s13], [sflag:$0x4] =	stream.indirect.gather [spmem:s5], $0x1, s0, s18, $0xb8;
	[tilespmem:$0x1FAA8] =	vst v63  }
0x35c: {  	s0 =	simm.s32 $0x19228;
	s13 =	simm.s32 $0x1D828  }
0x35d: {  	[tilespmem:s13], [sflag:$0x4] =	stream.indirect.gather [spmem:s5], $0x1, s0, s18, $0xb8;
	[tilespmem:$0x1FAA8] =	vst v63  }
0x35e: {  	s0 =	simm.s32 $0x192A8;
	s13 =	simm.s32 $0x1D8A8  }
0x35f: {  	[tilespmem:s13], [sflag:$0x4] =	stream.indirect.gather [spmem:s5], $0x1, s0, s18, $0xb8;
	[tilespmem:$0x1FAA8] =	vst v63  }
0x360: {  	s0 =	simm.s32 $0x19328;
	s13 =	simm.s32 $0x1D928  }
0x361: {  	[tilespmem:s13], [sflag:$0x4] =	stream.indirect.gather [spmem:s5], $0x1, s0, s18, $0xb8;
	[tilespmem:$0x1FAA8] =	vst v63  }
0x362: {  	s0 =	simm.s32 $0x193A8;
	s13 =	simm.s32 $0x1D9A8  }
0x363: {  	[tilespmem:s13], [sflag:$0x4] =	stream.indirect.gather [spmem:s5], $0x1, s0, s18, $0xb8;
	[tilespmem:$0x1FAA8] =	vst v63  }
0x364: {  	s0 =	simm.s32 $0x19428;
	s13 =	simm.s32 $0x1DA28  }
0x365: {  	[tilespmem:s13], [sflag:$0x4] =	stream.indirect.gather [spmem:s5], $0x1, s0, s18, $0xb8;
	[tilespmem:$0x1FAA8] =	vst v63  }
0x366: {  	s0 =	simm.s32 $0x194A8;
	s13 =	simm.s32 $0x1DAA8  }
0x367: {  	[tilespmem:s13], [sflag:$0x4] =	stream.indirect.gather [spmem:s5], $0x1, s0, s18, $0xb8;
	[tilespmem:$0x1FAA8] =	vst v63  }
0x368: {  	s0 =	simm.s32 $0x19528;
	s13 =	simm.s32 $0x1DB28  }
0x369: {  	[tilespmem:s13], [sflag:$0x4] =	stream.indirect.gather [spmem:s5], $0x1, s0, s18, $0xb8;
	[tilespmem:$0x1FAA8] =	vst v63  }
0x36a: {  	s0 =	simm.s32 $0x195A8;
	s13 =	simm.s32 $0x1DBA8  }
0x36b: {  	[tilespmem:s13], [sflag:$0x4] =	stream.indirect.gather [spmem:s5], $0x1, s0, s18, $0xb8;
	[tilespmem:$0x1FAA8] =	vst v63  }
0x36c: {  	s0 =	simm.s32 $0x19628;
	s13 =	simm.s32 $0x1DC28  }
0x36d: {  	[tilespmem:s13], [sflag:$0x4] =	stream.indirect.gather [spmem:s5], $0x1, s0, s18, $0xb8;
	[tilespmem:$0x1FAA8] =	vst v63  }
0x36e: {  	s0 =	simm.s32 $0x196A8;
	s13 =	simm.s32 $0x1DCA8  }
0x36f: {  	[tilespmem:s13], [sflag:$0x4] =	stream.indirect.gather [spmem:s5], $0x1, s0, s18, $0xb8;
	[tilespmem:$0x1FAA8] =	vst v63  }
0x370: {  	s0 =	simm.s32 $0x19728;
	s13 =	simm.s32 $0x1DD28  }
0x371: {  	[tilespmem:s13], [sflag:$0x4] =	stream.indirect.gather [spmem:s5], $0x1, s0, s18, $0xb8;
	[tilespmem:$0x1FAA8] =	vst v63  }
0x372: {  	s0 =	simm.s32 $0x197A8;
	s13 =	simm.s32 $0x1DDA8  }
0x373: {  	[tilespmem:s13], [sflag:$0x4] =	stream.indirect.gather [spmem:s5], $0x1, s0, s18, $0xb8;
	[tilespmem:$0x1FAA8] =	vst v63  }
0x374: {  	s0 =	simm.s32 $0x19828;
	s13 =	simm.s32 $0x1DE28  }
0x375: {  	[tilespmem:s13], [sflag:$0x4] =	stream.indirect.gather [spmem:s5], $0x1, s0, s18, $0xb8;
	[tilespmem:$0x1FAA8] =	vst v63  }
0x376: {  	s0 =	simm.s32 $0x198A8;
	s13 =	simm.s32 $0x1DEA8  }
0x377: {  	[tilespmem:s13], [sflag:$0x4] =	stream.indirect.gather [spmem:s5], $0x1, s0, s18, $0xb8;
	[tilespmem:$0x1FAA8] =	vst v63  }
0x378: {  	s0 =	simm.s32 $0x19928;
	s13 =	simm.s32 $0x1DF28  }
0x379: {  	[tilespmem:s13], [sflag:$0x4] =	stream.indirect.gather [spmem:s5], $0x1, s0, s18, $0xb8;
	[tilespmem:$0x1FAA8] =	vst v63  }
0x37a: {  	s0 =	simm.s32 $0x199A8;
	s13 =	simm.s32 $0x1DFA8  }
0x37b: {  	[tilespmem:s13], [sflag:$0x4] =	stream.indirect.gather [spmem:s5], $0x1, s0, s18, $0xb8;
	[tilespmem:$0x1FAA8] =	vst v63  }
0x37c: {  	s0 =	simm.s32 $0x19A28;
	s13 =	simm.s32 $0x1E028  }
0x37d: {  	[tilespmem:s13], [sflag:$0x4] =	stream.indirect.gather [spmem:s5], $0x1, s0, s18, $0xb8;
	[tilespmem:$0x1FAA8] =	vst v63  }
0x37e: {  	s0 =	simm.s32 $0x19AA8;
	s13 =	simm.s32 $0x1E0A8  }
0x37f: {  	[tilespmem:s13], [sflag:$0x4] =	stream.indirect.gather [spmem:s5], $0x1, s0, s18, $0xb8;
	[tilespmem:$0x1FAA8] =	vst v63  }
0x380: {  	s0 =	simm.s32 $0x19B28;
	s13 =	simm.s32 $0x1E128  }
0x381: {  	[tilespmem:s13], [sflag:$0x4] =	stream.indirect.gather [spmem:s5], $0x1, s0, s18, $0xb8;
	[tilespmem:$0x1FAA8] =	vst v63  }
0x382: {  	s0 =	simm.s32 $0x19BA8;
	s13 =	simm.s32 $0x1E1A8  }
0x383: {  	[tilespmem:s13], [sflag:$0x4] =	stream.indirect.gather [spmem:s5], $0x1, s0, s18, $0xb8;
	[tilespmem:$0x1FAA8] =	vst v63  }
0x384: {  	s0 =	simm.s32 $0x19C28;
	s13 =	simm.s32 $0x1E228  }
0x385: {  	[tilespmem:s13], [sflag:$0x4] =	stream.indirect.gather [spmem:s5], $0x1, s0, s18, $0xb8;
	[tilespmem:$0x1FAA8] =	vst v63  }
0x386: {  	s0 =	simm.s32 $0x19CA8;
	s13 =	simm.s32 $0x1E2A8  }
0x387: {  	[tilespmem:s13], [sflag:$0x4] =	stream.indirect.gather [spmem:s5], $0x1, s0, s18, $0xb8;
	[tilespmem:$0x1FAA8] =	vst v63  }
0x388: {  	s0 =	simm.s32 $0x19D28;
	s13 =	simm.s32 $0x1E328  }
0x389: {  	[tilespmem:s13], [sflag:$0x4] =	stream.indirect.gather [spmem:s5], $0x1, s0, s18, $0xb8;
	[tilespmem:$0x1FAA8] =	vst v63  }
0x38a: {  	s0 =	simm.s32 $0x19DA8;
	s13 =	simm.s32 $0x1E3A8  }
0x38b: {  	[tilespmem:s13], [sflag:$0x4] =	stream.indirect.gather [spmem:s5], $0x1, s0, s18, $0xb8;
	[tilespmem:$0x1FAA8] =	vst v63  }
0x38c: {  	s0 =	simm.s32 $0x19E28;
	s13 =	simm.s32 $0x1E428  }
0x38d: {  	[tilespmem:s13], [sflag:$0x4] =	stream.indirect.gather [spmem:s5], $0x1, s0, s18, $0xb8;
	[tilespmem:$0x1FAA8] =	vst v63  }
0x38e: {  	s0 =	simm.s32 $0x19EA8;
	s13 =	simm.s32 $0x1E4A8  }
0x38f: {  	[tilespmem:s13], [sflag:$0x4] =	stream.indirect.gather [spmem:s5], $0x1, s0, s18, $0xb8;
	[tilespmem:$0x1FAA8] =	vst v63  }
0x390: {  	s0 =	simm.s32 $0x19F28;
	s13 =	simm.s32 $0x1E528  }
0x391: {  	[tilespmem:s13], [sflag:$0x4] =	stream.indirect.gather [spmem:s5], $0x1, s0, s18, $0xb8;
	[tilespmem:$0x1FAA8] =	vst v63  }
0x392: {  	s0 =	simm.s32 $0x19FA8;
	s13 =	simm.s32 $0x1E5A8  }
0x393: {  	[tilespmem:s13], [sflag:$0x4] =	stream.indirect.gather [spmem:s5], $0x1, s0, s18, $0xb8;
	[tilespmem:$0x1FAA8] =	vst v63  }
0x394: {  	s0 =	simm.s32 $0x1A028;
	s13 =	simm.s32 $0x1E628  }
0x395: {  	[tilespmem:s13], [sflag:$0x4] =	stream.indirect.gather [spmem:s5], $0x1, s0, s18, $0xb8;
	[tilespmem:$0x1FAA8] =	vst v63  }
0x396: {  	s0 =	simm.s32 $0x1A0A8;
	s13 =	simm.s32 $0x1E6A8  }
0x397: {  	[tilespmem:s13], [sflag:$0x4] =	stream.indirect.gather [spmem:s5], $0x1, s0, s18, $0xb8;
	[tilespmem:$0x1FAA8] =	vst v63  }
0x398: {  	s0 =	simm.s32 $0x1A128;
	s13 =	simm.s32 $0x1E728  }
0x399: {  	[tilespmem:s13], [sflag:$0x4] =	stream.indirect.gather [spmem:s5], $0x1, s0, s18, $0xb8;
	[tilespmem:$0x1FAA8] =	vst v63  }
0x39a: {  	s0 =	simm.s32 $0x1A1A8;
	s13 =	simm.s32 $0x1E7A8  }
0x39b: {  	[tilespmem:s13], [sflag:$0x4] =	stream.indirect.gather [spmem:s5], $0x1, s0, s18, $0xb8;
	[tilespmem:$0x1FAA8] =	vst v63  }
0x39c: {  	s0 =	simm.s32 $0x1A228;
	s13 =	simm.s32 $0x1E828  }
0x39d: {  	[tilespmem:s13], [sflag:$0x4] =	stream.indirect.gather [spmem:s5], $0x1, s0, s18, $0xb8;
	[tilespmem:$0x1FAA8] =	vst v63  }
0x39e: {  	s0 =	simm.s32 $0x1A2A8;
	s13 =	simm.s32 $0x1E8A8  }
0x39f: {  	[tilespmem:s13], [sflag:$0x4] =	stream.indirect.gather [spmem:s5], $0x1, s0, s18, $0xb8;
	[tilespmem:$0x1FAA8] =	vst v63  }
0x3a0: {  	s0 =	simm.s32 $0x1A328;
	s13 =	simm.s32 $0x1E928  }
0x3a1: {  	[tilespmem:s13], [sflag:$0x4] =	stream.indirect.gather [spmem:s5], $0x1, s0, s18, $0xb8;
	[tilespmem:$0x1FAA8] =	vst v63  }
0x3a2: {  	s0 =	simm.s32 $0x1A3A8;
	s13 =	simm.s32 $0x1E9A8  }
0x3a3: {  	[tilespmem:s13], [sflag:$0x4] =	stream.indirect.gather [spmem:s5], $0x1, s0, s18, $0xb8;
	[tilespmem:$0x1FAA8] =	vst v63  }
0x3a4: {  	s0 =	simm.s32 $0x1A428;
	s13 =	simm.s32 $0x1EA28  }
0x3a5: {  	[tilespmem:s13], [sflag:$0x4] =	stream.indirect.gather [spmem:s5], $0x1, s0, s18, $0xb8;
	[tilespmem:$0x1FAA8] =	vst v63  }
0x3a6: {  	s0 =	simm.s32 $0x1A4A8;
	s13 =	simm.s32 $0x1EAA8  }
0x3a7: {  	[tilespmem:s13], [sflag:$0x4] =	stream.indirect.gather [spmem:s5], $0x1, s0, s18, $0xb8;
	[tilespmem:$0x1FAA8] =	vst v63  }
0x3a8: {  	s0 =	simm.s32 $0x1A528;
	s13 =	simm.s32 $0x1EB28  }
0x3a9: {  	[tilespmem:s13], [sflag:$0x4] =	stream.indirect.gather [spmem:s5], $0x1, s0, s18, $0xb8;
	[tilespmem:$0x1FAA8] =	vst v63  }
0x3aa: {  	s0 =	simm.s32 $0x1A5A8;
	s13 =	simm.s32 $0x1EBA8  }
0x3ab: {  	[tilespmem:s13], [sflag:$0x4] =	stream.indirect.gather [spmem:s5], $0x1, s0, s18, $0xb8;
	[tilespmem:$0x1FAA8] =	vst v63  }
0x3ac: {  	s0 =	simm.s32 $0x1A628;
	s13 =	simm.s32 $0x1EC28  }
0x3ad: {  	[tilespmem:s13], [sflag:$0x4] =	stream.indirect.gather [spmem:s5], $0x1, s0, s18, $0xb8;
	[tilespmem:$0x1FAA8] =	vst v63  }
0x3ae: {  	s0 =	simm.s32 $0x1A6A8;
	s13 =	simm.s32 $0x1ECA8  }
0x3af: {  	[tilespmem:s13], [sflag:$0x4] =	stream.indirect.gather [spmem:s5], $0x1, s0, s18, $0xb8;
	[tilespmem:$0x1FAA8] =	vst v63  }
0x3b0: {  	s0 =	simm.s32 $0x1A728;
	s13 =	simm.s32 $0x1ED28  }
0x3b1: {  	[tilespmem:s13], [sflag:$0x4] =	stream.indirect.gather [spmem:s5], $0x1, s0, s18, $0xb8;
	[tilespmem:$0x1FAA8] =	vst v63  }
0x3b2: {  	s0 =	simm.s32 $0x1A7A8;
	s13 =	simm.s32 $0x1EDA8  }
0x3b3: {  	[tilespmem:s13], [sflag:$0x4] =	stream.indirect.gather [spmem:s5], $0x1, s0, s18, $0xb8;
	[tilespmem:$0x1FAA8] =	vst v63  }
0x3b4: {  	s0 =	simm.s32 $0x1A828;
	s13 =	simm.s32 $0x1EE28  }
0x3b5: {  	[tilespmem:s13], [sflag:$0x4] =	stream.indirect.gather [spmem:s5], $0x1, s0, s18, $0xb8;
	[tilespmem:$0x1FAA8] =	vst v63  }
0x3b6: {  	s0 =	simm.s32 $0x1A8A8;
	s13 =	simm.s32 $0x1EEA8  }
0x3b7: {  	[tilespmem:s13], [sflag:$0x4] =	stream.indirect.gather [spmem:s5], $0x1, s0, s18, $0xb8;
	[tilespmem:$0x1FAA8] =	vst v63  }
0x3b8: {  	s0 =	simm.s32 $0x1A928;
	s13 =	simm.s32 $0x1EF28  }
0x3b9: {  	[tilespmem:s13], [sflag:$0x4] =	stream.indirect.gather [spmem:s5], $0x1, s0, s18, $0xb8;
	[tilespmem:$0x1FAA8] =	vst v63  }
0x3ba: {  	s0 =	simm.s32 $0x1A9A8;
	s13 =	simm.s32 $0x1EFA8  }
0x3bb: {  	[tilespmem:s13], [sflag:$0x4] =	stream.indirect.gather [spmem:s5], $0x1, s0, s18, $0xb8;
	[tilespmem:$0x1FAA8] =	vst v63  }
0x3bc: {  	s0 =	simm.s32 $0x1AA28;
	s13 =	simm.s32 $0x1F028  }
0x3bd: {  	[tilespmem:s13], [sflag:$0x4] =	stream.indirect.gather [spmem:s5], $0x1, s0, s18, $0xb8;
	[tilespmem:$0x1FAA8] =	vst v63  }
0x3be: {  	s0 =	simm.s32 $0x1AAA8;
	s13 =	simm.s32 $0x1F0A8  }
0x3bf: {  	[tilespmem:s13], [sflag:$0x4] =	stream.indirect.gather [spmem:s5], $0x1, s0, s18, $0xb8;
	[tilespmem:$0x1FAA8] =	vst v63  }
0x3c0: {  	s0 =	simm.s32 $0x1AB28;
	s13 =	simm.s32 $0x1F128  }
0x3c1: {  	[tilespmem:s13], [sflag:$0x4] =	stream.indirect.gather [spmem:s5], $0x1, s0, s18, $0xb8;
	[tilespmem:$0x1FAA8] =	vst v63  }
0x3c2: {  	s0 =	simm.s32 $0x1ABA8;
	s13 =	simm.s32 $0x1F1A8  }
0x3c3: {  	[tilespmem:s13], [sflag:$0x4] =	stream.indirect.gather [spmem:s5], $0x1, s0, s18, $0xb8;
	[tilespmem:$0x1FAA8] =	vst v63  }
0x3c4: {  	s0 =	simm.s32 $0x1AC28;
	s13 =	simm.s32 $0x1F228  }
0x3c5: {  	[tilespmem:s13], [sflag:$0x4] =	stream.indirect.gather [spmem:s5], $0x1, s0, s18, $0xb8;
	[tilespmem:$0x1FAA8] =	vst v63  }
0x3c6: {  	s0 =	simm.s32 $0x1ACA8;
	s13 =	simm.s32 $0x1F2A8  }
0x3c7: {  	[tilespmem:s13], [sflag:$0x4] =	stream.indirect.gather [spmem:s5], $0x1, s0, s18, $0xb8;
	[tilespmem:$0x1FAA8] =	vst v63  }
0x3c8: {  	s0 =	simm.s32 $0x1AD28;
	s13 =	simm.s32 $0x1F328  }
0x3c9: {  	[tilespmem:s13], [sflag:$0x4] =	stream.indirect.gather [spmem:s5], $0x1, s0, s18, $0xb8;
	[tilespmem:$0x1FAA8] =	vst v63  }
0x3ca: {  	s0 =	simm.s32 $0x1ADA8;
	s13 =	simm.s32 $0x1F3A8  }
0x3cb: {  	[tilespmem:s13], [sflag:$0x4] =	stream.indirect.gather [spmem:s5], $0x1, s0, s18, $0xb8;
	[tilespmem:$0x1FAA8] =	vst v63  }
0x3cc: {  	s0 =	simm.s32 $0x1AE28;
	s13 =	simm.s32 $0x1F428  }
0x3cd: {  	[tilespmem:s13], [sflag:$0x4] =	stream.indirect.gather [spmem:s5], $0x1, s0, s18, $0xb8;
	[tilespmem:$0x1FAA8] =	vst v63  }
0x3ce: {  	s0 =	simm.s32 $0x1AEA8;
	s13 =	simm.s32 $0x1F4A8  }
0x3cf: {  	[tilespmem:s13], [sflag:$0x4] =	stream.indirect.gather [spmem:s5], $0x1, s0, s18, $0xb8;
	[tilespmem:$0x1FAA8] =	vst v63  }
0x3d0: {  	s0 =	simm.s32 $0x1AF28;
	s13 =	simm.s32 $0x1F528  }
0x3d1: {  	[tilespmem:s13], [sflag:$0x4] =	stream.indirect.gather [spmem:s5], $0x1, s0, s18, $0xb8;
	[tilespmem:$0x1FAA8] =	vst v63  }
0x3d2: {  	s0 =	simm.s32 $0x1AFA8;
	s13 =	simm.s32 $0x1F5A8  }
0x3d3: {  	[tilespmem:s13], [sflag:$0x4] =	stream.indirect.gather [spmem:s5], $0x1, s0, s18, $0xb8;
	[tilespmem:$0x1FAA8] =	vst v63  }
0x3d4: {  	s0 =	simm.s32 $0x1B028;
	s13 =	simm.s32 $0x1F628  }
0x3d5: {  	[tilespmem:s13], [sflag:$0x4] =	stream.indirect.gather [spmem:s5], $0x1, s0, s18, $0xb8;
	[tilespmem:$0x1FAA8] =	vst v63  }
0x3d6: {  	s0 =	simm.s32 $0x1B0A8;
	s13 =	simm.s32 $0x1F6A8  }
0x3d7: {  	[tilespmem:s13], [sflag:$0x4] =	stream.indirect.gather [spmem:s5], $0x1, s0, s18, $0xb8;
	[tilespmem:$0x1FAA8] =	vst v63  }
0x3d8: {  	s0 =	simm.s32 $0x1B128;
	s13 =	simm.s32 $0x1F728  }
0x3d9: {  	[tilespmem:s13], [sflag:$0x4] =	stream.indirect.gather [spmem:s5], $0x1, s0, s18, $0xb8;
	[tilespmem:$0x1FAA8] =	vst v63  }
0x3da: {  	s0 =	simm.s32 $0x1B1A8;
	s13 =	simm.s32 $0x1F7A8  }
0x3db: {  	[tilespmem:s13], [sflag:$0x4] =	stream.indirect.gather [spmem:s5], $0x1, s0, s18, $0xb8;
	[tilespmem:$0x1FAA8] =	vst v63  }
0x3dc: {  	_ = 	snop  }
0x3dd: {  	[tilespmem:s30], [sflag:$0x4] =	stream.indirect.gather [spmem:s5], $0x1, s29, s18, $0xb8;
	[tilespmem:$0x1FAA8] =	vst v63  }
0x3de: {  	_ = 	snop  }
0x3df: {  	[tilespmem:s16], [sflag:$0x4] =	stream.indirect.gather [spmem:s5], $0x1, s3, s18, $0xb8;
	[tilespmem:$0x1FAA8] =	vst v63  }
0x3e0: {  	_ = 	snop  }
0x3e1: {  	[tilespmem:s31], [sflag:$0x4] =	stream.indirect.gather [spmem:s5], $0x1, s24, s18, $0xb8;
	[tilespmem:$0x1FAA8] =	vst v63  }
0x3e2: {  	_ = 	snop  }
0x3e3: {  	[tilespmem:s21], [sflag:$0x4] =	stream.indirect.gather [spmem:s5], $0x1, s17, s18, $0xb8;
	[tilespmem:$0x1FAA8] =	vst v63  }
0x3e4: {  	_ =	swait.ge [sflag:s20], $0x80  }
0x3e5: {  	[sflag:s20] =	ssyncset.done $0x0  }
0x3e6: {  	[sflag:s20] =	ssyncadd.s32 $0xFFFFFF80  }
0x3e7: {  	_ =	swait.ge [sflag:s20], $0x80  }
0x3e8: {  	[sflag:s20] =	ssyncset.done $0x0  }
0x3e9: {  	[sflag:s20] =	ssyncadd.s32 $0xFFFFFF80  }
0x3ea: {  	_ =	swait.ge [sflag:s20], $0x80  }
0x3eb: {  	[sflag:s20] =	ssyncset.done $0x0  }
0x3ec: {  	[sflag:s20] =	ssyncadd.s32 $0xFFFFFF80  }
0x3ed: {  	_ =	swait.ge [sflag:s20], $0x80  }
0x3ee: {  	[sflag:s20] =	ssyncset.done $0x0  }
0x3ef: {  	[sflag:s20] =	ssyncadd.s32 $0xFFFFFF80  }
0x3f0: {  	_ =	swait.ge [sflag:s20], $0x80  }
0x3f1: {  	[sflag:s20] =	ssyncset.done $0x0  }
0x3f2: {  	[sflag:s20] =	ssyncadd.s32 $0xFFFFFF80  }
0x3f3: {  	_ =	swait.ge [sflag:s20], $0x80  }
0x3f4: {  	[sflag:s20] =	ssyncset.done $0x0  }
0x3f5: {  	[sflag:s20] =	ssyncadd.s32 $0xFFFFFF80  }
0x3f6: {  	_ =	swait.ge [sflag:s20], $0x80  }
0x3f7: {  	[sflag:s20] =	ssyncset.done $0x0  }
0x3f8: {  	[sflag:s20] =	ssyncadd.s32 $0xFFFFFF80  }
0x3f9: {  	_ =	swait.ge [sflag:s20], $0x80  }
0x3fa: {  	[sflag:s20] =	ssyncset.done $0x0  }
0x3fb: {  	[sflag:s20] =	ssyncadd.s32 $0xFFFFFF80  }
0x3fc: {  	_ =	swait.ge [sflag:s20], $0x80  }
0x3fd: {  	[sflag:s20] =	ssyncset.done $0x0  }
0x3fe: {  	[sflag:s20] =	ssyncadd.s32 $0xFFFFFF80  }
0x3ff: {  	_ =	swait.ge [sflag:s20], $0x80  }
0x400: {  	[sflag:s20] =	ssyncset.done $0x0  }
0x401: {  	[sflag:s20] =	ssyncadd.s32 $0xFFFFFF80  }
0x402: {  	_ =	swait.ge [sflag:s20], $0x80  }
0x403: {  	[sflag:s20] =	ssyncset.done $0x0  }
0x404: {  	[sflag:s20] =	ssyncadd.s32 $0xFFFFFF80  }
0x405: {  	_ =	swait.ge [sflag:s20], $0x80  }
0x406: {  	[sflag:s20] =	ssyncset.done $0x0  }
0x407: {  	[sflag:s20] =	ssyncadd.s32 $0xFFFFFF80  }
0x408: {  	_ =	swait.ge [sflag:s20], $0x80  }
0x409: {  	[sflag:s20] =	ssyncset.done $0x0  }
0x40a: {  	[sflag:s20] =	ssyncadd.s32 $0xFFFFFF80  }
0x40b: {  	_ =	swait.ge [sflag:s20], $0x80  }
0x40c: {  	[sflag:s20] =	ssyncset.done $0x0  }
0x40d: {  	[sflag:s20] =	ssyncadd.s32 $0xFFFFFF80  }
0x40e: {  	_ =	swait.ge [sflag:s20], $0x80  }
0x40f: {  	[sflag:s20] =	ssyncset.done $0x0  }
0x410: {  	[sflag:s20] =	ssyncadd.s32 $0xFFFFFF80  }
0x411: {  	_ =	swait.ge [sflag:s20], $0x80  }
0x412: {  	[sflag:s20] =	ssyncset.done $0x0  }
0x413: {  	[sflag:s20] =	ssyncadd.s32 $0xFFFFFF80  }
0x414: {  	_ =	swait.ge [sflag:s20], $0x80  }
0x415: {  	[sflag:s20] =	ssyncset.done $0x0  }
0x416: {  	[sflag:s20] =	ssyncadd.s32 $0xFFFFFF80  }
0x417: {  	_ =	swait.ge [sflag:s20], $0x80  }
0x418: {  	[sflag:s20] =	ssyncset.done $0x0  }
0x419: {  	[sflag:s20] =	ssyncadd.s32 $0xFFFFFF80  }
0x41a: {  	_ =	swait.ge [sflag:s20], $0x80  }
0x41b: {  	[sflag:s20] =	ssyncset.done $0x0  }
0x41c: {  	[sflag:s20] =	ssyncadd.s32 $0xFFFFFF80  }
0x41d: {  	_ =	swait.ge [sflag:s20], $0x80  }
0x41e: {  	[sflag:s20] =	ssyncset.done $0x0  }
0x41f: {  	[sflag:s20] =	ssyncadd.s32 $0xFFFFFF80  }
0x420: {  	_ =	swait.ge [sflag:s20], $0x80  }
0x421: {  	[sflag:s20] =	ssyncset.done $0x0  }
0x422: {  	[sflag:s20] =	ssyncadd.s32 $0xFFFFFF80  }
0x423: {  	_ =	swait.ge [sflag:s20], $0x80  }
0x424: {  	[sflag:s20] =	ssyncset.done $0x0  }
0x425: {  	[sflag:s20] =	ssyncadd.s32 $0xFFFFFF80  }
0x426: {  	_ =	swait.ge [sflag:s20], $0x80  }
0x427: {  	[sflag:s20] =	ssyncset.done $0x0  }
0x428: {  	[sflag:s20] =	ssyncadd.s32 $0xFFFFFF80  }
0x429: {  	_ =	swait.ge [sflag:s20], $0x80  }
0x42a: {  	[sflag:s20] =	ssyncset.done $0x0  }
0x42b: {  	[sflag:s20] =	ssyncadd.s32 $0xFFFFFF80  }
0x42c: {  	_ =	swait.ge [sflag:s20], $0x80  }
0x42d: {  	[sflag:s20] =	ssyncset.done $0x0  }
0x42e: {  	[sflag:s20] =	ssyncadd.s32 $0xFFFFFF80  }
0x42f: {  	_ =	swait.ge [sflag:s20], $0x80  }
0x430: {  	[sflag:s20] =	ssyncset.done $0x0  }
0x431: {  	[sflag:s20] =	ssyncadd.s32 $0xFFFFFF80  }
0x432: {  	_ =	swait.ge [sflag:s20], $0x80  }
0x433: {  	[sflag:s20] =	ssyncset.done $0x0  }
0x434: {  	[sflag:s20] =	ssyncadd.s32 $0xFFFFFF80  }
0x435: {  	_ =	swait.ge [sflag:s20], $0x80  }
0x436: {  	[sflag:s20] =	ssyncset.done $0x0  }
0x437: {  	[sflag:s20] =	ssyncadd.s32 $0xFFFFFF80  }
0x438: {  	_ =	swait.ge [sflag:s20], $0x80  }
0x439: {  	[sflag:s20] =	ssyncset.done $0x0  }
0x43a: {  	[sflag:s20] =	ssyncadd.s32 $0xFFFFFF80  }
0x43b: {  	_ =	swait.ge [sflag:s20], $0x80  }
0x43c: {  	[sflag:s20] =	ssyncset.done $0x0  }
0x43d: {  	[sflag:s20] =	ssyncadd.s32 $0xFFFFFF80  }
0x43e: {  	_ =	swait.ge [sflag:s20], $0x80  }
0x43f: {  	[sflag:s20] =	ssyncset.done $0x0  }
0x440: {  	[sflag:s20] =	ssyncadd.s32 $0xFFFFFF80  }
0x441: {  	_ =	swait.ge [sflag:s20], $0x80  }
0x442: {  	[sflag:s20] =	ssyncset.done $0x0  }
0x443: {  	[sflag:s20] =	ssyncadd.s32 $0xFFFFFF80  }
0x444: {  	_ =	swait.ge [sflag:s20], $0x80  }
0x445: {  	[sflag:s20] =	ssyncset.done $0x0  }
0x446: {  	[sflag:s20] =	ssyncadd.s32 $0xFFFFFF80  }
0x447: {  	_ =	swait.ge [sflag:s20], $0x80  }
0x448: {  	[sflag:s20] =	ssyncset.done $0x0  }
0x449: {  	[sflag:s20] =	ssyncadd.s32 $0xFFFFFF80  }
0x44a: {  	_ =	swait.ge [sflag:s20], $0x80  }
0x44b: {  	[sflag:s20] =	ssyncset.done $0x0  }
0x44c: {  	[sflag:s20] =	ssyncadd.s32 $0xFFFFFF80  }
0x44d: {  	_ =	swait.ge [sflag:s20], $0x80  }
0x44e: {  	[sflag:s20] =	ssyncset.done $0x0  }
0x44f: {  	[sflag:s20] =	ssyncadd.s32 $0xFFFFFF80  }
0x450: {  	_ =	swait.ge [sflag:s20], $0x80  }
0x451: {  	[sflag:s20] =	ssyncset.done $0x0  }
0x452: {  	[sflag:s20] =	ssyncadd.s32 $0xFFFFFF80  }
0x453: {  	_ =	swait.ge [sflag:s20], $0x80  }
0x454: {  	[sflag:s20] =	ssyncset.done $0x0  }
0x455: {  	[sflag:s20] =	ssyncadd.s32 $0xFFFFFF80  }
0x456: {  	_ =	swait.ge [sflag:s20], $0x80  }
0x457: {  	[sflag:s20] =	ssyncset.done $0x0  }
0x458: {  	[sflag:s20] =	ssyncadd.s32 $0xFFFFFF80  }
0x459: {  	_ =	swait.ge [sflag:s20], $0x80  }
0x45a: {  	[sflag:s20] =	ssyncset.done $0x0  }
0x45b: {  	[sflag:s20] =	ssyncadd.s32 $0xFFFFFF80  }
0x45c: {  	_ =	swait.ge [sflag:s20], $0x80  }
0x45d: {  	[sflag:s20] =	ssyncset.done $0x0  }
0x45e: {  	[sflag:s20] =	ssyncadd.s32 $0xFFFFFF80  }
0x45f: {  	_ =	swait.ge [sflag:s20], $0x80  }
0x460: {  	[sflag:s20] =	ssyncset.done $0x0  }
0x461: {  	[sflag:s20] =	ssyncadd.s32 $0xFFFFFF80  }
0x462: {  	_ =	swait.ge [sflag:s20], $0x80  }
0x463: {  	[sflag:s20] =	ssyncset.done $0x0  }
0x464: {  	[sflag:s20] =	ssyncadd.s32 $0xFFFFFF80  }
0x465: {  	_ =	swait.ge [sflag:s20], $0x80  }
0x466: {  	[sflag:s20] =	ssyncset.done $0x0  }
0x467: {  	[sflag:s20] =	ssyncadd.s32 $0xFFFFFF80  }
0x468: {  	_ =	swait.ge [sflag:s20], $0x80  }
0x469: {  	[sflag:s20] =	ssyncset.done $0x0  }
0x46a: {  	[sflag:s20] =	ssyncadd.s32 $0xFFFFFF80  }
0x46b: {  	_ =	swait.ge [sflag:s20], $0x80  }
0x46c: {  	[sflag:s20] =	ssyncset.done $0x0  }
0x46d: {  	[sflag:s20] =	ssyncadd.s32 $0xFFFFFF80  }
0x46e: {  	_ =	swait.ge [sflag:s20], $0x80  }
0x46f: {  	[sflag:s20] =	ssyncset.done $0x0  }
0x470: {  	[sflag:s20] =	ssyncadd.s32 $0xFFFFFF80  }
0x471: {  	_ =	swait.ge [sflag:s20], $0x80  }
0x472: {  	[sflag:s20] =	ssyncset.done $0x0  }
0x473: {  	[sflag:s20] =	ssyncadd.s32 $0xFFFFFF80  }
0x474: {  	_ =	swait.ge [sflag:s20], $0x80  }
0x475: {  	[sflag:s20] =	ssyncset.done $0x0  }
0x476: {  	[sflag:s20] =	ssyncadd.s32 $0xFFFFFF80  }
0x477: {  	_ =	swait.ge [sflag:s20], $0x80  }
0x478: {  	[sflag:s20] =	ssyncset.done $0x0  }
0x479: {  	[sflag:s20] =	ssyncadd.s32 $0xFFFFFF80  }
0x47a: {  	_ =	swait.ge [sflag:s20], $0x80  }
0x47b: {  	[sflag:s20] =	ssyncset.done $0x0  }
0x47c: {  	[sflag:s20] =	ssyncadd.s32 $0xFFFFFF80  }
0x47d: {  	_ =	swait.ge [sflag:s20], $0x80  }
0x47e: {  	[sflag:s20] =	ssyncset.done $0x0  }
0x47f: {  	[sflag:s20] =	ssyncadd.s32 $0xFFFFFF80  }
0x480: {  	_ =	swait.ge [sflag:s20], $0x80  }
0x481: {  	[sflag:s20] =	ssyncset.done $0x0  }
0x482: {  	[sflag:s20] =	ssyncadd.s32 $0xFFFFFF80  }
0x483: {  	_ =	swait.ge [sflag:s20], $0x80  }
0x484: {  	[sflag:s20] =	ssyncset.done $0x0  }
0x485: {  	[sflag:s20] =	ssyncadd.s32 $0xFFFFFF80  }
0x486: {  	_ =	swait.ge [sflag:s20], $0x80  }
0x487: {  	[sflag:s20] =	ssyncset.done $0x0  }
0x488: {  	[sflag:s20] =	ssyncadd.s32 $0xFFFFFF80  }
0x489: {  	_ =	swait.ge [sflag:s20], $0x80  }
0x48a: {  	[sflag:s20] =	ssyncset.done $0x0  }
0x48b: {  	[sflag:s20] =	ssyncadd.s32 $0xFFFFFF80  }
0x48c: {  	_ =	swait.ge [sflag:s20], $0x80  }
0x48d: {  	[sflag:s20] =	ssyncset.done $0x0  }
0x48e: {  	[sflag:s20] =	ssyncadd.s32 $0xFFFFFF80  }
0x48f: {  	_ =	swait.ge [sflag:s20], $0x80  }
0x490: {  	[sflag:s20] =	ssyncset.done $0x0  }
0x491: {  	[sflag:s20] =	ssyncadd.s32 $0xFFFFFF80  }
0x492: {  	_ =	swait.ge [sflag:s20], $0x80  }
0x493: {  	[sflag:s20] =	ssyncset.done $0x0  }
0x494: {  	[sflag:s20] =	ssyncadd.s32 $0xFFFFFF80  }
0x495: {  	_ =	swait.ge [sflag:s20], $0x80  }
0x496: {  	[sflag:s20] =	ssyncset.done $0x0  }
0x497: {  	[sflag:s20] =	ssyncadd.s32 $0xFFFFFF80  }
0x498: {  	_ =	swait.ge [sflag:s20], $0x80  }
0x499: {  	[sflag:s20] =	ssyncset.done $0x0  }
0x49a: {  	[sflag:s20] =	ssyncadd.s32 $0xFFFFFF80  }
0x49b: {  	_ =	swait.ge [sflag:s20], $0x80  }
0x49c: {  	[sflag:s20] =	ssyncset.done $0x0  }
0x49d: {  	[sflag:s20] =	ssyncadd.s32 $0xFFFFFF80  }
0x49e: {  	_ =	swait.ge [sflag:s20], $0x80  }
0x49f: {  	[sflag:s20] =	ssyncset.done $0x0  }
0x4a0: {  	[sflag:s20] =	ssyncadd.s32 $0xFFFFFF80  }
0x4a1: {  	_ =	swait.ge [sflag:s20], $0x80  }
0x4a2: {  	[sflag:s20] =	ssyncset.done $0x0  }
0x4a3: {  	[sflag:s20] =	ssyncadd.s32 $0xFFFFFF80  }
0x4a4: {  	_ =	swait.ge [sflag:s20], $0x80  }
0x4a5: {  	[sflag:s20] =	ssyncset.done $0x0  }
0x4a6: {  	[sflag:s20] =	ssyncadd.s32 $0xFFFFFF80  }
0x4a7: {  	_ =	swait.ge [sflag:s20], $0x80  }
0x4a8: {  	[sflag:s20] =	ssyncset.done $0x0  }
0x4a9: {  	[sflag:s20] =	ssyncadd.s32 $0xFFFFFF80  }
0x4aa: {  	_ =	swait.ge [sflag:s20], $0x80  }
0x4ab: {  	[sflag:s20] =	ssyncset.done $0x0  }
0x4ac: {  	[sflag:s20] =	ssyncadd.s32 $0xFFFFFF80  }
0x4ad: {  	_ =	swait.ge [sflag:s20], $0x80  }
0x4ae: {  	[sflag:s20] =	ssyncset.done $0x0  }
0x4af: {  	[sflag:s20] =	ssyncadd.s32 $0xFFFFFF80  }
0x4b0: {  	_ =	swait.ge [sflag:s20], $0x80  }
0x4b1: {  	p2 =	seq.s32 s7, $0x3480;
	[sflag:s20] =	ssyncset.done $0x0  }
.Ltmp17:
0x4b2: {  	[sflag:s20] =	ssyncadd.s32 $0xFFFFFF80;
	(pc) =	sbr.rel @p2 .LBB2_31-.Ltmp17, $4  }
0x4b3: {  	_ =	swait.ge [sflag:s20], $0x80  }
0x4b4: {  	[sflag:s20] =	ssyncset.done $0x0  }
0x4b5: {  	s13 =	sadd.s32 s7, s10;
	[sflag:s20] =	ssyncadd.s32 $0xFFFFFF80  }
0x4b6: {  	[hbm4b:s13+s6] =	stream.linear.scatter [tilespmem:s23], [sflag:$0x5], $0x2300, $0x38;
	[tilespmem:$0x1FAA8] =	vst v63  }
.Ltmp18:
0x4b7: {  	(pc) =	sbr.rel .LBB2_26-.Ltmp18, $4  }
0x4b8: {  	_ = 	snop  }
0x4b9: {  	s0 =	sadd.s32 s7, s26  }
0x4ba: {  	s7 =	sadd.s32 $0x8C0, s7;
	s0 =	sadd.s32 $0x8C0, s0  }
0x4bb: {  	[tilespmem:s11], [sflag:$0x2] =	stream.linear.gather [hbm4b:s0+s6], $0x2300, $0x38;
	[tilespmem:$0x1FAA8] =	vst v63  }
.LBB2_32:
0x4bc: {  	_ =	sfence.sel $0x180000  }
0x4bd: {  	[bflag:$0x0] =	sbarrier.arrive $0xFFFF  }
0x4be: {  	_ =	strace $0x90000047  }
0x4bf: {  	[bflag:$0x2] =	sbarrier.arrive $0xFFFF  }
0x4c0: {  	s0 =	rddreg [dreg:$0x8]  }
0x4c1: {  	s0 =	sadd.s32 @!p1 $0x100000, s0  }
0x4c2: {  	[sflag:s0] =	ssyncadd.tile.s32 @!p1 $0x1;
	_ =	shalt  }
.Lfunc_end2:
_tile_overlayer_lowered:
.L_overlay_start_2:
0x4c3: {  	(tag) =	ssettag $0x2  }
0x4c4: {  	s0 =	rddreg [dreg:$0x0];
	s2 =	stileid.u32  }
0x4c5: {  	s1 =	rddreg [dreg:$0x1];
	p0 =	sne.s32 s2, $0x0  }
0x4c6: {  	s3 =	rddreg [dreg:$0x2];
	[bflag:$0x3] =	sbarrier.arrive $0xFFFF;
	s2 =	simm.s32 @!p0 $0x1C07  }
0x4c7: {  	[timem:s3], [sflag:s2] =	dma.local @!p0 [hbm:s0], s1  }
0x4c8: {  	s0 =	simm.s32 @!p0 $0x7  }
0x4c9: {  	_ =	swait.ge @!p0 [sflag:s0], s1  }
0x4ca: {  	s1 =	ssub.s32 @!p0 $0x0, s1;
	[sflag:s0] =	ssyncset.done @!p0 $0x0  }
0x4cb: {  	[sflag:s0] =	ssyncadd.s32 @!p0 s1  }
0x4cc: {  	[bflag:$0x3] =	sbarrier.arrive $0xFFFF  }
0x4cd: {  	_ =	shalt  }

</sc_bundles>
